<compile_context>
chip_gen: v7x
topology: tpu7x:2x2x1
jax: 0.10.2.dev20260603
libtpu: 0.0.44.dev20260713+nightly
codegen_flags: <defaults>
</compile_context>

<pallas_src>
import functools

import jax
import jax.numpy as jnp
from jax import lax
from jax.experimental import pallas as pl
from jax.experimental.pallas import tpu as pltpu
from jax.experimental.pallas import tpu_sc as plsc

_N = 10000
_IN_C = 256
_HID = 512
_OUT_C = 256
_E = 160000
_ALPHA = 0.5
_GW = 0.8

_NC = 2
_NS = 16
_NPAD = 10240
_Q = 2560
_ACC_R = _Q + 16
_EPS = _E // _NS
_EPW = _E // (_NC * _NS)

_BLK = 1000
_GRID = _N // _BLK

_f32 = jnp.float32
_bf16 = jnp.bfloat16
_i32 = jnp.int32


def _sc_mesh():
    return plsc.VectorSubcoreMesh(
        core_axis_name="c", subcore_axis_name="s", num_cores=_NC,
        num_subcores=_NS)


def _deg_body(dst_hbm, ones_hbm, z_hbm, deg_hbm, ones_v, idx_v, buf_v, deg_sh):
    c = lax.axis_index("c")
    s = lax.axis_index("s")
    pltpu.sync_copy(z_hbm.at[pl.ds(0, 640)], buf_v)
    pltpu.sync_copy(buf_v, deg_sh.at[pl.ds(s * 640, 640)])
    pltpu.sync_copy(ones_hbm.at[pl.ds(0, 1000)], ones_v)
    plsc.subcore_barrier()
    base = (c * _NS + s) * _EPW
    for j in range(_EPW // 1000):
        pltpu.sync_copy(dst_hbm.at[pl.ds(base + j * 1000, 1000)], idx_v)
        pltpu.sync_copy(ones_v, deg_sh.at[idx_v], add=True)
    plsc.subcore_barrier()
    pltpu.sync_copy(deg_sh.at[pl.ds(s * 640, 640)], buf_v)
    pltpu.sync_copy(buf_v, deg_hbm.at[pl.ds(c * _NPAD + s * 640, 640)])


def _sc_degree(dst, ones_c, zeros_c):
    kfn = pl.kernel(
        _deg_body,
        out_type=jax.ShapeDtypeStruct((2 * _NPAD,), _f32),
        mesh=_sc_mesh(),
        scratch_types=[
            pltpu.VMEM((1000,), _f32),
            pltpu.VMEM((1000,), _i32),
            pltpu.VMEM((640,), _f32),
            pltpu.VMEM_SHARED((_NPAD,), _f32),
        ],
    )
    return kfn(dst, ones_c, zeros_c)


_HQ = _HID // 4
_FC = 64
_NR = _HID // _FC
_ACCR = _NPAD + 16
_ESC = _E // _NC
_CSZ = 256
_EPS2 = 5120
_NCH = _EPS2 // _CSZ
_NPAIR = _NCH // 2


def _prop_body(src_hbm, dst_hbm, g2c_hbm, z2_hbm, agg_hbm,
               esrc2, edst2, rb0, rb1,
               gsem0, gsem1, ssem0, ssem1, zsem, stsem, isem,
               acc_sh, stage_sh):
    c = lax.axis_index("c")
    s = lax.axis_index("s")
    strip = (c * _NS + s) * _EPS2

    def stage_fire(k, _):
        pltpu.async_copy(src_hbm.at[pl.ds(strip + k * _CSZ, _CSZ)],
                         esrc2.at[k], isem)
        pltpu.async_copy(dst_hbm.at[pl.ds(strip + k * _CSZ, _CSZ)],
                         edst2.at[k], isem)
        return 0

    def stage_drain(k, _):
        pltpu.make_async_copy(src_hbm.at[pl.ds(strip + k * _CSZ, _CSZ)],
                              esrc2.at[k], isem).wait()
        pltpu.make_async_copy(dst_hbm.at[pl.ds(strip + k * _CSZ, _CSZ)],
                              edst2.at[k], isem).wait()
        return 0

    lax.fori_loop(0, _NCH, stage_fire, 0)
    lax.fori_loop(0, _NCH, stage_drain, 0)

    for r in range(_NR):
        gsrc = g2c_hbm[r]
        obase = (2 * r + c) * _NPAD

        dz = pltpu.async_copy(z2_hbm, acc_sh.at[pl.ds(s * 640, 640)], zsem)
        dstg = pltpu.async_copy(gsrc.at[pl.ds(s * 640, 640)],
                                stage_sh.at[pl.ds(s * 640, 640)], stsem)
        dz.wait()
        dstg.wait()
        plsc.subcore_barrier()

        pltpu.async_copy(stage_sh.at[esrc2.at[0]], rb0, gsem0)
        pltpu.async_copy(stage_sh.at[esrc2.at[1]], rb1, gsem1)

        def pair_body(j, _):
            a = 2 * j
            pltpu.make_async_copy(stage_sh.at[esrc2.at[a]], rb0, gsem0).wait()
            pltpu.async_copy(rb0, acc_sh.at[edst2.at[a]], ssem0, add=True)
            pltpu.make_async_copy(stage_sh.at[esrc2.at[a + 1]], rb1,
                                  gsem1).wait()
            pltpu.async_copy(rb1, acc_sh.at[edst2.at[a + 1]], ssem1, add=True)
            pltpu.make_async_copy(rb0, acc_sh.at[edst2.at[a]], ssem0).wait()
            pltpu.async_copy(stage_sh.at[esrc2.at[a + 2]], rb0, gsem0)
            pltpu.make_async_copy(rb1, acc_sh.at[edst2.at[a + 1]],
                                  ssem1).wait()
            pltpu.async_copy(stage_sh.at[esrc2.at[a + 3]], rb1, gsem1)
            return 0

        lax.fori_loop(0, _NPAIR - 1, pair_body, 0)
        a = _NCH - 2
        pltpu.make_async_copy(stage_sh.at[esrc2.at[a]], rb0, gsem0).wait()
        pltpu.sync_copy(rb0, acc_sh.at[edst2.at[a]], add=True)
        pltpu.make_async_copy(stage_sh.at[esrc2.at[a + 1]], rb1, gsem1).wait()
        pltpu.sync_copy(rb1, acc_sh.at[edst2.at[a + 1]], add=True)
        plsc.subcore_barrier()

        pltpu.async_copy(acc_sh.at[pl.ds(s * 640, 640)],
                         agg_hbm.at[pl.ds(obase + s * 640, 640)], zsem).wait()
        plsc.subcore_barrier()


def _sc_propagate(g2c, src, dst, zeros2d):
    kfn = pl.kernel(
        _prop_body,
        out_type=jax.ShapeDtypeStruct((2 * _NR * _NPAD, _FC), _f32),
        mesh=_sc_mesh(),
        scratch_types=[
            pltpu.VMEM((_NCH, _CSZ), _i32),
            pltpu.VMEM((_NCH, _CSZ), _i32),
            pltpu.VMEM((_CSZ, _FC), _f32),
            pltpu.VMEM((_CSZ, _FC), _f32),
            pltpu.SemaphoreType.DMA,
            pltpu.SemaphoreType.DMA,
            pltpu.SemaphoreType.DMA,
            pltpu.SemaphoreType.DMA,
            pltpu.SemaphoreType.DMA,
            pltpu.SemaphoreType.DMA,
            pltpu.SemaphoreType.DMA,
            pltpu.VMEM_SHARED((_ACCR, _FC), _f32),
            pltpu.VMEM_SHARED((_NPAD, _FC), _f32),
        ],
        compiler_params=pltpu.CompilerParams(use_tc_tiling_on_sc=False),
    )
    return kfn(src, dst, g2c, zeros2d)


def _k1_body(x_ref, wt_ref, wg_ref, p_ref, deg_ref, hpre_ref, gpre_ref,
             st_t0_ref, st_g0_ref, dis_ref, acc_t, acc_g):
    i = pl.program_id(0)
    d = deg_ref[0:1, :] + deg_ref[1:2, :]
    dis_ref[...] = jnp.where(
        d > 0, lax.rsqrt(jnp.maximum(d, 1e-12)), jnp.zeros_like(d))
    x = x_ref[...].astype(_bf16)
    h = jnp.dot(x, wt_ref[...], preferred_element_type=_f32) + p_ref[0:1, :]
    g = jnp.dot(x, wg_ref[...], preferred_element_type=_f32) + p_ref[8:9, :]
    hpre_ref[...] = h
    gpre_ref[...] = g
    zpad = jnp.zeros((6, _HID), _f32)
    upd_t = jnp.concatenate(
        [jnp.sum(h, 0, keepdims=True), jnp.sum(h * h, 0, keepdims=True), zpad], 0)
    upd_g = jnp.concatenate(
        [jnp.sum(g, 0, keepdims=True), jnp.sum(g * g, 0, keepdims=True), zpad], 0)

    @pl.when(i == 0)
    def _():
        acc_t[...] = jnp.zeros_like(acc_t)
        acc_g[...] = jnp.zeros_like(acc_g)

    acc_t[...] += upd_t
    acc_g[...] += upd_g

    @pl.when(i == _GRID - 1)
    def _():
        st_t0_ref[...] = acc_t[...]
        st_g0_ref[...] = acc_g[...]


def _tc_k1(x, Wt_in, Wg_in, P, deg2):
    row = lambda i: (i, 0)
    zero = lambda i: (0, 0)
    return pl.pallas_call(
        _k1_body,
        grid=(_GRID,),
        in_specs=[
            pl.BlockSpec((_BLK, _IN_C), row),
            pl.BlockSpec((_IN_C, _HID), zero),
            pl.BlockSpec((_IN_C, _HID), zero),
            pl.BlockSpec((16, _HID), zero),
            pl.BlockSpec((2, _NPAD), zero),
        ],
        out_specs=[
            pl.BlockSpec((_BLK, _HID), row),
            pl.BlockSpec((_BLK, _HID), row),
            pl.BlockSpec((8, _HID), zero),
            pl.BlockSpec((8, _HID), zero),
            pl.BlockSpec((1, _NPAD), zero),
        ],
        out_shape=[
            jax.ShapeDtypeStruct((_N, _HID), _f32),
            jax.ShapeDtypeStruct((_N, _HID), _f32),
            jax.ShapeDtypeStruct((8, _HID), _f32),
            jax.ShapeDtypeStruct((8, _HID), _f32),
            jax.ShapeDtypeStruct((1, _NPAD), _f32),
        ],
        scratch_shapes=[
            pltpu.VMEM((8, _HID), _f32),
            pltpu.VMEM((8, _HID), _f32),
        ],
    )(x, Wt_in, Wg_in, P, deg2)


def _bn_from_stats(xb, st, gamma, beta):
    mean = st[0:1, :] / float(_N)
    var = st[1:2, :] / float(_N) - mean * mean
    return gamma * (xb - mean) * lax.rsqrt(var + 1e-5) + beta


def _k2_body(hpre_ref, gpre_ref, st_t0_ref, st_g0_ref, dis_ref, p_ref,
             wk_ref, wv_ref,
             h_ref, g_ref, g2c0, g2c1, g2c2, g2c3, g2c4,
             g2c5, g2c6, g2c7, kv_ref, ks_ref, kv_acc, ks_acc):
    i = pl.program_id(0)
    p = p_ref[...]
    h = jax.nn.relu(_bn_from_stats(hpre_ref[...], st_t0_ref[...],
                                   p[4:5, :], p[5:6, :]))
    h16 = h.astype(_bf16)
    k = jnp.dot(h16, wk_ref[...], preferred_element_type=_f32) + p[2:3, :]
    v = jnp.dot(h16, wv_ref[...], preferred_element_type=_f32) + p[3:4, :]
    kn = k / (jnp.sqrt(jnp.sum(k * k, 1, keepdims=True)) + 1e-6)
    h_ref[...] = h
    g = jax.nn.relu(_bn_from_stats(gpre_ref[...], st_g0_ref[...],
                                   p[9:10, :], p[10:11, :]))
    g_ref[...] = g
    g2 = g * dis_ref[...]
    for _r, _ref in enumerate([g2c0, g2c1, g2c2, g2c3, g2c4, g2c5, g2c6,
                               g2c7]):
        _ref[...] = g2[:, _r * _FC:(_r + 1) * _FC]
    kv_blk = lax.dot_general(kn.astype(_bf16), v.astype(_bf16),
                             (((0,), (0,)), ((), ())),
                             preferred_element_type=_f32)
    ks_blk = jnp.concatenate(
        [jnp.sum(kn, 0, keepdims=True), jnp.zeros((7, _HID), _f32)], 0)

    @pl.when(i == 0)
    def _():
        kv_acc[...] = jnp.zeros_like(kv_acc)
        ks_acc[...] = jnp.zeros_like(ks_acc)

    kv_acc[...] += kv_blk
    ks_acc[...] += ks_blk

    @pl.when(i == _GRID - 1)
    def _():
        kv_ref[...] = kv_acc[...]
        ks_ref[...] = ks_acc[...]


def _tc_k2(hpre, gpre, st_t0, st_g0, dis2, P, Wk, Wv):
    row = lambda i: (i, 0)
    zero = lambda i: (0, 0)
    return pl.pallas_call(
        _k2_body,
        grid=(_GRID,),
        in_specs=[
            pl.BlockSpec((_BLK, _HID), row),
            pl.BlockSpec((_BLK, _HID), row),
            pl.BlockSpec((8, _HID), zero),
            pl.BlockSpec((8, _HID), zero),
            pl.BlockSpec((_BLK, 1), row),
            pl.BlockSpec((16, _HID), zero),
            pl.BlockSpec((_HID, _HID), zero),
            pl.BlockSpec((_HID, _HID), zero),
        ],
        out_specs=[
            pl.BlockSpec((_BLK, _HID), row),
            pl.BlockSpec((_BLK, _HID), row)] +
        [pl.BlockSpec((_BLK, _FC), row)] * 8 + [
            pl.BlockSpec((_HID, _HID), zero),
            pl.BlockSpec((8, _HID), zero),
        ],
        out_shape=[
            jax.ShapeDtypeStruct((_N, _HID), _f32),
            jax.ShapeDtypeStruct((_N, _HID), _f32)] +
        [jax.ShapeDtypeStruct((_NPAD, _FC), _f32)] * 8 + [
            jax.ShapeDtypeStruct((_HID, _HID), _f32),
            jax.ShapeDtypeStruct((8, _HID), _f32),
        ],
        scratch_shapes=[
            pltpu.VMEM((_HID, _HID), _f32),
            pltpu.VMEM((8, _HID), _f32),
        ],
    )(hpre, gpre, st_t0, st_g0, dis2, P, Wk, Wv)


def _k3_body(h_ref, kv_ref, ks_ref, p_ref, wq_ref, wv_ref,
             h2_ref, st_t1_ref, acc):
    i = pl.program_id(0)
    p = p_ref[...]
    h16 = h_ref[...].astype(_bf16)
    q = jnp.dot(h16, wq_ref[...], preferred_element_type=_f32) + p[1:2, :]
    v = jnp.dot(h16, wv_ref[...], preferred_element_type=_f32) + p[3:4, :]
    qn = q / (jnp.sqrt(jnp.sum(q * q, 1, keepdims=True)) + 1e-6)
    num = (jnp.dot(qn.astype(_bf16), kv_ref[...].astype(_bf16),
                   preferred_element_type=_f32) + float(_N) * v)
    denom = jnp.sum(qn * ks_ref[0:1, :], 1, keepdims=True) + float(_N)
    attn = num / denom
    h2 = _ALPHA * attn + (1.0 - _ALPHA) * h_ref[...]
    h2_ref[...] = h2
    upd = jnp.concatenate(
        [jnp.sum(h2, 0, keepdims=True), jnp.sum(h2 * h2, 0, keepdims=True),
         jnp.zeros((6, _HID), _f32)], 0)

    @pl.when(i == 0)
    def _():
        acc[...] = jnp.zeros_like(acc)

    acc[...] += upd

    @pl.when(i == _GRID - 1)
    def _():
        st_t1_ref[...] = acc[...]


def _tc_k3(h, kv, ksum, P, Wq, Wv):
    row = lambda i: (i, 0)
    zero = lambda i: (0, 0)
    return pl.pallas_call(
        _k3_body,
        grid=(_GRID,),
        in_specs=[
            pl.BlockSpec((_BLK, _HID), row),
            pl.BlockSpec((_HID, _HID), zero),
            pl.BlockSpec((8, _HID), zero),
            pl.BlockSpec((16, _HID), zero),
            pl.BlockSpec((_HID, _HID), zero),
            pl.BlockSpec((_HID, _HID), zero),
        ],
        out_specs=[
            pl.BlockSpec((_BLK, _HID), row),
            pl.BlockSpec((8, _HID), zero),
        ],
        out_shape=[
            jax.ShapeDtypeStruct((_N, _HID), _f32),
            jax.ShapeDtypeStruct((8, _HID), _f32),
        ],
        scratch_shapes=[pltpu.VMEM((8, _HID), _f32)],
    )(h, kv, ksum, P, Wq, Wv)


def _k5_body(*refs):
    (p0, p1, p2, p3, p4, p5, p6, p7, q0, q1, q2, q3, q4, q5, q6, q7,
     dis_ref, g_ref, wg_ref, a2_ref, st_g1_ref, acc) = refs
    i = pl.program_id(0)
    pp = [p0, p1, p2, p3, p4, p5, p6, p7]
    qq = [q0, q1, q2, q3, q4, q5, q6, q7]
    agg = jnp.concatenate(
        [pp[r][...] + qq[r][...] for r in range(_NR)], 1)
    aggs = (agg * dis_ref[...]).astype(_bf16)
    a2 = jnp.dot(aggs, wg_ref[...], preferred_element_type=_f32) + g_ref[...]
    a2_ref[...] = a2
    upd = jnp.concatenate(
        [jnp.sum(a2, 0, keepdims=True), jnp.sum(a2 * a2, 0, keepdims=True),
         jnp.zeros((6, _HID), _f32)], 0)

    @pl.when(i == 0)
    def _():
        acc[...] = jnp.zeros_like(acc)

    acc[...] += upd

    @pl.when(i == _GRID - 1)
    def _():
        st_g1_ref[...] = acc[...]


def _tc_k5(aggp, aggq, dis2, g, Wg):
    row = lambda i: (i, 0)
    zero = lambda i: (0, 0)
    return pl.pallas_call(
        _k5_body,
        grid=(_GRID,),
        in_specs=[pl.BlockSpec((_BLK, _FC), row)] * 16 + [
            pl.BlockSpec((_BLK, 1), row),
            pl.BlockSpec((_BLK, _HID), row),
            pl.BlockSpec((_HID, _HID), zero),
        ],
        out_specs=[
            pl.BlockSpec((_BLK, _HID), row),
            pl.BlockSpec((8, _HID), zero),
        ],
        out_shape=[
            jax.ShapeDtypeStruct((_N, _HID), _f32),
            jax.ShapeDtypeStruct((8, _HID), _f32),
        ],
        scratch_shapes=[pltpu.VMEM((8, _HID), _f32)],
    )(*aggp, *aggq, dis2, g, Wg)


def _k6_body(a2_ref, st_g1_ref, h2_ref, st_t1_ref, wfc_ref, p_ref, out_ref):
    p = p_ref[...]
    x2 = jax.nn.relu(_bn_from_stats(a2_ref[...], st_g1_ref[...],
                                    p[11:12, :], p[12:13, :]))
    x1 = jax.nn.relu(_bn_from_stats(h2_ref[...], st_t1_ref[...],
                                    p[6:7, :], p[7:8, :]))
    comb = (_GW * x2 + (1.0 - _GW) * x1).astype(_bf16)
    out_ref[...] = (jnp.dot(comb, wfc_ref[...], preferred_element_type=_f32)
                    + p[13:14, 0:_OUT_C])


def _tc_k6(a2, st_g1, h2, st_t1, Wfc, P):
    row = lambda i: (i, 0)
    zero = lambda i: (0, 0)
    return pl.pallas_call(
        _k6_body,
        grid=(_GRID,),
        in_specs=[
            pl.BlockSpec((_BLK, _HID), row),
            pl.BlockSpec((8, _HID), zero),
            pl.BlockSpec((_BLK, _HID), row),
            pl.BlockSpec((8, _HID), zero),
            pl.BlockSpec((_HID, _OUT_C), zero),
            pl.BlockSpec((16, _HID), zero),
        ],
        out_specs=pl.BlockSpec((_BLK, _OUT_C), row),
        out_shape=jax.ShapeDtypeStruct((_N, _OUT_C), _f32),
    )(a2, st_g1, h2, st_t1, Wfc, P)


def kernel(x, edge_index, Wt_in, bt_in, Wq, bq, Wk, bk, Wv, bv,
           g_t0, b_t0, g_t1, b_t1, Wg_in, bg_in, Wg, g_g0, b_g0, g_g1, b_g1,
           Wfc, bfc):
    src = edge_index[0]
    dst = edge_index[1]

    bfc_pad = jnp.pad(bfc, (0, _HID - _OUT_C))
    P = jnp.stack([bt_in, bq, bk, bv, g_t0, b_t0, g_t1, b_t1,
                   bg_in, g_g0, b_g0, g_g1, b_g1, bfc_pad,
                   jnp.zeros((_HID,), _f32), jnp.zeros((_HID,), _f32)], 0)

    ones_c = jnp.ones((1000,), _f32)
    zeros_c = jnp.zeros((640,), _f32)
    zeros2d = jnp.zeros((640, _FC), _f32)

    deg_flat = _sc_degree(dst, ones_c, zeros_c)
    deg2 = deg_flat.reshape(2, _NPAD)

    Wt16 = Wt_in.astype(_bf16)
    Wg_in16 = Wg_in.astype(_bf16)
    Wq16 = Wq.astype(_bf16)
    Wk16 = Wk.astype(_bf16)
    Wv16 = Wv.astype(_bf16)
    Wg16 = Wg.astype(_bf16)
    Wfc16 = Wfc.astype(_bf16)
    hpre, gpre, st_t0, st_g0, dis_row = _tc_k1(x, Wt16, Wg_in16, P, deg2)
    dis2 = dis_row.reshape(_NPAD, 1)
    k2out = _tc_k2(hpre, gpre, st_t0, st_g0, dis2, P, Wk16, Wv16)
    h, g = k2out[0:2]
    g2c = list(k2out[2:10])
    kv, ksum = k2out[10], k2out[11]

    eps = _ESC // _NS
    npad_e = _EPS2 - eps
    srcp = jnp.pad(src.reshape(_NC * _NS, eps),
                   ((0, 0), (0, npad_e))).reshape(-1)
    dpad = jnp.broadcast_to(
        (_NPAD + (jnp.arange(npad_e, dtype=_i32) % 16))[None, :],
        (_NC * _NS, npad_e))
    dstp = jnp.concatenate([dst.reshape(_NC * _NS, eps), dpad], 1).reshape(-1)
    agg_flat = _sc_propagate(g2c, srcp, dstp, zeros2d)
    h2, st_t1 = _tc_k3(h, kv, ksum, P, Wq16, Wv16)
    aggp = [agg_flat[(2 * r + 0) * _NPAD:][:_N] for r in range(_NR)]
    aggq = [agg_flat[(2 * r + 1) * _NPAD:][:_N] for r in range(_NR)]
    a2, st_g1 = _tc_k5(aggp, aggq, dis2, g, Wg16)
    return _tc_k6(a2, st_g1, h2, st_t1, Wfc16, P)

# --- scband reference (transcript-rebuilt; emitter-appended) ---
"""Pipeline reference for scband-h-gnn-83580063580988 (READ-ONLY COPY).

The authoritative reference and input builder live on the scoring server;
editing this copy changes nothing except your own understanding.
"""

import jax, jax.numpy as jnp
import numpy as np

N = 10000
IN_C = 256
HID = 512
OUT_C = 256
E = 160000
ALPHA = 0.5
GW = 0.8


def _bn(x, g, b):
    m = jnp.mean(x, axis=0, keepdims=True)
    v = jnp.var(x, axis=0, keepdims=True)
    return g * (x - m) / jnp.sqrt(v + 1e-5) + b


def _gcn_prop(h, edge_index):
    src = edge_index[0]
    dst = edge_index[1]
    n = h.shape[0]
    deg = jnp.zeros((n,), h.dtype).at[dst].add(1.0)
    dis = jnp.where(deg > 0, 1.0 / jnp.sqrt(jnp.maximum(deg, 1e-12)), 0.0)
    w = dis[src] * dis[dst]
    msg = h[src] * w[:, None]
    return jnp.zeros_like(h).at[dst].add(msg)


def setup_inputs(seed: int = 0):
    key = jax.random.key(seed)
    ks = jax.random.split(key, 24)

    def init(k, shape, fan_in):
        return (jax.random.normal(k, shape, jnp.float32) / np.sqrt(fan_in)).astype(jnp.float32)

    inp = {}
    inp['x'] = jax.random.normal(ks[0], (N, IN_C), jnp.float32)
    inp['edge_index'] = jax.random.randint(ks[1], (2, E), 0, N, dtype=jnp.int32)
    inp['Wt_in'] = init(ks[2], (IN_C, HID), IN_C)
    inp['bt_in'] = jnp.zeros((HID,), jnp.float32)
    inp['Wq'] = init(ks[3], (HID, HID), HID)
    inp['bq'] = jnp.zeros((HID,), jnp.float32)
    inp['Wk'] = init(ks[4], (HID, HID), HID)
    inp['bk'] = jnp.zeros((HID,), jnp.float32)
    inp['Wv'] = init(ks[5], (HID, HID), HID)
    inp['bv'] = jnp.zeros((HID,), jnp.float32)
    inp['g_t0'] = jnp.ones((HID,), jnp.float32)
    inp['b_t0'] = jnp.zeros((HID,), jnp.float32)
    inp['g_t1'] = jnp.ones((HID,), jnp.float32)
    inp['b_t1'] = jnp.zeros((HID,), jnp.float32)
    inp['Wg_in'] = init(ks[6], (IN_C, HID), IN_C)
    inp['bg_in'] = jnp.zeros((HID,), jnp.float32)
    inp['Wg'] = init(ks[7], (HID, HID), HID)
    inp['g_g0'] = jnp.ones((HID,), jnp.float32)
    inp['b_g0'] = jnp.zeros((HID,), jnp.float32)
    inp['g_g1'] = jnp.ones((HID,), jnp.float32)
    inp['b_g1'] = jnp.zeros((HID,), jnp.float32)
    inp['Wfc'] = init(ks[8], (HID, OUT_C), HID)
    inp['bfc'] = jnp.zeros((OUT_C,), jnp.float32)
    return inp


def reference(x, edge_index, Wt_in, bt_in, Wq, bq, Wk, bk, Wv, bv, g_t0, b_t0, g_t1, b_t1, Wg_in, bg_in, Wg, g_g0, b_g0, g_g1, b_g1, Wfc, bfc):
    n = x.shape[0]
    # ---- TransConv (SGFormer-style single-layer linear attention) ----
    h = x @ Wt_in + bt_in
    h = jax.nn.relu(_bn(h, g_t0, b_t0))
    h0 = h
    q = h @ Wq + bq
    k = h @ Wk + bk
    v = h @ Wv + bv
    qn = q / (jnp.linalg.norm(q, axis=-1, keepdims=True) + 1e-6)
    kn = k / (jnp.linalg.norm(k, axis=-1, keepdims=True) + 1e-6)
    kv = kn.T @ v
    num = qn @ kv + float(n) * v
    denom = qn @ jnp.sum(kn, axis=0) + float(n)
    attn = num / denom[:, None]
    h = ALPHA * attn + (1.0 - ALPHA) * h0
    x1 = jax.nn.relu(_bn(h, g_t1, b_t1))
    # ---- GraphConv (GCN-style message passing) ----
    g = x @ Wg_in + bg_in
    g = jax.nn.relu(_bn(g, g_g0, b_g0))
    g0 = g
    agg = _gcn_prop(g, edge_index)
    agg = agg @ Wg
    agg = agg + g0
    x2 = jax.nn.relu(_bn(agg, g_g1, b_g1))
    # ---- aggregate='add' with graph_weight ----
    out = GW * x2 + (1.0 - GW) * x1
    return out @ Wfc + bfc

if __name__ == "__main__":
    import jax
    _d = setup_inputs()
    print(jax.jit(kernel)(*tuple(_d.values())))

</pallas_src>

<mosaic_0001>
#map = affine_map<(d0, d1) -> (0)>
module attributes {stable_mosaic.version = 14 : i64} {
  func.func @_deg_body(%arg0: i32, %arg1: i32, %arg2: memref<160000xi32, #tpu.memory_space<hbm>>, %arg3: memref<1000xf32, #tpu.memory_space<hbm>>, %arg4: memref<640xf32, #tpu.memory_space<hbm>>, %arg5: memref<20480xf32, #tpu.memory_space<hbm>>, %arg6: memref<1000xf32, #tpu.memory_space<vmem>>, %arg7: memref<1000xi32, #tpu.memory_space<vmem>>, %arg8: memref<640xf32, #tpu.memory_space<vmem>>, %arg9: memref<10240xf32, #tpu.memory_space<vmem_shared>>) attributes {dimension_semantics = [#tpu.dimension_semantics<core_parallel>, #tpu.dimension_semantics<subcore_parallel>], iteration_bounds = array<i64: 2, 16>, scalar_prefetch = 0 : i64, scratch_operands = 4 : i64, tpu.core_type = #tpu.core_type<sc_vector_subcore>, window_params = [{transform_indices = #map}, {transform_indices = #map}, {transform_indices = #map}, {transform_indices = #map}]} {
    "tpu.region"() ({
      %run_scoped3A = tpu.sem_alloc : memref<!tpu.dma_semaphore, #tpu.memory_space<semaphore_mem>>
      %dma_start3A = arith.constant 0 : i32
      %dma_start3A_23 = tpu.memref_slice %arg4[%dma_start3A] : memref<640xf32, #tpu.memory_space<hbm>> -> memref<640xf32, #tpu.memory_space<hbm>>
      %dma_start3A_24 = arith.constant 0 : i32
      %dma_start3A_25 = tpu.memref_slice %arg4[%dma_start3A_24] : memref<640xf32, #tpu.memory_space<hbm>> -> memref<640xf32, #tpu.memory_space<hbm>>
      tpu.enqueue_dma source(%dma_start3A_25 : memref<640xf32, #tpu.memory_space<hbm>>) target(%arg8 : memref<640xf32, #tpu.memory_space<vmem>>) target_semaphore(%run_scoped3A : memref<!tpu.dma_semaphore, #tpu.memory_space<semaphore_mem>>)
      %dma_wait3A = arith.constant 0 : i32
      %dma_wait3A_26 = tpu.memref_slice %arg4[%dma_wait3A] : memref<640xf32, #tpu.memory_space<hbm>> -> memref<640xf32, #tpu.memory_space<hbm>>
      %dma_wait3A_27 = arith.constant 0 : i32
      %dma_wait3A_28 = tpu.memref_slice %arg4[%dma_wait3A_27] : memref<640xf32, #tpu.memory_space<hbm>> -> memref<640xf32, #tpu.memory_space<hbm>>
      tpu.wait_dma2 semaphore(%run_scoped3A : memref<!tpu.dma_semaphore, #tpu.memory_space<semaphore_mem>>) src(%dma_wait3A_28 : memref<640xf32, #tpu.memory_space<hbm>>) dst(%arg8 : memref<640xf32, #tpu.memory_space<vmem>>)
      tpu.yield
    }) : () -> ()
    %mul3A = arith.constant 640 : i32
    %mul3A_0 = arith.muli %arg1, %mul3A : i32
    "tpu.region"() ({
      %run_scoped3A = tpu.sem_alloc : memref<!tpu.dma_semaphore, #tpu.memory_space<semaphore_mem>>
      %dma_start3A = tpu.memref_slice %arg9[%mul3A_0] : memref<10240xf32, #tpu.memory_space<vmem_shared>> -> memref<640xf32, #tpu.memory_space<vmem_shared>>
      %dma_start3A_23 = tpu.memref_slice %arg9[%mul3A_0] : memref<10240xf32, #tpu.memory_space<vmem_shared>> -> memref<640xf32, #tpu.memory_space<vmem_shared>>
      tpu.enqueue_dma source(%arg8 : memref<640xf32, #tpu.memory_space<vmem>>) target(%dma_start3A_23 : memref<640xf32, #tpu.memory_space<vmem_shared>>) target_semaphore(%run_scoped3A : memref<!tpu.dma_semaphore, #tpu.memory_space<semaphore_mem>>)
      %dma_wait3A = tpu.memref_slice %arg9[%mul3A_0] : memref<10240xf32, #tpu.memory_space<vmem_shared>> -> memref<640xf32, #tpu.memory_space<vmem_shared>>
      %dma_wait3A_24 = tpu.memref_slice %arg9[%mul3A_0] : memref<10240xf32, #tpu.memory_space<vmem_shared>> -> memref<640xf32, #tpu.memory_space<vmem_shared>>
      tpu.wait_dma2 semaphore(%run_scoped3A : memref<!tpu.dma_semaphore, #tpu.memory_space<semaphore_mem>>) src(%arg8 : memref<640xf32, #tpu.memory_space<vmem>>) dst(%dma_wait3A_24 : memref<640xf32, #tpu.memory_space<vmem_shared>>)
      tpu.yield
    }) : () -> ()
    "tpu.region"() ({
      %run_scoped3A = tpu.sem_alloc : memref<!tpu.dma_semaphore, #tpu.memory_space<semaphore_mem>>
      %dma_start3A = arith.constant 0 : i32
      %dma_start3A_23 = tpu.memref_slice %arg3[%dma_start3A] : memref<1000xf32, #tpu.memory_space<hbm>> -> memref<1000xf32, #tpu.memory_space<hbm>>
      %dma_start3A_24 = arith.constant 0 : i32
      %dma_start3A_25 = tpu.memref_slice %arg3[%dma_start3A_24] : memref<1000xf32, #tpu.memory_space<hbm>> -> memref<1000xf32, #tpu.memory_space<hbm>>
      tpu.enqueue_dma source(%dma_start3A_25 : memref<1000xf32, #tpu.memory_space<hbm>>) target(%arg6 : memref<1000xf32, #tpu.memory_space<vmem>>) target_semaphore(%run_scoped3A : memref<!tpu.dma_semaphore, #tpu.memory_space<semaphore_mem>>)
      %dma_wait3A = arith.constant 0 : i32
      %dma_wait3A_26 = tpu.memref_slice %arg3[%dma_wait3A] : memref<1000xf32, #tpu.memory_space<hbm>> -> memref<1000xf32, #tpu.memory_space<hbm>>
      %dma_wait3A_27 = arith.constant 0 : i32
      %dma_wait3A_28 = tpu.memref_slice %arg3[%dma_wait3A_27] : memref<1000xf32, #tpu.memory_space<hbm>> -> memref<1000xf32, #tpu.memory_space<hbm>>
      tpu.wait_dma2 semaphore(%run_scoped3A : memref<!tpu.dma_semaphore, #tpu.memory_space<semaphore_mem>>) src(%dma_wait3A_28 : memref<1000xf32, #tpu.memory_space<hbm>>) dst(%arg6 : memref<1000xf32, #tpu.memory_space<vmem>>)
      tpu.yield
    }) : () -> ()
    %barrier3A = arith.constant 0 : index
    tpu.barrier barrier_id(%barrier3A)
    %mul3A_1 = arith.constant 16 : i32
    %mul3A_2 = arith.muli %arg0, %mul3A_1 : i32
    %add3A = arith.addi %mul3A_2, %arg1 : i32
    %mul3A_3 = arith.constant 5000 : i32
    %mul3A_4 = arith.muli %add3A, %mul3A_3 : i32
    %add3A_5 = arith.constant 0 : i32
    %add3A_6 = arith.addi %mul3A_4, %add3A_5 : i32
    "tpu.region"() ({
      %run_scoped3A = tpu.sem_alloc : memref<!tpu.dma_semaphore, #tpu.memory_space<semaphore_mem>>
      %dma_start3A = tpu.memref_slice %arg2[%add3A_6] : memref<160000xi32, #tpu.memory_space<hbm>> -> memref<1000xi32, #tpu.memory_space<hbm>>
      %dma_start3A_23 = tpu.memref_slice %arg2[%add3A_6] : memref<160000xi32, #tpu.memory_space<hbm>> -> memref<1000xi32, #tpu.memory_space<hbm>>
      tpu.enqueue_dma source(%dma_start3A_23 : memref<1000xi32, #tpu.memory_space<hbm>>) target(%arg7 : memref<1000xi32, #tpu.memory_space<vmem>>) target_semaphore(%run_scoped3A : memref<!tpu.dma_semaphore, #tpu.memory_space<semaphore_mem>>)
      %dma_wait3A = tpu.memref_slice %arg2[%add3A_6] : memref<160000xi32, #tpu.memory_space<hbm>> -> memref<1000xi32, #tpu.memory_space<hbm>>
      %dma_wait3A_24 = tpu.memref_slice %arg2[%add3A_6] : memref<160000xi32, #tpu.memory_space<hbm>> -> memref<1000xi32, #tpu.memory_space<hbm>>
      tpu.wait_dma2 semaphore(%run_scoped3A : memref<!tpu.dma_semaphore, #tpu.memory_space<semaphore_mem>>) src(%dma_wait3A_24 : memref<1000xi32, #tpu.memory_space<hbm>>) dst(%arg7 : memref<1000xi32, #tpu.memory_space<vmem>>)
      tpu.yield
    }) : () -> ()
    "tpu.region"() ({
      %run_scoped3A = tpu.sem_alloc : memref<!tpu.dma_semaphore, #tpu.memory_space<semaphore_mem>>
      %dma_start3A = arith.constant 0 : i32
      %dma_start3A_23 = tpu.memref_slice %arg9[%dma_start3A] : memref<10240xf32, #tpu.memory_space<vmem_shared>> -> memref<10240xf32, #tpu.memory_space<vmem_shared>>
      tpu.enqueue_indirect_dma source(%arg6 : memref<1000xf32, #tpu.memory_space<vmem>>) target(%dma_start3A_23 : memref<10240xf32, #tpu.memory_space<vmem_shared>>) offsets(%arg7 : memref<1000xi32, #tpu.memory_space<vmem>>) semaphore(%run_scoped3A : memref<!tpu.dma_semaphore, #tpu.memory_space<semaphore_mem>>) {add = true}
      %dma_wait3A = arith.constant 0 : i32
      %dma_wait3A_24 = tpu.memref_slice %arg9[%dma_wait3A] : memref<10240xf32, #tpu.memory_space<vmem_shared>> -> memref<10240xf32, #tpu.memory_space<vmem_shared>>
      tpu.wait_indirect_dma semaphore(%run_scoped3A : memref<!tpu.dma_semaphore, #tpu.memory_space<semaphore_mem>>) src(%arg6 : memref<1000xf32, #tpu.memory_space<vmem>>) dst(%dma_wait3A_24 : memref<10240xf32, #tpu.memory_space<vmem_shared>>)
      tpu.yield
    }) : () -> ()
    %add3A_7 = arith.constant 1000 : i32
    %add3A_8 = arith.addi %mul3A_4, %add3A_7 : i32
    "tpu.region"() ({
      %run_scoped3A = tpu.sem_alloc : memref<!tpu.dma_semaphore, #tpu.memory_space<semaphore_mem>>
      %dma_start3A = tpu.memref_slice %arg2[%add3A_8] : memref<160000xi32, #tpu.memory_space<hbm>> -> memref<1000xi32, #tpu.memory_space<hbm>>
      %dma_start3A_23 = tpu.memref_slice %arg2[%add3A_8] : memref<160000xi32, #tpu.memory_space<hbm>> -> memref<1000xi32, #tpu.memory_space<hbm>>
      tpu.enqueue_dma source(%dma_start3A_23 : memref<1000xi32, #tpu.memory_space<hbm>>) target(%arg7 : memref<1000xi32, #tpu.memory_space<vmem>>) target_semaphore(%run_scoped3A : memref<!tpu.dma_semaphore, #tpu.memory_space<semaphore_mem>>)
      %dma_wait3A = tpu.memref_slice %arg2[%add3A_8] : memref<160000xi32, #tpu.memory_space<hbm>> -> memref<1000xi32, #tpu.memory_space<hbm>>
      %dma_wait3A_24 = tpu.memref_slice %arg2[%add3A_8] : memref<160000xi32, #tpu.memory_space<hbm>> -> memref<1000xi32, #tpu.memory_space<hbm>>
      tpu.wait_dma2 semaphore(%run_scoped3A : memref<!tpu.dma_semaphore, #tpu.memory_space<semaphore_mem>>) src(%dma_wait3A_24 : memref<1000xi32, #tpu.memory_space<hbm>>) dst(%arg7 : memref<1000xi32, #tpu.memory_space<vmem>>)
      tpu.yield
    }) : () -> ()
    "tpu.region"() ({
      %run_scoped3A = tpu.sem_alloc : memref<!tpu.dma_semaphore, #tpu.memory_space<semaphore_mem>>
      %dma_start3A = arith.constant 0 : i32
      %dma_start3A_23 = tpu.memref_slice %arg9[%dma_start3A] : memref<10240xf32, #tpu.memory_space<vmem_shared>> -> memref<10240xf32, #tpu.memory_space<vmem_shared>>
      tpu.enqueue_indirect_dma source(%arg6 : memref<1000xf32, #tpu.memory_space<vmem>>) target(%dma_start3A_23 : memref<10240xf32, #tpu.memory_space<vmem_shared>>) offsets(%arg7 : memref<1000xi32, #tpu.memory_space<vmem>>) semaphore(%run_scoped3A : memref<!tpu.dma_semaphore, #tpu.memory_space<semaphore_mem>>) {add = true}
      %dma_wait3A = arith.constant 0 : i32
      %dma_wait3A_24 = tpu.memref_slice %arg9[%dma_wait3A] : memref<10240xf32, #tpu.memory_space<vmem_shared>> -> memref<10240xf32, #tpu.memory_space<vmem_shared>>
      tpu.wait_indirect_dma semaphore(%run_scoped3A : memref<!tpu.dma_semaphore, #tpu.memory_space<semaphore_mem>>) src(%arg6 : memref<1000xf32, #tpu.memory_space<vmem>>) dst(%dma_wait3A_24 : memref<10240xf32, #tpu.memory_space<vmem_shared>>)
      tpu.yield
    }) : () -> ()
    %add3A_9 = arith.constant 2000 : i32
    %add3A_10 = arith.addi %mul3A_4, %add3A_9 : i32
    "tpu.region"() ({
      %run_scoped3A = tpu.sem_alloc : memref<!tpu.dma_semaphore, #tpu.memory_space<semaphore_mem>>
      %dma_start3A = tpu.memref_slice %arg2[%add3A_10] : memref<160000xi32, #tpu.memory_space<hbm>> -> memref<1000xi32, #tpu.memory_space<hbm>>
      %dma_start3A_23 = tpu.memref_slice %arg2[%add3A_10] : memref<160000xi32, #tpu.memory_space<hbm>> -> memref<1000xi32, #tpu.memory_space<hbm>>
      tpu.enqueue_dma source(%dma_start3A_23 : memref<1000xi32, #tpu.memory_space<hbm>>) target(%arg7 : memref<1000xi32, #tpu.memory_space<vmem>>) target_semaphore(%run_scoped3A : memref<!tpu.dma_semaphore, #tpu.memory_space<semaphore_mem>>)
      %dma_wait3A = tpu.memref_slice %arg2[%add3A_10] : memref<160000xi32, #tpu.memory_space<hbm>> -> memref<1000xi32, #tpu.memory_space<hbm>>
      %dma_wait3A_24 = tpu.memref_slice %arg2[%add3A_10] : memref<160000xi32, #tpu.memory_space<hbm>> -> memref<1000xi32, #tpu.memory_space<hbm>>
      tpu.wait_dma2 semaphore(%run_scoped3A : memref<!tpu.dma_semaphore, #tpu.memory_space<semaphore_mem>>) src(%dma_wait3A_24 : memref<1000xi32, #tpu.memory_space<hbm>>) dst(%arg7 : memref<1000xi32, #tpu.memory_space<vmem>>)
      tpu.yield
    }) : () -> ()
    "tpu.region"() ({
      %run_scoped3A = tpu.sem_alloc : memref<!tpu.dma_semaphore, #tpu.memory_space<semaphore_mem>>
      %dma_start3A = arith.constant 0 : i32
      %dma_start3A_23 = tpu.memref_slice %arg9[%dma_start3A] : memref<10240xf32, #tpu.memory_space<vmem_shared>> -> memref<10240xf32, #tpu.memory_space<vmem_shared>>
      tpu.enqueue_indirect_dma source(%arg6 : memref<1000xf32, #tpu.memory_space<vmem>>) target(%dma_start3A_23 : memref<10240xf32, #tpu.memory_space<vmem_shared>>) offsets(%arg7 : memref<1000xi32, #tpu.memory_space<vmem>>) semaphore(%run_scoped3A : memref<!tpu.dma_semaphore, #tpu.memory_space<semaphore_mem>>) {add = true}
      %dma_wait3A = arith.constant 0 : i32
      %dma_wait3A_24 = tpu.memref_slice %arg9[%dma_wait3A] : memref<10240xf32, #tpu.memory_space<vmem_shared>> -> memref<10240xf32, #tpu.memory_space<vmem_shared>>
      tpu.wait_indirect_dma semaphore(%run_scoped3A : memref<!tpu.dma_semaphore, #tpu.memory_space<semaphore_mem>>) src(%arg6 : memref<1000xf32, #tpu.memory_space<vmem>>) dst(%dma_wait3A_24 : memref<10240xf32, #tpu.memory_space<vmem_shared>>)
      tpu.yield
    }) : () -> ()
    %add3A_11 = arith.constant 3000 : i32
    %add3A_12 = arith.addi %mul3A_4, %add3A_11 : i32
    "tpu.region"() ({
      %run_scoped3A = tpu.sem_alloc : memref<!tpu.dma_semaphore, #tpu.memory_space<semaphore_mem>>
      %dma_start3A = tpu.memref_slice %arg2[%add3A_12] : memref<160000xi32, #tpu.memory_space<hbm>> -> memref<1000xi32, #tpu.memory_space<hbm>>
      %dma_start3A_23 = tpu.memref_slice %arg2[%add3A_12] : memref<160000xi32, #tpu.memory_space<hbm>> -> memref<1000xi32, #tpu.memory_space<hbm>>
      tpu.enqueue_dma source(%dma_start3A_23 : memref<1000xi32, #tpu.memory_space<hbm>>) target(%arg7 : memref<1000xi32, #tpu.memory_space<vmem>>) target_semaphore(%run_scoped3A : memref<!tpu.dma_semaphore, #tpu.memory_space<semaphore_mem>>)
      %dma_wait3A = tpu.memref_slice %arg2[%add3A_12] : memref<160000xi32, #tpu.memory_space<hbm>> -> memref<1000xi32, #tpu.memory_space<hbm>>
      %dma_wait3A_24 = tpu.memref_slice %arg2[%add3A_12] : memref<160000xi32, #tpu.memory_space<hbm>> -> memref<1000xi32, #tpu.memory_space<hbm>>
      tpu.wait_dma2 semaphore(%run_scoped3A : memref<!tpu.dma_semaphore, #tpu.memory_space<semaphore_mem>>) src(%dma_wait3A_24 : memref<1000xi32, #tpu.memory_space<hbm>>) dst(%arg7 : memref<1000xi32, #tpu.memory_space<vmem>>)
      tpu.yield
    }) : () -> ()
    "tpu.region"() ({
      %run_scoped3A = tpu.sem_alloc : memref<!tpu.dma_semaphore, #tpu.memory_space<semaphore_mem>>
      %dma_start3A = arith.constant 0 : i32
      %dma_start3A_23 = tpu.memref_slice %arg9[%dma_start3A] : memref<10240xf32, #tpu.memory_space<vmem_shared>> -> memref<10240xf32, #tpu.memory_space<vmem_shared>>
      tpu.enqueue_indirect_dma source(%arg6 : memref<1000xf32, #tpu.memory_space<vmem>>) target(%dma_start3A_23 : memref<10240xf32, #tpu.memory_space<vmem_shared>>) offsets(%arg7 : memref<1000xi32, #tpu.memory_space<vmem>>) semaphore(%run_scoped3A : memref<!tpu.dma_semaphore, #tpu.memory_space<semaphore_mem>>) {add = true}
      %dma_wait3A = arith.constant 0 : i32
      %dma_wait3A_24 = tpu.memref_slice %arg9[%dma_wait3A] : memref<10240xf32, #tpu.memory_space<vmem_shared>> -> memref<10240xf32, #tpu.memory_space<vmem_shared>>
      tpu.wait_indirect_dma semaphore(%run_scoped3A : memref<!tpu.dma_semaphore, #tpu.memory_space<semaphore_mem>>) src(%arg6 : memref<1000xf32, #tpu.memory_space<vmem>>) dst(%dma_wait3A_24 : memref<10240xf32, #tpu.memory_space<vmem_shared>>)
      tpu.yield
    }) : () -> ()
    %add3A_13 = arith.constant 4000 : i32
    %add3A_14 = arith.addi %mul3A_4, %add3A_13 : i32
    "tpu.region"() ({
      %run_scoped3A = tpu.sem_alloc : memref<!tpu.dma_semaphore, #tpu.memory_space<semaphore_mem>>
      %dma_start3A = tpu.memref_slice %arg2[%add3A_14] : memref<160000xi32, #tpu.memory_space<hbm>> -> memref<1000xi32, #tpu.memory_space<hbm>>
      %dma_start3A_23 = tpu.memref_slice %arg2[%add3A_14] : memref<160000xi32, #tpu.memory_space<hbm>> -> memref<1000xi32, #tpu.memory_space<hbm>>
      tpu.enqueue_dma source(%dma_start3A_23 : memref<1000xi32, #tpu.memory_space<hbm>>) target(%arg7 : memref<1000xi32, #tpu.memory_space<vmem>>) target_semaphore(%run_scoped3A : memref<!tpu.dma_semaphore, #tpu.memory_space<semaphore_mem>>)
      %dma_wait3A = tpu.memref_slice %arg2[%add3A_14] : memref<160000xi32, #tpu.memory_space<hbm>> -> memref<1000xi32, #tpu.memory_space<hbm>>
      %dma_wait3A_24 = tpu.memref_slice %arg2[%add3A_14] : memref<160000xi32, #tpu.memory_space<hbm>> -> memref<1000xi32, #tpu.memory_space<hbm>>
      tpu.wait_dma2 semaphore(%run_scoped3A : memref<!tpu.dma_semaphore, #tpu.memory_space<semaphore_mem>>) src(%dma_wait3A_24 : memref<1000xi32, #tpu.memory_space<hbm>>) dst(%arg7 : memref<1000xi32, #tpu.memory_space<vmem>>)
      tpu.yield
    }) : () -> ()
    "tpu.region"() ({
      %run_scoped3A = tpu.sem_alloc : memref<!tpu.dma_semaphore, #tpu.memory_space<semaphore_mem>>
      %dma_start3A = arith.constant 0 : i32
      %dma_start3A_23 = tpu.memref_slice %arg9[%dma_start3A] : memref<10240xf32, #tpu.memory_space<vmem_shared>> -> memref<10240xf32, #tpu.memory_space<vmem_shared>>
      tpu.enqueue_indirect_dma source(%arg6 : memref<1000xf32, #tpu.memory_space<vmem>>) target(%dma_start3A_23 : memref<10240xf32, #tpu.memory_space<vmem_shared>>) offsets(%arg7 : memref<1000xi32, #tpu.memory_space<vmem>>) semaphore(%run_scoped3A : memref<!tpu.dma_semaphore, #tpu.memory_space<semaphore_mem>>) {add = true}
      %dma_wait3A = arith.constant 0 : i32
      %dma_wait3A_24 = tpu.memref_slice %arg9[%dma_wait3A] : memref<10240xf32, #tpu.memory_space<vmem_shared>> -> memref<10240xf32, #tpu.memory_space<vmem_shared>>
      tpu.wait_indirect_dma semaphore(%run_scoped3A : memref<!tpu.dma_semaphore, #tpu.memory_space<semaphore_mem>>) src(%arg6 : memref<1000xf32, #tpu.memory_space<vmem>>) dst(%dma_wait3A_24 : memref<10240xf32, #tpu.memory_space<vmem_shared>>)
      tpu.yield
    }) : () -> ()
    %barrier3A_15 = arith.constant 0 : index
    tpu.barrier barrier_id(%barrier3A_15)
    %mul3A_16 = arith.constant 640 : i32
    %mul3A_17 = arith.muli %arg1, %mul3A_16 : i32
    "tpu.region"() ({
      %run_scoped3A = tpu.sem_alloc : memref<!tpu.dma_semaphore, #tpu.memory_space<semaphore_mem>>
      %dma_start3A = tpu.memref_slice %arg9[%mul3A_17] : memref<10240xf32, #tpu.memory_space<vmem_shared>> -> memref<640xf32, #tpu.memory_space<vmem_shared>>
      %dma_start3A_23 = tpu.memref_slice %arg9[%mul3A_17] : memref<10240xf32, #tpu.memory_space<vmem_shared>> -> memref<640xf32, #tpu.memory_space<vmem_shared>>
      tpu.enqueue_dma source(%dma_start3A_23 : memref<640xf32, #tpu.memory_space<vmem_shared>>) target(%arg8 : memref<640xf32, #tpu.memory_space<vmem>>) target_semaphore(%run_scoped3A : memref<!tpu.dma_semaphore, #tpu.memory_space<semaphore_mem>>)
      %dma_wait3A = tpu.memref_slice %arg9[%mul3A_17] : memref<10240xf32, #tpu.memory_space<vmem_shared>> -> memref<640xf32, #tpu.memory_space<vmem_shared>>
      %dma_wait3A_24 = tpu.memref_slice %arg9[%mul3A_17] : memref<10240xf32, #tpu.memory_space<vmem_shared>> -> memref<640xf32, #tpu.memory_space<vmem_shared>>
      tpu.wait_dma2 semaphore(%run_scoped3A : memref<!tpu.dma_semaphore, #tpu.memory_space<semaphore_mem>>) src(%dma_wait3A_24 : memref<640xf32, #tpu.memory_space<vmem_shared>>) dst(%arg8 : memref<640xf32, #tpu.memory_space<vmem>>)
      tpu.yield
    }) : () -> ()
    %mul3A_18 = arith.constant 10240 : i32
    %mul3A_19 = arith.muli %arg0, %mul3A_18 : i32
    %mul3A_20 = arith.constant 640 : i32
    %mul3A_21 = arith.muli %arg1, %mul3A_20 : i32
    %add3A_22 = arith.addi %mul3A_19, %mul3A_21 : i32
    "tpu.region"() ({
      %run_scoped3A = tpu.sem_alloc : memref<!tpu.dma_semaphore, #tpu.memory_space<semaphore_mem>>
      %dma_start3A = tpu.memref_slice %arg5[%add3A_22] : memref<20480xf32, #tpu.memory_space<hbm>> -> memref<640xf32, #tpu.memory_space<hbm>>
      %dma_start3A_23 = tpu.memref_slice %arg5[%add3A_22] : memref<20480xf32, #tpu.memory_space<hbm>> -> memref<640xf32, #tpu.memory_space<hbm>>
      tpu.enqueue_dma source(%arg8 : memref<640xf32, #tpu.memory_space<vmem>>) target(%dma_start3A_23 : memref<640xf32, #tpu.memory_space<hbm>>) target_semaphore(%run_scoped3A : memref<!tpu.dma_semaphore, #tpu.memory_space<semaphore_mem>>)
      %dma_wait3A = tpu.memref_slice %arg5[%add3A_22] : memref<20480xf32, #tpu.memory_space<hbm>> -> memref<640xf32, #tpu.memory_space<hbm>>
      %dma_wait3A_24 = tpu.memref_slice %arg5[%add3A_22] : memref<20480xf32, #tpu.memory_space<hbm>> -> memref<640xf32, #tpu.memory_space<hbm>>
      tpu.wait_dma2 semaphore(%run_scoped3A : memref<!tpu.dma_semaphore, #tpu.memory_space<semaphore_mem>>) src(%arg8 : memref<640xf32, #tpu.memory_space<vmem>>) dst(%dma_wait3A_24 : memref<640xf32, #tpu.memory_space<hbm>>)
      tpu.yield
    }) : () -> ()
    return
  }
}

#map = affine_map<(d0, d1) -> (0)>
#map1 = affine_map<(d0, d1) -> (0, 0)>
module attributes {stable_mosaic.version = 14 : i64} {
  func.func @_prop_body(%arg0: i32, %arg1: i32, %arg2: memref<163840xi32, #tpu.memory_space<hbm>>, %arg3: memref<163840xi32, #tpu.memory_space<hbm>>, %arg4: memref<10240x64xf32, #tpu.memory_space<hbm>>, %arg5: memref<10240x64xf32, #tpu.memory_space<hbm>>, %arg6: memref<10240x64xf32, #tpu.memory_space<hbm>>, %arg7: memref<10240x64xf32, #tpu.memory_space<hbm>>, %arg8: memref<10240x64xf32, #tpu.memory_space<hbm>>, %arg9: memref<10240x64xf32, #tpu.memory_space<hbm>>, %arg10: memref<10240x64xf32, #tpu.memory_space<hbm>>, %arg11: memref<10240x64xf32, #tpu.memory_space<hbm>>, %arg12: memref<640x64xf32, #tpu.memory_space<hbm>>, %arg13: memref<163840x64xf32, #tpu.memory_space<hbm>>, %arg14: memref<20x256xi32, #tpu.memory_space<vmem>>, %arg15: memref<20x256xi32, #tpu.memory_space<vmem>>, %arg16: memref<256x64xf32, #tpu.memory_space<vmem>>, %arg17: memref<256x64xf32, #tpu.memory_space<vmem>>, %arg18: memref<!tpu.dma_semaphore, #tpu.memory_space<semaphore_mem>>, %arg19: memref<!tpu.dma_semaphore, #tpu.memory_space<semaphore_mem>>, %arg20: memref<!tpu.dma_semaphore, #tpu.memory_space<semaphore_mem>>, %arg21: memref<!tpu.dma_semaphore, #tpu.memory_space<semaphore_mem>>, %arg22: memref<!tpu.dma_semaphore, #tpu.memory_space<semaphore_mem>>, %arg23: memref<!tpu.dma_semaphore, #tpu.memory_space<semaphore_mem>>, %arg24: memref<!tpu.dma_semaphore, #tpu.memory_space<semaphore_mem>>, %arg25: memref<10256x64xf32, #tpu.memory_space<vmem_shared>>, %arg26: memref<10240x64xf32, #tpu.memory_space<vmem_shared>>) attributes {dimension_semantics = [#tpu.dimension_semantics<core_parallel>, #tpu.dimension_semantics<subcore_parallel>], iteration_bounds = array<i64: 2, 16>, scalar_prefetch = 0 : i64, scratch_operands = 13 : i64, tpu.core_type = #tpu.core_type<sc_vector_subcore>, window_params = [{transform_indices = #map}, {transform_indices = #map}, {transform_indices = #map1}, {transform_indices = #map1}, {transform_indices = #map1}, {transform_indices = #map1}, {transform_indices = #map1}, {transform_indices = #map1}, {transform_indices = #map1}, {transform_indices = #map1}, {transform_indices = #map1}, {transform_indices = #map1}]} {
    %mul3A = arith.constant 16 : i32
    %mul3A_0 = arith.muli %arg0, %mul3A : i32
    %add3A = arith.addi %mul3A_0, %arg1 : i32
    %mul3A_1 = arith.constant 5120 : i32
    %mul3A_2 = arith.muli %add3A, %mul3A_1 : i32
    %scan3A = arith.constant 0 : i32
    %scan3A_3 = arith.constant 0 : i32
    %scan3A_4 = arith.constant 20 : i32
    %scan3A_5 = arith.addi %scan3A_3, %scan3A_4 : i32
    %scan3A_6 = arith.constant 1 : i32
    %scan3A_7 = scf.for %scan3A_612 = %scan3A_3 to %scan3A_5 step %scan3A_6 iter_args(%scan3A_613 = %scan3A) -> (i32)  : i32 {
      %mul3A_614 = arith.constant 256 : i32
      %mul3A_615 = arith.muli %scan3A_612, %mul3A_614 : i32
      %add3A_616 = arith.addi %mul3A_2, %mul3A_615 : i32
      %dma_start3A_617 = arith.constant 0 : i32
      %dma_start3A_618 = tpu.memref_slice %arg14[%scan3A_612, %dma_start3A_617] : memref<20x256xi32, #tpu.memory_space<vmem>> -> memref<1x256xi32, #tpu.memory_space<vmem>>
      %dma_start3A_619 = tpu.memref_squeeze %dma_start3A_618 : memref<1x256xi32, #tpu.memory_space<vmem>> -> memref<256xi32, #tpu.memory_space<vmem>>
      %dma_start3A_620 = tpu.memref_slice %arg2[%add3A_616] : memref<163840xi32, #tpu.memory_space<hbm>> -> memref<256xi32, #tpu.memory_space<hbm>>
      %dma_start3A_621 = arith.constant 0 : i32
      %dma_start3A_622 = tpu.memref_slice %arg14[%scan3A_612, %dma_start3A_621] : memref<20x256xi32, #tpu.memory_space<vmem>> -> memref<1x256xi32, #tpu.memory_space<vmem>>
      %dma_start3A_623 = tpu.memref_squeeze %dma_start3A_622 : memref<1x256xi32, #tpu.memory_space<vmem>> -> memref<256xi32, #tpu.memory_space<vmem>>
      %dma_start3A_624 = tpu.memref_slice %arg2[%add3A_616] : memref<163840xi32, #tpu.memory_space<hbm>> -> memref<256xi32, #tpu.memory_space<hbm>>
      tpu.enqueue_dma source(%dma_start3A_624 : memref<256xi32, #tpu.memory_space<hbm>>) target(%dma_start3A_623 : memref<256xi32, #tpu.memory_space<vmem>>) target_semaphore(%arg24 : memref<!tpu.dma_semaphore, #tpu.memory_space<semaphore_mem>>)
      %mul3A_625 = arith.constant 256 : i32
      %mul3A_626 = arith.muli %scan3A_612, %mul3A_625 : i32
      %add3A_627 = arith.addi %mul3A_2, %mul3A_626 : i32
      %dma_start3A_628 = arith.constant 0 : i32
      %dma_start3A_629 = tpu.memref_slice %arg15[%scan3A_612, %dma_start3A_628] : memref<20x256xi32, #tpu.memory_space<vmem>> -> memref<1x256xi32, #tpu.memory_space<vmem>>
      %dma_start3A_630 = tpu.memref_squeeze %dma_start3A_629 : memref<1x256xi32, #tpu.memory_space<vmem>> -> memref<256xi32, #tpu.memory_space<vmem>>
      %dma_start3A_631 = tpu.memref_slice %arg3[%add3A_627] : memref<163840xi32, #tpu.memory_space<hbm>> -> memref<256xi32, #tpu.memory_space<hbm>>
      %dma_start3A_632 = arith.constant 0 : i32
      %dma_start3A_633 = tpu.memref_slice %arg15[%scan3A_612, %dma_start3A_632] : memref<20x256xi32, #tpu.memory_space<vmem>> -> memref<1x256xi32, #tpu.memory_space<vmem>>
      %dma_start3A_634 = tpu.memref_squeeze %dma_start3A_633 : memref<1x256xi32, #tpu.memory_space<vmem>> -> memref<256xi32, #tpu.memory_space<vmem>>
      %dma_start3A_635 = tpu.memref_slice %arg3[%add3A_627] : memref<163840xi32, #tpu.memory_space<hbm>> -> memref<256xi32, #tpu.memory_space<hbm>>
      tpu.enqueue_dma source(%dma_start3A_635 : memref<256xi32, #tpu.memory_space<hbm>>) target(%dma_start3A_634 : memref<256xi32, #tpu.memory_space<vmem>>) target_semaphore(%arg24 : memref<!tpu.dma_semaphore, #tpu.memory_space<semaphore_mem>>)
      %scan3A_636 = arith.constant 0 : i32
      scf.yield %scan3A_636 : i32
    }
    %scan3A_8 = arith.constant 20 : i32
    %scan3A_9 = arith.constant 0 : i32
    %scan3A_10 = arith.constant 0 : i32
    %scan3A_11 = arith.constant 20 : i32
    %scan3A_12 = arith.addi %scan3A_10, %scan3A_11 : i32
    %scan3A_13 = arith.constant 1 : i32
    %scan3A_14 = scf.for %scan3A_612 = %scan3A_10 to %scan3A_12 step %scan3A_13 iter_args(%scan3A_613 = %scan3A_9) -> (i32)  : i32 {
      %mul3A_614 = arith.constant 256 : i32
      %mul3A_615 = arith.muli %scan3A_612, %mul3A_614 : i32
      %add3A_616 = arith.addi %mul3A_2, %mul3A_615 : i32
      %dma_wait3A_617 = arith.constant 0 : i32
      %dma_wait3A_618 = tpu.memref_slice %arg14[%scan3A_612, %dma_wait3A_617] : memref<20x256xi32, #tpu.memory_space<vmem>> -> memref<1x256xi32, #tpu.memory_space<vmem>>
      %dma_wait3A_619 = tpu.memref_squeeze %dma_wait3A_618 : memref<1x256xi32, #tpu.memory_space<vmem>> -> memref<256xi32, #tpu.memory_space<vmem>>
      %dma_wait3A_620 = tpu.memref_slice %arg2[%add3A_616] : memref<163840xi32, #tpu.memory_space<hbm>> -> memref<256xi32, #tpu.memory_space<hbm>>
      %dma_wait3A_621 = arith.constant 0 : i32
      %dma_wait3A_622 = tpu.memref_slice %arg14[%scan3A_612, %dma_wait3A_621] : memref<20x256xi32, #tpu.memory_space<vmem>> -> memref<1x256xi32, #tpu.memory_space<vmem>>
      %dma_wait3A_623 = tpu.memref_squeeze %dma_wait3A_622 : memref<1x256xi32, #tpu.memory_space<vmem>> -> memref<256xi32, #tpu.memory_space<vmem>>
      %dma_wait3A_624 = tpu.memref_slice %arg2[%add3A_616] : memref<163840xi32, #tpu.memory_space<hbm>> -> memref<256xi32, #tpu.memory_space<hbm>>
      tpu.wait_dma2 semaphore(%arg24 : memref<!tpu.dma_semaphore, #tpu.memory_space<semaphore_mem>>) src(%dma_wait3A_624 : memref<256xi32, #tpu.memory_space<hbm>>) dst(%dma_wait3A_623 : memref<256xi32, #tpu.memory_space<vmem>>)
      %mul3A_625 = arith.constant 256 : i32
      %mul3A_626 = arith.muli %scan3A_612, %mul3A_625 : i32
      %add3A_627 = arith.addi %mul3A_2, %mul3A_626 : i32
      %dma_wait3A_628 = arith.constant 0 : i32
      %dma_wait3A_629 = tpu.memref_slice %arg15[%scan3A_612, %dma_wait3A_628] : memref<20x256xi32, #tpu.memory_space<vmem>> -> memref<1x256xi32, #tpu.memory_space<vmem>>
      %dma_wait3A_630 = tpu.memref_squeeze %dma_wait3A_629 : memref<1x256xi32, #tpu.memory_space<vmem>> -> memref<256xi32, #tpu.memory_space<vmem>>
      %dma_wait3A_631 = tpu.memref_slice %arg3[%add3A_627] : memref<163840xi32, #tpu.memory_space<hbm>> -> memref<256xi32, #tpu.memory_space<hbm>>
      %dma_wait3A_632 = arith.constant 0 : i32
      %dma_wait3A_633 = tpu.memref_slice %arg15[%scan3A_612, %dma_wait3A_632] : memref<20x256xi32, #tpu.memory_space<vmem>> -> memref<1x256xi32, #tpu.memory_space<vmem>>
      %dma_wait3A_634 = tpu.memref_squeeze %dma_wait3A_633 : memref<1x256xi32, #tpu.memory_space<vmem>> -> memref<256xi32, #tpu.memory_space<vmem>>
      %dma_wait3A_635 = tpu.memref_slice %arg3[%add3A_627] : memref<163840xi32, #tpu.memory_space<hbm>> -> memref<256xi32, #tpu.memory_space<hbm>>
      tpu.wait_dma2 semaphore(%arg24 : memref<!tpu.dma_semaphore, #tpu.memory_space<semaphore_mem>>) src(%dma_wait3A_635 : memref<256xi32, #tpu.memory_space<hbm>>) dst(%dma_wait3A_634 : memref<256xi32, #tpu.memory_space<vmem>>)
      %scan3A_636 = arith.constant 0 : i32
      scf.yield %scan3A_636 : i32
    }
    %scan3A_15 = arith.constant 20 : i32
    %add3A_16 = arith.constant 0 : i32
    %add3A_17 = arith.addi %add3A_16, %arg0 : i32
    %mul3A_18 = arith.constant 10240 : i32
    %mul3A_19 = arith.muli %add3A_17, %mul3A_18 : i32
    %mul3A_20 = arith.constant 640 : i32
    %mul3A_21 = arith.muli %arg1, %mul3A_20 : i32
    %dma_start3A = arith.constant 0 : i32
    %dma_start3A_22 = tpu.memref_slice %arg25[%mul3A_21, %dma_start3A] : memref<10256x64xf32, #tpu.memory_space<vmem_shared>> -> memref<640x64xf32, #tpu.memory_space<vmem_shared>>
    tpu.enqueue_dma source(%arg12 : memref<640x64xf32, #tpu.memory_space<hbm>>) target(%dma_start3A_22 : memref<640x64xf32, #tpu.memory_space<vmem_shared>>) target_semaphore(%arg22 : memref<!tpu.dma_semaphore, #tpu.memory_space<semaphore_mem>>)
    %mul3A_23 = arith.constant 640 : i32
    %mul3A_24 = arith.muli %arg1, %mul3A_23 : i32
    %mul3A_25 = arith.constant 640 : i32
    %mul3A_26 = arith.muli %arg1, %mul3A_25 : i32
    %dma_start3A_27 = arith.constant 0 : i32
    %dma_start3A_28 = tpu.memref_slice %arg26[%mul3A_26, %dma_start3A_27] : memref<10240x64xf32, #tpu.memory_space<vmem_shared>> -> memref<640x64xf32, #tpu.memory_space<vmem_shared>>
    %dma_start3A_29 = arith.constant 0 : i32
    %dma_start3A_30 = tpu.memref_slice %arg4[%mul3A_24, %dma_start3A_29] : memref<10240x64xf32, #tpu.memory_space<hbm>> -> memref<640x64xf32, #tpu.memory_space<hbm>>
    tpu.enqueue_dma source(%dma_start3A_30 : memref<640x64xf32, #tpu.memory_space<hbm>>) target(%dma_start3A_28 : memref<640x64xf32, #tpu.memory_space<vmem_shared>>) target_semaphore(%arg23 : memref<!tpu.dma_semaphore, #tpu.memory_space<semaphore_mem>>)
    %dma_wait3A = arith.constant 0 : i32
    %dma_wait3A_31 = tpu.memref_slice %arg25[%mul3A_21, %dma_wait3A] : memref<10256x64xf32, #tpu.memory_space<vmem_shared>> -> memref<640x64xf32, #tpu.memory_space<vmem_shared>>
    tpu.wait_dma2 semaphore(%arg22 : memref<!tpu.dma_semaphore, #tpu.memory_space<semaphore_mem>>) src(%arg12 : memref<640x64xf32, #tpu.memory_space<hbm>>) dst(%dma_wait3A_31 : memref<640x64xf32, #tpu.memory_space<vmem_shared>>)
    %dma_wait3A_32 = arith.constant 0 : i32
    %dma_wait3A_33 = tpu.memref_slice %arg26[%mul3A_26, %dma_wait3A_32] : memref<10240x64xf32, #tpu.memory_space<vmem_shared>> -> memref<640x64xf32, #tpu.memory_space<vmem_shared>>
    %dma_wait3A_34 = arith.constant 0 : i32
    %dma_wait3A_35 = tpu.memref_slice %arg4[%mul3A_24, %dma_wait3A_34] : memref<10240x64xf32, #tpu.memory_space<hbm>> -> memref<640x64xf32, #tpu.memory_space<hbm>>
    tpu.wait_dma2 semaphore(%arg23 : memref<!tpu.dma_semaphore, #tpu.memory_space<semaphore_mem>>) src(%dma_wait3A_35 : memref<640x64xf32, #tpu.memory_space<hbm>>) dst(%dma_wait3A_33 : memref<640x64xf32, #tpu.memory_space<vmem_shared>>)
    %barrier3A = arith.constant 0 : index
    tpu.barrier barrier_id(%barrier3A)
    %dma_start3A_36 = arith.constant 0 : i32
    %dma_start3A_37 = arith.constant 0 : i32
    %dma_start3A_38 = tpu.memref_slice %arg14[%dma_start3A_36, %dma_start3A_37] : memref<20x256xi32, #tpu.memory_space<vmem>> -> memref<1x256xi32, #tpu.memory_space<vmem>>
    %dma_start3A_39 = tpu.memref_squeeze %dma_start3A_38 : memref<1x256xi32, #tpu.memory_space<vmem>> -> memref<256xi32, #tpu.memory_space<vmem>>
    %dma_start3A_40 = arith.constant 0 : i32
    %dma_start3A_41 = arith.constant 0 : i32
    %dma_start3A_42 = tpu.memref_slice %arg26[%dma_start3A_40, %dma_start3A_41] : memref<10240x64xf32, #tpu.memory_space<vmem_shared>> -> memref<10240x64xf32, #tpu.memory_space<vmem_shared>>
    tpu.enqueue_indirect_dma source(%dma_start3A_42 : memref<10240x64xf32, #tpu.memory_space<vmem_shared>>) target(%arg16 : memref<256x64xf32, #tpu.memory_space<vmem>>) offsets(%dma_start3A_39 : memref<256xi32, #tpu.memory_space<vmem>>) semaphore(%arg18 : memref<!tpu.dma_semaphore, #tpu.memory_space<semaphore_mem>>)
    %dma_start3A_43 = arith.constant 1 : i32
    %dma_start3A_44 = arith.constant 0 : i32
    %dma_start3A_45 = tpu.memref_slice %arg14[%dma_start3A_43, %dma_start3A_44] : memref<20x256xi32, #tpu.memory_space<vmem>> -> memref<1x256xi32, #tpu.memory_space<vmem>>
    %dma_start3A_46 = tpu.memref_squeeze %dma_start3A_45 : memref<1x256xi32, #tpu.memory_space<vmem>> -> memref<256xi32, #tpu.memory_space<vmem>>
    %dma_start3A_47 = arith.constant 0 : i32
    %dma_start3A_48 = arith.constant 0 : i32
    %dma_start3A_49 = tpu.memref_slice %arg26[%dma_start3A_47, %dma_start3A_48] : memref<10240x64xf32, #tpu.memory_space<vmem_shared>> -> memref<10240x64xf32, #tpu.memory_space<vmem_shared>>
    tpu.enqueue_indirect_dma source(%dma_start3A_49 : memref<10240x64xf32, #tpu.memory_space<vmem_shared>>) target(%arg17 : memref<256x64xf32, #tpu.memory_space<vmem>>) offsets(%dma_start3A_46 : memref<256xi32, #tpu.memory_space<vmem>>) semaphore(%arg19 : memref<!tpu.dma_semaphore, #tpu.memory_space<semaphore_mem>>)
    %scan3A_50 = arith.constant 0 : i32
    %scan3A_51 = arith.constant 0 : i32
    %scan3A_52 = arith.constant 9 : i32
    %scan3A_53 = arith.addi %scan3A_51, %scan3A_52 : i32
    %scan3A_54 = arith.constant 1 : i32
    %scan3A_55 = scf.for %scan3A_612 = %scan3A_51 to %scan3A_53 step %scan3A_54 iter_args(%scan3A_613 = %scan3A_50) -> (i32)  : i32 {
      %mul3A_614 = arith.constant 2 : i32
      %mul3A_615 = arith.muli %mul3A_614, %scan3A_612 : i32
      %dma_wait3A_616 = arith.constant 0 : i32
      %dma_wait3A_617 = tpu.memref_slice %arg14[%mul3A_615, %dma_wait3A_616] : memref<20x256xi32, #tpu.memory_space<vmem>> -> memref<1x256xi32, #tpu.memory_space<vmem>>
      %dma_wait3A_618 = tpu.memref_squeeze %dma_wait3A_617 : memref<1x256xi32, #tpu.memory_space<vmem>> -> memref<256xi32, #tpu.memory_space<vmem>>
      %dma_wait3A_619 = arith.constant 0 : i32
      %dma_wait3A_620 = arith.constant 0 : i32
      %dma_wait3A_621 = tpu.memref_slice %arg26[%dma_wait3A_619, %dma_wait3A_620] : memref<10240x64xf32, #tpu.memory_space<vmem_shared>> -> memref<10240x64xf32, #tpu.memory_space<vmem_shared>>
      tpu.wait_indirect_dma semaphore(%arg18 : memref<!tpu.dma_semaphore, #tpu.memory_space<semaphore_mem>>) src(%dma_wait3A_621 : memref<10240x64xf32, #tpu.memory_space<vmem_shared>>) dst(%arg16 : memref<256x64xf32, #tpu.memory_space<vmem>>)
      %dma_start3A_622 = arith.constant 0 : i32
      %dma_start3A_623 = tpu.memref_slice %arg15[%mul3A_615, %dma_start3A_622] : memref<20x256xi32, #tpu.memory_space<vmem>> -> memref<1x256xi32, #tpu.memory_space<vmem>>
      %dma_start3A_624 = tpu.memref_squeeze %dma_start3A_623 : memref<1x256xi32, #tpu.memory_space<vmem>> -> memref<256xi32, #tpu.memory_space<vmem>>
      %dma_start3A_625 = arith.constant 0 : i32
      %dma_start3A_626 = arith.constant 0 : i32
      %dma_start3A_627 = tpu.memref_slice %arg25[%dma_start3A_625, %dma_start3A_626] : memref<10256x64xf32, #tpu.memory_space<vmem_shared>> -> memref<10256x64xf32, #tpu.memory_space<vmem_shared>>
      tpu.enqueue_indirect_dma source(%arg16 : memref<256x64xf32, #tpu.memory_space<vmem>>) target(%dma_start3A_627 : memref<10256x64xf32, #tpu.memory_space<vmem_shared>>) offsets(%dma_start3A_624 : memref<256xi32, #tpu.memory_space<vmem>>) semaphore(%arg20 : memref<!tpu.dma_semaphore, #tpu.memory_space<semaphore_mem>>) {add = true}
      %add3A_628 = arith.constant 1 : i32
      %add3A_629 = arith.addi %mul3A_615, %add3A_628 : i32
      %dma_wait3A_630 = arith.constant 0 : i32
      %dma_wait3A_631 = tpu.memref_slice %arg14[%add3A_629, %dma_wait3A_630] : memref<20x256xi32, #tpu.memory_space<vmem>> -> memref<1x256xi32, #tpu.memory_space<vmem>>
      %dma_wait3A_632 = tpu.memref_squeeze %dma_wait3A_631 : memref<1x256xi32, #tpu.memory_space<vmem>> -> memref<256xi32, #tpu.memory_space<vmem>>
      %dma_wait3A_633 = arith.constant 0 : i32
      %dma_wait3A_634 = arith.constant 0 : i32
      %dma_wait3A_635 = tpu.memref_slice %arg26[%dma_wait3A_633, %dma_wait3A_634] : memref<10240x64xf32, #tpu.memory_space<vmem_shared>> -> memref<10240x64xf32, #tpu.memory_space<vmem_shared>>
      tpu.wait_indirect_dma semaphore(%arg19 : memref<!tpu.dma_semaphore, #tpu.memory_space<semaphore_mem>>) src(%dma_wait3A_635 : memref<10240x64xf32, #tpu.memory_space<vmem_shared>>) dst(%arg17 : memref<256x64xf32, #tpu.memory_space<vmem>>)
      %add3A_636 = arith.constant 1 : i32
      %add3A_637 = arith.addi %mul3A_615, %add3A_636 : i32
      %dma_start3A_638 = arith.constant 0 : i32
      %dma_start3A_639 = tpu.memref_slice %arg15[%add3A_637, %dma_start3A_638] : memref<20x256xi32, #tpu.memory_space<vmem>> -> memref<1x256xi32, #tpu.memory_space<vmem>>
      %dma_start3A_640 = tpu.memref_squeeze %dma_start3A_639 : memref<1x256xi32, #tpu.memory_space<vmem>> -> memref<256xi32, #tpu.memory_space<vmem>>
      %dma_start3A_641 = arith.constant 0 : i32
      %dma_start3A_642 = arith.constant 0 : i32
      %dma_start3A_643 = tpu.memref_slice %arg25[%dma_start3A_641, %dma_start3A_642] : memref<10256x64xf32, #tpu.memory_space<vmem_shared>> -> memref<10256x64xf32, #tpu.memory_space<vmem_shared>>
      tpu.enqueue_indirect_dma source(%arg17 : memref<256x64xf32, #tpu.memory_space<vmem>>) target(%dma_start3A_643 : memref<10256x64xf32, #tpu.memory_space<vmem_shared>>) offsets(%dma_start3A_640 : memref<256xi32, #tpu.memory_space<vmem>>) semaphore(%arg21 : memref<!tpu.dma_semaphore, #tpu.memory_space<semaphore_mem>>) {add = true}
      %dma_wait3A_644 = arith.constant 0 : i32
      %dma_wait3A_645 = tpu.memref_slice %arg15[%mul3A_615, %dma_wait3A_644] : memref<20x256xi32, #tpu.memory_space<vmem>> -> memref<1x256xi32, #tpu.memory_space<vmem>>
      %dma_wait3A_646 = tpu.memref_squeeze %dma_wait3A_645 : memref<1x256xi32, #tpu.memory_space<vmem>> -> memref<256xi32, #tpu.memory_space<vmem>>
      %dma_wait3A_647 = arith.constant 0 : i32
      %dma_wait3A_648 = arith.constant 0 : i32
      %dma_wait3A_649 = tpu.memref_slice %arg25[%dma_wait3A_647, %dma_wait3A_648] : memref<10256x64xf32, #tpu.memory_space<vmem_shared>> -> memref<10256x64xf32, #tpu.memory_space<vmem_shared>>
      tpu.wait_indirect_dma semaphore(%arg20 : memref<!tpu.dma_semaphore, #tpu.memory_space<semaphore_mem>>) src(%arg16 : memref<256x64xf32, #tpu.memory_space<vmem>>) dst(%dma_wait3A_649 : memref<10256x64xf32, #tpu.memory_space<vmem_shared>>)
      %add3A_650 = arith.constant 2 : i32
      %add3A_651 = arith.addi %mul3A_615, %add3A_650 : i32
      %dma_start3A_652 = arith.constant 0 : i32
      %dma_start3A_653 = tpu.memref_slice %arg14[%add3A_651, %dma_start3A_652] : memref<20x256xi32, #tpu.memory_space<vmem>> -> memref<1x256xi32, #tpu.memory_space<vmem>>
      %dma_start3A_654 = tpu.memref_squeeze %dma_start3A_653 : memref<1x256xi32, #tpu.memory_space<vmem>> -> memref<256xi32, #tpu.memory_space<vmem>>
      %dma_start3A_655 = arith.constant 0 : i32
      %dma_start3A_656 = arith.constant 0 : i32
      %dma_start3A_657 = tpu.memref_slice %arg26[%dma_start3A_655, %dma_start3A_656] : memref<10240x64xf32, #tpu.memory_space<vmem_shared>> -> memref<10240x64xf32, #tpu.memory_space<vmem_shared>>
      tpu.enqueue_indirect_dma source(%dma_start3A_657 : memref<10240x64xf32, #tpu.memory_space<vmem_shared>>) target(%arg16 : memref<256x64xf32, #tpu.memory_space<vmem>>) offsets(%dma_start3A_654 : memref<256xi32, #tpu.memory_space<vmem>>) semaphore(%arg18 : memref<!tpu.dma_semaphore, #tpu.memory_space<semaphore_mem>>)
      %add3A_658 = arith.constant 1 : i32
      %add3A_659 = arith.addi %mul3A_615, %add3A_658 : i32
      %dma_wait3A_660 = arith.constant 0 : i32
      %dma_wait3A_661 = tpu.memref_slice %arg15[%add3A_659, %dma_wait3A_660] : memref<20x256xi32, #tpu.memory_space<vmem>> -> memref<1x256xi32, #tpu.memory_space<vmem>>
      %dma_wait3A_662 = tpu.memref_squeeze %dma_wait3A_661 : memref<1x256xi32, #tpu.memory_space<vmem>> -> memref<256xi32, #tpu.memory_space<vmem>>
      %dma_wait3A_663 = arith.constant 0 : i32
      %dma_wait3A_664 = arith.constant 0 : i32
      %dma_wait3A_665 = tpu.memref_slice %arg25[%dma_wait3A_663, %dma_wait3A_664] : memref<10256x64xf32, #tpu.memory_space<vmem_shared>> -> memref<10256x64xf32, #tpu.memory_space<vmem_shared>>
      tpu.wait_indirect_dma semaphore(%arg21 : memref<!tpu.dma_semaphore, #tpu.memory_space<semaphore_mem>>) src(%arg17 : memref<256x64xf32, #tpu.memory_space<vmem>>) dst(%dma_wait3A_665 : memref<10256x64xf32, #tpu.memory_space<vmem_shared>>)
      %add3A_666 = arith.constant 3 : i32
      %add3A_667 = arith.addi %mul3A_615, %add3A_666 : i32
      %dma_start3A_668 = arith.constant 0 : i32
      %dma_start3A_669 = tpu.memref_slice %arg14[%add3A_667, %dma_start3A_668] : memref<20x256xi32, #tpu.memory_space<vmem>> -> memref<1x256xi32, #tpu.memory_space<vmem>>
      %dma_start3A_670 = tpu.memref_squeeze %dma_start3A_669 : memref<1x256xi32, #tpu.memory_space<vmem>> -> memref<256xi32, #tpu.memory_space<vmem>>
      %dma_start3A_671 = arith.constant 0 : i32
      %dma_start3A_672 = arith.constant 0 : i32
      %dma_start3A_673 = tpu.memref_slice %arg26[%dma_start3A_671, %dma_start3A_672] : memref<10240x64xf32, #tpu.memory_space<vmem_shared>> -> memref<10240x64xf32, #tpu.memory_space<vmem_shared>>
      tpu.enqueue_indirect_dma source(%dma_start3A_673 : memref<10240x64xf32, #tpu.memory_space<vmem_shared>>) target(%arg17 : memref<256x64xf32, #tpu.memory_space<vmem>>) offsets(%dma_start3A_670 : memref<256xi32, #tpu.memory_space<vmem>>) semaphore(%arg19 : memref<!tpu.dma_semaphore, #tpu.memory_space<semaphore_mem>>)
      %scan3A_674 = arith.constant 0 : i32
      scf.yield %scan3A_674 : i32
    }
    %scan3A_56 = arith.constant 9 : i32
    %dma_wait3A_57 = arith.constant 18 : i32
    %dma_wait3A_58 = arith.constant 0 : i32
    %dma_wait3A_59 = tpu.memref_slice %arg14[%dma_wait3A_57, %dma_wait3A_58] : memref<20x256xi32, #tpu.memory_space<vmem>> -> memref<1x256xi32, #tpu.memory_space<vmem>>
    %dma_wait3A_60 = tpu.memref_squeeze %dma_wait3A_59 : memref<1x256xi32, #tpu.memory_space<vmem>> -> memref<256xi32, #tpu.memory_space<vmem>>
    %dma_wait3A_61 = arith.constant 0 : i32
    %dma_wait3A_62 = arith.constant 0 : i32
    %dma_wait3A_63 = tpu.memref_slice %arg26[%dma_wait3A_61, %dma_wait3A_62] : memref<10240x64xf32, #tpu.memory_space<vmem_shared>> -> memref<10240x64xf32, #tpu.memory_space<vmem_shared>>
    tpu.wait_indirect_dma semaphore(%arg18 : memref<!tpu.dma_semaphore, #tpu.memory_space<semaphore_mem>>) src(%dma_wait3A_63 : memref<10240x64xf32, #tpu.memory_space<vmem_shared>>) dst(%arg16 : memref<256x64xf32, #tpu.memory_space<vmem>>)
    %run_scoped3A = arith.constant 18 : i32
    "tpu.region"() ({
      %run_scoped3A_612 = tpu.sem_alloc : memref<!tpu.dma_semaphore, #tpu.memory_space<semaphore_mem>>
      %dma_start3A_613 = arith.constant 0 : i32
      %dma_start3A_614 = tpu.memref_slice %arg15[%run_scoped3A, %dma_start3A_613] : memref<20x256xi32, #tpu.memory_space<vmem>> -> memref<1x256xi32, #tpu.memory_space<vmem>>
      %dma_start3A_615 = tpu.memref_squeeze %dma_start3A_614 : memref<1x256xi32, #tpu.memory_space<vmem>> -> memref<256xi32, #tpu.memory_space<vmem>>
      %dma_start3A_616 = arith.constant 0 : i32
      %dma_start3A_617 = arith.constant 0 : i32
      %dma_start3A_618 = tpu.memref_slice %arg25[%dma_start3A_616, %dma_start3A_617] : memref<10256x64xf32, #tpu.memory_space<vmem_shared>> -> memref<10256x64xf32, #tpu.memory_space<vmem_shared>>
      tpu.enqueue_indirect_dma source(%arg16 : memref<256x64xf32, #tpu.memory_space<vmem>>) target(%dma_start3A_618 : memref<10256x64xf32, #tpu.memory_space<vmem_shared>>) offsets(%dma_start3A_615 : memref<256xi32, #tpu.memory_space<vmem>>) semaphore(%run_scoped3A_612 : memref<!tpu.dma_semaphore, #tpu.memory_space<semaphore_mem>>) {add = true}
      %dma_wait3A_619 = arith.constant 0 : i32
      %dma_wait3A_620 = tpu.memref_slice %arg15[%run_scoped3A, %dma_wait3A_619] : memref<20x256xi32, #tpu.memory_space<vmem>> -> memref<1x256xi32, #tpu.memory_space<vmem>>
      %dma_wait3A_621 = tpu.memref_squeeze %dma_wait3A_620 : memref<1x256xi32, #tpu.memory_space<vmem>> -> memref<256xi32, #tpu.memory_space<vmem>>
      %dma_wait3A_622 = arith.constant 0 : i32
      %dma_wait3A_623 = arith.constant 0 : i32
      %dma_wait3A_624 = tpu.memref_slice %arg25[%dma_wait3A_622, %dma_wait3A_623] : memref<10256x64xf32, #tpu.memory_space<vmem_shared>> -> memref<10256x64xf32, #tpu.memory_space<vmem_shared>>
      tpu.wait_indirect_dma semaphore(%run_scoped3A_612 : memref<!tpu.dma_semaphore, #tpu.memory_space<semaphore_mem>>) src(%arg16 : memref<256x64xf32, #tpu.memory_space<vmem>>) dst(%dma_wait3A_624 : memref<10256x64xf32, #tpu.memory_space<vmem_shared>>)
      tpu.yield
    }) : () -> ()
    %dma_wait3A_64 = arith.constant 19 : i32
    %dma_wait3A_65 = arith.constant 0 : i32
    %dma_wait3A_66 = tpu.memref_slice %arg14[%dma_wait3A_64, %dma_wait3A_65] : memref<20x256xi32, #tpu.memory_space<vmem>> -> memref<1x256xi32, #tpu.memory_space<vmem>>
    %dma_wait3A_67 = tpu.memref_squeeze %dma_wait3A_66 : memref<1x256xi32, #tpu.memory_space<vmem>> -> memref<256xi32, #tpu.memory_space<vmem>>
    %dma_wait3A_68 = arith.constant 0 : i32
    %dma_wait3A_69 = arith.constant 0 : i32
    %dma_wait3A_70 = tpu.memref_slice %arg26[%dma_wait3A_68, %dma_wait3A_69] : memref<10240x64xf32, #tpu.memory_space<vmem_shared>> -> memref<10240x64xf32, #tpu.memory_space<vmem_shared>>
    tpu.wait_indirect_dma semaphore(%arg19 : memref<!tpu.dma_semaphore, #tpu.memory_space<semaphore_mem>>) src(%dma_wait3A_70 : memref<10240x64xf32, #tpu.memory_space<vmem_shared>>) dst(%arg17 : memref<256x64xf32, #tpu.memory_space<vmem>>)
    %run_scoped3A_71 = arith.constant 19 : i32
    "tpu.region"() ({
      %run_scoped3A_612 = tpu.sem_alloc : memref<!tpu.dma_semaphore, #tpu.memory_space<semaphore_mem>>
      %dma_start3A_613 = arith.constant 0 : i32
      %dma_start3A_614 = tpu.memref_slice %arg15[%run_scoped3A_71, %dma_start3A_613] : memref<20x256xi32, #tpu.memory_space<vmem>> -> memref<1x256xi32, #tpu.memory_space<vmem>>
      %dma_start3A_615 = tpu.memref_squeeze %dma_start3A_614 : memref<1x256xi32, #tpu.memory_space<vmem>> -> memref<256xi32, #tpu.memory_space<vmem>>
      %dma_start3A_616 = arith.constant 0 : i32
      %dma_start3A_617 = arith.constant 0 : i32
      %dma_start3A_618 = tpu.memref_slice %arg25[%dma_start3A_616, %dma_start3A_617] : memref<10256x64xf32, #tpu.memory_space<vmem_shared>> -> memref<10256x64xf32, #tpu.memory_space<vmem_shared>>
      tpu.enqueue_indirect_dma source(%arg17 : memref<256x64xf32, #tpu.memory_space<vmem>>) target(%dma_start3A_618 : memref<10256x64xf32, #tpu.memory_space<vmem_shared>>) offsets(%dma_start3A_615 : memref<256xi32, #tpu.memory_space<vmem>>) semaphore(%run_scoped3A_612 : memref<!tpu.dma_semaphore, #tpu.memory_space<semaphore_mem>>) {add = true}
      %dma_wait3A_619 = arith.constant 0 : i32
      %dma_wait3A_620 = tpu.memref_slice %arg15[%run_scoped3A_71, %dma_wait3A_619] : memref<20x256xi32, #tpu.memory_space<vmem>> -> memref<1x256xi32, #tpu.memory_space<vmem>>
      %dma_wait3A_621 = tpu.memref_squeeze %dma_wait3A_620 : memref<1x256xi32, #tpu.memory_space<vmem>> -> memref<256xi32, #tpu.memory_space<vmem>>
      %dma_wait3A_622 = arith.constant 0 : i32
      %dma_wait3A_623 = arith.constant 0 : i32
      %dma_wait3A_624 = tpu.memref_slice %arg25[%dma_wait3A_622, %dma_wait3A_623] : memref<10256x64xf32, #tpu.memory_space<vmem_shared>> -> memref<10256x64xf32, #tpu.memory_space<vmem_shared>>
      tpu.wait_indirect_dma semaphore(%run_scoped3A_612 : memref<!tpu.dma_semaphore, #tpu.memory_space<semaphore_mem>>) src(%arg17 : memref<256x64xf32, #tpu.memory_space<vmem>>) dst(%dma_wait3A_624 : memref<10256x64xf32, #tpu.memory_space<vmem_shared>>)
      tpu.yield
    }) : () -> ()
    %barrier3A_72 = arith.constant 0 : index
    tpu.barrier barrier_id(%barrier3A_72)
    %mul3A_73 = arith.constant 640 : i32
    %mul3A_74 = arith.muli %arg1, %mul3A_73 : i32
    %mul3A_75 = arith.constant 640 : i32
    %mul3A_76 = arith.muli %arg1, %mul3A_75 : i32
    %add3A_77 = arith.addi %mul3A_19, %mul3A_76 : i32
    %dma_start3A_78 = arith.constant 0 : i32
    %dma_start3A_79 = tpu.memref_slice %arg13[%add3A_77, %dma_start3A_78] : memref<163840x64xf32, #tpu.memory_space<hbm>> -> memref<640x64xf32, #tpu.memory_space<hbm>>
    %dma_start3A_80 = arith.constant 0 : i32
    %dma_start3A_81 = tpu.memref_slice %arg25[%mul3A_74, %dma_start3A_80] : memref<10256x64xf32, #tpu.memory_space<vmem_shared>> -> memref<640x64xf32, #tpu.memory_space<vmem_shared>>
    tpu.enqueue_dma source(%dma_start3A_81 : memref<640x64xf32, #tpu.memory_space<vmem_shared>>) target(%dma_start3A_79 : memref<640x64xf32, #tpu.memory_space<hbm>>) target_semaphore(%arg22 : memref<!tpu.dma_semaphore, #tpu.memory_space<semaphore_mem>>)
    %dma_wait3A_82 = arith.constant 0 : i32
    %dma_wait3A_83 = tpu.memref_slice %arg13[%add3A_77, %dma_wait3A_82] : memref<163840x64xf32, #tpu.memory_space<hbm>> -> memref<640x64xf32, #tpu.memory_space<hbm>>
    %dma_wait3A_84 = arith.constant 0 : i32
    %dma_wait3A_85 = tpu.memref_slice %arg25[%mul3A_74, %dma_wait3A_84] : memref<10256x64xf32, #tpu.memory_space<vmem_shared>> -> memref<640x64xf32, #tpu.memory_space<vmem_shared>>
    tpu.wait_dma2 semaphore(%arg22 : memref<!tpu.dma_semaphore, #tpu.memory_space<semaphore_mem>>) src(%dma_wait3A_85 : memref<640x64xf32, #tpu.memory_space<vmem_shared>>) dst(%dma_wait3A_83 : memref<640x64xf32, #tpu.memory_space<hbm>>)
    %barrier3A_86 = arith.constant 0 : index
    tpu.barrier barrier_id(%barrier3A_86)
    %add3A_87 = arith.constant 2 : i32
    %add3A_88 = arith.addi %add3A_87, %arg0 : i32
    %mul3A_89 = arith.constant 10240 : i32
    %mul3A_90 = arith.muli %add3A_88, %mul3A_89 : i32
    %mul3A_91 = arith.constant 640 : i32
    %mul3A_92 = arith.muli %arg1, %mul3A_91 : i32
    %dma_start3A_93 = arith.constant 0 : i32
    %dma_start3A_94 = tpu.memref_slice %arg25[%mul3A_92, %dma_start3A_93] : memref<10256x64xf32, #tpu.memory_space<vmem_shared>> -> memref<640x64xf32, #tpu.memory_space<vmem_shared>>
    tpu.enqueue_dma source(%arg12 : memref<640x64xf32, #tpu.memory_space<hbm>>) target(%dma_start3A_94 : memref<640x64xf32, #tpu.memory_space<vmem_shared>>) target_semaphore(%arg22 : memref<!tpu.dma_semaphore, #tpu.memory_space<semaphore_mem>>)
    %mul3A_95 = arith.constant 640 : i32
    %mul3A_96 = arith.muli %arg1, %mul3A_95 : i32
    %mul3A_97 = arith.constant 640 : i32
    %mul3A_98 = arith.muli %arg1, %mul3A_97 : i32
    %dma_start3A_99 = arith.constant 0 : i32
    %dma_start3A_100 = tpu.memref_slice %arg26[%mul3A_98, %dma_start3A_99] : memref<10240x64xf32, #tpu.memory_space<vmem_shared>> -> memref<640x64xf32, #tpu.memory_space<vmem_shared>>
    %dma_start3A_101 = arith.constant 0 : i32
    %dma_start3A_102 = tpu.memref_slice %arg5[%mul3A_96, %dma_start3A_101] : memref<10240x64xf32, #tpu.memory_space<hbm>> -> memref<640x64xf32, #tpu.memory_space<hbm>>
    tpu.enqueue_dma source(%dma_start3A_102 : memref<640x64xf32, #tpu.memory_space<hbm>>) target(%dma_start3A_100 : memref<640x64xf32, #tpu.memory_space<vmem_shared>>) target_semaphore(%arg23 : memref<!tpu.dma_semaphore, #tpu.memory_space<semaphore_mem>>)
    %dma_wait3A_103 = arith.constant 0 : i32
    %dma_wait3A_104 = tpu.memref_slice %arg25[%mul3A_92, %dma_wait3A_103] : memref<10256x64xf32, #tpu.memory_space<vmem_shared>> -> memref<640x64xf32, #tpu.memory_space<vmem_shared>>
    tpu.wait_dma2 semaphore(%arg22 : memref<!tpu.dma_semaphore, #tpu.memory_space<semaphore_mem>>) src(%arg12 : memref<640x64xf32, #tpu.memory_space<hbm>>) dst(%dma_wait3A_104 : memref<640x64xf32, #tpu.memory_space<vmem_shared>>)
    %dma_wait3A_105 = arith.constant 0 : i32
    %dma_wait3A_106 = tpu.memref_slice %arg26[%mul3A_98, %dma_wait3A_105] : memref<10240x64xf32, #tpu.memory_space<vmem_shared>> -> memref<640x64xf32, #tpu.memory_space<vmem_shared>>
    %dma_wait3A_107 = arith.constant 0 : i32
    %dma_wait3A_108 = tpu.memref_slice %arg5[%mul3A_96, %dma_wait3A_107] : memref<10240x64xf32, #tpu.memory_space<hbm>> -> memref<640x64xf32, #tpu.memory_space<hbm>>
    tpu.wait_dma2 semaphore(%arg23 : memref<!tpu.dma_semaphore, #tpu.memory_space<semaphore_mem>>) src(%dma_wait3A_108 : memref<640x64xf32, #tpu.memory_space<hbm>>) dst(%dma_wait3A_106 : memref<640x64xf32, #tpu.memory_space<vmem_shared>>)
    %barrier3A_109 = arith.constant 0 : index
    tpu.barrier barrier_id(%barrier3A_109)
    %dma_start3A_110 = arith.constant 0 : i32
    %dma_start3A_111 = arith.constant 0 : i32
    %dma_start3A_112 = tpu.memref_slice %arg14[%dma_start3A_110, %dma_start3A_111] : memref<20x256xi32, #tpu.memory_space<vmem>> -> memref<1x256xi32, #tpu.memory_space<vmem>>
    %dma_start3A_113 = tpu.memref_squeeze %dma_start3A_112 : memref<1x256xi32, #tpu.memory_space<vmem>> -> memref<256xi32, #tpu.memory_space<vmem>>
    %dma_start3A_114 = arith.constant 0 : i32
    %dma_start3A_115 = arith.constant 0 : i32
    %dma_start3A_116 = tpu.memref_slice %arg26[%dma_start3A_114, %dma_start3A_115] : memref<10240x64xf32, #tpu.memory_space<vmem_shared>> -> memref<10240x64xf32, #tpu.memory_space<vmem_shared>>
    tpu.enqueue_indirect_dma source(%dma_start3A_116 : memref<10240x64xf32, #tpu.memory_space<vmem_shared>>) target(%arg16 : memref<256x64xf32, #tpu.memory_space<vmem>>) offsets(%dma_start3A_113 : memref<256xi32, #tpu.memory_space<vmem>>) semaphore(%arg18 : memref<!tpu.dma_semaphore, #tpu.memory_space<semaphore_mem>>)
    %dma_start3A_117 = arith.constant 1 : i32
    %dma_start3A_118 = arith.constant 0 : i32
    %dma_start3A_119 = tpu.memref_slice %arg14[%dma_start3A_117, %dma_start3A_118] : memref<20x256xi32, #tpu.memory_space<vmem>> -> memref<1x256xi32, #tpu.memory_space<vmem>>
    %dma_start3A_120 = tpu.memref_squeeze %dma_start3A_119 : memref<1x256xi32, #tpu.memory_space<vmem>> -> memref<256xi32, #tpu.memory_space<vmem>>
    %dma_start3A_121 = arith.constant 0 : i32
    %dma_start3A_122 = arith.constant 0 : i32
    %dma_start3A_123 = tpu.memref_slice %arg26[%dma_start3A_121, %dma_start3A_122] : memref<10240x64xf32, #tpu.memory_space<vmem_shared>> -> memref<10240x64xf32, #tpu.memory_space<vmem_shared>>
    tpu.enqueue_indirect_dma source(%dma_start3A_123 : memref<10240x64xf32, #tpu.memory_space<vmem_shared>>) target(%arg17 : memref<256x64xf32, #tpu.memory_space<vmem>>) offsets(%dma_start3A_120 : memref<256xi32, #tpu.memory_space<vmem>>) semaphore(%arg19 : memref<!tpu.dma_semaphore, #tpu.memory_space<semaphore_mem>>)
    %scan3A_124 = arith.constant 0 : i32
    %scan3A_125 = arith.constant 0 : i32
    %scan3A_126 = arith.constant 9 : i32
    %scan3A_127 = arith.addi %scan3A_125, %scan3A_126 : i32
    %scan3A_128 = arith.constant 1 : i32
    %scan3A_129 = scf.for %scan3A_612 = %scan3A_125 to %scan3A_127 step %scan3A_128 iter_args(%scan3A_613 = %scan3A_124) -> (i32)  : i32 {
      %mul3A_614 = arith.constant 2 : i32
      %mul3A_615 = arith.muli %mul3A_614, %scan3A_612 : i32
      %dma_wait3A_616 = arith.constant 0 : i32
      %dma_wait3A_617 = tpu.memref_slice %arg14[%mul3A_615, %dma_wait3A_616] : memref<20x256xi32, #tpu.memory_space<vmem>> -> memref<1x256xi32, #tpu.memory_space<vmem>>
      %dma_wait3A_618 = tpu.memref_squeeze %dma_wait3A_617 : memref<1x256xi32, #tpu.memory_space<vmem>> -> memref<256xi32, #tpu.memory_space<vmem>>
      %dma_wait3A_619 = arith.constant 0 : i32
      %dma_wait3A_620 = arith.constant 0 : i32
      %dma_wait3A_621 = tpu.memref_slice %arg26[%dma_wait3A_619, %dma_wait3A_620] : memref<10240x64xf32, #tpu.memory_space<vmem_shared>> -> memref<10240x64xf32, #tpu.memory_space<vmem_shared>>
      tpu.wait_indirect_dma semaphore(%arg18 : memref<!tpu.dma_semaphore, #tpu.memory_space<semaphore_mem>>) src(%dma_wait3A_621 : memref<10240x64xf32, #tpu.memory_space<vmem_shared>>) dst(%arg16 : memref<256x64xf32, #tpu.memory_space<vmem>>)
      %dma_start3A_622 = arith.constant 0 : i32
      %dma_start3A_623 = tpu.memref_slice %arg15[%mul3A_615, %dma_start3A_622] : memref<20x256xi32, #tpu.memory_space<vmem>> -> memref<1x256xi32, #tpu.memory_space<vmem>>
      %dma_start3A_624 = tpu.memref_squeeze %dma_start3A_623 : memref<1x256xi32, #tpu.memory_space<vmem>> -> memref<256xi32, #tpu.memory_space<vmem>>
      %dma_start3A_625 = arith.constant 0 : i32
      %dma_start3A_626 = arith.constant 0 : i32
      %dma_start3A_627 = tpu.memref_slice %arg25[%dma_start3A_625, %dma_start3A_626] : memref<10256x64xf32, #tpu.memory_space<vmem_shared>> -> memref<10256x64xf32, #tpu.memory_space<vmem_shared>>
      tpu.enqueue_indirect_dma source(%arg16 : memref<256x64xf32, #tpu.memory_space<vmem>>) target(%dma_start3A_627 : memref<10256x64xf32, #tpu.memory_space<vmem_shared>>) offsets(%dma_start3A_624 : memref<256xi32, #tpu.memory_space<vmem>>) semaphore(%arg20 : memref<!tpu.dma_semaphore, #tpu.memory_space<semaphore_mem>>) {add = true}
      %add3A_628 = arith.constant 1 : i32
      %add3A_629 = arith.addi %mul3A_615, %add3A_628 : i32
      %dma_wait3A_630 = arith.constant 0 : i32
      %dma_wait3A_631 = tpu.memref_slice %arg14[%add3A_629, %dma_wait3A_630] : memref<20x256xi32, #tpu.memory_space<vmem>> -> memref<1x256xi32, #tpu.memory_space<vmem>>
      %dma_wait3A_632 = tpu.memref_squeeze %dma_wait3A_631 : memref<1x256xi32, #tpu.memory_space<vmem>> -> memref<256xi32, #tpu.memory_space<vmem>>
      %dma_wait3A_633 = arith.constant 0 : i32
      %dma_wait3A_634 = arith.constant 0 : i32
      %dma_wait3A_635 = tpu.memref_slice %arg26[%dma_wait3A_633, %dma_wait3A_634] : memref<10240x64xf32, #tpu.memory_space<vmem_shared>> -> memref<10240x64xf32, #tpu.memory_space<vmem_shared>>
      tpu.wait_indirect_dma semaphore(%arg19 : memref<!tpu.dma_semaphore, #tpu.memory_space<semaphore_mem>>) src(%dma_wait3A_635 : memref<10240x64xf32, #tpu.memory_space<vmem_shared>>) dst(%arg17 : memref<256x64xf32, #tpu.memory_space<vmem>>)
      %add3A_636 = arith.constant 1 : i32
      %add3A_637 = arith.addi %mul3A_615, %add3A_636 : i32
      %dma_start3A_638 = arith.constant 0 : i32
      %dma_start3A_639 = tpu.memref_slice %arg15[%add3A_637, %dma_start3A_638] : memref<20x256xi32, #tpu.memory_space<vmem>> -> memref<1x256xi32, #tpu.memory_space<vmem>>
      %dma_start3A_640 = tpu.memref_squeeze %dma_start3A_639 : memref<1x256xi32, #tpu.memory_space<vmem>> -> memref<256xi32, #tpu.memory_space<vmem>>
      %dma_start3A_641 = arith.constant 0 : i32
      %dma_start3A_642 = arith.constant 0 : i32
      %dma_start3A_643 = tpu.memref_slice %arg25[%dma_start3A_641, %dma_start3A_642] : memref<10256x64xf32, #tpu.memory_space<vmem_shared>> -> memref<10256x64xf32, #tpu.memory_space<vmem_shared>>
      tpu.enqueue_indirect_dma source(%arg17 : memref<256x64xf32, #tpu.memory_space<vmem>>) target(%dma_start3A_643 : memref<10256x64xf32, #tpu.memory_space<vmem_shared>>) offsets(%dma_start3A_640 : memref<256xi32, #tpu.memory_space<vmem>>) semaphore(%arg21 : memref<!tpu.dma_semaphore, #tpu.memory_space<semaphore_mem>>) {add = true}
      %dma_wait3A_644 = arith.constant 0 : i32
      %dma_wait3A_645 = tpu.memref_slice %arg15[%mul3A_615, %dma_wait3A_644] : memref<20x256xi32, #tpu.memory_space<vmem>> -> memref<1x256xi32, #tpu.memory_space<vmem>>
      %dma_wait3A_646 = tpu.memref_squeeze %dma_wait3A_645 : memref<1x256xi32, #tpu.memory_space<vmem>> -> memref<256xi32, #tpu.memory_space<vmem>>
      %dma_wait3A_647 = arith.constant 0 : i32
      %dma_wait3A_648 = arith.constant 0 : i32
      %dma_wait3A_649 = tpu.memref_slice %arg25[%dma_wait3A_647, %dma_wait3A_648] : memref<10256x64xf32, #tpu.memory_space<vmem_shared>> -> memref<10256x64xf32, #tpu.memory_space<vmem_shared>>
      tpu.wait_indirect_dma semaphore(%arg20 : memref<!tpu.dma_semaphore, #tpu.memory_space<semaphore_mem>>) src(%arg16 : memref<256x64xf32, #tpu.memory_space<vmem>>) dst(%dma_wait3A_649 : memref<10256x64xf32, #tpu.memory_space<vmem_shared>>)
      %add3A_650 = arith.constant 2 : i32
      %add3A_651 = arith.addi %mul3A_615, %add3A_650 : i32
      %dma_start3A_652 = arith.constant 0 : i32
      %dma_start3A_653 = tpu.memref_slice %arg14[%add3A_651, %dma_start3A_652] : memref<20x256xi32, #tpu.memory_space<vmem>> -> memref<1x256xi32, #tpu.memory_space<vmem>>
      %dma_start3A_654 = tpu.memref_squeeze %dma_start3A_653 : memref<1x256xi32, #tpu.memory_space<vmem>> -> memref<256xi32, #tpu.memory_space<vmem>>
      %dma_start3A_655 = arith.constant 0 : i32
      %dma_start3A_656 = arith.constant 0 : i32
      %dma_start3A_657 = tpu.memref_slice %arg26[%dma_start3A_655, %dma_start3A_656] : memref<10240x64xf32, #tpu.memory_space<vmem_shared>> -> memref<10240x64xf32, #tpu.memory_space<vmem_shared>>
      tpu.enqueue_indirect_dma source(%dma_start3A_657 : memref<10240x64xf32, #tpu.memory_space<vmem_shared>>) target(%arg16 : memref<256x64xf32, #tpu.memory_space<vmem>>) offsets(%dma_start3A_654 : memref<256xi32, #tpu.memory_space<vmem>>) semaphore(%arg18 : memref<!tpu.dma_semaphore, #tpu.memory_space<semaphore_mem>>)
      %add3A_658 = arith.constant 1 : i32
      %add3A_659 = arith.addi %mul3A_615, %add3A_658 : i32
      %dma_wait3A_660 = arith.constant 0 : i32
      %dma_wait3A_661 = tpu.memref_slice %arg15[%add3A_659, %dma_wait3A_660] : memref<20x256xi32, #tpu.memory_space<vmem>> -> memref<1x256xi32, #tpu.memory_space<vmem>>
      %dma_wait3A_662 = tpu.memref_squeeze %dma_wait3A_661 : memref<1x256xi32, #tpu.memory_space<vmem>> -> memref<256xi32, #tpu.memory_space<vmem>>
      %dma_wait3A_663 = arith.constant 0 : i32
      %dma_wait3A_664 = arith.constant 0 : i32
      %dma_wait3A_665 = tpu.memref_slice %arg25[%dma_wait3A_663, %dma_wait3A_664] : memref<10256x64xf32, #tpu.memory_space<vmem_shared>> -> memref<10256x64xf32, #tpu.memory_space<vmem_shared>>
      tpu.wait_indirect_dma semaphore(%arg21 : memref<!tpu.dma_semaphore, #tpu.memory_space<semaphore_mem>>) src(%arg17 : memref<256x64xf32, #tpu.memory_space<vmem>>) dst(%dma_wait3A_665 : memref<10256x64xf32, #tpu.memory_space<vmem_shared>>)
      %add3A_666 = arith.constant 3 : i32
      %add3A_667 = arith.addi %mul3A_615, %add3A_666 : i32
      %dma_start3A_668 = arith.constant 0 : i32
      %dma_start3A_669 = tpu.memref_slice %arg14[%add3A_667, %dma_start3A_668] : memref<20x256xi32, #tpu.memory_space<vmem>> -> memref<1x256xi32, #tpu.memory_space<vmem>>
      %dma_start3A_670 = tpu.memref_squeeze %dma_start3A_669 : memref<1x256xi32, #tpu.memory_space<vmem>> -> memref<256xi32, #tpu.memory_space<vmem>>
      %dma_start3A_671 = arith.constant 0 : i32
      %dma_start3A_672 = arith.constant 0 : i32
      %dma_start3A_673 = tpu.memref_slice %arg26[%dma_start3A_671, %dma_start3A_672] : memref<10240x64xf32, #tpu.memory_space<vmem_shared>> -> memref<10240x64xf32, #tpu.memory_space<vmem_shared>>
      tpu.enqueue_indirect_dma source(%dma_start3A_673 : memref<10240x64xf32, #tpu.memory_space<vmem_shared>>) target(%arg17 : memref<256x64xf32, #tpu.memory_space<vmem>>) offsets(%dma_start3A_670 : memref<256xi32, #tpu.memory_space<vmem>>) semaphore(%arg19 : memref<!tpu.dma_semaphore, #tpu.memory_space<semaphore_mem>>)
      %scan3A_674 = arith.constant 0 : i32
      scf.yield %scan3A_674 : i32
    }
    %scan3A_130 = arith.constant 9 : i32
    %dma_wait3A_131 = arith.constant 18 : i32
    %dma_wait3A_132 = arith.constant 0 : i32
    %dma_wait3A_133 = tpu.memref_slice %arg14[%dma_wait3A_131, %dma_wait3A_132] : memref<20x256xi32, #tpu.memory_space<vmem>> -> memref<1x256xi32, #tpu.memory_space<vmem>>
    %dma_wait3A_134 = tpu.memref_squeeze %dma_wait3A_133 : memref<1x256xi32, #tpu.memory_space<vmem>> -> memref<256xi32, #tpu.memory_space<vmem>>
    %dma_wait3A_135 = arith.constant 0 : i32
    %dma_wait3A_136 = arith.constant 0 : i32
    %dma_wait3A_137 = tpu.memref_slice %arg26[%dma_wait3A_135, %dma_wait3A_136] : memref<10240x64xf32, #tpu.memory_space<vmem_shared>> -> memref<10240x64xf32, #tpu.memory_space<vmem_shared>>
    tpu.wait_indirect_dma semaphore(%arg18 : memref<!tpu.dma_semaphore, #tpu.memory_space<semaphore_mem>>) src(%dma_wait3A_137 : memref<10240x64xf32, #tpu.memory_space<vmem_shared>>) dst(%arg16 : memref<256x64xf32, #tpu.memory_space<vmem>>)
    %run_scoped3A_138 = arith.constant 18 : i32
    "tpu.region"() ({
      %run_scoped3A_612 = tpu.sem_alloc : memref<!tpu.dma_semaphore, #tpu.memory_space<semaphore_mem>>
      %dma_start3A_613 = arith.constant 0 : i32
      %dma_start3A_614 = tpu.memref_slice %arg15[%run_scoped3A_138, %dma_start3A_613] : memref<20x256xi32, #tpu.memory_space<vmem>> -> memref<1x256xi32, #tpu.memory_space<vmem>>
      %dma_start3A_615 = tpu.memref_squeeze %dma_start3A_614 : memref<1x256xi32, #tpu.memory_space<vmem>> -> memref<256xi32, #tpu.memory_space<vmem>>
      %dma_start3A_616 = arith.constant 0 : i32
      %dma_start3A_617 = arith.constant 0 : i32
      %dma_start3A_618 = tpu.memref_slice %arg25[%dma_start3A_616, %dma_start3A_617] : memref<10256x64xf32, #tpu.memory_space<vmem_shared>> -> memref<10256x64xf32, #tpu.memory_space<vmem_shared>>
      tpu.enqueue_indirect_dma source(%arg16 : memref<256x64xf32, #tpu.memory_space<vmem>>) target(%dma_start3A_618 : memref<10256x64xf32, #tpu.memory_space<vmem_shared>>) offsets(%dma_start3A_615 : memref<256xi32, #tpu.memory_space<vmem>>) semaphore(%run_scoped3A_612 : memref<!tpu.dma_semaphore, #tpu.memory_space<semaphore_mem>>) {add = true}
      %dma_wait3A_619 = arith.constant 0 : i32
      %dma_wait3A_620 = tpu.memref_slice %arg15[%run_scoped3A_138, %dma_wait3A_619] : memref<20x256xi32, #tpu.memory_space<vmem>> -> memref<1x256xi32, #tpu.memory_space<vmem>>
      %dma_wait3A_621 = tpu.memref_squeeze %dma_wait3A_620 : memref<1x256xi32, #tpu.memory_space<vmem>> -> memref<256xi32, #tpu.memory_space<vmem>>
      %dma_wait3A_622 = arith.constant 0 : i32
      %dma_wait3A_623 = arith.constant 0 : i32
      %dma_wait3A_624 = tpu.memref_slice %arg25[%dma_wait3A_622, %dma_wait3A_623] : memref<10256x64xf32, #tpu.memory_space<vmem_shared>> -> memref<10256x64xf32, #tpu.memory_space<vmem_shared>>
      tpu.wait_indirect_dma semaphore(%run_scoped3A_612 : memref<!tpu.dma_semaphore, #tpu.memory_space<semaphore_mem>>) src(%arg16 : memref<256x64xf32, #tpu.memory_space<vmem>>) dst(%dma_wait3A_624 : memref<10256x64xf32, #tpu.memory_space<vmem_shared>>)
      tpu.yield
    }) : () -> ()
    %dma_wait3A_139 = arith.constant 19 : i32
    %dma_wait3A_140 = arith.constant 0 : i32
    %dma_wait3A_141 = tpu.memref_slice %arg14[%dma_wait3A_139, %dma_wait3A_140] : memref<20x256xi32, #tpu.memory_space<vmem>> -> memref<1x256xi32, #tpu.memory_space<vmem>>
    %dma_wait3A_142 = tpu.memref_squeeze %dma_wait3A_141 : memref<1x256xi32, #tpu.memory_space<vmem>> -> memref<256xi32, #tpu.memory_space<vmem>>
    %dma_wait3A_143 = arith.constant 0 : i32
    %dma_wait3A_144 = arith.constant 0 : i32
    %dma_wait3A_145 = tpu.memref_slice %arg26[%dma_wait3A_143, %dma_wait3A_144] : memref<10240x64xf32, #tpu.memory_space<vmem_shared>> -> memref<10240x64xf32, #tpu.memory_space<vmem_shared>>
    tpu.wait_indirect_dma semaphore(%arg19 : memref<!tpu.dma_semaphore, #tpu.memory_space<semaphore_mem>>) src(%dma_wait3A_145 : memref<10240x64xf32, #tpu.memory_space<vmem_shared>>) dst(%arg17 : memref<256x64xf32, #tpu.memory_space<vmem>>)
    %run_scoped3A_146 = arith.constant 19 : i32
    "tpu.region"() ({
      %run_scoped3A_612 = tpu.sem_alloc : memref<!tpu.dma_semaphore, #tpu.memory_space<semaphore_mem>>
      %dma_start3A_613 = arith.constant 0 : i32
      %dma_start3A_614 = tpu.memref_slice %arg15[%run_scoped3A_146, %dma_start3A_613] : memref<20x256xi32, #tpu.memory_space<vmem>> -> memref<1x256xi32, #tpu.memory_space<vmem>>
      %dma_start3A_615 = tpu.memref_squeeze %dma_start3A_614 : memref<1x256xi32, #tpu.memory_space<vmem>> -> memref<256xi32, #tpu.memory_space<vmem>>
      %dma_start3A_616 = arith.constant 0 : i32
      %dma_start3A_617 = arith.constant 0 : i32
      %dma_start3A_618 = tpu.memref_slice %arg25[%dma_start3A_616, %dma_start3A_617] : memref<10256x64xf32, #tpu.memory_space<vmem_shared>> -> memref<10256x64xf32, #tpu.memory_space<vmem_shared>>
      tpu.enqueue_indirect_dma source(%arg17 : memref<256x64xf32, #tpu.memory_space<vmem>>) target(%dma_start3A_618 : memref<10256x64xf32, #tpu.memory_space<vmem_shared>>) offsets(%dma_start3A_615 : memref<256xi32, #tpu.memory_space<vmem>>) semaphore(%run_scoped3A_612 : memref<!tpu.dma_semaphore, #tpu.memory_space<semaphore_mem>>) {add = true}
      %dma_wait3A_619 = arith.constant 0 : i32
      %dma_wait3A_620 = tpu.memref_slice %arg15[%run_scoped3A_146, %dma_wait3A_619] : memref<20x256xi32, #tpu.memory_space<vmem>> -> memref<1x256xi32, #tpu.memory_space<vmem>>
      %dma_wait3A_621 = tpu.memref_squeeze %dma_wait3A_620 : memref<1x256xi32, #tpu.memory_space<vmem>> -> memref<256xi32, #tpu.memory_space<vmem>>
      %dma_wait3A_622 = arith.constant 0 : i32
      %dma_wait3A_623 = arith.constant 0 : i32
      %dma_wait3A_624 = tpu.memref_slice %arg25[%dma_wait3A_622, %dma_wait3A_623] : memref<10256x64xf32, #tpu.memory_space<vmem_shared>> -> memref<10256x64xf32, #tpu.memory_space<vmem_shared>>
      tpu.wait_indirect_dma semaphore(%run_scoped3A_612 : memref<!tpu.dma_semaphore, #tpu.memory_space<semaphore_mem>>) src(%arg17 : memref<256x64xf32, #tpu.memory_space<vmem>>) dst(%dma_wait3A_624 : memref<10256x64xf32, #tpu.memory_space<vmem_shared>>)
      tpu.yield
    }) : () -> ()
    %barrier3A_147 = arith.constant 0 : index
    tpu.barrier barrier_id(%barrier3A_147)
    %mul3A_148 = arith.constant 640 : i32
    %mul3A_149 = arith.muli %arg1, %mul3A_148 : i32
    %mul3A_150 = arith.constant 640 : i32
    %mul3A_151 = arith.muli %arg1, %mul3A_150 : i32
    %add3A_152 = arith.addi %mul3A_90, %mul3A_151 : i32
    %dma_start3A_153 = arith.constant 0 : i32
    %dma_start3A_154 = tpu.memref_slice %arg13[%add3A_152, %dma_start3A_153] : memref<163840x64xf32, #tpu.memory_space<hbm>> -> memref<640x64xf32, #tpu.memory_space<hbm>>
    %dma_start3A_155 = arith.constant 0 : i32
    %dma_start3A_156 = tpu.memref_slice %arg25[%mul3A_149, %dma_start3A_155] : memref<10256x64xf32, #tpu.memory_space<vmem_shared>> -> memref<640x64xf32, #tpu.memory_space<vmem_shared>>
    tpu.enqueue_dma source(%dma_start3A_156 : memref<640x64xf32, #tpu.memory_space<vmem_shared>>) target(%dma_start3A_154 : memref<640x64xf32, #tpu.memory_space<hbm>>) target_semaphore(%arg22 : memref<!tpu.dma_semaphore, #tpu.memory_space<semaphore_mem>>)
    %dma_wait3A_157 = arith.constant 0 : i32
    %dma_wait3A_158 = tpu.memref_slice %arg13[%add3A_152, %dma_wait3A_157] : memref<163840x64xf32, #tpu.memory_space<hbm>> -> memref<640x64xf32, #tpu.memory_space<hbm>>
    %dma_wait3A_159 = arith.constant 0 : i32
    %dma_wait3A_160 = tpu.memref_slice %arg25[%mul3A_149, %dma_wait3A_159] : memref<10256x64xf32, #tpu.memory_space<vmem_shared>> -> memref<640x64xf32, #tpu.memory_space<vmem_shared>>
    tpu.wait_dma2 semaphore(%arg22 : memref<!tpu.dma_semaphore, #tpu.memory_space<semaphore_mem>>) src(%dma_wait3A_160 : memref<640x64xf32, #tpu.memory_space<vmem_shared>>) dst(%dma_wait3A_158 : memref<640x64xf32, #tpu.memory_space<hbm>>)
    %barrier3A_161 = arith.constant 0 : index
    tpu.barrier barrier_id(%barrier3A_161)
    %add3A_162 = arith.constant 4 : i32
    %add3A_163 = arith.addi %add3A_162, %arg0 : i32
    %mul3A_164 = arith.constant 10240 : i32
    %mul3A_165 = arith.muli %add3A_163, %mul3A_164 : i32
    %mul3A_166 = arith.constant 640 : i32
    %mul3A_167 = arith.muli %arg1, %mul3A_166 : i32
    %dma_start3A_168 = arith.constant 0 : i32
    %dma_start3A_169 = tpu.memref_slice %arg25[%mul3A_167, %dma_start3A_168] : memref<10256x64xf32, #tpu.memory_space<vmem_shared>> -> memref<640x64xf32, #tpu.memory_space<vmem_shared>>
    tpu.enqueue_dma source(%arg12 : memref<640x64xf32, #tpu.memory_space<hbm>>) target(%dma_start3A_169 : memref<640x64xf32, #tpu.memory_space<vmem_shared>>) target_semaphore(%arg22 : memref<!tpu.dma_semaphore, #tpu.memory_space<semaphore_mem>>)
    %mul3A_170 = arith.constant 640 : i32
    %mul3A_171 = arith.muli %arg1, %mul3A_170 : i32
    %mul3A_172 = arith.constant 640 : i32
    %mul3A_173 = arith.muli %arg1, %mul3A_172 : i32
    %dma_start3A_174 = arith.constant 0 : i32
    %dma_start3A_175 = tpu.memref_slice %arg26[%mul3A_173, %dma_start3A_174] : memref<10240x64xf32, #tpu.memory_space<vmem_shared>> -> memref<640x64xf32, #tpu.memory_space<vmem_shared>>
    %dma_start3A_176 = arith.constant 0 : i32
    %dma_start3A_177 = tpu.memref_slice %arg6[%mul3A_171, %dma_start3A_176] : memref<10240x64xf32, #tpu.memory_space<hbm>> -> memref<640x64xf32, #tpu.memory_space<hbm>>
    tpu.enqueue_dma source(%dma_start3A_177 : memref<640x64xf32, #tpu.memory_space<hbm>>) target(%dma_start3A_175 : memref<640x64xf32, #tpu.memory_space<vmem_shared>>) target_semaphore(%arg23 : memref<!tpu.dma_semaphore, #tpu.memory_space<semaphore_mem>>)
    %dma_wait3A_178 = arith.constant 0 : i32
    %dma_wait3A_179 = tpu.memref_slice %arg25[%mul3A_167, %dma_wait3A_178] : memref<10256x64xf32, #tpu.memory_space<vmem_shared>> -> memref<640x64xf32, #tpu.memory_space<vmem_shared>>
    tpu.wait_dma2 semaphore(%arg22 : memref<!tpu.dma_semaphore, #tpu.memory_space<semaphore_mem>>) src(%arg12 : memref<640x64xf32, #tpu.memory_space<hbm>>) dst(%dma_wait3A_179 : memref<640x64xf32, #tpu.memory_space<vmem_shared>>)
    %dma_wait3A_180 = arith.constant 0 : i32
    %dma_wait3A_181 = tpu.memref_slice %arg26[%mul3A_173, %dma_wait3A_180] : memref<10240x64xf32, #tpu.memory_space<vmem_shared>> -> memref<640x64xf32, #tpu.memory_space<vmem_shared>>
    %dma_wait3A_182 = arith.constant 0 : i32
    %dma_wait3A_183 = tpu.memref_slice %arg6[%mul3A_171, %dma_wait3A_182] : memref<10240x64xf32, #tpu.memory_space<hbm>> -> memref<640x64xf32, #tpu.memory_space<hbm>>
    tpu.wait_dma2 semaphore(%arg23 : memref<!tpu.dma_semaphore, #tpu.memory_space<semaphore_mem>>) src(%dma_wait3A_183 : memref<640x64xf32, #tpu.memory_space<hbm>>) dst(%dma_wait3A_181 : memref<640x64xf32, #tpu.memory_space<vmem_shared>>)
    %barrier3A_184 = arith.constant 0 : index
    tpu.barrier barrier_id(%barrier3A_184)
    %dma_start3A_185 = arith.constant 0 : i32
    %dma_start3A_186 = arith.constant 0 : i32
    %dma_start3A_187 = tpu.memref_slice %arg14[%dma_start3A_185, %dma_start3A_186] : memref<20x256xi32, #tpu.memory_space<vmem>> -> memref<1x256xi32, #tpu.memory_space<vmem>>
    %dma_start3A_188 = tpu.memref_squeeze %dma_start3A_187 : memref<1x256xi32, #tpu.memory_space<vmem>> -> memref<256xi32, #tpu.memory_space<vmem>>
    %dma_start3A_189 = arith.constant 0 : i32
    %dma_start3A_190 = arith.constant 0 : i32
    %dma_start3A_191 = tpu.memref_slice %arg26[%dma_start3A_189, %dma_start3A_190] : memref<10240x64xf32, #tpu.memory_space<vmem_shared>> -> memref<10240x64xf32, #tpu.memory_space<vmem_shared>>
    tpu.enqueue_indirect_dma source(%dma_start3A_191 : memref<10240x64xf32, #tpu.memory_space<vmem_shared>>) target(%arg16 : memref<256x64xf32, #tpu.memory_space<vmem>>) offsets(%dma_start3A_188 : memref<256xi32, #tpu.memory_space<vmem>>) semaphore(%arg18 : memref<!tpu.dma_semaphore, #tpu.memory_space<semaphore_mem>>)
    %dma_start3A_192 = arith.constant 1 : i32
    %dma_start3A_193 = arith.constant 0 : i32
    %dma_start3A_194 = tpu.memref_slice %arg14[%dma_start3A_192, %dma_start3A_193] : memref<20x256xi32, #tpu.memory_space<vmem>> -> memref<1x256xi32, #tpu.memory_space<vmem>>
    %dma_start3A_195 = tpu.memref_squeeze %dma_start3A_194 : memref<1x256xi32, #tpu.memory_space<vmem>> -> memref<256xi32, #tpu.memory_space<vmem>>
    %dma_start3A_196 = arith.constant 0 : i32
    %dma_start3A_197 = arith.constant 0 : i32
    %dma_start3A_198 = tpu.memref_slice %arg26[%dma_start3A_196, %dma_start3A_197] : memref<10240x64xf32, #tpu.memory_space<vmem_shared>> -> memref<10240x64xf32, #tpu.memory_space<vmem_shared>>
    tpu.enqueue_indirect_dma source(%dma_start3A_198 : memref<10240x64xf32, #tpu.memory_space<vmem_shared>>) target(%arg17 : memref<256x64xf32, #tpu.memory_space<vmem>>) offsets(%dma_start3A_195 : memref<256xi32, #tpu.memory_space<vmem>>) semaphore(%arg19 : memref<!tpu.dma_semaphore, #tpu.memory_space<semaphore_mem>>)
    %scan3A_199 = arith.constant 0 : i32
    %scan3A_200 = arith.constant 0 : i32
    %scan3A_201 = arith.constant 9 : i32
    %scan3A_202 = arith.addi %scan3A_200, %scan3A_201 : i32
    %scan3A_203 = arith.constant 1 : i32
    %scan3A_204 = scf.for %scan3A_612 = %scan3A_200 to %scan3A_202 step %scan3A_203 iter_args(%scan3A_613 = %scan3A_199) -> (i32)  : i32 {
      %mul3A_614 = arith.constant 2 : i32
      %mul3A_615 = arith.muli %mul3A_614, %scan3A_612 : i32
      %dma_wait3A_616 = arith.constant 0 : i32
      %dma_wait3A_617 = tpu.memref_slice %arg14[%mul3A_615, %dma_wait3A_616] : memref<20x256xi32, #tpu.memory_space<vmem>> -> memref<1x256xi32, #tpu.memory_space<vmem>>
      %dma_wait3A_618 = tpu.memref_squeeze %dma_wait3A_617 : memref<1x256xi32, #tpu.memory_space<vmem>> -> memref<256xi32, #tpu.memory_space<vmem>>
      %dma_wait3A_619 = arith.constant 0 : i32
      %dma_wait3A_620 = arith.constant 0 : i32
      %dma_wait3A_621 = tpu.memref_slice %arg26[%dma_wait3A_619, %dma_wait3A_620] : memref<10240x64xf32, #tpu.memory_space<vmem_shared>> -> memref<10240x64xf32, #tpu.memory_space<vmem_shared>>
      tpu.wait_indirect_dma semaphore(%arg18 : memref<!tpu.dma_semaphore, #tpu.memory_space<semaphore_mem>>) src(%dma_wait3A_621 : memref<10240x64xf32, #tpu.memory_space<vmem_shared>>) dst(%arg16 : memref<256x64xf32, #tpu.memory_space<vmem>>)
      %dma_start3A_622 = arith.constant 0 : i32
      %dma_start3A_623 = tpu.memref_slice %arg15[%mul3A_615, %dma_start3A_622] : memref<20x256xi32, #tpu.memory_space<vmem>> -> memref<1x256xi32, #tpu.memory_space<vmem>>
      %dma_start3A_624 = tpu.memref_squeeze %dma_start3A_623 : memref<1x256xi32, #tpu.memory_space<vmem>> -> memref<256xi32, #tpu.memory_space<vmem>>
      %dma_start3A_625 = arith.constant 0 : i32
      %dma_start3A_626 = arith.constant 0 : i32
      %dma_start3A_627 = tpu.memref_slice %arg25[%dma_start3A_625, %dma_start3A_626] : memref<10256x64xf32, #tpu.memory_space<vmem_shared>> -> memref<10256x64xf32, #tpu.memory_space<vmem_shared>>
      tpu.enqueue_indirect_dma source(%arg16 : memref<256x64xf32, #tpu.memory_space<vmem>>) target(%dma_start3A_627 : memref<10256x64xf32, #tpu.memory_space<vmem_shared>>) offsets(%dma_start3A_624 : memref<256xi32, #tpu.memory_space<vmem>>) semaphore(%arg20 : memref<!tpu.dma_semaphore, #tpu.memory_space<semaphore_mem>>) {add = true}
      %add3A_628 = arith.constant 1 : i32
      %add3A_629 = arith.addi %mul3A_615, %add3A_628 : i32
      %dma_wait3A_630 = arith.constant 0 : i32
      %dma_wait3A_631 = tpu.memref_slice %arg14[%add3A_629, %dma_wait3A_630] : memref<20x256xi32, #tpu.memory_space<vmem>> -> memref<1x256xi32, #tpu.memory_space<vmem>>
      %dma_wait3A_632 = tpu.memref_squeeze %dma_wait3A_631 : memref<1x256xi32, #tpu.memory_space<vmem>> -> memref<256xi32, #tpu.memory_space<vmem>>
      %dma_wait3A_633 = arith.constant 0 : i32
      %dma_wait3A_634 = arith.constant 0 : i32
      %dma_wait3A_635 = tpu.memref_slice %arg26[%dma_wait3A_633, %dma_wait3A_634] : memref<10240x64xf32, #tpu.memory_space<vmem_shared>> -> memref<10240x64xf32, #tpu.memory_space<vmem_shared>>
      tpu.wait_indirect_dma semaphore(%arg19 : memref<!tpu.dma_semaphore, #tpu.memory_space<semaphore_mem>>) src(%dma_wait3A_635 : memref<10240x64xf32, #tpu.memory_space<vmem_shared>>) dst(%arg17 : memref<256x64xf32, #tpu.memory_space<vmem>>)
      %add3A_636 = arith.constant 1 : i32
      %add3A_637 = arith.addi %mul3A_615, %add3A_636 : i32
      %dma_start3A_638 = arith.constant 0 : i32
      %dma_start3A_639 = tpu.memref_slice %arg15[%add3A_637, %dma_start3A_638] : memref<20x256xi32, #tpu.memory_space<vmem>> -> memref<1x256xi32, #tpu.memory_space<vmem>>
      %dma_start3A_640 = tpu.memref_squeeze %dma_start3A_639 : memref<1x256xi32, #tpu.memory_space<vmem>> -> memref<256xi32, #tpu.memory_space<vmem>>
      %dma_start3A_641 = arith.constant 0 : i32
      %dma_start3A_642 = arith.constant 0 : i32
      %dma_start3A_643 = tpu.memref_slice %arg25[%dma_start3A_641, %dma_start3A_642] : memref<10256x64xf32, #tpu.memory_space<vmem_shared>> -> memref<10256x64xf32, #tpu.memory_space<vmem_shared>>
      tpu.enqueue_indirect_dma source(%arg17 : memref<256x64xf32, #tpu.memory_space<vmem>>) target(%dma_start3A_643 : memref<10256x64xf32, #tpu.memory_space<vmem_shared>>) offsets(%dma_start3A_640 : memref<256xi32, #tpu.memory_space<vmem>>) semaphore(%arg21 : memref<!tpu.dma_semaphore, #tpu.memory_space<semaphore_mem>>) {add = true}
      %dma_wait3A_644 = arith.constant 0 : i32
      %dma_wait3A_645 = tpu.memref_slice %arg15[%mul3A_615, %dma_wait3A_644] : memref<20x256xi32, #tpu.memory_space<vmem>> -> memref<1x256xi32, #tpu.memory_space<vmem>>
      %dma_wait3A_646 = tpu.memref_squeeze %dma_wait3A_645 : memref<1x256xi32, #tpu.memory_space<vmem>> -> memref<256xi32, #tpu.memory_space<vmem>>
      %dma_wait3A_647 = arith.constant 0 : i32
      %dma_wait3A_648 = arith.constant 0 : i32
      %dma_wait3A_649 = tpu.memref_slice %arg25[%dma_wait3A_647, %dma_wait3A_648] : memref<10256x64xf32, #tpu.memory_space<vmem_shared>> -> memref<10256x64xf32, #tpu.memory_space<vmem_shared>>
      tpu.wait_indirect_dma semaphore(%arg20 : memref<!tpu.dma_semaphore, #tpu.memory_space<semaphore_mem>>) src(%arg16 : memref<256x64xf32, #tpu.memory_space<vmem>>) dst(%dma_wait3A_649 : memref<10256x64xf32, #tpu.memory_space<vmem_shared>>)
      %add3A_650 = arith.constant 2 : i32
      %add3A_651 = arith.addi %mul3A_615, %add3A_650 : i32
      %dma_start3A_652 = arith.constant 0 : i32
      %dma_start3A_653 = tpu.memref_slice %arg14[%add3A_651, %dma_start3A_652] : memref<20x256xi32, #tpu.memory_space<vmem>> -> memref<1x256xi32, #tpu.memory_space<vmem>>
      %dma_start3A_654 = tpu.memref_squeeze %dma_start3A_653 : memref<1x256xi32, #tpu.memory_space<vmem>> -> memref<256xi32, #tpu.memory_space<vmem>>
      %dma_start3A_655 = arith.constant 0 : i32
      %dma_start3A_656 = arith.constant 0 : i32
      %dma_start3A_657 = tpu.memref_slice %arg26[%dma_start3A_655, %dma_start3A_656] : memref<10240x64xf32, #tpu.memory_space<vmem_shared>> -> memref<10240x64xf32, #tpu.memory_space<vmem_shared>>
      tpu.enqueue_indirect_dma source(%dma_start3A_657 : memref<10240x64xf32, #tpu.memory_space<vmem_shared>>) target(%arg16 : memref<256x64xf32, #tpu.memory_space<vmem>>) offsets(%dma_start3A_654 : memref<256xi32, #tpu.memory_space<vmem>>) semaphore(%arg18 : memref<!tpu.dma_semaphore, #tpu.memory_space<semaphore_mem>>)
      %add3A_658 = arith.constant 1 : i32
      %add3A_659 = arith.addi %mul3A_615, %add3A_658 : i32
      %dma_wait3A_660 = arith.constant 0 : i32
      %dma_wait3A_661 = tpu.memref_slice %arg15[%add3A_659, %dma_wait3A_660] : memref<20x256xi32, #tpu.memory_space<vmem>> -> memref<1x256xi32, #tpu.memory_space<vmem>>
      %dma_wait3A_662 = tpu.memref_squeeze %dma_wait3A_661 : memref<1x256xi32, #tpu.memory_space<vmem>> -> memref<256xi32, #tpu.memory_space<vmem>>
      %dma_wait3A_663 = arith.constant 0 : i32
      %dma_wait3A_664 = arith.constant 0 : i32
      %dma_wait3A_665 = tpu.memref_slice %arg25[%dma_wait3A_663, %dma_wait3A_664] : memref<10256x64xf32, #tpu.memory_space<vmem_shared>> -> memref<10256x64xf32, #tpu.memory_space<vmem_shared>>
      tpu.wait_indirect_dma semaphore(%arg21 : memref<!tpu.dma_semaphore, #tpu.memory_space<semaphore_mem>>) src(%arg17 : memref<256x64xf32, #tpu.memory_space<vmem>>) dst(%dma_wait3A_665 : memref<10256x64xf32, #tpu.memory_space<vmem_shared>>)
      %add3A_666 = arith.constant 3 : i32
      %add3A_667 = arith.addi %mul3A_615, %add3A_666 : i32
      %dma_start3A_668 = arith.constant 0 : i32
      %dma_start3A_669 = tpu.memref_slice %arg14[%add3A_667, %dma_start3A_668] : memref<20x256xi32, #tpu.memory_space<vmem>> -> memref<1x256xi32, #tpu.memory_space<vmem>>
      %dma_start3A_670 = tpu.memref_squeeze %dma_start3A_669 : memref<1x256xi32, #tpu.memory_space<vmem>> -> memref<256xi32, #tpu.memory_space<vmem>>
      %dma_start3A_671 = arith.constant 0 : i32
      %dma_start3A_672 = arith.constant 0 : i32
      %dma_start3A_673 = tpu.memref_slice %arg26[%dma_start3A_671, %dma_start3A_672] : memref<10240x64xf32, #tpu.memory_space<vmem_shared>> -> memref<10240x64xf32, #tpu.memory_space<vmem_shared>>
      tpu.enqueue_indirect_dma source(%dma_start3A_673 : memref<10240x64xf32, #tpu.memory_space<vmem_shared>>) target(%arg17 : memref<256x64xf32, #tpu.memory_space<vmem>>) offsets(%dma_start3A_670 : memref<256xi32, #tpu.memory_space<vmem>>) semaphore(%arg19 : memref<!tpu.dma_semaphore, #tpu.memory_space<semaphore_mem>>)
      %scan3A_674 = arith.constant 0 : i32
      scf.yield %scan3A_674 : i32
    }
    %scan3A_205 = arith.constant 9 : i32
    %dma_wait3A_206 = arith.constant 18 : i32
    %dma_wait3A_207 = arith.constant 0 : i32
    %dma_wait3A_208 = tpu.memref_slice %arg14[%dma_wait3A_206, %dma_wait3A_207] : memref<20x256xi32, #tpu.memory_space<vmem>> -> memref<1x256xi32, #tpu.memory_space<vmem>>
    %dma_wait3A_209 = tpu.memref_squeeze %dma_wait3A_208 : memref<1x256xi32, #tpu.memory_space<vmem>> -> memref<256xi32, #tpu.memory_space<vmem>>
    %dma_wait3A_210 = arith.constant 0 : i32
    %dma_wait3A_211 = arith.constant 0 : i32
    %dma_wait3A_212 = tpu.memref_slice %arg26[%dma_wait3A_210, %dma_wait3A_211] : memref<10240x64xf32, #tpu.memory_space<vmem_shared>> -> memref<10240x64xf32, #tpu.memory_space<vmem_shared>>
    tpu.wait_indirect_dma semaphore(%arg18 : memref<!tpu.dma_semaphore, #tpu.memory_space<semaphore_mem>>) src(%dma_wait3A_212 : memref<10240x64xf32, #tpu.memory_space<vmem_shared>>) dst(%arg16 : memref<256x64xf32, #tpu.memory_space<vmem>>)
    %run_scoped3A_213 = arith.constant 18 : i32
    "tpu.region"() ({
      %run_scoped3A_612 = tpu.sem_alloc : memref<!tpu.dma_semaphore, #tpu.memory_space<semaphore_mem>>
      %dma_start3A_613 = arith.constant 0 : i32
      %dma_start3A_614 = tpu.memref_slice %arg15[%run_scoped3A_213, %dma_start3A_613] : memref<20x256xi32, #tpu.memory_space<vmem>> -> memref<1x256xi32, #tpu.memory_space<vmem>>
      %dma_start3A_615 = tpu.memref_squeeze %dma_start3A_614 : memref<1x256xi32, #tpu.memory_space<vmem>> -> memref<256xi32, #tpu.memory_space<vmem>>
      %dma_start3A_616 = arith.constant 0 : i32
      %dma_start3A_617 = arith.constant 0 : i32
      %dma_start3A_618 = tpu.memref_slice %arg25[%dma_start3A_616, %dma_start3A_617] : memref<10256x64xf32, #tpu.memory_space<vmem_shared>> -> memref<10256x64xf32, #tpu.memory_space<vmem_shared>>
      tpu.enqueue_indirect_dma source(%arg16 : memref<256x64xf32, #tpu.memory_space<vmem>>) target(%dma_start3A_618 : memref<10256x64xf32, #tpu.memory_space<vmem_shared>>) offsets(%dma_start3A_615 : memref<256xi32, #tpu.memory_space<vmem>>) semaphore(%run_scoped3A_612 : memref<!tpu.dma_semaphore, #tpu.memory_space<semaphore_mem>>) {add = true}
      %dma_wait3A_619 = arith.constant 0 : i32
      %dma_wait3A_620 = tpu.memref_slice %arg15[%run_scoped3A_213, %dma_wait3A_619] : memref<20x256xi32, #tpu.memory_space<vmem>> -> memref<1x256xi32, #tpu.memory_space<vmem>>
      %dma_wait3A_621 = tpu.memref_squeeze %dma_wait3A_620 : memref<1x256xi32, #tpu.memory_space<vmem>> -> memref<256xi32, #tpu.memory_space<vmem>>
      %dma_wait3A_622 = arith.constant 0 : i32
      %dma_wait3A_623 = arith.constant 0 : i32
      %dma_wait3A_624 = tpu.memref_slice %arg25[%dma_wait3A_622, %dma_wait3A_623] : memref<10256x64xf32, #tpu.memory_space<vmem_shared>> -> memref<10256x64xf32, #tpu.memory_space<vmem_shared>>
      tpu.wait_indirect_dma semaphore(%run_scoped3A_612 : memref<!tpu.dma_semaphore, #tpu.memory_space<semaphore_mem>>) src(%arg16 : memref<256x64xf32, #tpu.memory_space<vmem>>) dst(%dma_wait3A_624 : memref<10256x64xf32, #tpu.memory_space<vmem_shared>>)
      tpu.yield
    }) : () -> ()
    %dma_wait3A_214 = arith.constant 19 : i32
    %dma_wait3A_215 = arith.constant 0 : i32
    %dma_wait3A_216 = tpu.memref_slice %arg14[%dma_wait3A_214, %dma_wait3A_215] : memref<20x256xi32, #tpu.memory_space<vmem>> -> memref<1x256xi32, #tpu.memory_space<vmem>>
    %dma_wait3A_217 = tpu.memref_squeeze %dma_wait3A_216 : memref<1x256xi32, #tpu.memory_space<vmem>> -> memref<256xi32, #tpu.memory_space<vmem>>
    %dma_wait3A_218 = arith.constant 0 : i32
    %dma_wait3A_219 = arith.constant 0 : i32
    %dma_wait3A_220 = tpu.memref_slice %arg26[%dma_wait3A_218, %dma_wait3A_219] : memref<10240x64xf32, #tpu.memory_space<vmem_shared>> -> memref<10240x64xf32, #tpu.memory_space<vmem_shared>>
    tpu.wait_indirect_dma semaphore(%arg19 : memref<!tpu.dma_semaphore, #tpu.memory_space<semaphore_mem>>) src(%dma_wait3A_220 : memref<10240x64xf32, #tpu.memory_space<vmem_shared>>) dst(%arg17 : memref<256x64xf32, #tpu.memory_space<vmem>>)
    %run_scoped3A_221 = arith.constant 19 : i32
    "tpu.region"() ({
      %run_scoped3A_612 = tpu.sem_alloc : memref<!tpu.dma_semaphore, #tpu.memory_space<semaphore_mem>>
      %dma_start3A_613 = arith.constant 0 : i32
      %dma_start3A_614 = tpu.memref_slice %arg15[%run_scoped3A_221, %dma_start3A_613] : memref<20x256xi32, #tpu.memory_space<vmem>> -> memref<1x256xi32, #tpu.memory_space<vmem>>
      %dma_start3A_615 = tpu.memref_squeeze %dma_start3A_614 : memref<1x256xi32, #tpu.memory_space<vmem>> -> memref<256xi32, #tpu.memory_space<vmem>>
      %dma_start3A_616 = arith.constant 0 : i32
      %dma_start3A_617 = arith.constant 0 : i32
      %dma_start3A_618 = tpu.memref_slice %arg25[%dma_start3A_616, %dma_start3A_617] : memref<10256x64xf32, #tpu.memory_space<vmem_shared>> -> memref<10256x64xf32, #tpu.memory_space<vmem_shared>>
      tpu.enqueue_indirect_dma source(%arg17 : memref<256x64xf32, #tpu.memory_space<vmem>>) target(%dma_start3A_618 : memref<10256x64xf32, #tpu.memory_space<vmem_shared>>) offsets(%dma_start3A_615 : memref<256xi32, #tpu.memory_space<vmem>>) semaphore(%run_scoped3A_612 : memref<!tpu.dma_semaphore, #tpu.memory_space<semaphore_mem>>) {add = true}
      %dma_wait3A_619 = arith.constant 0 : i32
      %dma_wait3A_620 = tpu.memref_slice %arg15[%run_scoped3A_221, %dma_wait3A_619] : memref<20x256xi32, #tpu.memory_space<vmem>> -> memref<1x256xi32, #tpu.memory_space<vmem>>
      %dma_wait3A_621 = tpu.memref_squeeze %dma_wait3A_620 : memref<1x256xi32, #tpu.memory_space<vmem>> -> memref<256xi32, #tpu.memory_space<vmem>>
      %dma_wait3A_622 = arith.constant 0 : i32
      %dma_wait3A_623 = arith.constant 0 : i32
      %dma_wait3A_624 = tpu.memref_slice %arg25[%dma_wait3A_622, %dma_wait3A_623] : memref<10256x64xf32, #tpu.memory_space<vmem_shared>> -> memref<10256x64xf32, #tpu.memory_space<vmem_shared>>
      tpu.wait_indirect_dma semaphore(%run_scoped3A_612 : memref<!tpu.dma_semaphore, #tpu.memory_space<semaphore_mem>>) src(%arg17 : memref<256x64xf32, #tpu.memory_space<vmem>>) dst(%dma_wait3A_624 : memref<10256x64xf32, #tpu.memory_space<vmem_shared>>)
      tpu.yield
    }) : () -> ()
    %barrier3A_222 = arith.constant 0 : index
    tpu.barrier barrier_id(%barrier3A_222)
    %mul3A_223 = arith.constant 640 : i32
    %mul3A_224 = arith.muli %arg1, %mul3A_223 : i32
    %mul3A_225 = arith.constant 640 : i32
    %mul3A_226 = arith.muli %arg1, %mul3A_225 : i32
    %add3A_227 = arith.addi %mul3A_165, %mul3A_226 : i32
    %dma_start3A_228 = arith.constant 0 : i32
    %dma_start3A_229 = tpu.memref_slice %arg13[%add3A_227, %dma_start3A_228] : memref<163840x64xf32, #tpu.memory_space<hbm>> -> memref<640x64xf32, #tpu.memory_space<hbm>>
    %dma_start3A_230 = arith.constant 0 : i32
    %dma_start3A_231 = tpu.memref_slice %arg25[%mul3A_224, %dma_start3A_230] : memref<10256x64xf32, #tpu.memory_space<vmem_shared>> -> memref<640x64xf32, #tpu.memory_space<vmem_shared>>
    tpu.enqueue_dma source(%dma_start3A_231 : memref<640x64xf32, #tpu.memory_space<vmem_shared>>) target(%dma_start3A_229 : memref<640x64xf32, #tpu.memory_space<hbm>>) target_semaphore(%arg22 : memref<!tpu.dma_semaphore, #tpu.memory_space<semaphore_mem>>)
    %dma_wait3A_232 = arith.constant 0 : i32
    %dma_wait3A_233 = tpu.memref_slice %arg13[%add3A_227, %dma_wait3A_232] : memref<163840x64xf32, #tpu.memory_space<hbm>> -> memref<640x64xf32, #tpu.memory_space<hbm>>
    %dma_wait3A_234 = arith.constant 0 : i32
    %dma_wait3A_235 = tpu.memref_slice %arg25[%mul3A_224, %dma_wait3A_234] : memref<10256x64xf32, #tpu.memory_space<vmem_shared>> -> memref<640x64xf32, #tpu.memory_space<vmem_shared>>
    tpu.wait_dma2 semaphore(%arg22 : memref<!tpu.dma_semaphore, #tpu.memory_space<semaphore_mem>>) src(%dma_wait3A_235 : memref<640x64xf32, #tpu.memory_space<vmem_shared>>) dst(%dma_wait3A_233 : memref<640x64xf32, #tpu.memory_space<hbm>>)
    %barrier3A_236 = arith.constant 0 : index
    tpu.barrier barrier_id(%barrier3A_236)
    %add3A_237 = arith.constant 6 : i32
    %add3A_238 = arith.addi %add3A_237, %arg0 : i32
    %mul3A_239 = arith.constant 10240 : i32
    %mul3A_240 = arith.muli %add3A_238, %mul3A_239 : i32
    %mul3A_241 = arith.constant 640 : i32
    %mul3A_242 = arith.muli %arg1, %mul3A_241 : i32
    %dma_start3A_243 = arith.constant 0 : i32
    %dma_start3A_244 = tpu.memref_slice %arg25[%mul3A_242, %dma_start3A_243] : memref<10256x64xf32, #tpu.memory_space<vmem_shared>> -> memref<640x64xf32, #tpu.memory_space<vmem_shared>>
    tpu.enqueue_dma source(%arg12 : memref<640x64xf32, #tpu.memory_space<hbm>>) target(%dma_start3A_244 : memref<640x64xf32, #tpu.memory_space<vmem_shared>>) target_semaphore(%arg22 : memref<!tpu.dma_semaphore, #tpu.memory_space<semaphore_mem>>)
    %mul3A_245 = arith.constant 640 : i32
    %mul3A_246 = arith.muli %arg1, %mul3A_245 : i32
    %mul3A_247 = arith.constant 640 : i32
    %mul3A_248 = arith.muli %arg1, %mul3A_247 : i32
    %dma_start3A_249 = arith.constant 0 : i32
    %dma_start3A_250 = tpu.memref_slice %arg26[%mul3A_248, %dma_start3A_249] : memref<10240x64xf32, #tpu.memory_space<vmem_shared>> -> memref<640x64xf32, #tpu.memory_space<vmem_shared>>
    %dma_start3A_251 = arith.constant 0 : i32
    %dma_start3A_252 = tpu.memref_slice %arg7[%mul3A_246, %dma_start3A_251] : memref<10240x64xf32, #tpu.memory_space<hbm>> -> memref<640x64xf32, #tpu.memory_space<hbm>>
    tpu.enqueue_dma source(%dma_start3A_252 : memref<640x64xf32, #tpu.memory_space<hbm>>) target(%dma_start3A_250 : memref<640x64xf32, #tpu.memory_space<vmem_shared>>) target_semaphore(%arg23 : memref<!tpu.dma_semaphore, #tpu.memory_space<semaphore_mem>>)
    %dma_wait3A_253 = arith.constant 0 : i32
    %dma_wait3A_254 = tpu.memref_slice %arg25[%mul3A_242, %dma_wait3A_253] : memref<10256x64xf32, #tpu.memory_space<vmem_shared>> -> memref<640x64xf32, #tpu.memory_space<vmem_shared>>
    tpu.wait_dma2 semaphore(%arg22 : memref<!tpu.dma_semaphore, #tpu.memory_space<semaphore_mem>>) src(%arg12 : memref<640x64xf32, #tpu.memory_space<hbm>>) dst(%dma_wait3A_254 : memref<640x64xf32, #tpu.memory_space<vmem_shared>>)
    %dma_wait3A_255 = arith.constant 0 : i32
    %dma_wait3A_256 = tpu.memref_slice %arg26[%mul3A_248, %dma_wait3A_255] : memref<10240x64xf32, #tpu.memory_space<vmem_shared>> -> memref<640x64xf32, #tpu.memory_space<vmem_shared>>
    %dma_wait3A_257 = arith.constant 0 : i32
    %dma_wait3A_258 = tpu.memref_slice %arg7[%mul3A_246, %dma_wait3A_257] : memref<10240x64xf32, #tpu.memory_space<hbm>> -> memref<640x64xf32, #tpu.memory_space<hbm>>
    tpu.wait_dma2 semaphore(%arg23 : memref<!tpu.dma_semaphore, #tpu.memory_space<semaphore_mem>>) src(%dma_wait3A_258 : memref<640x64xf32, #tpu.memory_space<hbm>>) dst(%dma_wait3A_256 : memref<640x64xf32, #tpu.memory_space<vmem_shared>>)
    %barrier3A_259 = arith.constant 0 : index
    tpu.barrier barrier_id(%barrier3A_259)
    %dma_start3A_260 = arith.constant 0 : i32
    %dma_start3A_261 = arith.constant 0 : i32
    %dma_start3A_262 = tpu.memref_slice %arg14[%dma_start3A_260, %dma_start3A_261] : memref<20x256xi32, #tpu.memory_space<vmem>> -> memref<1x256xi32, #tpu.memory_space<vmem>>
    %dma_start3A_263 = tpu.memref_squeeze %dma_start3A_262 : memref<1x256xi32, #tpu.memory_space<vmem>> -> memref<256xi32, #tpu.memory_space<vmem>>
    %dma_start3A_264 = arith.constant 0 : i32
    %dma_start3A_265 = arith.constant 0 : i32
    %dma_start3A_266 = tpu.memref_slice %arg26[%dma_start3A_264, %dma_start3A_265] : memref<10240x64xf32, #tpu.memory_space<vmem_shared>> -> memref<10240x64xf32, #tpu.memory_space<vmem_shared>>
    tpu.enqueue_indirect_dma source(%dma_start3A_266 : memref<10240x64xf32, #tpu.memory_space<vmem_shared>>) target(%arg16 : memref<256x64xf32, #tpu.memory_space<vmem>>) offsets(%dma_start3A_263 : memref<256xi32, #tpu.memory_space<vmem>>) semaphore(%arg18 : memref<!tpu.dma_semaphore, #tpu.memory_space<semaphore_mem>>)
    %dma_start3A_267 = arith.constant 1 : i32
    %dma_start3A_268 = arith.constant 0 : i32
    %dma_start3A_269 = tpu.memref_slice %arg14[%dma_start3A_267, %dma_start3A_268] : memref<20x256xi32, #tpu.memory_space<vmem>> -> memref<1x256xi32, #tpu.memory_space<vmem>>
    %dma_start3A_270 = tpu.memref_squeeze %dma_start3A_269 : memref<1x256xi32, #tpu.memory_space<vmem>> -> memref<256xi32, #tpu.memory_space<vmem>>
    %dma_start3A_271 = arith.constant 0 : i32
    %dma_start3A_272 = arith.constant 0 : i32
    %dma_start3A_273 = tpu.memref_slice %arg26[%dma_start3A_271, %dma_start3A_272] : memref<10240x64xf32, #tpu.memory_space<vmem_shared>> -> memref<10240x64xf32, #tpu.memory_space<vmem_shared>>
    tpu.enqueue_indirect_dma source(%dma_start3A_273 : memref<10240x64xf32, #tpu.memory_space<vmem_shared>>) target(%arg17 : memref<256x64xf32, #tpu.memory_space<vmem>>) offsets(%dma_start3A_270 : memref<256xi32, #tpu.memory_space<vmem>>) semaphore(%arg19 : memref<!tpu.dma_semaphore, #tpu.memory_space<semaphore_mem>>)
    %scan3A_274 = arith.constant 0 : i32
    %scan3A_275 = arith.constant 0 : i32
    %scan3A_276 = arith.constant 9 : i32
    %scan3A_277 = arith.addi %scan3A_275, %scan3A_276 : i32
    %scan3A_278 = arith.constant 1 : i32
    %scan3A_279 = scf.for %scan3A_612 = %scan3A_275 to %scan3A_277 step %scan3A_278 iter_args(%scan3A_613 = %scan3A_274) -> (i32)  : i32 {
      %mul3A_614 = arith.constant 2 : i32
      %mul3A_615 = arith.muli %mul3A_614, %scan3A_612 : i32
      %dma_wait3A_616 = arith.constant 0 : i32
      %dma_wait3A_617 = tpu.memref_slice %arg14[%mul3A_615, %dma_wait3A_616] : memref<20x256xi32, #tpu.memory_space<vmem>> -> memref<1x256xi32, #tpu.memory_space<vmem>>
      %dma_wait3A_618 = tpu.memref_squeeze %dma_wait3A_617 : memref<1x256xi32, #tpu.memory_space<vmem>> -> memref<256xi32, #tpu.memory_space<vmem>>
      %dma_wait3A_619 = arith.constant 0 : i32
      %dma_wait3A_620 = arith.constant 0 : i32
      %dma_wait3A_621 = tpu.memref_slice %arg26[%dma_wait3A_619, %dma_wait3A_620] : memref<10240x64xf32, #tpu.memory_space<vmem_shared>> -> memref<10240x64xf32, #tpu.memory_space<vmem_shared>>
      tpu.wait_indirect_dma semaphore(%arg18 : memref<!tpu.dma_semaphore, #tpu.memory_space<semaphore_mem>>) src(%dma_wait3A_621 : memref<10240x64xf32, #tpu.memory_space<vmem_shared>>) dst(%arg16 : memref<256x64xf32, #tpu.memory_space<vmem>>)
      %dma_start3A_622 = arith.constant 0 : i32
      %dma_start3A_623 = tpu.memref_slice %arg15[%mul3A_615, %dma_start3A_622] : memref<20x256xi32, #tpu.memory_space<vmem>> -> memref<1x256xi32, #tpu.memory_space<vmem>>
      %dma_start3A_624 = tpu.memref_squeeze %dma_start3A_623 : memref<1x256xi32, #tpu.memory_space<vmem>> -> memref<256xi32, #tpu.memory_space<vmem>>
      %dma_start3A_625 = arith.constant 0 : i32
      %dma_start3A_626 = arith.constant 0 : i32
      %dma_start3A_627 = tpu.memref_slice %arg25[%dma_start3A_625, %dma_start3A_626] : memref<10256x64xf32, #tpu.memory_space<vmem_shared>> -> memref<10256x64xf32, #tpu.memory_space<vmem_shared>>
      tpu.enqueue_indirect_dma source(%arg16 : memref<256x64xf32, #tpu.memory_space<vmem>>) target(%dma_start3A_627 : memref<10256x64xf32, #tpu.memory_space<vmem_shared>>) offsets(%dma_start3A_624 : memref<256xi32, #tpu.memory_space<vmem>>) semaphore(%arg20 : memref<!tpu.dma_semaphore, #tpu.memory_space<semaphore_mem>>) {add = true}
      %add3A_628 = arith.constant 1 : i32
      %add3A_629 = arith.addi %mul3A_615, %add3A_628 : i32
      %dma_wait3A_630 = arith.constant 0 : i32
      %dma_wait3A_631 = tpu.memref_slice %arg14[%add3A_629, %dma_wait3A_630] : memref<20x256xi32, #tpu.memory_space<vmem>> -> memref<1x256xi32, #tpu.memory_space<vmem>>
      %dma_wait3A_632 = tpu.memref_squeeze %dma_wait3A_631 : memref<1x256xi32, #tpu.memory_space<vmem>> -> memref<256xi32, #tpu.memory_space<vmem>>
      %dma_wait3A_633 = arith.constant 0 : i32
      %dma_wait3A_634 = arith.constant 0 : i32
      %dma_wait3A_635 = tpu.memref_slice %arg26[%dma_wait3A_633, %dma_wait3A_634] : memref<10240x64xf32, #tpu.memory_space<vmem_shared>> -> memref<10240x64xf32, #tpu.memory_space<vmem_shared>>
      tpu.wait_indirect_dma semaphore(%arg19 : memref<!tpu.dma_semaphore, #tpu.memory_space<semaphore_mem>>) src(%dma_wait3A_635 : memref<10240x64xf32, #tpu.memory_space<vmem_shared>>) dst(%arg17 : memref<256x64xf32, #tpu.memory_space<vmem>>)
      %add3A_636 = arith.constant 1 : i32
      %add3A_637 = arith.addi %mul3A_615, %add3A_636 : i32
      %dma_start3A_638 = arith.constant 0 : i32
      %dma_start3A_639 = tpu.memref_slice %arg15[%add3A_637, %dma_start3A_638] : memref<20x256xi32, #tpu.memory_space<vmem>> -> memref<1x256xi32, #tpu.memory_space<vmem>>
      %dma_start3A_640 = tpu.memref_squeeze %dma_start3A_639 : memref<1x256xi32, #tpu.memory_space<vmem>> -> memref<256xi32, #tpu.memory_space<vmem>>
      %dma_start3A_641 = arith.constant 0 : i32
      %dma_start3A_642 = arith.constant 0 : i32
      %dma_start3A_643 = tpu.memref_slice %arg25[%dma_start3A_641, %dma_start3A_642] : memref<10256x64xf32, #tpu.memory_space<vmem_shared>> -> memref<10256x64xf32, #tpu.memory_space<vmem_shared>>
      tpu.enqueue_indirect_dma source(%arg17 : memref<256x64xf32, #tpu.memory_space<vmem>>) target(%dma_start3A_643 : memref<10256x64xf32, #tpu.memory_space<vmem_shared>>) offsets(%dma_start3A_640 : memref<256xi32, #tpu.memory_space<vmem>>) semaphore(%arg21 : memref<!tpu.dma_semaphore, #tpu.memory_space<semaphore_mem>>) {add = true}
      %dma_wait3A_644 = arith.constant 0 : i32
      %dma_wait3A_645 = tpu.memref_slice %arg15[%mul3A_615, %dma_wait3A_644] : memref<20x256xi32, #tpu.memory_space<vmem>> -> memref<1x256xi32, #tpu.memory_space<vmem>>
      %dma_wait3A_646 = tpu.memref_squeeze %dma_wait3A_645 : memref<1x256xi32, #tpu.memory_space<vmem>> -> memref<256xi32, #tpu.memory_space<vmem>>
      %dma_wait3A_647 = arith.constant 0 : i32
      %dma_wait3A_648 = arith.constant 0 : i32
      %dma_wait3A_649 = tpu.memref_slice %arg25[%dma_wait3A_647, %dma_wait3A_648] : memref<10256x64xf32, #tpu.memory_space<vmem_shared>> -> memref<10256x64xf32, #tpu.memory_space<vmem_shared>>
      tpu.wait_indirect_dma semaphore(%arg20 : memref<!tpu.dma_semaphore, #tpu.memory_space<semaphore_mem>>) src(%arg16 : memref<256x64xf32, #tpu.memory_space<vmem>>) dst(%dma_wait3A_649 : memref<10256x64xf32, #tpu.memory_space<vmem_shared>>)
      %add3A_650 = arith.constant 2 : i32
      %add3A_651 = arith.addi %mul3A_615, %add3A_650 : i32
      %dma_start3A_652 = arith.constant 0 : i32
      %dma_start3A_653 = tpu.memref_slice %arg14[%add3A_651, %dma_start3A_652] : memref<20x256xi32, #tpu.memory_space<vmem>> -> memref<1x256xi32, #tpu.memory_space<vmem>>
      %dma_start3A_654 = tpu.memref_squeeze %dma_start3A_653 : memref<1x256xi32, #tpu.memory_space<vmem>> -> memref<256xi32, #tpu.memory_space<vmem>>
      %dma_start3A_655 = arith.constant 0 : i32
      %dma_start3A_656 = arith.constant 0 : i32
      %dma_start3A_657 = tpu.memref_slice %arg26[%dma_start3A_655, %dma_start3A_656] : memref<10240x64xf32, #tpu.memory_space<vmem_shared>> -> memref<10240x64xf32, #tpu.memory_space<vmem_shared>>
      tpu.enqueue_indirect_dma source(%dma_start3A_657 : memref<10240x64xf32, #tpu.memory_space<vmem_shared>>) target(%arg16 : memref<256x64xf32, #tpu.memory_space<vmem>>) offsets(%dma_start3A_654 : memref<256xi32, #tpu.memory_space<vmem>>) semaphore(%arg18 : memref<!tpu.dma_semaphore, #tpu.memory_space<semaphore_mem>>)
      %add3A_658 = arith.constant 1 : i32
      %add3A_659 = arith.addi %mul3A_615, %add3A_658 : i32
      %dma_wait3A_660 = arith.constant 0 : i32
      %dma_wait3A_661 = tpu.memref_slice %arg15[%add3A_659, %dma_wait3A_660] : memref<20x256xi32, #tpu.memory_space<vmem>> -> memref<1x256xi32, #tpu.memory_space<vmem>>
      %dma_wait3A_662 = tpu.memref_squeeze %dma_wait3A_661 : memref<1x256xi32, #tpu.memory_space<vmem>> -> memref<256xi32, #tpu.memory_space<vmem>>
      %dma_wait3A_663 = arith.constant 0 : i32
      %dma_wait3A_664 = arith.constant 0 : i32
      %dma_wait3A_665 = tpu.memref_slice %arg25[%dma_wait3A_663, %dma_wait3A_664] : memref<10256x64xf32, #tpu.memory_space<vmem_shared>> -> memref<10256x64xf32, #tpu.memory_space<vmem_shared>>
      tpu.wait_indirect_dma semaphore(%arg21 : memref<!tpu.dma_semaphore, #tpu.memory_space<semaphore_mem>>) src(%arg17 : memref<256x64xf32, #tpu.memory_space<vmem>>) dst(%dma_wait3A_665 : memref<10256x64xf32, #tpu.memory_space<vmem_shared>>)
      %add3A_666 = arith.constant 3 : i32
      %add3A_667 = arith.addi %mul3A_615, %add3A_666 : i32
      %dma_start3A_668 = arith.constant 0 : i32
      %dma_start3A_669 = tpu.memref_slice %arg14[%add3A_667, %dma_start3A_668] : memref<20x256xi32, #tpu.memory_space<vmem>> -> memref<1x256xi32, #tpu.memory_space<vmem>>
      %dma_start3A_670 = tpu.memref_squeeze %dma_start3A_669 : memref<1x256xi32, #tpu.memory_space<vmem>> -> memref<256xi32, #tpu.memory_space<vmem>>
      %dma_start3A_671 = arith.constant 0 : i32
      %dma_start3A_672 = arith.constant 0 : i32
      %dma_start3A_673 = tpu.memref_slice %arg26[%dma_start3A_671, %dma_start3A_672] : memref<10240x64xf32, #tpu.memory_space<vmem_shared>> -> memref<10240x64xf32, #tpu.memory_space<vmem_shared>>
      tpu.enqueue_indirect_dma source(%dma_start3A_673 : memref<10240x64xf32, #tpu.memory_space<vmem_shared>>) target(%arg17 : memref<256x64xf32, #tpu.memory_space<vmem>>) offsets(%dma_start3A_670 : memref<256xi32, #tpu.memory_space<vmem>>) semaphore(%arg19 : memref<!tpu.dma_semaphore, #tpu.memory_space<semaphore_mem>>)
      %scan3A_674 = arith.constant 0 : i32
      scf.yield %scan3A_674 : i32
    }
    %scan3A_280 = arith.constant 9 : i32
    %dma_wait3A_281 = arith.constant 18 : i32
    %dma_wait3A_282 = arith.constant 0 : i32
    %dma_wait3A_283 = tpu.memref_slice %arg14[%dma_wait3A_281, %dma_wait3A_282] : memref<20x256xi32, #tpu.memory_space<vmem>> -> memref<1x256xi32, #tpu.memory_space<vmem>>
    %dma_wait3A_284 = tpu.memref_squeeze %dma_wait3A_283 : memref<1x256xi32, #tpu.memory_space<vmem>> -> memref<256xi32, #tpu.memory_space<vmem>>
    %dma_wait3A_285 = arith.constant 0 : i32
    %dma_wait3A_286 = arith.constant 0 : i32
    %dma_wait3A_287 = tpu.memref_slice %arg26[%dma_wait3A_285, %dma_wait3A_286] : memref<10240x64xf32, #tpu.memory_space<vmem_shared>> -> memref<10240x64xf32, #tpu.memory_space<vmem_shared>>
    tpu.wait_indirect_dma semaphore(%arg18 : memref<!tpu.dma_semaphore, #tpu.memory_space<semaphore_mem>>) src(%dma_wait3A_287 : memref<10240x64xf32, #tpu.memory_space<vmem_shared>>) dst(%arg16 : memref<256x64xf32, #tpu.memory_space<vmem>>)
    %run_scoped3A_288 = arith.constant 18 : i32
    "tpu.region"() ({
      %run_scoped3A_612 = tpu.sem_alloc : memref<!tpu.dma_semaphore, #tpu.memory_space<semaphore_mem>>
      %dma_start3A_613 = arith.constant 0 : i32
      %dma_start3A_614 = tpu.memref_slice %arg15[%run_scoped3A_288, %dma_start3A_613] : memref<20x256xi32, #tpu.memory_space<vmem>> -> memref<1x256xi32, #tpu.memory_space<vmem>>
      %dma_start3A_615 = tpu.memref_squeeze %dma_start3A_614 : memref<1x256xi32, #tpu.memory_space<vmem>> -> memref<256xi32, #tpu.memory_space<vmem>>
      %dma_start3A_616 = arith.constant 0 : i32
      %dma_start3A_617 = arith.constant 0 : i32
      %dma_start3A_618 = tpu.memref_slice %arg25[%dma_start3A_616, %dma_start3A_617] : memref<10256x64xf32, #tpu.memory_space<vmem_shared>> -> memref<10256x64xf32, #tpu.memory_space<vmem_shared>>
      tpu.enqueue_indirect_dma source(%arg16 : memref<256x64xf32, #tpu.memory_space<vmem>>) target(%dma_start3A_618 : memref<10256x64xf32, #tpu.memory_space<vmem_shared>>) offsets(%dma_start3A_615 : memref<256xi32, #tpu.memory_space<vmem>>) semaphore(%run_scoped3A_612 : memref<!tpu.dma_semaphore, #tpu.memory_space<semaphore_mem>>) {add = true}
      %dma_wait3A_619 = arith.constant 0 : i32
      %dma_wait3A_620 = tpu.memref_slice %arg15[%run_scoped3A_288, %dma_wait3A_619] : memref<20x256xi32, #tpu.memory_space<vmem>> -> memref<1x256xi32, #tpu.memory_space<vmem>>
      %dma_wait3A_621 = tpu.memref_squeeze %dma_wait3A_620 : memref<1x256xi32, #tpu.memory_space<vmem>> -> memref<256xi32, #tpu.memory_space<vmem>>
      %dma_wait3A_622 = arith.constant 0 : i32
      %dma_wait3A_623 = arith.constant 0 : i32
      %dma_wait3A_624 = tpu.memref_slice %arg25[%dma_wait3A_622, %dma_wait3A_623] : memref<10256x64xf32, #tpu.memory_space<vmem_shared>> -> memref<10256x64xf32, #tpu.memory_space<vmem_shared>>
      tpu.wait_indirect_dma semaphore(%run_scoped3A_612 : memref<!tpu.dma_semaphore, #tpu.memory_space<semaphore_mem>>) src(%arg16 : memref<256x64xf32, #tpu.memory_space<vmem>>) dst(%dma_wait3A_624 : memref<10256x64xf32, #tpu.memory_space<vmem_shared>>)
      tpu.yield
    }) : () -> ()
    %dma_wait3A_289 = arith.constant 19 : i32
    %dma_wait3A_290 = arith.constant 0 : i32
    %dma_wait3A_291 = tpu.memref_slice %arg14[%dma_wait3A_289, %dma_wait3A_290] : memref<20x256xi32, #tpu.memory_space<vmem>> -> memref<1x256xi32, #tpu.memory_space<vmem>>
    %dma_wait3A_292 = tpu.memref_squeeze %dma_wait3A_291 : memref<1x256xi32, #tpu.memory_space<vmem>> -> memref<256xi32, #tpu.memory_space<vmem>>
    %dma_wait3A_293 = arith.constant 0 : i32
    %dma_wait3A_294 = arith.constant 0 : i32
    %dma_wait3A_295 = tpu.memref_slice %arg26[%dma_wait3A_293, %dma_wait3A_294] : memref<10240x64xf32, #tpu.memory_space<vmem_shared>> -> memref<10240x64xf32, #tpu.memory_space<vmem_shared>>
    tpu.wait_indirect_dma semaphore(%arg19 : memref<!tpu.dma_semaphore, #tpu.memory_space<semaphore_mem>>) src(%dma_wait3A_295 : memref<10240x64xf32, #tpu.memory_space<vmem_shared>>) dst(%arg17 : memref<256x64xf32, #tpu.memory_space<vmem>>)
    %run_scoped3A_296 = arith.constant 19 : i32
    "tpu.region"() ({
      %run_scoped3A_612 = tpu.sem_alloc : memref<!tpu.dma_semaphore, #tpu.memory_space<semaphore_mem>>
      %dma_start3A_613 = arith.constant 0 : i32
      %dma_start3A_614 = tpu.memref_slice %arg15[%run_scoped3A_296, %dma_start3A_613] : memref<20x256xi32, #tpu.memory_space<vmem>> -> memref<1x256xi32, #tpu.memory_space<vmem>>
      %dma_start3A_615 = tpu.memref_squeeze %dma_start3A_614 : memref<1x256xi32, #tpu.memory_space<vmem>> -> memref<256xi32, #tpu.memory_space<vmem>>
      %dma_start3A_616 = arith.constant 0 : i32
      %dma_start3A_617 = arith.constant 0 : i32
      %dma_start3A_618 = tpu.memref_slice %arg25[%dma_start3A_616, %dma_start3A_617] : memref<10256x64xf32, #tpu.memory_space<vmem_shared>> -> memref<10256x64xf32, #tpu.memory_space<vmem_shared>>
      tpu.enqueue_indirect_dma source(%arg17 : memref<256x64xf32, #tpu.memory_space<vmem>>) target(%dma_start3A_618 : memref<10256x64xf32, #tpu.memory_space<vmem_shared>>) offsets(%dma_start3A_615 : memref<256xi32, #tpu.memory_space<vmem>>) semaphore(%run_scoped3A_612 : memref<!tpu.dma_semaphore, #tpu.memory_space<semaphore_mem>>) {add = true}
      %dma_wait3A_619 = arith.constant 0 : i32
      %dma_wait3A_620 = tpu.memref_slice %arg15[%run_scoped3A_296, %dma_wait3A_619] : memref<20x256xi32, #tpu.memory_space<vmem>> -> memref<1x256xi32, #tpu.memory_space<vmem>>
      %dma_wait3A_621 = tpu.memref_squeeze %dma_wait3A_620 : memref<1x256xi32, #tpu.memory_space<vmem>> -> memref<256xi32, #tpu.memory_space<vmem>>
      %dma_wait3A_622 = arith.constant 0 : i32
      %dma_wait3A_623 = arith.constant 0 : i32
      %dma_wait3A_624 = tpu.memref_slice %arg25[%dma_wait3A_622, %dma_wait3A_623] : memref<10256x64xf32, #tpu.memory_space<vmem_shared>> -> memref<10256x64xf32, #tpu.memory_space<vmem_shared>>
      tpu.wait_indirect_dma semaphore(%run_scoped3A_612 : memref<!tpu.dma_semaphore, #tpu.memory_space<semaphore_mem>>) src(%arg17 : memref<256x64xf32, #tpu.memory_space<vmem>>) dst(%dma_wait3A_624 : memref<10256x64xf32, #tpu.memory_space<vmem_shared>>)
      tpu.yield
    }) : () -> ()
    %barrier3A_297 = arith.constant 0 : index
    tpu.barrier barrier_id(%barrier3A_297)
    %mul3A_298 = arith.constant 640 : i32
    %mul3A_299 = arith.muli %arg1, %mul3A_298 : i32
    %mul3A_300 = arith.constant 640 : i32
    %mul3A_301 = arith.muli %arg1, %mul3A_300 : i32
    %add3A_302 = arith.addi %mul3A_240, %mul3A_301 : i32
    %dma_start3A_303 = arith.constant 0 : i32
    %dma_start3A_304 = tpu.memref_slice %arg13[%add3A_302, %dma_start3A_303] : memref<163840x64xf32, #tpu.memory_space<hbm>> -> memref<640x64xf32, #tpu.memory_space<hbm>>
    %dma_start3A_305 = arith.constant 0 : i32
    %dma_start3A_306 = tpu.memref_slice %arg25[%mul3A_299, %dma_start3A_305] : memref<10256x64xf32, #tpu.memory_space<vmem_shared>> -> memref<640x64xf32, #tpu.memory_space<vmem_shared>>
    tpu.enqueue_dma source(%dma_start3A_306 : memref<640x64xf32, #tpu.memory_space<vmem_shared>>) target(%dma_start3A_304 : memref<640x64xf32, #tpu.memory_space<hbm>>) target_semaphore(%arg22 : memref<!tpu.dma_semaphore, #tpu.memory_space<semaphore_mem>>)
    %dma_wait3A_307 = arith.constant 0 : i32
    %dma_wait3A_308 = tpu.memref_slice %arg13[%add3A_302, %dma_wait3A_307] : memref<163840x64xf32, #tpu.memory_space<hbm>> -> memref<640x64xf32, #tpu.memory_space<hbm>>
    %dma_wait3A_309 = arith.constant 0 : i32
    %dma_wait3A_310 = tpu.memref_slice %arg25[%mul3A_299, %dma_wait3A_309] : memref<10256x64xf32, #tpu.memory_space<vmem_shared>> -> memref<640x64xf32, #tpu.memory_space<vmem_shared>>
    tpu.wait_dma2 semaphore(%arg22 : memref<!tpu.dma_semaphore, #tpu.memory_space<semaphore_mem>>) src(%dma_wait3A_310 : memref<640x64xf32, #tpu.memory_space<vmem_shared>>) dst(%dma_wait3A_308 : memref<640x64xf32, #tpu.memory_space<hbm>>)
    %barrier3A_311 = arith.constant 0 : index
    tpu.barrier barrier_id(%barrier3A_311)
    %add3A_312 = arith.constant 8 : i32
    %add3A_313 = arith.addi %add3A_312, %arg0 : i32
    %mul3A_314 = arith.constant 10240 : i32
    %mul3A_315 = arith.muli %add3A_313, %mul3A_314 : i32
    %mul3A_316 = arith.constant 640 : i32
    %mul3A_317 = arith.muli %arg1, %mul3A_316 : i32
    %dma_start3A_318 = arith.constant 0 : i32
    %dma_start3A_319 = tpu.memref_slice %arg25[%mul3A_317, %dma_start3A_318] : memref<10256x64xf32, #tpu.memory_space<vmem_shared>> -> memref<640x64xf32, #tpu.memory_space<vmem_shared>>
    tpu.enqueue_dma source(%arg12 : memref<640x64xf32, #tpu.memory_space<hbm>>) target(%dma_start3A_319 : memref<640x64xf32, #tpu.memory_space<vmem_shared>>) target_semaphore(%arg22 : memref<!tpu.dma_semaphore, #tpu.memory_space<semaphore_mem>>)
    %mul3A_320 = arith.constant 640 : i32
    %mul3A_321 = arith.muli %arg1, %mul3A_320 : i32
    %mul3A_322 = arith.constant 640 : i32
    %mul3A_323 = arith.muli %arg1, %mul3A_322 : i32
    %dma_start3A_324 = arith.constant 0 : i32
    %dma_start3A_325 = tpu.memref_slice %arg26[%mul3A_323, %dma_start3A_324] : memref<10240x64xf32, #tpu.memory_space<vmem_shared>> -> memref<640x64xf32, #tpu.memory_space<vmem_shared>>
    %dma_start3A_326 = arith.constant 0 : i32
    %dma_start3A_327 = tpu.memref_slice %arg8[%mul3A_321, %dma_start3A_326] : memref<10240x64xf32, #tpu.memory_space<hbm>> -> memref<640x64xf32, #tpu.memory_space<hbm>>
    tpu.enqueue_dma source(%dma_start3A_327 : memref<640x64xf32, #tpu.memory_space<hbm>>) target(%dma_start3A_325 : memref<640x64xf32, #tpu.memory_space<vmem_shared>>) target_semaphore(%arg23 : memref<!tpu.dma_semaphore, #tpu.memory_space<semaphore_mem>>)
    %dma_wait3A_328 = arith.constant 0 : i32
    %dma_wait3A_329 = tpu.memref_slice %arg25[%mul3A_317, %dma_wait3A_328] : memref<10256x64xf32, #tpu.memory_space<vmem_shared>> -> memref<640x64xf32, #tpu.memory_space<vmem_shared>>
    tpu.wait_dma2 semaphore(%arg22 : memref<!tpu.dma_semaphore, #tpu.memory_space<semaphore_mem>>) src(%arg12 : memref<640x64xf32, #tpu.memory_space<hbm>>) dst(%dma_wait3A_329 : memref<640x64xf32, #tpu.memory_space<vmem_shared>>)
    %dma_wait3A_330 = arith.constant 0 : i32
    %dma_wait3A_331 = tpu.memref_slice %arg26[%mul3A_323, %dma_wait3A_330] : memref<10240x64xf32, #tpu.memory_space<vmem_shared>> -> memref<640x64xf32, #tpu.memory_space<vmem_shared>>
    %dma_wait3A_332 = arith.constant 0 : i32
    %dma_wait3A_333 = tpu.memref_slice %arg8[%mul3A_321, %dma_wait3A_332] : memref<10240x64xf32, #tpu.memory_space<hbm>> -> memref<640x64xf32, #tpu.memory_space<hbm>>
    tpu.wait_dma2 semaphore(%arg23 : memref<!tpu.dma_semaphore, #tpu.memory_space<semaphore_mem>>) src(%dma_wait3A_333 : memref<640x64xf32, #tpu.memory_space<hbm>>) dst(%dma_wait3A_331 : memref<640x64xf32, #tpu.memory_space<vmem_shared>>)
    %barrier3A_334 = arith.constant 0 : index
    tpu.barrier barrier_id(%barrier3A_334)
    %dma_start3A_335 = arith.constant 0 : i32
    %dma_start3A_336 = arith.constant 0 : i32
    %dma_start3A_337 = tpu.memref_slice %arg14[%dma_start3A_335, %dma_start3A_336] : memref<20x256xi32, #tpu.memory_space<vmem>> -> memref<1x256xi32, #tpu.memory_space<vmem>>
    %dma_start3A_338 = tpu.memref_squeeze %dma_start3A_337 : memref<1x256xi32, #tpu.memory_space<vmem>> -> memref<256xi32, #tpu.memory_space<vmem>>
    %dma_start3A_339 = arith.constant 0 : i32
    %dma_start3A_340 = arith.constant 0 : i32
    %dma_start3A_341 = tpu.memref_slice %arg26[%dma_start3A_339, %dma_start3A_340] : memref<10240x64xf32, #tpu.memory_space<vmem_shared>> -> memref<10240x64xf32, #tpu.memory_space<vmem_shared>>
    tpu.enqueue_indirect_dma source(%dma_start3A_341 : memref<10240x64xf32, #tpu.memory_space<vmem_shared>>) target(%arg16 : memref<256x64xf32, #tpu.memory_space<vmem>>) offsets(%dma_start3A_338 : memref<256xi32, #tpu.memory_space<vmem>>) semaphore(%arg18 : memref<!tpu.dma_semaphore, #tpu.memory_space<semaphore_mem>>)
    %dma_start3A_342 = arith.constant 1 : i32
    %dma_start3A_343 = arith.constant 0 : i32
    %dma_start3A_344 = tpu.memref_slice %arg14[%dma_start3A_342, %dma_start3A_343] : memref<20x256xi32, #tpu.memory_space<vmem>> -> memref<1x256xi32, #tpu.memory_space<vmem>>
    %dma_start3A_345 = tpu.memref_squeeze %dma_start3A_344 : memref<1x256xi32, #tpu.memory_space<vmem>> -> memref<256xi32, #tpu.memory_space<vmem>>
    %dma_start3A_346 = arith.constant 0 : i32
    %dma_start3A_347 = arith.constant 0 : i32
    %dma_start3A_348 = tpu.memref_slice %arg26[%dma_start3A_346, %dma_start3A_347] : memref<10240x64xf32, #tpu.memory_space<vmem_shared>> -> memref<10240x64xf32, #tpu.memory_space<vmem_shared>>
    tpu.enqueue_indirect_dma source(%dma_start3A_348 : memref<10240x64xf32, #tpu.memory_space<vmem_shared>>) target(%arg17 : memref<256x64xf32, #tpu.memory_space<vmem>>) offsets(%dma_start3A_345 : memref<256xi32, #tpu.memory_space<vmem>>) semaphore(%arg19 : memref<!tpu.dma_semaphore, #tpu.memory_space<semaphore_mem>>)
    %scan3A_349 = arith.constant 0 : i32
    %scan3A_350 = arith.constant 0 : i32
    %scan3A_351 = arith.constant 9 : i32
    %scan3A_352 = arith.addi %scan3A_350, %scan3A_351 : i32
    %scan3A_353 = arith.constant 1 : i32
    %scan3A_354 = scf.for %scan3A_612 = %scan3A_350 to %scan3A_352 step %scan3A_353 iter_args(%scan3A_613 = %scan3A_349) -> (i32)  : i32 {
      %mul3A_614 = arith.constant 2 : i32
      %mul3A_615 = arith.muli %mul3A_614, %scan3A_612 : i32
      %dma_wait3A_616 = arith.constant 0 : i32
      %dma_wait3A_617 = tpu.memref_slice %arg14[%mul3A_615, %dma_wait3A_616] : memref<20x256xi32, #tpu.memory_space<vmem>> -> memref<1x256xi32, #tpu.memory_space<vmem>>
      %dma_wait3A_618 = tpu.memref_squeeze %dma_wait3A_617 : memref<1x256xi32, #tpu.memory_space<vmem>> -> memref<256xi32, #tpu.memory_space<vmem>>
      %dma_wait3A_619 = arith.constant 0 : i32
      %dma_wait3A_620 = arith.constant 0 : i32
      %dma_wait3A_621 = tpu.memref_slice %arg26[%dma_wait3A_619, %dma_wait3A_620] : memref<10240x64xf32, #tpu.memory_space<vmem_shared>> -> memref<10240x64xf32, #tpu.memory_space<vmem_shared>>
      tpu.wait_indirect_dma semaphore(%arg18 : memref<!tpu.dma_semaphore, #tpu.memory_space<semaphore_mem>>) src(%dma_wait3A_621 : memref<10240x64xf32, #tpu.memory_space<vmem_shared>>) dst(%arg16 : memref<256x64xf32, #tpu.memory_space<vmem>>)
      %dma_start3A_622 = arith.constant 0 : i32
      %dma_start3A_623 = tpu.memref_slice %arg15[%mul3A_615, %dma_start3A_622] : memref<20x256xi32, #tpu.memory_space<vmem>> -> memref<1x256xi32, #tpu.memory_space<vmem>>
      %dma_start3A_624 = tpu.memref_squeeze %dma_start3A_623 : memref<1x256xi32, #tpu.memory_space<vmem>> -> memref<256xi32, #tpu.memory_space<vmem>>
      %dma_start3A_625 = arith.constant 0 : i32
      %dma_start3A_626 = arith.constant 0 : i32
      %dma_start3A_627 = tpu.memref_slice %arg25[%dma_start3A_625, %dma_start3A_626] : memref<10256x64xf32, #tpu.memory_space<vmem_shared>> -> memref<10256x64xf32, #tpu.memory_space<vmem_shared>>
      tpu.enqueue_indirect_dma source(%arg16 : memref<256x64xf32, #tpu.memory_space<vmem>>) target(%dma_start3A_627 : memref<10256x64xf32, #tpu.memory_space<vmem_shared>>) offsets(%dma_start3A_624 : memref<256xi32, #tpu.memory_space<vmem>>) semaphore(%arg20 : memref<!tpu.dma_semaphore, #tpu.memory_space<semaphore_mem>>) {add = true}
      %add3A_628 = arith.constant 1 : i32
      %add3A_629 = arith.addi %mul3A_615, %add3A_628 : i32
      %dma_wait3A_630 = arith.constant 0 : i32
      %dma_wait3A_631 = tpu.memref_slice %arg14[%add3A_629, %dma_wait3A_630] : memref<20x256xi32, #tpu.memory_space<vmem>> -> memref<1x256xi32, #tpu.memory_space<vmem>>
      %dma_wait3A_632 = tpu.memref_squeeze %dma_wait3A_631 : memref<1x256xi32, #tpu.memory_space<vmem>> -> memref<256xi32, #tpu.memory_space<vmem>>
      %dma_wait3A_633 = arith.constant 0 : i32
      %dma_wait3A_634 = arith.constant 0 : i32
      %dma_wait3A_635 = tpu.memref_slice %arg26[%dma_wait3A_633, %dma_wait3A_634] : memref<10240x64xf32, #tpu.memory_space<vmem_shared>> -> memref<10240x64xf32, #tpu.memory_space<vmem_shared>>
      tpu.wait_indirect_dma semaphore(%arg19 : memref<!tpu.dma_semaphore, #tpu.memory_space<semaphore_mem>>) src(%dma_wait3A_635 : memref<10240x64xf32, #tpu.memory_space<vmem_shared>>) dst(%arg17 : memref<256x64xf32, #tpu.memory_space<vmem>>)
      %add3A_636 = arith.constant 1 : i32
      %add3A_637 = arith.addi %mul3A_615, %add3A_636 : i32
      %dma_start3A_638 = arith.constant 0 : i32
      %dma_start3A_639 = tpu.memref_slice %arg15[%add3A_637, %dma_start3A_638] : memref<20x256xi32, #tpu.memory_space<vmem>> -> memref<1x256xi32, #tpu.memory_space<vmem>>
      %dma_start3A_640 = tpu.memref_squeeze %dma_start3A_639 : memref<1x256xi32, #tpu.memory_space<vmem>> -> memref<256xi32, #tpu.memory_space<vmem>>
      %dma_start3A_641 = arith.constant 0 : i32
      %dma_start3A_642 = arith.constant 0 : i32
      %dma_start3A_643 = tpu.memref_slice %arg25[%dma_start3A_641, %dma_start3A_642] : memref<10256x64xf32, #tpu.memory_space<vmem_shared>> -> memref<10256x64xf32, #tpu.memory_space<vmem_shared>>
      tpu.enqueue_indirect_dma source(%arg17 : memref<256x64xf32, #tpu.memory_space<vmem>>) target(%dma_start3A_643 : memref<10256x64xf32, #tpu.memory_space<vmem_shared>>) offsets(%dma_start3A_640 : memref<256xi32, #tpu.memory_space<vmem>>) semaphore(%arg21 : memref<!tpu.dma_semaphore, #tpu.memory_space<semaphore_mem>>) {add = true}
      %dma_wait3A_644 = arith.constant 0 : i32
      %dma_wait3A_645 = tpu.memref_slice %arg15[%mul3A_615, %dma_wait3A_644] : memref<20x256xi32, #tpu.memory_space<vmem>> -> memref<1x256xi32, #tpu.memory_space<vmem>>
      %dma_wait3A_646 = tpu.memref_squeeze %dma_wait3A_645 : memref<1x256xi32, #tpu.memory_space<vmem>> -> memref<256xi32, #tpu.memory_space<vmem>>
      %dma_wait3A_647 = arith.constant 0 : i32
      %dma_wait3A_648 = arith.constant 0 : i32
      %dma_wait3A_649 = tpu.memref_slice %arg25[%dma_wait3A_647, %dma_wait3A_648] : memref<10256x64xf32, #tpu.memory_space<vmem_shared>> -> memref<10256x64xf32, #tpu.memory_space<vmem_shared>>
      tpu.wait_indirect_dma semaphore(%arg20 : memref<!tpu.dma_semaphore, #tpu.memory_space<semaphore_mem>>) src(%arg16 : memref<256x64xf32, #tpu.memory_space<vmem>>) dst(%dma_wait3A_649 : memref<10256x64xf32, #tpu.memory_space<vmem_shared>>)
      %add3A_650 = arith.constant 2 : i32
      %add3A_651 = arith.addi %mul3A_615, %add3A_650 : i32
      %dma_start3A_652 = arith.constant 0 : i32
      %dma_start3A_653 = tpu.memref_slice %arg14[%add3A_651, %dma_start3A_652] : memref<20x256xi32, #tpu.memory_space<vmem>> -> memref<1x256xi32, #tpu.memory_space<vmem>>
      %dma_start3A_654 = tpu.memref_squeeze %dma_start3A_653 : memref<1x256xi32, #tpu.memory_space<vmem>> -> memref<256xi32, #tpu.memory_space<vmem>>
      %dma_start3A_655 = arith.constant 0 : i32
      %dma_start3A_656 = arith.constant 0 : i32
      %dma_start3A_657 = tpu.memref_slice %arg26[%dma_start3A_655, %dma_start3A_656] : memref<10240x64xf32, #tpu.memory_space<vmem_shared>> -> memref<10240x64xf32, #tpu.memory_space<vmem_shared>>
      tpu.enqueue_indirect_dma source(%dma_start3A_657 : memref<10240x64xf32, #tpu.memory_space<vmem_shared>>) target(%arg16 : memref<256x64xf32, #tpu.memory_space<vmem>>) offsets(%dma_start3A_654 : memref<256xi32, #tpu.memory_space<vmem>>) semaphore(%arg18 : memref<!tpu.dma_semaphore, #tpu.memory_space<semaphore_mem>>)
      %add3A_658 = arith.constant 1 : i32
      %add3A_659 = arith.addi %mul3A_615, %add3A_658 : i32
      %dma_wait3A_660 = arith.constant 0 : i32
      %dma_wait3A_661 = tpu.memref_slice %arg15[%add3A_659, %dma_wait3A_660] : memref<20x256xi32, #tpu.memory_space<vmem>> -> memref<1x256xi32, #tpu.memory_space<vmem>>
      %dma_wait3A_662 = tpu.memref_squeeze %dma_wait3A_661 : memref<1x256xi32, #tpu.memory_space<vmem>> -> memref<256xi32, #tpu.memory_space<vmem>>
      %dma_wait3A_663 = arith.constant 0 : i32
      %dma_wait3A_664 = arith.constant 0 : i32
      %dma_wait3A_665 = tpu.memref_slice %arg25[%dma_wait3A_663, %dma_wait3A_664] : memref<10256x64xf32, #tpu.memory_space<vmem_shared>> -> memref<10256x64xf32, #tpu.memory_space<vmem_shared>>
      tpu.wait_indirect_dma semaphore(%arg21 : memref<!tpu.dma_semaphore, #tpu.memory_space<semaphore_mem>>) src(%arg17 : memref<256x64xf32, #tpu.memory_space<vmem>>) dst(%dma_wait3A_665 : memref<10256x64xf32, #tpu.memory_space<vmem_shared>>)
      %add3A_666 = arith.constant 3 : i32
      %add3A_667 = arith.addi %mul3A_615, %add3A_666 : i32
      %dma_start3A_668 = arith.constant 0 : i32
      %dma_start3A_669 = tpu.memref_slice %arg14[%add3A_667, %dma_start3A_668] : memref<20x256xi32, #tpu.memory_space<vmem>> -> memref<1x256xi32, #tpu.memory_space<vmem>>
      %dma_start3A_670 = tpu.memref_squeeze %dma_start3A_669 : memref<1x256xi32, #tpu.memory_space<vmem>> -> memref<256xi32, #tpu.memory_space<vmem>>
      %dma_start3A_671 = arith.constant 0 : i32
      %dma_start3A_672 = arith.constant 0 : i32
      %dma_start3A_673 = tpu.memref_slice %arg26[%dma_start3A_671, %dma_start3A_672] : memref<10240x64xf32, #tpu.memory_space<vmem_shared>> -> memref<10240x64xf32, #tpu.memory_space<vmem_shared>>
      tpu.enqueue_indirect_dma source(%dma_start3A_673 : memref<10240x64xf32, #tpu.memory_space<vmem_shared>>) target(%arg17 : memref<256x64xf32, #tpu.memory_space<vmem>>) offsets(%dma_start3A_670 : memref<256xi32, #tpu.memory_space<vmem>>) semaphore(%arg19 : memref<!tpu.dma_semaphore, #tpu.memory_space<semaphore_mem>>)
      %scan3A_674 = arith.constant 0 : i32
      scf.yield %scan3A_674 : i32
    }
    %scan3A_355 = arith.constant 9 : i32
    %dma_wait3A_356 = arith.constant 18 : i32
    %dma_wait3A_357 = arith.constant 0 : i32
    %dma_wait3A_358 = tpu.memref_slice %arg14[%dma_wait3A_356, %dma_wait3A_357] : memref<20x256xi32, #tpu.memory_space<vmem>> -> memref<1x256xi32, #tpu.memory_space<vmem>>
    %dma_wait3A_359 = tpu.memref_squeeze %dma_wait3A_358 : memref<1x256xi32, #tpu.memory_space<vmem>> -> memref<256xi32, #tpu.memory_space<vmem>>
    %dma_wait3A_360 = arith.constant 0 : i32
    %dma_wait3A_361 = arith.constant 0 : i32
    %dma_wait3A_362 = tpu.memref_slice %arg26[%dma_wait3A_360, %dma_wait3A_361] : memref<10240x64xf32, #tpu.memory_space<vmem_shared>> -> memref<10240x64xf32, #tpu.memory_space<vmem_shared>>
    tpu.wait_indirect_dma semaphore(%arg18 : memref<!tpu.dma_semaphore, #tpu.memory_space<semaphore_mem>>) src(%dma_wait3A_362 : memref<10240x64xf32, #tpu.memory_space<vmem_shared>>) dst(%arg16 : memref<256x64xf32, #tpu.memory_space<vmem>>)
    %run_scoped3A_363 = arith.constant 18 : i32
    "tpu.region"() ({
      %run_scoped3A_612 = tpu.sem_alloc : memref<!tpu.dma_semaphore, #tpu.memory_space<semaphore_mem>>
      %dma_start3A_613 = arith.constant 0 : i32
      %dma_start3A_614 = tpu.memref_slice %arg15[%run_scoped3A_363, %dma_start3A_613] : memref<20x256xi32, #tpu.memory_space<vmem>> -> memref<1x256xi32, #tpu.memory_space<vmem>>
      %dma_start3A_615 = tpu.memref_squeeze %dma_start3A_614 : memref<1x256xi32, #tpu.memory_space<vmem>> -> memref<256xi32, #tpu.memory_space<vmem>>
      %dma_start3A_616 = arith.constant 0 : i32
      %dma_start3A_617 = arith.constant 0 : i32
      %dma_start3A_618 = tpu.memref_slice %arg25[%dma_start3A_616, %dma_start3A_617] : memref<10256x64xf32, #tpu.memory_space<vmem_shared>> -> memref<10256x64xf32, #tpu.memory_space<vmem_shared>>
      tpu.enqueue_indirect_dma source(%arg16 : memref<256x64xf32, #tpu.memory_space<vmem>>) target(%dma_start3A_618 : memref<10256x64xf32, #tpu.memory_space<vmem_shared>>) offsets(%dma_start3A_615 : memref<256xi32, #tpu.memory_space<vmem>>) semaphore(%run_scoped3A_612 : memref<!tpu.dma_semaphore, #tpu.memory_space<semaphore_mem>>) {add = true}
      %dma_wait3A_619 = arith.constant 0 : i32
      %dma_wait3A_620 = tpu.memref_slice %arg15[%run_scoped3A_363, %dma_wait3A_619] : memref<20x256xi32, #tpu.memory_space<vmem>> -> memref<1x256xi32, #tpu.memory_space<vmem>>
      %dma_wait3A_621 = tpu.memref_squeeze %dma_wait3A_620 : memref<1x256xi32, #tpu.memory_space<vmem>> -> memref<256xi32, #tpu.memory_space<vmem>>
      %dma_wait3A_622 = arith.constant 0 : i32
      %dma_wait3A_623 = arith.constant 0 : i32
      %dma_wait3A_624 = tpu.memref_slice %arg25[%dma_wait3A_622, %dma_wait3A_623] : memref<10256x64xf32, #tpu.memory_space<vmem_shared>> -> memref<10256x64xf32, #tpu.memory_space<vmem_shared>>
      tpu.wait_indirect_dma semaphore(%run_scoped3A_612 : memref<!tpu.dma_semaphore, #tpu.memory_space<semaphore_mem>>) src(%arg16 : memref<256x64xf32, #tpu.memory_space<vmem>>) dst(%dma_wait3A_624 : memref<10256x64xf32, #tpu.memory_space<vmem_shared>>)
      tpu.yield
    }) : () -> ()
    %dma_wait3A_364 = arith.constant 19 : i32
    %dma_wait3A_365 = arith.constant 0 : i32
    %dma_wait3A_366 = tpu.memref_slice %arg14[%dma_wait3A_364, %dma_wait3A_365] : memref<20x256xi32, #tpu.memory_space<vmem>> -> memref<1x256xi32, #tpu.memory_space<vmem>>
    %dma_wait3A_367 = tpu.memref_squeeze %dma_wait3A_366 : memref<1x256xi32, #tpu.memory_space<vmem>> -> memref<256xi32, #tpu.memory_space<vmem>>
    %dma_wait3A_368 = arith.constant 0 : i32
    %dma_wait3A_369 = arith.constant 0 : i32
    %dma_wait3A_370 = tpu.memref_slice %arg26[%dma_wait3A_368, %dma_wait3A_369] : memref<10240x64xf32, #tpu.memory_space<vmem_shared>> -> memref<10240x64xf32, #tpu.memory_space<vmem_shared>>
    tpu.wait_indirect_dma semaphore(%arg19 : memref<!tpu.dma_semaphore, #tpu.memory_space<semaphore_mem>>) src(%dma_wait3A_370 : memref<10240x64xf32, #tpu.memory_space<vmem_shared>>) dst(%arg17 : memref<256x64xf32, #tpu.memory_space<vmem>>)
    %run_scoped3A_371 = arith.constant 19 : i32
    "tpu.region"() ({
      %run_scoped3A_612 = tpu.sem_alloc : memref<!tpu.dma_semaphore, #tpu.memory_space<semaphore_mem>>
      %dma_start3A_613 = arith.constant 0 : i32
      %dma_start3A_614 = tpu.memref_slice %arg15[%run_scoped3A_371, %dma_start3A_613] : memref<20x256xi32, #tpu.memory_space<vmem>> -> memref<1x256xi32, #tpu.memory_space<vmem>>
      %dma_start3A_615 = tpu.memref_squeeze %dma_start3A_614 : memref<1x256xi32, #tpu.memory_space<vmem>> -> memref<256xi32, #tpu.memory_space<vmem>>
      %dma_start3A_616 = arith.constant 0 : i32
      %dma_start3A_617 = arith.constant 0 : i32
      %dma_start3A_618 = tpu.memref_slice %arg25[%dma_start3A_616, %dma_start3A_617] : memref<10256x64xf32, #tpu.memory_space<vmem_shared>> -> memref<10256x64xf32, #tpu.memory_space<vmem_shared>>
      tpu.enqueue_indirect_dma source(%arg17 : memref<256x64xf32, #tpu.memory_space<vmem>>) target(%dma_start3A_618 : memref<10256x64xf32, #tpu.memory_space<vmem_shared>>) offsets(%dma_start3A_615 : memref<256xi32, #tpu.memory_space<vmem>>) semaphore(%run_scoped3A_612 : memref<!tpu.dma_semaphore, #tpu.memory_space<semaphore_mem>>) {add = true}
      %dma_wait3A_619 = arith.constant 0 : i32
      %dma_wait3A_620 = tpu.memref_slice %arg15[%run_scoped3A_371, %dma_wait3A_619] : memref<20x256xi32, #tpu.memory_space<vmem>> -> memref<1x256xi32, #tpu.memory_space<vmem>>
      %dma_wait3A_621 = tpu.memref_squeeze %dma_wait3A_620 : memref<1x256xi32, #tpu.memory_space<vmem>> -> memref<256xi32, #tpu.memory_space<vmem>>
      %dma_wait3A_622 = arith.constant 0 : i32
      %dma_wait3A_623 = arith.constant 0 : i32
      %dma_wait3A_624 = tpu.memref_slice %arg25[%dma_wait3A_622, %dma_wait3A_623] : memref<10256x64xf32, #tpu.memory_space<vmem_shared>> -> memref<10256x64xf32, #tpu.memory_space<vmem_shared>>
      tpu.wait_indirect_dma semaphore(%run_scoped3A_612 : memref<!tpu.dma_semaphore, #tpu.memory_space<semaphore_mem>>) src(%arg17 : memref<256x64xf32, #tpu.memory_space<vmem>>) dst(%dma_wait3A_624 : memref<10256x64xf32, #tpu.memory_space<vmem_shared>>)
      tpu.yield
    }) : () -> ()
    %barrier3A_372 = arith.constant 0 : index
    tpu.barrier barrier_id(%barrier3A_372)
    %mul3A_373 = arith.constant 640 : i32
    %mul3A_374 = arith.muli %arg1, %mul3A_373 : i32
    %mul3A_375 = arith.constant 640 : i32
    %mul3A_376 = arith.muli %arg1, %mul3A_375 : i32
    %add3A_377 = arith.addi %mul3A_315, %mul3A_376 : i32
    %dma_start3A_378 = arith.constant 0 : i32
    %dma_start3A_379 = tpu.memref_slice %arg13[%add3A_377, %dma_start3A_378] : memref<163840x64xf32, #tpu.memory_space<hbm>> -> memref<640x64xf32, #tpu.memory_space<hbm>>
    %dma_start3A_380 = arith.constant 0 : i32
    %dma_start3A_381 = tpu.memref_slice %arg25[%mul3A_374, %dma_start3A_380] : memref<10256x64xf32, #tpu.memory_space<vmem_shared>> -> memref<640x64xf32, #tpu.memory_space<vmem_shared>>
    tpu.enqueue_dma source(%dma_start3A_381 : memref<640x64xf32, #tpu.memory_space<vmem_shared>>) target(%dma_start3A_379 : memref<640x64xf32, #tpu.memory_space<hbm>>) target_semaphore(%arg22 : memref<!tpu.dma_semaphore, #tpu.memory_space<semaphore_mem>>)
    %dma_wait3A_382 = arith.constant 0 : i32
    %dma_wait3A_383 = tpu.memref_slice %arg13[%add3A_377, %dma_wait3A_382] : memref<163840x64xf32, #tpu.memory_space<hbm>> -> memref<640x64xf32, #tpu.memory_space<hbm>>
    %dma_wait3A_384 = arith.constant 0 : i32
    %dma_wait3A_385 = tpu.memref_slice %arg25[%mul3A_374, %dma_wait3A_384] : memref<10256x64xf32, #tpu.memory_space<vmem_shared>> -> memref<640x64xf32, #tpu.memory_space<vmem_shared>>
    tpu.wait_dma2 semaphore(%arg22 : memref<!tpu.dma_semaphore, #tpu.memory_space<semaphore_mem>>) src(%dma_wait3A_385 : memref<640x64xf32, #tpu.memory_space<vmem_shared>>) dst(%dma_wait3A_383 : memref<640x64xf32, #tpu.memory_space<hbm>>)
    %barrier3A_386 = arith.constant 0 : index
    tpu.barrier barrier_id(%barrier3A_386)
    %add3A_387 = arith.constant 10 : i32
    %add3A_388 = arith.addi %add3A_387, %arg0 : i32
    %mul3A_389 = arith.constant 10240 : i32
    %mul3A_390 = arith.muli %add3A_388, %mul3A_389 : i32
    %mul3A_391 = arith.constant 640 : i32
    %mul3A_392 = arith.muli %arg1, %mul3A_391 : i32
    %dma_start3A_393 = arith.constant 0 : i32
    %dma_start3A_394 = tpu.memref_slice %arg25[%mul3A_392, %dma_start3A_393] : memref<10256x64xf32, #tpu.memory_space<vmem_shared>> -> memref<640x64xf32, #tpu.memory_space<vmem_shared>>
    tpu.enqueue_dma source(%arg12 : memref<640x64xf32, #tpu.memory_space<hbm>>) target(%dma_start3A_394 : memref<640x64xf32, #tpu.memory_space<vmem_shared>>) target_semaphore(%arg22 : memref<!tpu.dma_semaphore, #tpu.memory_space<semaphore_mem>>)
    %mul3A_395 = arith.constant 640 : i32
    %mul3A_396 = arith.muli %arg1, %mul3A_395 : i32
    %mul3A_397 = arith.constant 640 : i32
    %mul3A_398 = arith.muli %arg1, %mul3A_397 : i32
    %dma_start3A_399 = arith.constant 0 : i32
    %dma_start3A_400 = tpu.memref_slice %arg26[%mul3A_398, %dma_start3A_399] : memref<10240x64xf32, #tpu.memory_space<vmem_shared>> -> memref<640x64xf32, #tpu.memory_space<vmem_shared>>
    %dma_start3A_401 = arith.constant 0 : i32
    %dma_start3A_402 = tpu.memref_slice %arg9[%mul3A_396, %dma_start3A_401] : memref<10240x64xf32, #tpu.memory_space<hbm>> -> memref<640x64xf32, #tpu.memory_space<hbm>>
    tpu.enqueue_dma source(%dma_start3A_402 : memref<640x64xf32, #tpu.memory_space<hbm>>) target(%dma_start3A_400 : memref<640x64xf32, #tpu.memory_space<vmem_shared>>) target_semaphore(%arg23 : memref<!tpu.dma_semaphore, #tpu.memory_space<semaphore_mem>>)
    %dma_wait3A_403 = arith.constant 0 : i32
    %dma_wait3A_404 = tpu.memref_slice %arg25[%mul3A_392, %dma_wait3A_403] : memref<10256x64xf32, #tpu.memory_space<vmem_shared>> -> memref<640x64xf32, #tpu.memory_space<vmem_shared>>
    tpu.wait_dma2 semaphore(%arg22 : memref<!tpu.dma_semaphore, #tpu.memory_space<semaphore_mem>>) src(%arg12 : memref<640x64xf32, #tpu.memory_space<hbm>>) dst(%dma_wait3A_404 : memref<640x64xf32, #tpu.memory_space<vmem_shared>>)
    %dma_wait3A_405 = arith.constant 0 : i32
    %dma_wait3A_406 = tpu.memref_slice %arg26[%mul3A_398, %dma_wait3A_405] : memref<10240x64xf32, #tpu.memory_space<vmem_shared>> -> memref<640x64xf32, #tpu.memory_space<vmem_shared>>
    %dma_wait3A_407 = arith.constant 0 : i32
    %dma_wait3A_408 = tpu.memref_slice %arg9[%mul3A_396, %dma_wait3A_407] : memref<10240x64xf32, #tpu.memory_space<hbm>> -> memref<640x64xf32, #tpu.memory_space<hbm>>
    tpu.wait_dma2 semaphore(%arg23 : memref<!tpu.dma_semaphore, #tpu.memory_space<semaphore_mem>>) src(%dma_wait3A_408 : memref<640x64xf32, #tpu.memory_space<hbm>>) dst(%dma_wait3A_406 : memref<640x64xf32, #tpu.memory_space<vmem_shared>>)
    %barrier3A_409 = arith.constant 0 : index
    tpu.barrier barrier_id(%barrier3A_409)
    %dma_start3A_410 = arith.constant 0 : i32
    %dma_start3A_411 = arith.constant 0 : i32
    %dma_start3A_412 = tpu.memref_slice %arg14[%dma_start3A_410, %dma_start3A_411] : memref<20x256xi32, #tpu.memory_space<vmem>> -> memref<1x256xi32, #tpu.memory_space<vmem>>
    %dma_start3A_413 = tpu.memref_squeeze %dma_start3A_412 : memref<1x256xi32, #tpu.memory_space<vmem>> -> memref<256xi32, #tpu.memory_space<vmem>>
    %dma_start3A_414 = arith.constant 0 : i32
    %dma_start3A_415 = arith.constant 0 : i32
    %dma_start3A_416 = tpu.memref_slice %arg26[%dma_start3A_414, %dma_start3A_415] : memref<10240x64xf32, #tpu.memory_space<vmem_shared>> -> memref<10240x64xf32, #tpu.memory_space<vmem_shared>>
    tpu.enqueue_indirect_dma source(%dma_start3A_416 : memref<10240x64xf32, #tpu.memory_space<vmem_shared>>) target(%arg16 : memref<256x64xf32, #tpu.memory_space<vmem>>) offsets(%dma_start3A_413 : memref<256xi32, #tpu.memory_space<vmem>>) semaphore(%arg18 : memref<!tpu.dma_semaphore, #tpu.memory_space<semaphore_mem>>)
    %dma_start3A_417 = arith.constant 1 : i32
    %dma_start3A_418 = arith.constant 0 : i32
    %dma_start3A_419 = tpu.memref_slice %arg14[%dma_start3A_417, %dma_start3A_418] : memref<20x256xi32, #tpu.memory_space<vmem>> -> memref<1x256xi32, #tpu.memory_space<vmem>>
    %dma_start3A_420 = tpu.memref_squeeze %dma_start3A_419 : memref<1x256xi32, #tpu.memory_space<vmem>> -> memref<256xi32, #tpu.memory_space<vmem>>
    %dma_start3A_421 = arith.constant 0 : i32
    %dma_start3A_422 = arith.constant 0 : i32
    %dma_start3A_423 = tpu.memref_slice %arg26[%dma_start3A_421, %dma_start3A_422] : memref<10240x64xf32, #tpu.memory_space<vmem_shared>> -> memref<10240x64xf32, #tpu.memory_space<vmem_shared>>
    tpu.enqueue_indirect_dma source(%dma_start3A_423 : memref<10240x64xf32, #tpu.memory_space<vmem_shared>>) target(%arg17 : memref<256x64xf32, #tpu.memory_space<vmem>>) offsets(%dma_start3A_420 : memref<256xi32, #tpu.memory_space<vmem>>) semaphore(%arg19 : memref<!tpu.dma_semaphore, #tpu.memory_space<semaphore_mem>>)
    %scan3A_424 = arith.constant 0 : i32
    %scan3A_425 = arith.constant 0 : i32
    %scan3A_426 = arith.constant 9 : i32
    %scan3A_427 = arith.addi %scan3A_425, %scan3A_426 : i32
    %scan3A_428 = arith.constant 1 : i32
    %scan3A_429 = scf.for %scan3A_612 = %scan3A_425 to %scan3A_427 step %scan3A_428 iter_args(%scan3A_613 = %scan3A_424) -> (i32)  : i32 {
      %mul3A_614 = arith.constant 2 : i32
      %mul3A_615 = arith.muli %mul3A_614, %scan3A_612 : i32
      %dma_wait3A_616 = arith.constant 0 : i32
      %dma_wait3A_617 = tpu.memref_slice %arg14[%mul3A_615, %dma_wait3A_616] : memref<20x256xi32, #tpu.memory_space<vmem>> -> memref<1x256xi32, #tpu.memory_space<vmem>>
      %dma_wait3A_618 = tpu.memref_squeeze %dma_wait3A_617 : memref<1x256xi32, #tpu.memory_space<vmem>> -> memref<256xi32, #tpu.memory_space<vmem>>
      %dma_wait3A_619 = arith.constant 0 : i32
      %dma_wait3A_620 = arith.constant 0 : i32
      %dma_wait3A_621 = tpu.memref_slice %arg26[%dma_wait3A_619, %dma_wait3A_620] : memref<10240x64xf32, #tpu.memory_space<vmem_shared>> -> memref<10240x64xf32, #tpu.memory_space<vmem_shared>>
      tpu.wait_indirect_dma semaphore(%arg18 : memref<!tpu.dma_semaphore, #tpu.memory_space<semaphore_mem>>) src(%dma_wait3A_621 : memref<10240x64xf32, #tpu.memory_space<vmem_shared>>) dst(%arg16 : memref<256x64xf32, #tpu.memory_space<vmem>>)
      %dma_start3A_622 = arith.constant 0 : i32
      %dma_start3A_623 = tpu.memref_slice %arg15[%mul3A_615, %dma_start3A_622] : memref<20x256xi32, #tpu.memory_space<vmem>> -> memref<1x256xi32, #tpu.memory_space<vmem>>
      %dma_start3A_624 = tpu.memref_squeeze %dma_start3A_623 : memref<1x256xi32, #tpu.memory_space<vmem>> -> memref<256xi32, #tpu.memory_space<vmem>>
      %dma_start3A_625 = arith.constant 0 : i32
      %dma_start3A_626 = arith.constant 0 : i32
      %dma_start3A_627 = tpu.memref_slice %arg25[%dma_start3A_625, %dma_start3A_626] : memref<10256x64xf32, #tpu.memory_space<vmem_shared>> -> memref<10256x64xf32, #tpu.memory_space<vmem_shared>>
      tpu.enqueue_indirect_dma source(%arg16 : memref<256x64xf32, #tpu.memory_space<vmem>>) target(%dma_start3A_627 : memref<10256x64xf32, #tpu.memory_space<vmem_shared>>) offsets(%dma_start3A_624 : memref<256xi32, #tpu.memory_space<vmem>>) semaphore(%arg20 : memref<!tpu.dma_semaphore, #tpu.memory_space<semaphore_mem>>) {add = true}
      %add3A_628 = arith.constant 1 : i32
      %add3A_629 = arith.addi %mul3A_615, %add3A_628 : i32
      %dma_wait3A_630 = arith.constant 0 : i32
      %dma_wait3A_631 = tpu.memref_slice %arg14[%add3A_629, %dma_wait3A_630] : memref<20x256xi32, #tpu.memory_space<vmem>> -> memref<1x256xi32, #tpu.memory_space<vmem>>
      %dma_wait3A_632 = tpu.memref_squeeze %dma_wait3A_631 : memref<1x256xi32, #tpu.memory_space<vmem>> -> memref<256xi32, #tpu.memory_space<vmem>>
      %dma_wait3A_633 = arith.constant 0 : i32
      %dma_wait3A_634 = arith.constant 0 : i32
      %dma_wait3A_635 = tpu.memref_slice %arg26[%dma_wait3A_633, %dma_wait3A_634] : memref<10240x64xf32, #tpu.memory_space<vmem_shared>> -> memref<10240x64xf32, #tpu.memory_space<vmem_shared>>
      tpu.wait_indirect_dma semaphore(%arg19 : memref<!tpu.dma_semaphore, #tpu.memory_space<semaphore_mem>>) src(%dma_wait3A_635 : memref<10240x64xf32, #tpu.memory_space<vmem_shared>>) dst(%arg17 : memref<256x64xf32, #tpu.memory_space<vmem>>)
      %add3A_636 = arith.constant 1 : i32
      %add3A_637 = arith.addi %mul3A_615, %add3A_636 : i32
      %dma_start3A_638 = arith.constant 0 : i32
      %dma_start3A_639 = tpu.memref_slice %arg15[%add3A_637, %dma_start3A_638] : memref<20x256xi32, #tpu.memory_space<vmem>> -> memref<1x256xi32, #tpu.memory_space<vmem>>
      %dma_start3A_640 = tpu.memref_squeeze %dma_start3A_639 : memref<1x256xi32, #tpu.memory_space<vmem>> -> memref<256xi32, #tpu.memory_space<vmem>>
      %dma_start3A_641 = arith.constant 0 : i32
      %dma_start3A_642 = arith.constant 0 : i32
      %dma_start3A_643 = tpu.memref_slice %arg25[%dma_start3A_641, %dma_start3A_642] : memref<10256x64xf32, #tpu.memory_space<vmem_shared>> -> memref<10256x64xf32, #tpu.memory_space<vmem_shared>>
      tpu.enqueue_indirect_dma source(%arg17 : memref<256x64xf32, #tpu.memory_space<vmem>>) target(%dma_start3A_643 : memref<10256x64xf32, #tpu.memory_space<vmem_shared>>) offsets(%dma_start3A_640 : memref<256xi32, #tpu.memory_space<vmem>>) semaphore(%arg21 : memref<!tpu.dma_semaphore, #tpu.memory_space<semaphore_mem>>) {add = true}
      %dma_wait3A_644 = arith.constant 0 : i32
      %dma_wait3A_645 = tpu.memref_slice %arg15[%mul3A_615, %dma_wait3A_644] : memref<20x256xi32, #tpu.memory_space<vmem>> -> memref<1x256xi32, #tpu.memory_space<vmem>>
      %dma_wait3A_646 = tpu.memref_squeeze %dma_wait3A_645 : memref<1x256xi32, #tpu.memory_space<vmem>> -> memref<256xi32, #tpu.memory_space<vmem>>
      %dma_wait3A_647 = arith.constant 0 : i32
      %dma_wait3A_648 = arith.constant 0 : i32
      %dma_wait3A_649 = tpu.memref_slice %arg25[%dma_wait3A_647, %dma_wait3A_648] : memref<10256x64xf32, #tpu.memory_space<vmem_shared>> -> memref<10256x64xf32, #tpu.memory_space<vmem_shared>>
      tpu.wait_indirect_dma semaphore(%arg20 : memref<!tpu.dma_semaphore, #tpu.memory_space<semaphore_mem>>) src(%arg16 : memref<256x64xf32, #tpu.memory_space<vmem>>) dst(%dma_wait3A_649 : memref<10256x64xf32, #tpu.memory_space<vmem_shared>>)
      %add3A_650 = arith.constant 2 : i32
      %add3A_651 = arith.addi %mul3A_615, %add3A_650 : i32
      %dma_start3A_652 = arith.constant 0 : i32
      %dma_start3A_653 = tpu.memref_slice %arg14[%add3A_651, %dma_start3A_652] : memref<20x256xi32, #tpu.memory_space<vmem>> -> memref<1x256xi32, #tpu.memory_space<vmem>>
      %dma_start3A_654 = tpu.memref_squeeze %dma_start3A_653 : memref<1x256xi32, #tpu.memory_space<vmem>> -> memref<256xi32, #tpu.memory_space<vmem>>
      %dma_start3A_655 = arith.constant 0 : i32
      %dma_start3A_656 = arith.constant 0 : i32
      %dma_start3A_657 = tpu.memref_slice %arg26[%dma_start3A_655, %dma_start3A_656] : memref<10240x64xf32, #tpu.memory_space<vmem_shared>> -> memref<10240x64xf32, #tpu.memory_space<vmem_shared>>
      tpu.enqueue_indirect_dma source(%dma_start3A_657 : memref<10240x64xf32, #tpu.memory_space<vmem_shared>>) target(%arg16 : memref<256x64xf32, #tpu.memory_space<vmem>>) offsets(%dma_start3A_654 : memref<256xi32, #tpu.memory_space<vmem>>) semaphore(%arg18 : memref<!tpu.dma_semaphore, #tpu.memory_space<semaphore_mem>>)
      %add3A_658 = arith.constant 1 : i32
      %add3A_659 = arith.addi %mul3A_615, %add3A_658 : i32
      %dma_wait3A_660 = arith.constant 0 : i32
      %dma_wait3A_661 = tpu.memref_slice %arg15[%add3A_659, %dma_wait3A_660] : memref<20x256xi32, #tpu.memory_space<vmem>> -> memref<1x256xi32, #tpu.memory_space<vmem>>
      %dma_wait3A_662 = tpu.memref_squeeze %dma_wait3A_661 : memref<1x256xi32, #tpu.memory_space<vmem>> -> memref<256xi32, #tpu.memory_space<vmem>>
      %dma_wait3A_663 = arith.constant 0 : i32
      %dma_wait3A_664 = arith.constant 0 : i32
      %dma_wait3A_665 = tpu.memref_slice %arg25[%dma_wait3A_663, %dma_wait3A_664] : memref<10256x64xf32, #tpu.memory_space<vmem_shared>> -> memref<10256x64xf32, #tpu.memory_space<vmem_shared>>
      tpu.wait_indirect_dma semaphore(%arg21 : memref<!tpu.dma_semaphore, #tpu.memory_space<semaphore_mem>>) src(%arg17 : memref<256x64xf32, #tpu.memory_space<vmem>>) dst(%dma_wait3A_665 : memref<10256x64xf32, #tpu.memory_space<vmem_shared>>)
      %add3A_666 = arith.constant 3 : i32
      %add3A_667 = arith.addi %mul3A_615, %add3A_666 : i32
      %dma_start3A_668 = arith.constant 0 : i32
      %dma_start3A_669 = tpu.memref_slice %arg14[%add3A_667, %dma_start3A_668] : memref<20x256xi32, #tpu.memory_space<vmem>> -> memref<1x256xi32, #tpu.memory_space<vmem>>
      %dma_start3A_670 = tpu.memref_squeeze %dma_start3A_669 : memref<1x256xi32, #tpu.memory_space<vmem>> -> memref<256xi32, #tpu.memory_space<vmem>>
      %dma_start3A_671 = arith.constant 0 : i32
      %dma_start3A_672 = arith.constant 0 : i32
      %dma_start3A_673 = tpu.memref_slice %arg26[%dma_start3A_671, %dma_start3A_672] : memref<10240x64xf32, #tpu.memory_space<vmem_shared>> -> memref<10240x64xf32, #tpu.memory_space<vmem_shared>>
      tpu.enqueue_indirect_dma source(%dma_start3A_673 : memref<10240x64xf32, #tpu.memory_space<vmem_shared>>) target(%arg17 : memref<256x64xf32, #tpu.memory_space<vmem>>) offsets(%dma_start3A_670 : memref<256xi32, #tpu.memory_space<vmem>>) semaphore(%arg19 : memref<!tpu.dma_semaphore, #tpu.memory_space<semaphore_mem>>)
      %scan3A_674 = arith.constant 0 : i32
      scf.yield %scan3A_674 : i32
    }
    %scan3A_430 = arith.constant 9 : i32
    %dma_wait3A_431 = arith.constant 18 : i32
    %dma_wait3A_432 = arith.constant 0 : i32
    %dma_wait3A_433 = tpu.memref_slice %arg14[%dma_wait3A_431, %dma_wait3A_432] : memref<20x256xi32, #tpu.memory_space<vmem>> -> memref<1x256xi32, #tpu.memory_space<vmem>>
    %dma_wait3A_434 = tpu.memref_squeeze %dma_wait3A_433 : memref<1x256xi32, #tpu.memory_space<vmem>> -> memref<256xi32, #tpu.memory_space<vmem>>
    %dma_wait3A_435 = arith.constant 0 : i32
    %dma_wait3A_436 = arith.constant 0 : i32
    %dma_wait3A_437 = tpu.memref_slice %arg26[%dma_wait3A_435, %dma_wait3A_436] : memref<10240x64xf32, #tpu.memory_space<vmem_shared>> -> memref<10240x64xf32, #tpu.memory_space<vmem_shared>>
    tpu.wait_indirect_dma semaphore(%arg18 : memref<!tpu.dma_semaphore, #tpu.memory_space<semaphore_mem>>) src(%dma_wait3A_437 : memref<10240x64xf32, #tpu.memory_space<vmem_shared>>) dst(%arg16 : memref<256x64xf32, #tpu.memory_space<vmem>>)
    %run_scoped3A_438 = arith.constant 18 : i32
    "tpu.region"() ({
      %run_scoped3A_612 = tpu.sem_alloc : memref<!tpu.dma_semaphore, #tpu.memory_space<semaphore_mem>>
      %dma_start3A_613 = arith.constant 0 : i32
      %dma_start3A_614 = tpu.memref_slice %arg15[%run_scoped3A_438, %dma_start3A_613] : memref<20x256xi32, #tpu.memory_space<vmem>> -> memref<1x256xi32, #tpu.memory_space<vmem>>
      %dma_start3A_615 = tpu.memref_squeeze %dma_start3A_614 : memref<1x256xi32, #tpu.memory_space<vmem>> -> memref<256xi32, #tpu.memory_space<vmem>>
      %dma_start3A_616 = arith.constant 0 : i32
      %dma_start3A_617 = arith.constant 0 : i32
      %dma_start3A_618 = tpu.memref_slice %arg25[%dma_start3A_616, %dma_start3A_617] : memref<10256x64xf32, #tpu.memory_space<vmem_shared>> -> memref<10256x64xf32, #tpu.memory_space<vmem_shared>>
      tpu.enqueue_indirect_dma source(%arg16 : memref<256x64xf32, #tpu.memory_space<vmem>>) target(%dma_start3A_618 : memref<10256x64xf32, #tpu.memory_space<vmem_shared>>) offsets(%dma_start3A_615 : memref<256xi32, #tpu.memory_space<vmem>>) semaphore(%run_scoped3A_612 : memref<!tpu.dma_semaphore, #tpu.memory_space<semaphore_mem>>) {add = true}
      %dma_wait3A_619 = arith.constant 0 : i32
      %dma_wait3A_620 = tpu.memref_slice %arg15[%run_scoped3A_438, %dma_wait3A_619] : memref<20x256xi32, #tpu.memory_space<vmem>> -> memref<1x256xi32, #tpu.memory_space<vmem>>
      %dma_wait3A_621 = tpu.memref_squeeze %dma_wait3A_620 : memref<1x256xi32, #tpu.memory_space<vmem>> -> memref<256xi32, #tpu.memory_space<vmem>>
      %dma_wait3A_622 = arith.constant 0 : i32
      %dma_wait3A_623 = arith.constant 0 : i32
      %dma_wait3A_624 = tpu.memref_slice %arg25[%dma_wait3A_622, %dma_wait3A_623] : memref<10256x64xf32, #tpu.memory_space<vmem_shared>> -> memref<10256x64xf32, #tpu.memory_space<vmem_shared>>
      tpu.wait_indirect_dma semaphore(%run_scoped3A_612 : memref<!tpu.dma_semaphore, #tpu.memory_space<semaphore_mem>>) src(%arg16 : memref<256x64xf32, #tpu.memory_space<vmem>>) dst(%dma_wait3A_624 : memref<10256x64xf32, #tpu.memory_space<vmem_shared>>)
      tpu.yield
    }) : () -> ()
    %dma_wait3A_439 = arith.constant 19 : i32
    %dma_wait3A_440 = arith.constant 0 : i32
    %dma_wait3A_441 = tpu.memref_slice %arg14[%dma_wait3A_439, %dma_wait3A_440] : memref<20x256xi32, #tpu.memory_space<vmem>> -> memref<1x256xi32, #tpu.memory_space<vmem>>
    %dma_wait3A_442 = tpu.memref_squeeze %dma_wait3A_441 : memref<1x256xi32, #tpu.memory_space<vmem>> -> memref<256xi32, #tpu.memory_space<vmem>>
    %dma_wait3A_443 = arith.constant 0 : i32
    %dma_wait3A_444 = arith.constant 0 : i32
    %dma_wait3A_445 = tpu.memref_slice %arg26[%dma_wait3A_443, %dma_wait3A_444] : memref<10240x64xf32, #tpu.memory_space<vmem_shared>> -> memref<10240x64xf32, #tpu.memory_space<vmem_shared>>
    tpu.wait_indirect_dma semaphore(%arg19 : memref<!tpu.dma_semaphore, #tpu.memory_space<semaphore_mem>>) src(%dma_wait3A_445 : memref<10240x64xf32, #tpu.memory_space<vmem_shared>>) dst(%arg17 : memref<256x64xf32, #tpu.memory_space<vmem>>)
    %run_scoped3A_446 = arith.constant 19 : i32
    "tpu.region"() ({
      %run_scoped3A_612 = tpu.sem_alloc : memref<!tpu.dma_semaphore, #tpu.memory_space<semaphore_mem>>
      %dma_start3A_613 = arith.constant 0 : i32
      %dma_start3A_614 = tpu.memref_slice %arg15[%run_scoped3A_446, %dma_start3A_613] : memref<20x256xi32, #tpu.memory_space<vmem>> -> memref<1x256xi32, #tpu.memory_space<vmem>>
      %dma_start3A_615 = tpu.memref_squeeze %dma_start3A_614 : memref<1x256xi32, #tpu.memory_space<vmem>> -> memref<256xi32, #tpu.memory_space<vmem>>
      %dma_start3A_616 = arith.constant 0 : i32
      %dma_start3A_617 = arith.constant 0 : i32
      %dma_start3A_618 = tpu.memref_slice %arg25[%dma_start3A_616, %dma_start3A_617] : memref<10256x64xf32, #tpu.memory_space<vmem_shared>> -> memref<10256x64xf32, #tpu.memory_space<vmem_shared>>
      tpu.enqueue_indirect_dma source(%arg17 : memref<256x64xf32, #tpu.memory_space<vmem>>) target(%dma_start3A_618 : memref<10256x64xf32, #tpu.memory_space<vmem_shared>>) offsets(%dma_start3A_615 : memref<256xi32, #tpu.memory_space<vmem>>) semaphore(%run_scoped3A_612 : memref<!tpu.dma_semaphore, #tpu.memory_space<semaphore_mem>>) {add = true}
      %dma_wait3A_619 = arith.constant 0 : i32
      %dma_wait3A_620 = tpu.memref_slice %arg15[%run_scoped3A_446, %dma_wait3A_619] : memref<20x256xi32, #tpu.memory_space<vmem>> -> memref<1x256xi32, #tpu.memory_space<vmem>>
      %dma_wait3A_621 = tpu.memref_squeeze %dma_wait3A_620 : memref<1x256xi32, #tpu.memory_space<vmem>> -> memref<256xi32, #tpu.memory_space<vmem>>
      %dma_wait3A_622 = arith.constant 0 : i32
      %dma_wait3A_623 = arith.constant 0 : i32
      %dma_wait3A_624 = tpu.memref_slice %arg25[%dma_wait3A_622, %dma_wait3A_623] : memref<10256x64xf32, #tpu.memory_space<vmem_shared>> -> memref<10256x64xf32, #tpu.memory_space<vmem_shared>>
      tpu.wait_indirect_dma semaphore(%run_scoped3A_612 : memref<!tpu.dma_semaphore, #tpu.memory_space<semaphore_mem>>) src(%arg17 : memref<256x64xf32, #tpu.memory_space<vmem>>) dst(%dma_wait3A_624 : memref<10256x64xf32, #tpu.memory_space<vmem_shared>>)
      tpu.yield
    }) : () -> ()
    %barrier3A_447 = arith.constant 0 : index
    tpu.barrier barrier_id(%barrier3A_447)
    %mul3A_448 = arith.constant 640 : i32
    %mul3A_449 = arith.muli %arg1, %mul3A_448 : i32
    %mul3A_450 = arith.constant 640 : i32
    %mul3A_451 = arith.muli %arg1, %mul3A_450 : i32
    %add3A_452 = arith.addi %mul3A_390, %mul3A_451 : i32
    %dma_start3A_453 = arith.constant 0 : i32
    %dma_start3A_454 = tpu.memref_slice %arg13[%add3A_452, %dma_start3A_453] : memref<163840x64xf32, #tpu.memory_space<hbm>> -> memref<640x64xf32, #tpu.memory_space<hbm>>
    %dma_start3A_455 = arith.constant 0 : i32
    %dma_start3A_456 = tpu.memref_slice %arg25[%mul3A_449, %dma_start3A_455] : memref<10256x64xf32, #tpu.memory_space<vmem_shared>> -> memref<640x64xf32, #tpu.memory_space<vmem_shared>>
    tpu.enqueue_dma source(%dma_start3A_456 : memref<640x64xf32, #tpu.memory_space<vmem_shared>>) target(%dma_start3A_454 : memref<640x64xf32, #tpu.memory_space<hbm>>) target_semaphore(%arg22 : memref<!tpu.dma_semaphore, #tpu.memory_space<semaphore_mem>>)
    %dma_wait3A_457 = arith.constant 0 : i32
    %dma_wait3A_458 = tpu.memref_slice %arg13[%add3A_452, %dma_wait3A_457] : memref<163840x64xf32, #tpu.memory_space<hbm>> -> memref<640x64xf32, #tpu.memory_space<hbm>>
    %dma_wait3A_459 = arith.constant 0 : i32
    %dma_wait3A_460 = tpu.memref_slice %arg25[%mul3A_449, %dma_wait3A_459] : memref<10256x64xf32, #tpu.memory_space<vmem_shared>> -> memref<640x64xf32, #tpu.memory_space<vmem_shared>>
    tpu.wait_dma2 semaphore(%arg22 : memref<!tpu.dma_semaphore, #tpu.memory_space<semaphore_mem>>) src(%dma_wait3A_460 : memref<640x64xf32, #tpu.memory_space<vmem_shared>>) dst(%dma_wait3A_458 : memref<640x64xf32, #tpu.memory_space<hbm>>)
    %barrier3A_461 = arith.constant 0 : index
    tpu.barrier barrier_id(%barrier3A_461)
    %add3A_462 = arith.constant 12 : i32
    %add3A_463 = arith.addi %add3A_462, %arg0 : i32
    %mul3A_464 = arith.constant 10240 : i32
    %mul3A_465 = arith.muli %add3A_463, %mul3A_464 : i32
    %mul3A_466 = arith.constant 640 : i32
    %mul3A_467 = arith.muli %arg1, %mul3A_466 : i32
    %dma_start3A_468 = arith.constant 0 : i32
    %dma_start3A_469 = tpu.memref_slice %arg25[%mul3A_467, %dma_start3A_468] : memref<10256x64xf32, #tpu.memory_space<vmem_shared>> -> memref<640x64xf32, #tpu.memory_space<vmem_shared>>
    tpu.enqueue_dma source(%arg12 : memref<640x64xf32, #tpu.memory_space<hbm>>) target(%dma_start3A_469 : memref<640x64xf32, #tpu.memory_space<vmem_shared>>) target_semaphore(%arg22 : memref<!tpu.dma_semaphore, #tpu.memory_space<semaphore_mem>>)
    %mul3A_470 = arith.constant 640 : i32
    %mul3A_471 = arith.muli %arg1, %mul3A_470 : i32
    %mul3A_472 = arith.constant 640 : i32
    %mul3A_473 = arith.muli %arg1, %mul3A_472 : i32
    %dma_start3A_474 = arith.constant 0 : i32
    %dma_start3A_475 = tpu.memref_slice %arg26[%mul3A_473, %dma_start3A_474] : memref<10240x64xf32, #tpu.memory_space<vmem_shared>> -> memref<640x64xf32, #tpu.memory_space<vmem_shared>>
    %dma_start3A_476 = arith.constant 0 : i32
    %dma_start3A_477 = tpu.memref_slice %arg10[%mul3A_471, %dma_start3A_476] : memref<10240x64xf32, #tpu.memory_space<hbm>> -> memref<640x64xf32, #tpu.memory_space<hbm>>
    tpu.enqueue_dma source(%dma_start3A_477 : memref<640x64xf32, #tpu.memory_space<hbm>>) target(%dma_start3A_475 : memref<640x64xf32, #tpu.memory_space<vmem_shared>>) target_semaphore(%arg23 : memref<!tpu.dma_semaphore, #tpu.memory_space<semaphore_mem>>)
    %dma_wait3A_478 = arith.constant 0 : i32
    %dma_wait3A_479 = tpu.memref_slice %arg25[%mul3A_467, %dma_wait3A_478] : memref<10256x64xf32, #tpu.memory_space<vmem_shared>> -> memref<640x64xf32, #tpu.memory_space<vmem_shared>>
    tpu.wait_dma2 semaphore(%arg22 : memref<!tpu.dma_semaphore, #tpu.memory_space<semaphore_mem>>) src(%arg12 : memref<640x64xf32, #tpu.memory_space<hbm>>) dst(%dma_wait3A_479 : memref<640x64xf32, #tpu.memory_space<vmem_shared>>)
    %dma_wait3A_480 = arith.constant 0 : i32
    %dma_wait3A_481 = tpu.memref_slice %arg26[%mul3A_473, %dma_wait3A_480] : memref<10240x64xf32, #tpu.memory_space<vmem_shared>> -> memref<640x64xf32, #tpu.memory_space<vmem_shared>>
    %dma_wait3A_482 = arith.constant 0 : i32
    %dma_wait3A_483 = tpu.memref_slice %arg10[%mul3A_471, %dma_wait3A_482] : memref<10240x64xf32, #tpu.memory_space<hbm>> -> memref<640x64xf32, #tpu.memory_space<hbm>>
    tpu.wait_dma2 semaphore(%arg23 : memref<!tpu.dma_semaphore, #tpu.memory_space<semaphore_mem>>) src(%dma_wait3A_483 : memref<640x64xf32, #tpu.memory_space<hbm>>) dst(%dma_wait3A_481 : memref<640x64xf32, #tpu.memory_space<vmem_shared>>)
    %barrier3A_484 = arith.constant 0 : index
    tpu.barrier barrier_id(%barrier3A_484)
    %dma_start3A_485 = arith.constant 0 : i32
    %dma_start3A_486 = arith.constant 0 : i32
    %dma_start3A_487 = tpu.memref_slice %arg14[%dma_start3A_485, %dma_start3A_486] : memref<20x256xi32, #tpu.memory_space<vmem>> -> memref<1x256xi32, #tpu.memory_space<vmem>>
    %dma_start3A_488 = tpu.memref_squeeze %dma_start3A_487 : memref<1x256xi32, #tpu.memory_space<vmem>> -> memref<256xi32, #tpu.memory_space<vmem>>
    %dma_start3A_489 = arith.constant 0 : i32
    %dma_start3A_490 = arith.constant 0 : i32
    %dma_start3A_491 = tpu.memref_slice %arg26[%dma_start3A_489, %dma_start3A_490] : memref<10240x64xf32, #tpu.memory_space<vmem_shared>> -> memref<10240x64xf32, #tpu.memory_space<vmem_shared>>
    tpu.enqueue_indirect_dma source(%dma_start3A_491 : memref<10240x64xf32, #tpu.memory_space<vmem_shared>>) target(%arg16 : memref<256x64xf32, #tpu.memory_space<vmem>>) offsets(%dma_start3A_488 : memref<256xi32, #tpu.memory_space<vmem>>) semaphore(%arg18 : memref<!tpu.dma_semaphore, #tpu.memory_space<semaphore_mem>>)
    %dma_start3A_492 = arith.constant 1 : i32
    %dma_start3A_493 = arith.constant 0 : i32
    %dma_start3A_494 = tpu.memref_slice %arg14[%dma_start3A_492, %dma_start3A_493] : memref<20x256xi32, #tpu.memory_space<vmem>> -> memref<1x256xi32, #tpu.memory_space<vmem>>
    %dma_start3A_495 = tpu.memref_squeeze %dma_start3A_494 : memref<1x256xi32, #tpu.memory_space<vmem>> -> memref<256xi32, #tpu.memory_space<vmem>>
    %dma_start3A_496 = arith.constant 0 : i32
    %dma_start3A_497 = arith.constant 0 : i32
    %dma_start3A_498 = tpu.memref_slice %arg26[%dma_start3A_496, %dma_start3A_497] : memref<10240x64xf32, #tpu.memory_space<vmem_shared>> -> memref<10240x64xf32, #tpu.memory_space<vmem_shared>>
    tpu.enqueue_indirect_dma source(%dma_start3A_498 : memref<10240x64xf32, #tpu.memory_space<vmem_shared>>) target(%arg17 : memref<256x64xf32, #tpu.memory_space<vmem>>) offsets(%dma_start3A_495 : memref<256xi32, #tpu.memory_space<vmem>>) semaphore(%arg19 : memref<!tpu.dma_semaphore, #tpu.memory_space<semaphore_mem>>)
    %scan3A_499 = arith.constant 0 : i32
    %scan3A_500 = arith.constant 0 : i32
    %scan3A_501 = arith.constant 9 : i32
    %scan3A_502 = arith.addi %scan3A_500, %scan3A_501 : i32
    %scan3A_503 = arith.constant 1 : i32
    %scan3A_504 = scf.for %scan3A_612 = %scan3A_500 to %scan3A_502 step %scan3A_503 iter_args(%scan3A_613 = %scan3A_499) -> (i32)  : i32 {
      %mul3A_614 = arith.constant 2 : i32
      %mul3A_615 = arith.muli %mul3A_614, %scan3A_612 : i32
      %dma_wait3A_616 = arith.constant 0 : i32
      %dma_wait3A_617 = tpu.memref_slice %arg14[%mul3A_615, %dma_wait3A_616] : memref<20x256xi32, #tpu.memory_space<vmem>> -> memref<1x256xi32, #tpu.memory_space<vmem>>
      %dma_wait3A_618 = tpu.memref_squeeze %dma_wait3A_617 : memref<1x256xi32, #tpu.memory_space<vmem>> -> memref<256xi32, #tpu.memory_space<vmem>>
      %dma_wait3A_619 = arith.constant 0 : i32
      %dma_wait3A_620 = arith.constant 0 : i32
      %dma_wait3A_621 = tpu.memref_slice %arg26[%dma_wait3A_619, %dma_wait3A_620] : memref<10240x64xf32, #tpu.memory_space<vmem_shared>> -> memref<10240x64xf32, #tpu.memory_space<vmem_shared>>
      tpu.wait_indirect_dma semaphore(%arg18 : memref<!tpu.dma_semaphore, #tpu.memory_space<semaphore_mem>>) src(%dma_wait3A_621 : memref<10240x64xf32, #tpu.memory_space<vmem_shared>>) dst(%arg16 : memref<256x64xf32, #tpu.memory_space<vmem>>)
      %dma_start3A_622 = arith.constant 0 : i32
      %dma_start3A_623 = tpu.memref_slice %arg15[%mul3A_615, %dma_start3A_622] : memref<20x256xi32, #tpu.memory_space<vmem>> -> memref<1x256xi32, #tpu.memory_space<vmem>>
      %dma_start3A_624 = tpu.memref_squeeze %dma_start3A_623 : memref<1x256xi32, #tpu.memory_space<vmem>> -> memref<256xi32, #tpu.memory_space<vmem>>
      %dma_start3A_625 = arith.constant 0 : i32
      %dma_start3A_626 = arith.constant 0 : i32
      %dma_start3A_627 = tpu.memref_slice %arg25[%dma_start3A_625, %dma_start3A_626] : memref<10256x64xf32, #tpu.memory_space<vmem_shared>> -> memref<10256x64xf32, #tpu.memory_space<vmem_shared>>
      tpu.enqueue_indirect_dma source(%arg16 : memref<256x64xf32, #tpu.memory_space<vmem>>) target(%dma_start3A_627 : memref<10256x64xf32, #tpu.memory_space<vmem_shared>>) offsets(%dma_start3A_624 : memref<256xi32, #tpu.memory_space<vmem>>) semaphore(%arg20 : memref<!tpu.dma_semaphore, #tpu.memory_space<semaphore_mem>>) {add = true}
      %add3A_628 = arith.constant 1 : i32
      %add3A_629 = arith.addi %mul3A_615, %add3A_628 : i32
      %dma_wait3A_630 = arith.constant 0 : i32
      %dma_wait3A_631 = tpu.memref_slice %arg14[%add3A_629, %dma_wait3A_630] : memref<20x256xi32, #tpu.memory_space<vmem>> -> memref<1x256xi32, #tpu.memory_space<vmem>>
      %dma_wait3A_632 = tpu.memref_squeeze %dma_wait3A_631 : memref<1x256xi32, #tpu.memory_space<vmem>> -> memref<256xi32, #tpu.memory_space<vmem>>
      %dma_wait3A_633 = arith.constant 0 : i32
      %dma_wait3A_634 = arith.constant 0 : i32
      %dma_wait3A_635 = tpu.memref_slice %arg26[%dma_wait3A_633, %dma_wait3A_634] : memref<10240x64xf32, #tpu.memory_space<vmem_shared>> -> memref<10240x64xf32, #tpu.memory_space<vmem_shared>>
      tpu.wait_indirect_dma semaphore(%arg19 : memref<!tpu.dma_semaphore, #tpu.memory_space<semaphore_mem>>) src(%dma_wait3A_635 : memref<10240x64xf32, #tpu.memory_space<vmem_shared>>) dst(%arg17 : memref<256x64xf32, #tpu.memory_space<vmem>>)
      %add3A_636 = arith.constant 1 : i32
      %add3A_637 = arith.addi %mul3A_615, %add3A_636 : i32
      %dma_start3A_638 = arith.constant 0 : i32
      %dma_start3A_639 = tpu.memref_slice %arg15[%add3A_637, %dma_start3A_638] : memref<20x256xi32, #tpu.memory_space<vmem>> -> memref<1x256xi32, #tpu.memory_space<vmem>>
      %dma_start3A_640 = tpu.memref_squeeze %dma_start3A_639 : memref<1x256xi32, #tpu.memory_space<vmem>> -> memref<256xi32, #tpu.memory_space<vmem>>
      %dma_start3A_641 = arith.constant 0 : i32
      %dma_start3A_642 = arith.constant 0 : i32
      %dma_start3A_643 = tpu.memref_slice %arg25[%dma_start3A_641, %dma_start3A_642] : memref<10256x64xf32, #tpu.memory_space<vmem_shared>> -> memref<10256x64xf32, #tpu.memory_space<vmem_shared>>
      tpu.enqueue_indirect_dma source(%arg17 : memref<256x64xf32, #tpu.memory_space<vmem>>) target(%dma_start3A_643 : memref<10256x64xf32, #tpu.memory_space<vmem_shared>>) offsets(%dma_start3A_640 : memref<256xi32, #tpu.memory_space<vmem>>) semaphore(%arg21 : memref<!tpu.dma_semaphore, #tpu.memory_space<semaphore_mem>>) {add = true}
      %dma_wait3A_644 = arith.constant 0 : i32
      %dma_wait3A_645 = tpu.memref_slice %arg15[%mul3A_615, %dma_wait3A_644] : memref<20x256xi32, #tpu.memory_space<vmem>> -> memref<1x256xi32, #tpu.memory_space<vmem>>
      %dma_wait3A_646 = tpu.memref_squeeze %dma_wait3A_645 : memref<1x256xi32, #tpu.memory_space<vmem>> -> memref<256xi32, #tpu.memory_space<vmem>>
      %dma_wait3A_647 = arith.constant 0 : i32
      %dma_wait3A_648 = arith.constant 0 : i32
      %dma_wait3A_649 = tpu.memref_slice %arg25[%dma_wait3A_647, %dma_wait3A_648] : memref<10256x64xf32, #tpu.memory_space<vmem_shared>> -> memref<10256x64xf32, #tpu.memory_space<vmem_shared>>
      tpu.wait_indirect_dma semaphore(%arg20 : memref<!tpu.dma_semaphore, #tpu.memory_space<semaphore_mem>>) src(%arg16 : memref<256x64xf32, #tpu.memory_space<vmem>>) dst(%dma_wait3A_649 : memref<10256x64xf32, #tpu.memory_space<vmem_shared>>)
      %add3A_650 = arith.constant 2 : i32
      %add3A_651 = arith.addi %mul3A_615, %add3A_650 : i32
      %dma_start3A_652 = arith.constant 0 : i32
      %dma_start3A_653 = tpu.memref_slice %arg14[%add3A_651, %dma_start3A_652] : memref<20x256xi32, #tpu.memory_space<vmem>> -> memref<1x256xi32, #tpu.memory_space<vmem>>
      %dma_start3A_654 = tpu.memref_squeeze %dma_start3A_653 : memref<1x256xi32, #tpu.memory_space<vmem>> -> memref<256xi32, #tpu.memory_space<vmem>>
      %dma_start3A_655 = arith.constant 0 : i32
      %dma_start3A_656 = arith.constant 0 : i32
      %dma_start3A_657 = tpu.memref_slice %arg26[%dma_start3A_655, %dma_start3A_656] : memref<10240x64xf32, #tpu.memory_space<vmem_shared>> -> memref<10240x64xf32, #tpu.memory_space<vmem_shared>>
      tpu.enqueue_indirect_dma source(%dma_start3A_657 : memref<10240x64xf32, #tpu.memory_space<vmem_shared>>) target(%arg16 : memref<256x64xf32, #tpu.memory_space<vmem>>) offsets(%dma_start3A_654 : memref<256xi32, #tpu.memory_space<vmem>>) semaphore(%arg18 : memref<!tpu.dma_semaphore, #tpu.memory_space<semaphore_mem>>)
      %add3A_658 = arith.constant 1 : i32
      %add3A_659 = arith.addi %mul3A_615, %add3A_658 : i32
      %dma_wait3A_660 = arith.constant 0 : i32
      %dma_wait3A_661 = tpu.memref_slice %arg15[%add3A_659, %dma_wait3A_660] : memref<20x256xi32, #tpu.memory_space<vmem>> -> memref<1x256xi32, #tpu.memory_space<vmem>>
      %dma_wait3A_662 = tpu.memref_squeeze %dma_wait3A_661 : memref<1x256xi32, #tpu.memory_space<vmem>> -> memref<256xi32, #tpu.memory_space<vmem>>
      %dma_wait3A_663 = arith.constant 0 : i32
      %dma_wait3A_664 = arith.constant 0 : i32
      %dma_wait3A_665 = tpu.memref_slice %arg25[%dma_wait3A_663, %dma_wait3A_664] : memref<10256x64xf32, #tpu.memory_space<vmem_shared>> -> memref<10256x64xf32, #tpu.memory_space<vmem_shared>>
      tpu.wait_indirect_dma semaphore(%arg21 : memref<!tpu.dma_semaphore, #tpu.memory_space<semaphore_mem>>) src(%arg17 : memref<256x64xf32, #tpu.memory_space<vmem>>) dst(%dma_wait3A_665 : memref<10256x64xf32, #tpu.memory_space<vmem_shared>>)
      %add3A_666 = arith.constant 3 : i32
      %add3A_667 = arith.addi %mul3A_615, %add3A_666 : i32
      %dma_start3A_668 = arith.constant 0 : i32
      %dma_start3A_669 = tpu.memref_slice %arg14[%add3A_667, %dma_start3A_668] : memref<20x256xi32, #tpu.memory_space<vmem>> -> memref<1x256xi32, #tpu.memory_space<vmem>>
      %dma_start3A_670 = tpu.memref_squeeze %dma_start3A_669 : memref<1x256xi32, #tpu.memory_space<vmem>> -> memref<256xi32, #tpu.memory_space<vmem>>
      %dma_start3A_671 = arith.constant 0 : i32
      %dma_start3A_672 = arith.constant 0 : i32
      %dma_start3A_673 = tpu.memref_slice %arg26[%dma_start3A_671, %dma_start3A_672] : memref<10240x64xf32, #tpu.memory_space<vmem_shared>> -> memref<10240x64xf32, #tpu.memory_space<vmem_shared>>
      tpu.enqueue_indirect_dma source(%dma_start3A_673 : memref<10240x64xf32, #tpu.memory_space<vmem_shared>>) target(%arg17 : memref<256x64xf32, #tpu.memory_space<vmem>>) offsets(%dma_start3A_670 : memref<256xi32, #tpu.memory_space<vmem>>) semaphore(%arg19 : memref<!tpu.dma_semaphore, #tpu.memory_space<semaphore_mem>>)
      %scan3A_674 = arith.constant 0 : i32
      scf.yield %scan3A_674 : i32
    }
    %scan3A_505 = arith.constant 9 : i32
    %dma_wait3A_506 = arith.constant 18 : i32
    %dma_wait3A_507 = arith.constant 0 : i32
    %dma_wait3A_508 = tpu.memref_slice %arg14[%dma_wait3A_506, %dma_wait3A_507] : memref<20x256xi32, #tpu.memory_space<vmem>> -> memref<1x256xi32, #tpu.memory_space<vmem>>
    %dma_wait3A_509 = tpu.memref_squeeze %dma_wait3A_508 : memref<1x256xi32, #tpu.memory_space<vmem>> -> memref<256xi32, #tpu.memory_space<vmem>>
    %dma_wait3A_510 = arith.constant 0 : i32
    %dma_wait3A_511 = arith.constant 0 : i32
    %dma_wait3A_512 = tpu.memref_slice %arg26[%dma_wait3A_510, %dma_wait3A_511] : memref<10240x64xf32, #tpu.memory_space<vmem_shared>> -> memref<10240x64xf32, #tpu.memory_space<vmem_shared>>
    tpu.wait_indirect_dma semaphore(%arg18 : memref<!tpu.dma_semaphore, #tpu.memory_space<semaphore_mem>>) src(%dma_wait3A_512 : memref<10240x64xf32, #tpu.memory_space<vmem_shared>>) dst(%arg16 : memref<256x64xf32, #tpu.memory_space<vmem>>)
    %run_scoped3A_513 = arith.constant 18 : i32
    "tpu.region"() ({
      %run_scoped3A_612 = tpu.sem_alloc : memref<!tpu.dma_semaphore, #tpu.memory_space<semaphore_mem>>
      %dma_start3A_613 = arith.constant 0 : i32
      %dma_start3A_614 = tpu.memref_slice %arg15[%run_scoped3A_513, %dma_start3A_613] : memref<20x256xi32, #tpu.memory_space<vmem>> -> memref<1x256xi32, #tpu.memory_space<vmem>>
      %dma_start3A_615 = tpu.memref_squeeze %dma_start3A_614 : memref<1x256xi32, #tpu.memory_space<vmem>> -> memref<256xi32, #tpu.memory_space<vmem>>
      %dma_start3A_616 = arith.constant 0 : i32
      %dma_start3A_617 = arith.constant 0 : i32
      %dma_start3A_618 = tpu.memref_slice %arg25[%dma_start3A_616, %dma_start3A_617] : memref<10256x64xf32, #tpu.memory_space<vmem_shared>> -> memref<10256x64xf32, #tpu.memory_space<vmem_shared>>
      tpu.enqueue_indirect_dma source(%arg16 : memref<256x64xf32, #tpu.memory_space<vmem>>) target(%dma_start3A_618 : memref<10256x64xf32, #tpu.memory_space<vmem_shared>>) offsets(%dma_start3A_615 : memref<256xi32, #tpu.memory_space<vmem>>) semaphore(%run_scoped3A_612 : memref<!tpu.dma_semaphore, #tpu.memory_space<semaphore_mem>>) {add = true}
      %dma_wait3A_619 = arith.constant 0 : i32
      %dma_wait3A_620 = tpu.memref_slice %arg15[%run_scoped3A_513, %dma_wait3A_619] : memref<20x256xi32, #tpu.memory_space<vmem>> -> memref<1x256xi32, #tpu.memory_space<vmem>>
      %dma_wait3A_621 = tpu.memref_squeeze %dma_wait3A_620 : memref<1x256xi32, #tpu.memory_space<vmem>> -> memref<256xi32, #tpu.memory_space<vmem>>
      %dma_wait3A_622 = arith.constant 0 : i32
      %dma_wait3A_623 = arith.constant 0 : i32
      %dma_wait3A_624 = tpu.memref_slice %arg25[%dma_wait3A_622, %dma_wait3A_623] : memref<10256x64xf32, #tpu.memory_space<vmem_shared>> -> memref<10256x64xf32, #tpu.memory_space<vmem_shared>>
      tpu.wait_indirect_dma semaphore(%run_scoped3A_612 : memref<!tpu.dma_semaphore, #tpu.memory_space<semaphore_mem>>) src(%arg16 : memref<256x64xf32, #tpu.memory_space<vmem>>) dst(%dma_wait3A_624 : memref<10256x64xf32, #tpu.memory_space<vmem_shared>>)
      tpu.yield
    }) : () -> ()
    %dma_wait3A_514 = arith.constant 19 : i32
    %dma_wait3A_515 = arith.constant 0 : i32
    %dma_wait3A_516 = tpu.memref_slice %arg14[%dma_wait3A_514, %dma_wait3A_515] : memref<20x256xi32, #tpu.memory_space<vmem>> -> memref<1x256xi32, #tpu.memory_space<vmem>>
    %dma_wait3A_517 = tpu.memref_squeeze %dma_wait3A_516 : memref<1x256xi32, #tpu.memory_space<vmem>> -> memref<256xi32, #tpu.memory_space<vmem>>
    %dma_wait3A_518 = arith.constant 0 : i32
    %dma_wait3A_519 = arith.constant 0 : i32
    %dma_wait3A_520 = tpu.memref_slice %arg26[%dma_wait3A_518, %dma_wait3A_519] : memref<10240x64xf32, #tpu.memory_space<vmem_shared>> -> memref<10240x64xf32, #tpu.memory_space<vmem_shared>>
    tpu.wait_indirect_dma semaphore(%arg19 : memref<!tpu.dma_semaphore, #tpu.memory_space<semaphore_mem>>) src(%dma_wait3A_520 : memref<10240x64xf32, #tpu.memory_space<vmem_shared>>) dst(%arg17 : memref<256x64xf32, #tpu.memory_space<vmem>>)
    %run_scoped3A_521 = arith.constant 19 : i32
    "tpu.region"() ({
      %run_scoped3A_612 = tpu.sem_alloc : memref<!tpu.dma_semaphore, #tpu.memory_space<semaphore_mem>>
      %dma_start3A_613 = arith.constant 0 : i32
      %dma_start3A_614 = tpu.memref_slice %arg15[%run_scoped3A_521, %dma_start3A_613] : memref<20x256xi32, #tpu.memory_space<vmem>> -> memref<1x256xi32, #tpu.memory_space<vmem>>
      %dma_start3A_615 = tpu.memref_squeeze %dma_start3A_614 : memref<1x256xi32, #tpu.memory_space<vmem>> -> memref<256xi32, #tpu.memory_space<vmem>>
      %dma_start3A_616 = arith.constant 0 : i32
      %dma_start3A_617 = arith.constant 0 : i32
      %dma_start3A_618 = tpu.memref_slice %arg25[%dma_start3A_616, %dma_start3A_617] : memref<10256x64xf32, #tpu.memory_space<vmem_shared>> -> memref<10256x64xf32, #tpu.memory_space<vmem_shared>>
      tpu.enqueue_indirect_dma source(%arg17 : memref<256x64xf32, #tpu.memory_space<vmem>>) target(%dma_start3A_618 : memref<10256x64xf32, #tpu.memory_space<vmem_shared>>) offsets(%dma_start3A_615 : memref<256xi32, #tpu.memory_space<vmem>>) semaphore(%run_scoped3A_612 : memref<!tpu.dma_semaphore, #tpu.memory_space<semaphore_mem>>) {add = true}
      %dma_wait3A_619 = arith.constant 0 : i32
      %dma_wait3A_620 = tpu.memref_slice %arg15[%run_scoped3A_521, %dma_wait3A_619] : memref<20x256xi32, #tpu.memory_space<vmem>> -> memref<1x256xi32, #tpu.memory_space<vmem>>
      %dma_wait3A_621 = tpu.memref_squeeze %dma_wait3A_620 : memref<1x256xi32, #tpu.memory_space<vmem>> -> memref<256xi32, #tpu.memory_space<vmem>>
      %dma_wait3A_622 = arith.constant 0 : i32
      %dma_wait3A_623 = arith.constant 0 : i32
      %dma_wait3A_624 = tpu.memref_slice %arg25[%dma_wait3A_622, %dma_wait3A_623] : memref<10256x64xf32, #tpu.memory_space<vmem_shared>> -> memref<10256x64xf32, #tpu.memory_space<vmem_shared>>
      tpu.wait_indirect_dma semaphore(%run_scoped3A_612 : memref<!tpu.dma_semaphore, #tpu.memory_space<semaphore_mem>>) src(%arg17 : memref<256x64xf32, #tpu.memory_space<vmem>>) dst(%dma_wait3A_624 : memref<10256x64xf32, #tpu.memory_space<vmem_shared>>)
      tpu.yield
    }) : () -> ()
    %barrier3A_522 = arith.constant 0 : index
    tpu.barrier barrier_id(%barrier3A_522)
    %mul3A_523 = arith.constant 640 : i32
    %mul3A_524 = arith.muli %arg1, %mul3A_523 : i32
    %mul3A_525 = arith.constant 640 : i32
    %mul3A_526 = arith.muli %arg1, %mul3A_525 : i32
    %add3A_527 = arith.addi %mul3A_465, %mul3A_526 : i32
    %dma_start3A_528 = arith.constant 0 : i32
    %dma_start3A_529 = tpu.memref_slice %arg13[%add3A_527, %dma_start3A_528] : memref<163840x64xf32, #tpu.memory_space<hbm>> -> memref<640x64xf32, #tpu.memory_space<hbm>>
    %dma_start3A_530 = arith.constant 0 : i32
    %dma_start3A_531 = tpu.memref_slice %arg25[%mul3A_524, %dma_start3A_530] : memref<10256x64xf32, #tpu.memory_space<vmem_shared>> -> memref<640x64xf32, #tpu.memory_space<vmem_shared>>
    tpu.enqueue_dma source(%dma_start3A_531 : memref<640x64xf32, #tpu.memory_space<vmem_shared>>) target(%dma_start3A_529 : memref<640x64xf32, #tpu.memory_space<hbm>>) target_semaphore(%arg22 : memref<!tpu.dma_semaphore, #tpu.memory_space<semaphore_mem>>)
    %dma_wait3A_532 = arith.constant 0 : i32
    %dma_wait3A_533 = tpu.memref_slice %arg13[%add3A_527, %dma_wait3A_532] : memref<163840x64xf32, #tpu.memory_space<hbm>> -> memref<640x64xf32, #tpu.memory_space<hbm>>
    %dma_wait3A_534 = arith.constant 0 : i32
    %dma_wait3A_535 = tpu.memref_slice %arg25[%mul3A_524, %dma_wait3A_534] : memref<10256x64xf32, #tpu.memory_space<vmem_shared>> -> memref<640x64xf32, #tpu.memory_space<vmem_shared>>
    tpu.wait_dma2 semaphore(%arg22 : memref<!tpu.dma_semaphore, #tpu.memory_space<semaphore_mem>>) src(%dma_wait3A_535 : memref<640x64xf32, #tpu.memory_space<vmem_shared>>) dst(%dma_wait3A_533 : memref<640x64xf32, #tpu.memory_space<hbm>>)
    %barrier3A_536 = arith.constant 0 : index
    tpu.barrier barrier_id(%barrier3A_536)
    %add3A_537 = arith.constant 14 : i32
    %add3A_538 = arith.addi %add3A_537, %arg0 : i32
    %mul3A_539 = arith.constant 10240 : i32
    %mul3A_540 = arith.muli %add3A_538, %mul3A_539 : i32
    %mul3A_541 = arith.constant 640 : i32
    %mul3A_542 = arith.muli %arg1, %mul3A_541 : i32
    %dma_start3A_543 = arith.constant 0 : i32
    %dma_start3A_544 = tpu.memref_slice %arg25[%mul3A_542, %dma_start3A_543] : memref<10256x64xf32, #tpu.memory_space<vmem_shared>> -> memref<640x64xf32, #tpu.memory_space<vmem_shared>>
    tpu.enqueue_dma source(%arg12 : memref<640x64xf32, #tpu.memory_space<hbm>>) target(%dma_start3A_544 : memref<640x64xf32, #tpu.memory_space<vmem_shared>>) target_semaphore(%arg22 : memref<!tpu.dma_semaphore, #tpu.memory_space<semaphore_mem>>)
    %mul3A_545 = arith.constant 640 : i32
    %mul3A_546 = arith.muli %arg1, %mul3A_545 : i32
    %mul3A_547 = arith.constant 640 : i32
    %mul3A_548 = arith.muli %arg1, %mul3A_547 : i32
    %dma_start3A_549 = arith.constant 0 : i32
    %dma_start3A_550 = tpu.memref_slice %arg26[%mul3A_548, %dma_start3A_549] : memref<10240x64xf32, #tpu.memory_space<vmem_shared>> -> memref<640x64xf32, #tpu.memory_space<vmem_shared>>
    %dma_start3A_551 = arith.constant 0 : i32
    %dma_start3A_552 = tpu.memref_slice %arg11[%mul3A_546, %dma_start3A_551] : memref<10240x64xf32, #tpu.memory_space<hbm>> -> memref<640x64xf32, #tpu.memory_space<hbm>>
    tpu.enqueue_dma source(%dma_start3A_552 : memref<640x64xf32, #tpu.memory_space<hbm>>) target(%dma_start3A_550 : memref<640x64xf32, #tpu.memory_space<vmem_shared>>) target_semaphore(%arg23 : memref<!tpu.dma_semaphore, #tpu.memory_space<semaphore_mem>>)
    %dma_wait3A_553 = arith.constant 0 : i32
    %dma_wait3A_554 = tpu.memref_slice %arg25[%mul3A_542, %dma_wait3A_553] : memref<10256x64xf32, #tpu.memory_space<vmem_shared>> -> memref<640x64xf32, #tpu.memory_space<vmem_shared>>
    tpu.wait_dma2 semaphore(%arg22 : memref<!tpu.dma_semaphore, #tpu.memory_space<semaphore_mem>>) src(%arg12 : memref<640x64xf32, #tpu.memory_space<hbm>>) dst(%dma_wait3A_554 : memref<640x64xf32, #tpu.memory_space<vmem_shared>>)
    %dma_wait3A_555 = arith.constant 0 : i32
    %dma_wait3A_556 = tpu.memref_slice %arg26[%mul3A_548, %dma_wait3A_555] : memref<10240x64xf32, #tpu.memory_space<vmem_shared>> -> memref<640x64xf32, #tpu.memory_space<vmem_shared>>
    %dma_wait3A_557 = arith.constant 0 : i32
    %dma_wait3A_558 = tpu.memref_slice %arg11[%mul3A_546, %dma_wait3A_557] : memref<10240x64xf32, #tpu.memory_space<hbm>> -> memref<640x64xf32, #tpu.memory_space<hbm>>
    tpu.wait_dma2 semaphore(%arg23 : memref<!tpu.dma_semaphore, #tpu.memory_space<semaphore_mem>>) src(%dma_wait3A_558 : memref<640x64xf32, #tpu.memory_space<hbm>>) dst(%dma_wait3A_556 : memref<640x64xf32, #tpu.memory_space<vmem_shared>>)
    %barrier3A_559 = arith.constant 0 : index
    tpu.barrier barrier_id(%barrier3A_559)
    %dma_start3A_560 = arith.constant 0 : i32
    %dma_start3A_561 = arith.constant 0 : i32
    %dma_start3A_562 = tpu.memref_slice %arg14[%dma_start3A_560, %dma_start3A_561] : memref<20x256xi32, #tpu.memory_space<vmem>> -> memref<1x256xi32, #tpu.memory_space<vmem>>
    %dma_start3A_563 = tpu.memref_squeeze %dma_start3A_562 : memref<1x256xi32, #tpu.memory_space<vmem>> -> memref<256xi32, #tpu.memory_space<vmem>>
    %dma_start3A_564 = arith.constant 0 : i32
    %dma_start3A_565 = arith.constant 0 : i32
    %dma_start3A_566 = tpu.memref_slice %arg26[%dma_start3A_564, %dma_start3A_565] : memref<10240x64xf32, #tpu.memory_space<vmem_shared>> -> memref<10240x64xf32, #tpu.memory_space<vmem_shared>>
    tpu.enqueue_indirect_dma source(%dma_start3A_566 : memref<10240x64xf32, #tpu.memory_space<vmem_shared>>) target(%arg16 : memref<256x64xf32, #tpu.memory_space<vmem>>) offsets(%dma_start3A_563 : memref<256xi32, #tpu.memory_space<vmem>>) semaphore(%arg18 : memref<!tpu.dma_semaphore, #tpu.memory_space<semaphore_mem>>)
    %dma_start3A_567 = arith.constant 1 : i32
    %dma_start3A_568 = arith.constant 0 : i32
    %dma_start3A_569 = tpu.memref_slice %arg14[%dma_start3A_567, %dma_start3A_568] : memref<20x256xi32, #tpu.memory_space<vmem>> -> memref<1x256xi32, #tpu.memory_space<vmem>>
    %dma_start3A_570 = tpu.memref_squeeze %dma_start3A_569 : memref<1x256xi32, #tpu.memory_space<vmem>> -> memref<256xi32, #tpu.memory_space<vmem>>
    %dma_start3A_571 = arith.constant 0 : i32
    %dma_start3A_572 = arith.constant 0 : i32
    %dma_start3A_573 = tpu.memref_slice %arg26[%dma_start3A_571, %dma_start3A_572] : memref<10240x64xf32, #tpu.memory_space<vmem_shared>> -> memref<10240x64xf32, #tpu.memory_space<vmem_shared>>
    tpu.enqueue_indirect_dma source(%dma_start3A_573 : memref<10240x64xf32, #tpu.memory_space<vmem_shared>>) target(%arg17 : memref<256x64xf32, #tpu.memory_space<vmem>>) offsets(%dma_start3A_570 : memref<256xi32, #tpu.memory_space<vmem>>) semaphore(%arg19 : memref<!tpu.dma_semaphore, #tpu.memory_space<semaphore_mem>>)
    %scan3A_574 = arith.constant 0 : i32
    %scan3A_575 = arith.constant 0 : i32
    %scan3A_576 = arith.constant 9 : i32
    %scan3A_577 = arith.addi %scan3A_575, %scan3A_576 : i32
    %scan3A_578 = arith.constant 1 : i32
    %scan3A_579 = scf.for %scan3A_612 = %scan3A_575 to %scan3A_577 step %scan3A_578 iter_args(%scan3A_613 = %scan3A_574) -> (i32)  : i32 {
      %mul3A_614 = arith.constant 2 : i32
      %mul3A_615 = arith.muli %mul3A_614, %scan3A_612 : i32
      %dma_wait3A_616 = arith.constant 0 : i32
      %dma_wait3A_617 = tpu.memref_slice %arg14[%mul3A_615, %dma_wait3A_616] : memref<20x256xi32, #tpu.memory_space<vmem>> -> memref<1x256xi32, #tpu.memory_space<vmem>>
      %dma_wait3A_618 = tpu.memref_squeeze %dma_wait3A_617 : memref<1x256xi32, #tpu.memory_space<vmem>> -> memref<256xi32, #tpu.memory_space<vmem>>
      %dma_wait3A_619 = arith.constant 0 : i32
      %dma_wait3A_620 = arith.constant 0 : i32
      %dma_wait3A_621 = tpu.memref_slice %arg26[%dma_wait3A_619, %dma_wait3A_620] : memref<10240x64xf32, #tpu.memory_space<vmem_shared>> -> memref<10240x64xf32, #tpu.memory_space<vmem_shared>>
      tpu.wait_indirect_dma semaphore(%arg18 : memref<!tpu.dma_semaphore, #tpu.memory_space<semaphore_mem>>) src(%dma_wait3A_621 : memref<10240x64xf32, #tpu.memory_space<vmem_shared>>) dst(%arg16 : memref<256x64xf32, #tpu.memory_space<vmem>>)
      %dma_start3A_622 = arith.constant 0 : i32
      %dma_start3A_623 = tpu.memref_slice %arg15[%mul3A_615, %dma_start3A_622] : memref<20x256xi32, #tpu.memory_space<vmem>> -> memref<1x256xi32, #tpu.memory_space<vmem>>
      %dma_start3A_624 = tpu.memref_squeeze %dma_start3A_623 : memref<1x256xi32, #tpu.memory_space<vmem>> -> memref<256xi32, #tpu.memory_space<vmem>>
      %dma_start3A_625 = arith.constant 0 : i32
      %dma_start3A_626 = arith.constant 0 : i32
      %dma_start3A_627 = tpu.memref_slice %arg25[%dma_start3A_625, %dma_start3A_626] : memref<10256x64xf32, #tpu.memory_space<vmem_shared>> -> memref<10256x64xf32, #tpu.memory_space<vmem_shared>>
      tpu.enqueue_indirect_dma source(%arg16 : memref<256x64xf32, #tpu.memory_space<vmem>>) target(%dma_start3A_627 : memref<10256x64xf32, #tpu.memory_space<vmem_shared>>) offsets(%dma_start3A_624 : memref<256xi32, #tpu.memory_space<vmem>>) semaphore(%arg20 : memref<!tpu.dma_semaphore, #tpu.memory_space<semaphore_mem>>) {add = true}
      %add3A_628 = arith.constant 1 : i32
      %add3A_629 = arith.addi %mul3A_615, %add3A_628 : i32
      %dma_wait3A_630 = arith.constant 0 : i32
      %dma_wait3A_631 = tpu.memref_slice %arg14[%add3A_629, %dma_wait3A_630] : memref<20x256xi32, #tpu.memory_space<vmem>> -> memref<1x256xi32, #tpu.memory_space<vmem>>
      %dma_wait3A_632 = tpu.memref_squeeze %dma_wait3A_631 : memref<1x256xi32, #tpu.memory_space<vmem>> -> memref<256xi32, #tpu.memory_space<vmem>>
      %dma_wait3A_633 = arith.constant 0 : i32
      %dma_wait3A_634 = arith.constant 0 : i32
      %dma_wait3A_635 = tpu.memref_slice %arg26[%dma_wait3A_633, %dma_wait3A_634] : memref<10240x64xf32, #tpu.memory_space<vmem_shared>> -> memref<10240x64xf32, #tpu.memory_space<vmem_shared>>
      tpu.wait_indirect_dma semaphore(%arg19 : memref<!tpu.dma_semaphore, #tpu.memory_space<semaphore_mem>>) src(%dma_wait3A_635 : memref<10240x64xf32, #tpu.memory_space<vmem_shared>>) dst(%arg17 : memref<256x64xf32, #tpu.memory_space<vmem>>)
      %add3A_636 = arith.constant 1 : i32
      %add3A_637 = arith.addi %mul3A_615, %add3A_636 : i32
      %dma_start3A_638 = arith.constant 0 : i32
      %dma_start3A_639 = tpu.memref_slice %arg15[%add3A_637, %dma_start3A_638] : memref<20x256xi32, #tpu.memory_space<vmem>> -> memref<1x256xi32, #tpu.memory_space<vmem>>
      %dma_start3A_640 = tpu.memref_squeeze %dma_start3A_639 : memref<1x256xi32, #tpu.memory_space<vmem>> -> memref<256xi32, #tpu.memory_space<vmem>>
      %dma_start3A_641 = arith.constant 0 : i32
      %dma_start3A_642 = arith.constant 0 : i32
      %dma_start3A_643 = tpu.memref_slice %arg25[%dma_start3A_641, %dma_start3A_642] : memref<10256x64xf32, #tpu.memory_space<vmem_shared>> -> memref<10256x64xf32, #tpu.memory_space<vmem_shared>>
      tpu.enqueue_indirect_dma source(%arg17 : memref<256x64xf32, #tpu.memory_space<vmem>>) target(%dma_start3A_643 : memref<10256x64xf32, #tpu.memory_space<vmem_shared>>) offsets(%dma_start3A_640 : memref<256xi32, #tpu.memory_space<vmem>>) semaphore(%arg21 : memref<!tpu.dma_semaphore, #tpu.memory_space<semaphore_mem>>) {add = true}
      %dma_wait3A_644 = arith.constant 0 : i32
      %dma_wait3A_645 = tpu.memref_slice %arg15[%mul3A_615, %dma_wait3A_644] : memref<20x256xi32, #tpu.memory_space<vmem>> -> memref<1x256xi32, #tpu.memory_space<vmem>>
      %dma_wait3A_646 = tpu.memref_squeeze %dma_wait3A_645 : memref<1x256xi32, #tpu.memory_space<vmem>> -> memref<256xi32, #tpu.memory_space<vmem>>
      %dma_wait3A_647 = arith.constant 0 : i32
      %dma_wait3A_648 = arith.constant 0 : i32
      %dma_wait3A_649 = tpu.memref_slice %arg25[%dma_wait3A_647, %dma_wait3A_648] : memref<10256x64xf32, #tpu.memory_space<vmem_shared>> -> memref<10256x64xf32, #tpu.memory_space<vmem_shared>>
      tpu.wait_indirect_dma semaphore(%arg20 : memref<!tpu.dma_semaphore, #tpu.memory_space<semaphore_mem>>) src(%arg16 : memref<256x64xf32, #tpu.memory_space<vmem>>) dst(%dma_wait3A_649 : memref<10256x64xf32, #tpu.memory_space<vmem_shared>>)
      %add3A_650 = arith.constant 2 : i32
      %add3A_651 = arith.addi %mul3A_615, %add3A_650 : i32
      %dma_start3A_652 = arith.constant 0 : i32
      %dma_start3A_653 = tpu.memref_slice %arg14[%add3A_651, %dma_start3A_652] : memref<20x256xi32, #tpu.memory_space<vmem>> -> memref<1x256xi32, #tpu.memory_space<vmem>>
      %dma_start3A_654 = tpu.memref_squeeze %dma_start3A_653 : memref<1x256xi32, #tpu.memory_space<vmem>> -> memref<256xi32, #tpu.memory_space<vmem>>
      %dma_start3A_655 = arith.constant 0 : i32
      %dma_start3A_656 = arith.constant 0 : i32
      %dma_start3A_657 = tpu.memref_slice %arg26[%dma_start3A_655, %dma_start3A_656] : memref<10240x64xf32, #tpu.memory_space<vmem_shared>> -> memref<10240x64xf32, #tpu.memory_space<vmem_shared>>
      tpu.enqueue_indirect_dma source(%dma_start3A_657 : memref<10240x64xf32, #tpu.memory_space<vmem_shared>>) target(%arg16 : memref<256x64xf32, #tpu.memory_space<vmem>>) offsets(%dma_start3A_654 : memref<256xi32, #tpu.memory_space<vmem>>) semaphore(%arg18 : memref<!tpu.dma_semaphore, #tpu.memory_space<semaphore_mem>>)
      %add3A_658 = arith.constant 1 : i32
      %add3A_659 = arith.addi %mul3A_615, %add3A_658 : i32
      %dma_wait3A_660 = arith.constant 0 : i32
      %dma_wait3A_661 = tpu.memref_slice %arg15[%add3A_659, %dma_wait3A_660] : memref<20x256xi32, #tpu.memory_space<vmem>> -> memref<1x256xi32, #tpu.memory_space<vmem>>
      %dma_wait3A_662 = tpu.memref_squeeze %dma_wait3A_661 : memref<1x256xi32, #tpu.memory_space<vmem>> -> memref<256xi32, #tpu.memory_space<vmem>>
      %dma_wait3A_663 = arith.constant 0 : i32
      %dma_wait3A_664 = arith.constant 0 : i32
      %dma_wait3A_665 = tpu.memref_slice %arg25[%dma_wait3A_663, %dma_wait3A_664] : memref<10256x64xf32, #tpu.memory_space<vmem_shared>> -> memref<10256x64xf32, #tpu.memory_space<vmem_shared>>
      tpu.wait_indirect_dma semaphore(%arg21 : memref<!tpu.dma_semaphore, #tpu.memory_space<semaphore_mem>>) src(%arg17 : memref<256x64xf32, #tpu.memory_space<vmem>>) dst(%dma_wait3A_665 : memref<10256x64xf32, #tpu.memory_space<vmem_shared>>)
      %add3A_666 = arith.constant 3 : i32
      %add3A_667 = arith.addi %mul3A_615, %add3A_666 : i32
      %dma_start3A_668 = arith.constant 0 : i32
      %dma_start3A_669 = tpu.memref_slice %arg14[%add3A_667, %dma_start3A_668] : memref<20x256xi32, #tpu.memory_space<vmem>> -> memref<1x256xi32, #tpu.memory_space<vmem>>
      %dma_start3A_670 = tpu.memref_squeeze %dma_start3A_669 : memref<1x256xi32, #tpu.memory_space<vmem>> -> memref<256xi32, #tpu.memory_space<vmem>>
      %dma_start3A_671 = arith.constant 0 : i32
      %dma_start3A_672 = arith.constant 0 : i32
      %dma_start3A_673 = tpu.memref_slice %arg26[%dma_start3A_671, %dma_start3A_672] : memref<10240x64xf32, #tpu.memory_space<vmem_shared>> -> memref<10240x64xf32, #tpu.memory_space<vmem_shared>>
      tpu.enqueue_indirect_dma source(%dma_start3A_673 : memref<10240x64xf32, #tpu.memory_space<vmem_shared>>) target(%arg17 : memref<256x64xf32, #tpu.memory_space<vmem>>) offsets(%dma_start3A_670 : memref<256xi32, #tpu.memory_space<vmem>>) semaphore(%arg19 : memref<!tpu.dma_semaphore, #tpu.memory_space<semaphore_mem>>)
      %scan3A_674 = arith.constant 0 : i32
      scf.yield %scan3A_674 : i32
    }
    %scan3A_580 = arith.constant 9 : i32
    %dma_wait3A_581 = arith.constant 18 : i32
    %dma_wait3A_582 = arith.constant 0 : i32
    %dma_wait3A_583 = tpu.memref_slice %arg14[%dma_wait3A_581, %dma_wait3A_582] : memref<20x256xi32, #tpu.memory_space<vmem>> -> memref<1x256xi32, #tpu.memory_space<vmem>>
    %dma_wait3A_584 = tpu.memref_squeeze %dma_wait3A_583 : memref<1x256xi32, #tpu.memory_space<vmem>> -> memref<256xi32, #tpu.memory_space<vmem>>
    %dma_wait3A_585 = arith.constant 0 : i32
    %dma_wait3A_586 = arith.constant 0 : i32
    %dma_wait3A_587 = tpu.memref_slice %arg26[%dma_wait3A_585, %dma_wait3A_586] : memref<10240x64xf32, #tpu.memory_space<vmem_shared>> -> memref<10240x64xf32, #tpu.memory_space<vmem_shared>>
    tpu.wait_indirect_dma semaphore(%arg18 : memref<!tpu.dma_semaphore, #tpu.memory_space<semaphore_mem>>) src(%dma_wait3A_587 : memref<10240x64xf32, #tpu.memory_space<vmem_shared>>) dst(%arg16 : memref<256x64xf32, #tpu.memory_space<vmem>>)
    %run_scoped3A_588 = arith.constant 18 : i32
    "tpu.region"() ({
      %run_scoped3A_612 = tpu.sem_alloc : memref<!tpu.dma_semaphore, #tpu.memory_space<semaphore_mem>>
      %dma_start3A_613 = arith.constant 0 : i32
      %dma_start3A_614 = tpu.memref_slice %arg15[%run_scoped3A_588, %dma_start3A_613] : memref<20x256xi32, #tpu.memory_space<vmem>> -> memref<1x256xi32, #tpu.memory_space<vmem>>
      %dma_start3A_615 = tpu.memref_squeeze %dma_start3A_614 : memref<1x256xi32, #tpu.memory_space<vmem>> -> memref<256xi32, #tpu.memory_space<vmem>>
      %dma_start3A_616 = arith.constant 0 : i32
      %dma_start3A_617 = arith.constant 0 : i32
      %dma_start3A_618 = tpu.memref_slice %arg25[%dma_start3A_616, %dma_start3A_617] : memref<10256x64xf32, #tpu.memory_space<vmem_shared>> -> memref<10256x64xf32, #tpu.memory_space<vmem_shared>>
      tpu.enqueue_indirect_dma source(%arg16 : memref<256x64xf32, #tpu.memory_space<vmem>>) target(%dma_start3A_618 : memref<10256x64xf32, #tpu.memory_space<vmem_shared>>) offsets(%dma_start3A_615 : memref<256xi32, #tpu.memory_space<vmem>>) semaphore(%run_scoped3A_612 : memref<!tpu.dma_semaphore, #tpu.memory_space<semaphore_mem>>) {add = true}
      %dma_wait3A_619 = arith.constant 0 : i32
      %dma_wait3A_620 = tpu.memref_slice %arg15[%run_scoped3A_588, %dma_wait3A_619] : memref<20x256xi32, #tpu.memory_space<vmem>> -> memref<1x256xi32, #tpu.memory_space<vmem>>
      %dma_wait3A_621 = tpu.memref_squeeze %dma_wait3A_620 : memref<1x256xi32, #tpu.memory_space<vmem>> -> memref<256xi32, #tpu.memory_space<vmem>>
      %dma_wait3A_622 = arith.constant 0 : i32
      %dma_wait3A_623 = arith.constant 0 : i32
      %dma_wait3A_624 = tpu.memref_slice %arg25[%dma_wait3A_622, %dma_wait3A_623] : memref<10256x64xf32, #tpu.memory_space<vmem_shared>> -> memref<10256x64xf32, #tpu.memory_space<vmem_shared>>
      tpu.wait_indirect_dma semaphore(%run_scoped3A_612 : memref<!tpu.dma_semaphore, #tpu.memory_space<semaphore_mem>>) src(%arg16 : memref<256x64xf32, #tpu.memory_space<vmem>>) dst(%dma_wait3A_624 : memref<10256x64xf32, #tpu.memory_space<vmem_shared>>)
      tpu.yield
    }) : () -> ()
    %dma_wait3A_589 = arith.constant 19 : i32
    %dma_wait3A_590 = arith.constant 0 : i32
    %dma_wait3A_591 = tpu.memref_slice %arg14[%dma_wait3A_589, %dma_wait3A_590] : memref<20x256xi32, #tpu.memory_space<vmem>> -> memref<1x256xi32, #tpu.memory_space<vmem>>
    %dma_wait3A_592 = tpu.memref_squeeze %dma_wait3A_591 : memref<1x256xi32, #tpu.memory_space<vmem>> -> memref<256xi32, #tpu.memory_space<vmem>>
    %dma_wait3A_593 = arith.constant 0 : i32
    %dma_wait3A_594 = arith.constant 0 : i32
    %dma_wait3A_595 = tpu.memref_slice %arg26[%dma_wait3A_593, %dma_wait3A_594] : memref<10240x64xf32, #tpu.memory_space<vmem_shared>> -> memref<10240x64xf32, #tpu.memory_space<vmem_shared>>
    tpu.wait_indirect_dma semaphore(%arg19 : memref<!tpu.dma_semaphore, #tpu.memory_space<semaphore_mem>>) src(%dma_wait3A_595 : memref<10240x64xf32, #tpu.memory_space<vmem_shared>>) dst(%arg17 : memref<256x64xf32, #tpu.memory_space<vmem>>)
    %run_scoped3A_596 = arith.constant 19 : i32
    "tpu.region"() ({
      %run_scoped3A_612 = tpu.sem_alloc : memref<!tpu.dma_semaphore, #tpu.memory_space<semaphore_mem>>
      %dma_start3A_613 = arith.constant 0 : i32
      %dma_start3A_614 = tpu.memref_slice %arg15[%run_scoped3A_596, %dma_start3A_613] : memref<20x256xi32, #tpu.memory_space<vmem>> -> memref<1x256xi32, #tpu.memory_space<vmem>>
      %dma_start3A_615 = tpu.memref_squeeze %dma_start3A_614 : memref<1x256xi32, #tpu.memory_space<vmem>> -> memref<256xi32, #tpu.memory_space<vmem>>
      %dma_start3A_616 = arith.constant 0 : i32
      %dma_start3A_617 = arith.constant 0 : i32
      %dma_start3A_618 = tpu.memref_slice %arg25[%dma_start3A_616, %dma_start3A_617] : memref<10256x64xf32, #tpu.memory_space<vmem_shared>> -> memref<10256x64xf32, #tpu.memory_space<vmem_shared>>
      tpu.enqueue_indirect_dma source(%arg17 : memref<256x64xf32, #tpu.memory_space<vmem>>) target(%dma_start3A_618 : memref<10256x64xf32, #tpu.memory_space<vmem_shared>>) offsets(%dma_start3A_615 : memref<256xi32, #tpu.memory_space<vmem>>) semaphore(%run_scoped3A_612 : memref<!tpu.dma_semaphore, #tpu.memory_space<semaphore_mem>>) {add = true}
      %dma_wait3A_619 = arith.constant 0 : i32
      %dma_wait3A_620 = tpu.memref_slice %arg15[%run_scoped3A_596, %dma_wait3A_619] : memref<20x256xi32, #tpu.memory_space<vmem>> -> memref<1x256xi32, #tpu.memory_space<vmem>>
      %dma_wait3A_621 = tpu.memref_squeeze %dma_wait3A_620 : memref<1x256xi32, #tpu.memory_space<vmem>> -> memref<256xi32, #tpu.memory_space<vmem>>
      %dma_wait3A_622 = arith.constant 0 : i32
      %dma_wait3A_623 = arith.constant 0 : i32
      %dma_wait3A_624 = tpu.memref_slice %arg25[%dma_wait3A_622, %dma_wait3A_623] : memref<10256x64xf32, #tpu.memory_space<vmem_shared>> -> memref<10256x64xf32, #tpu.memory_space<vmem_shared>>
      tpu.wait_indirect_dma semaphore(%run_scoped3A_612 : memref<!tpu.dma_semaphore, #tpu.memory_space<semaphore_mem>>) src(%arg17 : memref<256x64xf32, #tpu.memory_space<vmem>>) dst(%dma_wait3A_624 : memref<10256x64xf32, #tpu.memory_space<vmem_shared>>)
      tpu.yield
    }) : () -> ()
    %barrier3A_597 = arith.constant 0 : index
    tpu.barrier barrier_id(%barrier3A_597)
    %mul3A_598 = arith.constant 640 : i32
    %mul3A_599 = arith.muli %arg1, %mul3A_598 : i32
    %mul3A_600 = arith.constant 640 : i32
    %mul3A_601 = arith.muli %arg1, %mul3A_600 : i32
    %add3A_602 = arith.addi %mul3A_540, %mul3A_601 : i32
    %dma_start3A_603 = arith.constant 0 : i32
    %dma_start3A_604 = tpu.memref_slice %arg13[%add3A_602, %dma_start3A_603] : memref<163840x64xf32, #tpu.memory_space<hbm>> -> memref<640x64xf32, #tpu.memory_space<hbm>>
    %dma_start3A_605 = arith.constant 0 : i32
    %dma_start3A_606 = tpu.memref_slice %arg25[%mul3A_599, %dma_start3A_605] : memref<10256x64xf32, #tpu.memory_space<vmem_shared>> -> memref<640x64xf32, #tpu.memory_space<vmem_shared>>
    tpu.enqueue_dma source(%dma_start3A_606 : memref<640x64xf32, #tpu.memory_space<vmem_shared>>) target(%dma_start3A_604 : memref<640x64xf32, #tpu.memory_space<hbm>>) target_semaphore(%arg22 : memref<!tpu.dma_semaphore, #tpu.memory_space<semaphore_mem>>)
    %dma_wait3A_607 = arith.constant 0 : i32
    %dma_wait3A_608 = tpu.memref_slice %arg13[%add3A_602, %dma_wait3A_607] : memref<163840x64xf32, #tpu.memory_space<hbm>> -> memref<640x64xf32, #tpu.memory_space<hbm>>
    %dma_wait3A_609 = arith.constant 0 : i32
    %dma_wait3A_610 = tpu.memref_slice %arg25[%mul3A_599, %dma_wait3A_609] : memref<10256x64xf32, #tpu.memory_space<vmem_shared>> -> memref<640x64xf32, #tpu.memory_space<vmem_shared>>
    tpu.wait_dma2 semaphore(%arg22 : memref<!tpu.dma_semaphore, #tpu.memory_space<semaphore_mem>>) src(%dma_wait3A_610 : memref<640x64xf32, #tpu.memory_space<vmem_shared>>) dst(%dma_wait3A_608 : memref<640x64xf32, #tpu.memory_space<hbm>>)
    %barrier3A_611 = arith.constant 0 : index
    tpu.barrier barrier_id(%barrier3A_611)
    return
  }
}

module attributes {stable_mosaic.version = 14 : i64} {
  func.func @_k1_body(%arg0: i32, %arg1: memref<1000x256xf32, #tpu.memory_space<vmem>>, %arg2: memref<256x512xbf16, #tpu.memory_space<vmem>>, %arg3: memref<256x512xbf16, #tpu.memory_space<vmem>>, %arg4: memref<16x512xf32, #tpu.memory_space<vmem>>, %arg5: memref<2x10240xf32, #tpu.memory_space<vmem>>, %arg6: memref<1000x512xf32, #tpu.memory_space<vmem>>, %arg7: memref<1000x512xf32, #tpu.memory_space<vmem>>, %arg8: memref<8x512xf32, #tpu.memory_space<vmem>>, %arg9: memref<8x512xf32, #tpu.memory_space<vmem>>, %arg10: memref<1x10240xf32, #tpu.memory_space<vmem>>, %arg11: memref<8x512xf32, #tpu.memory_space<vmem>>, %arg12: memref<8x512xf32, #tpu.memory_space<vmem>>) attributes {dimension_semantics = [#tpu.dimension_semantics<arbitrary>], iteration_bounds = array<i64: 10>, scalar_prefetch = 0 : i64, scratch_operands = 2 : i64, tpu.core_type = #tpu.core_type<tc>, window_params = [{transform_indices = @transform_0, window_bounds = array<i64: 1000, 256>}, {pipeline_mode = #tpu.pipeline_mode<synchronous>, transform_indices = @transform_1, window_bounds = array<i64: 256, 512>}, {pipeline_mode = #tpu.pipeline_mode<synchronous>, transform_indices = @transform_2, window_bounds = array<i64: 256, 512>}, {pipeline_mode = #tpu.pipeline_mode<synchronous>, transform_indices = @transform_3, window_bounds = array<i64: 16, 512>}, {pipeline_mode = #tpu.pipeline_mode<synchronous>, transform_indices = @transform_4, window_bounds = array<i64: 2, 10240>}, {transform_indices = @transform_5, window_bounds = array<i64: 1000, 512>}, {transform_indices = @transform_6, window_bounds = array<i64: 1000, 512>}, {pipeline_mode = #tpu.pipeline_mode<synchronous>, transform_indices = @transform_7, window_bounds = array<i64: 8, 512>}, {pipeline_mode = #tpu.pipeline_mode<synchronous>, transform_indices = @transform_8, window_bounds = array<i64: 8, 512>}, {pipeline_mode = #tpu.pipeline_mode<synchronous>, transform_indices = @transform_9, window_bounds = array<i64: 1, 10240>}]} {
    %get3A = arith.constant 0 : index
    %get3A_0 = arith.constant 0 : index
    %get3A_1 = vector.load %arg5[%get3A, %get3A_0] : memref<2x10240xf32, #tpu.memory_space<vmem>>, vector<1x10240xf32>
    %get3A_2 = arith.constant 1 : index
    %get3A_3 = arith.constant 0 : index
    %get3A_4 = vector.load %arg5[%get3A_2, %get3A_3] : memref<2x10240xf32, #tpu.memory_space<vmem>>, vector<1x10240xf32>
    %add3A = arith.addf %get3A_1, %get3A_4 : vector<1x10240xf32>
    %gt3A = arith.constant 0.000000e+00 : f32
    %gt3A_5 = vector.broadcast %gt3A : f32 to vector<1x10240xf32>
    %gt3A_6 = arith.cmpf ogt, %add3A, %gt3A_5 : vector<1x10240xf32>
    %max3A = arith.constant 9.99999996E-13 : f32
    %max3A_7 = vector.broadcast %max3A : f32 to vector<1x10240xf32>
    %max3A_8 = arith.maximumf %add3A, %max3A_7 : vector<1x10240xf32>
    %rsqrt3A = math.rsqrt %max3A_8 : vector<1x10240xf32>
    %broadcast_in_dim3A = arith.constant 0.000000e+00 : f32
    %broadcast_in_dim3A_9 = vector.broadcast %broadcast_in_dim3A : f32 to vector<1x10240xf32>
    %select_n3A = arith.select %gt3A_6, %rsqrt3A, %broadcast_in_dim3A_9 : vector<1x10240xi1>, vector<1x10240xf32>
    %swap3A = arith.constant 0 : index
    %swap3A_10 = arith.constant 0 : index
    %swap3A_11 = vector.load %arg10[%swap3A, %swap3A_10] : memref<1x10240xf32, #tpu.memory_space<vmem>>, vector<1x10240xf32>
    tpu.vector_store %arg10[%swap3A, %swap3A_10], %select_n3A {strides = array<i32>} : memref<1x10240xf32, #tpu.memory_space<vmem>>, vector<1x10240xf32>,
    %get3A_12 = arith.constant 0 : index
    %get3A_13 = arith.constant 0 : index
    %get3A_14 = vector.load %arg1[%get3A_12, %get3A_13] : memref<1000x256xf32, #tpu.memory_space<vmem>>, vector<1000x256xf32>
    %convert_element_type3A = arith.truncf %get3A_14 : vector<1000x256xf32> to vector<1000x256xbf16>
    %get3A_15 = arith.constant 0 : index
    %get3A_16 = arith.constant 0 : index
    %get3A_17 = vector.load %arg2[%get3A_15, %get3A_16] : memref<256x512xbf16, #tpu.memory_space<vmem>>, vector<256x512xbf16>
    %dot_general3A = arith.constant dense<0.000000e+00> : vector<1000x512xf32>
    %dot_general3A_18 = tpu.matmul %convert_element_type3A, %get3A_17, %dot_general3A {dimension_numbers = #tpu.dot_dimension_numbers<[1], [0], [0], [1], [0, 0, 1, 1], [], []>, transpose_lhs_hint = false} : vector<1000x256xbf16>, vector<256x512xbf16>, vector<1000x512xf32> -> vector<1000x512xf32>
    %get3A_19 = arith.constant 0 : index
    %get3A_20 = arith.constant 0 : index
    %get3A_21 = vector.load %arg4[%get3A_19, %get3A_20] : memref<16x512xf32, #tpu.memory_space<vmem>>, vector<1x512xf32>
    %add3A_22 = vector.broadcast %get3A_21 : vector<1x512xf32> to vector<1000x512xf32>
    %add3A_23 = arith.addf %dot_general3A_18, %add3A_22 : vector<1000x512xf32>
    %get3A_24 = arith.constant 0 : index
    %get3A_25 = arith.constant 0 : index
    %get3A_26 = vector.load %arg3[%get3A_24, %get3A_25] : memref<256x512xbf16, #tpu.memory_space<vmem>>, vector<256x512xbf16>
    %dot_general3A_27 = arith.constant dense<0.000000e+00> : vector<1000x512xf32>
    %dot_general3A_28 = tpu.matmul %convert_element_type3A, %get3A_26, %dot_general3A_27 {dimension_numbers = #tpu.dot_dimension_numbers<[1], [0], [0], [1], [0, 0, 1, 1], [], []>, transpose_lhs_hint = false} : vector<1000x256xbf16>, vector<256x512xbf16>, vector<1000x512xf32> -> vector<1000x512xf32>
    %get3A_29 = arith.constant 8 : index
    %get3A_30 = arith.constant 0 : index
    %get3A_31 = vector.load %arg4[%get3A_29, %get3A_30] : memref<16x512xf32, #tpu.memory_space<vmem>>, vector<1x512xf32>
    %add3A_32 = vector.broadcast %get3A_31 : vector<1x512xf32> to vector<1000x512xf32>
    %add3A_33 = arith.addf %dot_general3A_28, %add3A_32 : vector<1000x512xf32>
    %swap3A_34 = arith.constant 0 : index
    %swap3A_35 = arith.constant 0 : index
    %swap3A_36 = vector.load %arg6[%swap3A_34, %swap3A_35] : memref<1000x512xf32, #tpu.memory_space<vmem>>, vector<1000x512xf32>
    tpu.vector_store %arg6[%swap3A_34, %swap3A_35], %add3A_23 {strides = array<i32>} : memref<1000x512xf32, #tpu.memory_space<vmem>>, vector<1000x512xf32>,
    %swap3A_37 = arith.constant 0 : index
    %swap3A_38 = arith.constant 0 : index
    %swap3A_39 = vector.load %arg7[%swap3A_37, %swap3A_38] : memref<1000x512xf32, #tpu.memory_space<vmem>>, vector<1000x512xf32>
    tpu.vector_store %arg7[%swap3A_37, %swap3A_38], %add3A_33 {strides = array<i32>} : memref<1000x512xf32, #tpu.memory_space<vmem>>, vector<1000x512xf32>,
    %broadcast_in_dim3A_40 = arith.constant 0.000000e+00 : f32
    %broadcast_in_dim3A_41 = vector.broadcast %broadcast_in_dim3A_40 : f32 to vector<6x512xf32>
    %reduce_sum3A = arith.constant dense<0.000000e+00> : vector<512xf32>
    %reduce_sum3A_42 = vector.multi_reduction <add>, %add3A_23, %reduce_sum3A [0] : vector<1000x512xf32> to vector<512xf32>
    %broadcast_in_dim3A_43 = vector.shape_cast %reduce_sum3A_42 : vector<512xf32> to vector<1x512xf32>
    %mul3A = arith.mulf %add3A_23, %add3A_23 : vector<1000x512xf32>
    %reduce_sum3A_44 = arith.constant dense<0.000000e+00> : vector<512xf32>
    %reduce_sum3A_45 = vector.multi_reduction <add>, %mul3A, %reduce_sum3A_44 [0] : vector<1000x512xf32> to vector<512xf32>
    %broadcast_in_dim3A_46 = vector.shape_cast %reduce_sum3A_45 : vector<512xf32> to vector<1x512xf32>
    %concatenate3A = tpu.concatenate %broadcast_in_dim3A_43, %broadcast_in_dim3A_46, %broadcast_in_dim3A_41 in 0 : vector<1x512xf32>, vector<1x512xf32>, vector<6x512xf32> -> vector<8x512xf32>
    %reduce_sum3A_47 = arith.constant dense<0.000000e+00> : vector<512xf32>
    %reduce_sum3A_48 = vector.multi_reduction <add>, %add3A_33, %reduce_sum3A_47 [0] : vector<1000x512xf32> to vector<512xf32>
    %broadcast_in_dim3A_49 = vector.shape_cast %reduce_sum3A_48 : vector<512xf32> to vector<1x512xf32>
    %mul3A_50 = arith.mulf %add3A_33, %add3A_33 : vector<1000x512xf32>
    %reduce_sum3A_51 = arith.constant dense<0.000000e+00> : vector<512xf32>
    %reduce_sum3A_52 = vector.multi_reduction <add>, %mul3A_50, %reduce_sum3A_51 [0] : vector<1000x512xf32> to vector<512xf32>
    %broadcast_in_dim3A_53 = vector.shape_cast %reduce_sum3A_52 : vector<512xf32> to vector<1x512xf32>
    %concatenate3A_54 = tpu.concatenate %broadcast_in_dim3A_49, %broadcast_in_dim3A_53, %broadcast_in_dim3A_41 in 0 : vector<1x512xf32>, vector<1x512xf32>, vector<6x512xf32> -> vector<8x512xf32>
    %eq3A = arith.constant 0 : i32
    %eq3A_55 = arith.cmpi eq, %arg0, %eq3A : i32
    %convert_element_type3A_56 = arith.extui %eq3A_55 : i1 to i32
    %cond3A = arith.constant 0 : i32
    %cond3A_57 = arith.cmpi ne, %convert_element_type3A_56, %cond3A : i32
    scf.if %cond3A_57 {
      %broadcast_in_dim3A_77 = arith.constant 0.000000e+00 : f32
      %broadcast_in_dim3A_78 = vector.broadcast %broadcast_in_dim3A_77 : f32 to vector<8x512xf32>
      %swap3A_79 = arith.constant 0 : index
      %swap3A_80 = arith.constant 0 : index
      %swap3A_81 = vector.load %arg11[%swap3A_79, %swap3A_80] : memref<8x512xf32, #tpu.memory_space<vmem>>, vector<8x512xf32>
      tpu.vector_store %arg11[%swap3A_79, %swap3A_80], %broadcast_in_dim3A_78 {strides = array<i32>} : memref<8x512xf32, #tpu.memory_space<vmem>>, vector<8x512xf32>,
      %broadcast_in_dim3A_82 = arith.constant 0.000000e+00 : f32
      %broadcast_in_dim3A_83 = vector.broadcast %broadcast_in_dim3A_82 : f32 to vector<8x512xf32>
      %swap3A_84 = arith.constant 0 : index
      %swap3A_85 = arith.constant 0 : index
      %swap3A_86 = vector.load %arg12[%swap3A_84, %swap3A_85] : memref<8x512xf32, #tpu.memory_space<vmem>>, vector<8x512xf32>
      tpu.vector_store %arg12[%swap3A_84, %swap3A_85], %broadcast_in_dim3A_83 {strides = array<i32>} : memref<8x512xf32, #tpu.memory_space<vmem>>, vector<8x512xf32>,
    } else {
    }
    %get3A_58 = arith.constant 0 : index
    %get3A_59 = arith.constant 0 : index
    %get3A_60 = vector.load %arg11[%get3A_58, %get3A_59] : memref<8x512xf32, #tpu.memory_space<vmem>>, vector<8x512xf32>
    %add3A_61 = arith.addf %get3A_60, %concatenate3A : vector<8x512xf32>
    %swap3A_62 = arith.constant 0 : index
    %swap3A_63 = arith.constant 0 : index
    %swap3A_64 = vector.load %arg11[%swap3A_62, %swap3A_63] : memref<8x512xf32, #tpu.memory_space<vmem>>, vector<8x512xf32>
    tpu.vector_store %arg11[%swap3A_62, %swap3A_63], %add3A_61 {strides = array<i32>} : memref<8x512xf32, #tpu.memory_space<vmem>>, vector<8x512xf32>,
    %get3A_65 = arith.constant 0 : index
    %get3A_66 = arith.constant 0 : index
    %get3A_67 = vector.load %arg12[%get3A_65, %get3A_66] : memref<8x512xf32, #tpu.memory_space<vmem>>, vector<8x512xf32>
    %add3A_68 = arith.addf %get3A_67, %concatenate3A_54 : vector<8x512xf32>
    %swap3A_69 = arith.constant 0 : index
    %swap3A_70 = arith.constant 0 : index
    %swap3A_71 = vector.load %arg12[%swap3A_69, %swap3A_70] : memref<8x512xf32, #tpu.memory_space<vmem>>, vector<8x512xf32>
    tpu.vector_store %arg12[%swap3A_69, %swap3A_70], %add3A_68 {strides = array<i32>} : memref<8x512xf32, #tpu.memory_space<vmem>>, vector<8x512xf32>,
    %eq3A_72 = arith.constant 9 : i32
    %eq3A_73 = arith.cmpi eq, %arg0, %eq3A_72 : i32
    %convert_element_type3A_74 = arith.extui %eq3A_73 : i1 to i32
    %cond3A_75 = arith.constant 0 : i32
    %cond3A_76 = arith.cmpi ne, %convert_element_type3A_74, %cond3A_75 : i32
    scf.if %cond3A_76 {
      %get3A_77 = arith.constant 0 : index
      %get3A_78 = arith.constant 0 : index
      %get3A_79 = vector.load %arg11[%get3A_77, %get3A_78] : memref<8x512xf32, #tpu.memory_space<vmem>>, vector<8x512xf32>
      %swap3A_80 = arith.constant 0 : index
      %swap3A_81 = arith.constant 0 : index
      %swap3A_82 = vector.load %arg8[%swap3A_80, %swap3A_81] : memref<8x512xf32, #tpu.memory_space<vmem>>, vector<8x512xf32>
      tpu.vector_store %arg8[%swap3A_80, %swap3A_81], %get3A_79 {strides = array<i32>} : memref<8x512xf32, #tpu.memory_space<vmem>>, vector<8x512xf32>,
      %get3A_83 = arith.constant 0 : index
      %get3A_84 = arith.constant 0 : index
      %get3A_85 = vector.load %arg12[%get3A_83, %get3A_84] : memref<8x512xf32, #tpu.memory_space<vmem>>, vector<8x512xf32>
      %swap3A_86 = arith.constant 0 : index
      %swap3A_87 = arith.constant 0 : index
      %swap3A_88 = vector.load %arg9[%swap3A_86, %swap3A_87] : memref<8x512xf32, #tpu.memory_space<vmem>>, vector<8x512xf32>
      tpu.vector_store %arg9[%swap3A_86, %swap3A_87], %get3A_85 {strides = array<i32>} : memref<8x512xf32, #tpu.memory_space<vmem>>, vector<8x512xf32>,
    } else {
    }
    return
  }
  func.func @transform_0(%arg0: i32) -> (i32, i32) {
    %c0_i32 = arith.constant 0 : i32
    %c0_i32_0 = arith.constant 0 : i32
    return %arg0, %c0_i32 : i32, i32
  }
  func.func @transform_1(%arg0: i32) -> (i32, i32) {
    %c0_i32 = arith.constant 0 : i32
    %c0_i32_0 = arith.constant 0 : i32
    %c0_i32_1 = arith.constant 0 : i32
    return %c0_i32, %c0_i32_0 : i32, i32
  }
  func.func @transform_2(%arg0: i32) -> (i32, i32) {
    %c0_i32 = arith.constant 0 : i32
    %c0_i32_0 = arith.constant 0 : i32
    %c0_i32_1 = arith.constant 0 : i32
    return %c0_i32, %c0_i32_0 : i32, i32
  }
  func.func @transform_3(%arg0: i32) -> (i32, i32) {
    %c0_i32 = arith.constant 0 : i32
    %c0_i32_0 = arith.constant 0 : i32
    %c0_i32_1 = arith.constant 0 : i32
    return %c0_i32, %c0_i32_0 : i32, i32
  }
  func.func @transform_4(%arg0: i32) -> (i32, i32) {
    %c0_i32 = arith.constant 0 : i32
    %c0_i32_0 = arith.constant 0 : i32
    %c0_i32_1 = arith.constant 0 : i32
    return %c0_i32, %c0_i32_0 : i32, i32
  }
  func.func @transform_5(%arg0: i32) -> (i32, i32) {
    %c0_i32 = arith.constant 0 : i32
    %c0_i32_0 = arith.constant 0 : i32
    return %arg0, %c0_i32 : i32, i32
  }
  func.func @transform_6(%arg0: i32) -> (i32, i32) {
    %c0_i32 = arith.constant 0 : i32
    %c0_i32_0 = arith.constant 0 : i32
    return %arg0, %c0_i32 : i32, i32
  }
  func.func @transform_7(%arg0: i32) -> (i32, i32) {
    %c0_i32 = arith.constant 0 : i32
    %c0_i32_0 = arith.constant 0 : i32
    %c0_i32_1 = arith.constant 0 : i32
    return %c0_i32, %c0_i32_0 : i32, i32
  }
  func.func @transform_8(%arg0: i32) -> (i32, i32) {
    %c0_i32 = arith.constant 0 : i32
    %c0_i32_0 = arith.constant 0 : i32
    %c0_i32_1 = arith.constant 0 : i32
    return %c0_i32, %c0_i32_0 : i32, i32
  }
  func.func @transform_9(%arg0: i32) -> (i32, i32) {
    %c0_i32 = arith.constant 0 : i32
    %c0_i32_0 = arith.constant 0 : i32
    %c0_i32_1 = arith.constant 0 : i32
    return %c0_i32, %c0_i32_0 : i32, i32
  }
}

module attributes {stable_mosaic.version = 14 : i64} {
  func.func @_k2_body(%arg0: i32, %arg1: memref<1000x512xf32, #tpu.memory_space<vmem>>, %arg2: memref<1000x512xf32, #tpu.memory_space<vmem>>, %arg3: memref<8x512xf32, #tpu.memory_space<vmem>>, %arg4: memref<8x512xf32, #tpu.memory_space<vmem>>, %arg5: memref<1000x1xf32, #tpu.memory_space<vmem>>, %arg6: memref<16x512xf32, #tpu.memory_space<vmem>>, %arg7: memref<512x512xbf16, #tpu.memory_space<vmem>>, %arg8: memref<512x512xbf16, #tpu.memory_space<vmem>>, %arg9: memref<1000x512xf32, #tpu.memory_space<vmem>>, %arg10: memref<1000x512xf32, #tpu.memory_space<vmem>>, %arg11: memref<1000x64xf32, #tpu.memory_space<vmem>>, %arg12: memref<1000x64xf32, #tpu.memory_space<vmem>>, %arg13: memref<1000x64xf32, #tpu.memory_space<vmem>>, %arg14: memref<1000x64xf32, #tpu.memory_space<vmem>>, %arg15: memref<1000x64xf32, #tpu.memory_space<vmem>>, %arg16: memref<1000x64xf32, #tpu.memory_space<vmem>>, %arg17: memref<1000x64xf32, #tpu.memory_space<vmem>>, %arg18: memref<1000x64xf32, #tpu.memory_space<vmem>>, %arg19: memref<512x512xf32, #tpu.memory_space<vmem>>, %arg20: memref<8x512xf32, #tpu.memory_space<vmem>>, %arg21: memref<512x512xf32, #tpu.memory_space<vmem>>, %arg22: memref<8x512xf32, #tpu.memory_space<vmem>>) attributes {dimension_semantics = [#tpu.dimension_semantics<arbitrary>], iteration_bounds = array<i64: 10>, scalar_prefetch = 0 : i64, scratch_operands = 2 : i64, tpu.core_type = #tpu.core_type<tc>, window_params = [{transform_indices = @transform_0, window_bounds = array<i64: 1000, 512>}, {transform_indices = @transform_1, window_bounds = array<i64: 1000, 512>}, {pipeline_mode = #tpu.pipeline_mode<synchronous>, transform_indices = @transform_2, window_bounds = array<i64: 8, 512>}, {pipeline_mode = #tpu.pipeline_mode<synchronous>, transform_indices = @transform_3, window_bounds = array<i64: 8, 512>}, {transform_indices = @transform_4, window_bounds = array<i64: 1000, 1>}, {pipeline_mode = #tpu.pipeline_mode<synchronous>, transform_indices = @transform_5, window_bounds = array<i64: 16, 512>}, {pipeline_mode = #tpu.pipeline_mode<synchronous>, transform_indices = @transform_6, window_bounds = array<i64: 512, 512>}, {pipeline_mode = #tpu.pipeline_mode<synchronous>, transform_indices = @transform_7, window_bounds = array<i64: 512, 512>}, {transform_indices = @transform_8, window_bounds = array<i64: 1000, 512>}, {transform_indices = @transform_9, window_bounds = array<i64: 1000, 512>}, {transform_indices = @transform_10, window_bounds = array<i64: 1000, 64>}, {transform_indices = @transform_11, window_bounds = array<i64: 1000, 64>}, {transform_indices = @transform_12, window_bounds = array<i64: 1000, 64>}, {transform_indices = @transform_13, window_bounds = array<i64: 1000, 64>}, {transform_indices = @transform_14, window_bounds = array<i64: 1000, 64>}, {transform_indices = @transform_15, window_bounds = array<i64: 1000, 64>}, {transform_indices = @transform_16, window_bounds = array<i64: 1000, 64>}, {transform_indices = @transform_17, window_bounds = array<i64: 1000, 64>}, {pipeline_mode = #tpu.pipeline_mode<synchronous>, transform_indices = @transform_18, window_bounds = array<i64: 512, 512>}, {pipeline_mode = #tpu.pipeline_mode<synchronous>, transform_indices = @transform_19, window_bounds = array<i64: 8, 512>}]} {
    %get3A = arith.constant 0 : index
    %get3A_0 = arith.constant 0 : index
    %get3A_1 = vector.load %arg6[%get3A, %get3A_0] : memref<16x512xf32, #tpu.memory_space<vmem>>, vector<16x512xf32>
    %get3A_2 = arith.constant 0 : index
    %get3A_3 = arith.constant 0 : index
    %get3A_4 = vector.load %arg1[%get3A_2, %get3A_3] : memref<1000x512xf32, #tpu.memory_space<vmem>>, vector<1000x512xf32>
    %get3A_5 = arith.constant 0 : index
    %get3A_6 = arith.constant 0 : index
    %get3A_7 = vector.load %arg3[%get3A_5, %get3A_6] : memref<8x512xf32, #tpu.memory_space<vmem>>, vector<8x512xf32>
    %slice3A = vector.extract_strided_slice %get3A_1 {offsets = [4, 0], sizes = [1, 512], strides = [1, 1]} : vector<16x512xf32> to vector<1x512xf32>
    %slice3A_8 = vector.extract_strided_slice %get3A_1 {offsets = [5, 0], sizes = [1, 512], strides = [1, 1]} : vector<16x512xf32> to vector<1x512xf32>
    %slice3A_9 = vector.extract_strided_slice %get3A_7 {offsets = [0, 0], sizes = [1, 512], strides = [1, 1]} : vector<8x512xf32> to vector<1x512xf32>
    %div3A = arith.constant 1.000000e+04 : f32
    %div3A_10 = vector.broadcast %div3A : f32 to vector<1x512xf32>
    %div3A_11 = arith.divf %slice3A_9, %div3A_10 : vector<1x512xf32>
    %slice3A_12 = vector.extract_strided_slice %get3A_7 {offsets = [1, 0], sizes = [1, 512], strides = [1, 1]} : vector<8x512xf32> to vector<1x512xf32>
    %div3A_13 = arith.constant 1.000000e+04 : f32
    %div3A_14 = vector.broadcast %div3A_13 : f32 to vector<1x512xf32>
    %div3A_15 = arith.divf %slice3A_12, %div3A_14 : vector<1x512xf32>
    %mul3A = arith.mulf %div3A_11, %div3A_11 : vector<1x512xf32>
    %sub3A = arith.subf %div3A_15, %mul3A : vector<1x512xf32>
    %sub3A_16 = vector.broadcast %div3A_11 : vector<1x512xf32> to vector<1000x512xf32>
    %sub3A_17 = arith.subf %get3A_4, %sub3A_16 : vector<1000x512xf32>
    %mul3A_18 = vector.broadcast %slice3A : vector<1x512xf32> to vector<1000x512xf32>
    %mul3A_19 = arith.mulf %mul3A_18, %sub3A_17 : vector<1000x512xf32>
    %add3A = arith.constant 9.99999974E-6 : f32
    %add3A_20 = vector.broadcast %add3A : f32 to vector<1x512xf32>
    %add3A_21 = arith.addf %sub3A, %add3A_20 : vector<1x512xf32>
    %rsqrt3A = math.rsqrt %add3A_21 : vector<1x512xf32>
    %mul3A_22 = vector.broadcast %rsqrt3A : vector<1x512xf32> to vector<1000x512xf32>
    %mul3A_23 = arith.mulf %mul3A_19, %mul3A_22 : vector<1000x512xf32>
    %add3A_24 = vector.broadcast %slice3A_8 : vector<1x512xf32> to vector<1000x512xf32>
    %add3A_25 = arith.addf %mul3A_23, %add3A_24 : vector<1000x512xf32>
    %max3A = arith.constant 0.000000e+00 : f32
    %max3A_26 = vector.broadcast %max3A : f32 to vector<1000x512xf32>
    %max3A_27 = arith.maximumf %add3A_25, %max3A_26 : vector<1000x512xf32>
    %convert_element_type3A = arith.truncf %max3A_27 : vector<1000x512xf32> to vector<1000x512xbf16>
    %get3A_28 = arith.constant 0 : index
    %get3A_29 = arith.constant 0 : index
    %get3A_30 = vector.load %arg7[%get3A_28, %get3A_29] : memref<512x512xbf16, #tpu.memory_space<vmem>>, vector<512x512xbf16>
    %dot_general3A = arith.constant dense<0.000000e+00> : vector<1000x512xf32>
    %dot_general3A_31 = tpu.matmul %convert_element_type3A, %get3A_30, %dot_general3A {dimension_numbers = #tpu.dot_dimension_numbers<[1], [0], [0], [1], [0, 0, 1, 1], [], []>, transpose_lhs_hint = false} : vector<1000x512xbf16>, vector<512x512xbf16>, vector<1000x512xf32> -> vector<1000x512xf32>
    %slice3A_32 = vector.extract_strided_slice %get3A_1 {offsets = [2, 0], sizes = [1, 512], strides = [1, 1]} : vector<16x512xf32> to vector<1x512xf32>
    %add3A_33 = vector.broadcast %slice3A_32 : vector<1x512xf32> to vector<1000x512xf32>
    %add3A_34 = arith.addf %dot_general3A_31, %add3A_33 : vector<1000x512xf32>
    %get3A_35 = arith.constant 0 : index
    %get3A_36 = arith.constant 0 : index
    %get3A_37 = vector.load %arg8[%get3A_35, %get3A_36] : memref<512x512xbf16, #tpu.memory_space<vmem>>, vector<512x512xbf16>
    %dot_general3A_38 = arith.constant dense<0.000000e+00> : vector<1000x512xf32>
    %dot_general3A_39 = tpu.matmul %convert_element_type3A, %get3A_37, %dot_general3A_38 {dimension_numbers = #tpu.dot_dimension_numbers<[1], [0], [0], [1], [0, 0, 1, 1], [], []>, transpose_lhs_hint = false} : vector<1000x512xbf16>, vector<512x512xbf16>, vector<1000x512xf32> -> vector<1000x512xf32>
    %slice3A_40 = vector.extract_strided_slice %get3A_1 {offsets = [3, 0], sizes = [1, 512], strides = [1, 1]} : vector<16x512xf32> to vector<1x512xf32>
    %add3A_41 = vector.broadcast %slice3A_40 : vector<1x512xf32> to vector<1000x512xf32>
    %add3A_42 = arith.addf %dot_general3A_39, %add3A_41 : vector<1000x512xf32>
    %mul3A_43 = arith.mulf %add3A_34, %add3A_34 : vector<1000x512xf32>
    %reduce_sum3A = arith.constant dense<0.000000e+00> : vector<1000xf32>
    %reduce_sum3A_44 = vector.multi_reduction <add>, %mul3A_43, %reduce_sum3A [1] : vector<1000x512xf32> to vector<1000xf32>
    %broadcast_in_dim3A = vector.shape_cast %reduce_sum3A_44 : vector<1000xf32> to vector<1000x1xf32>
    %sqrt3A = math.sqrt %broadcast_in_dim3A : vector<1000x1xf32>
    %add3A_45 = arith.constant 9.99999997E-7 : f32
    %add3A_46 = vector.broadcast %add3A_45 : f32 to vector<1000x1xf32>
    %add3A_47 = arith.addf %sqrt3A, %add3A_46 : vector<1000x1xf32>
    %div3A_48 = vector.broadcast %add3A_47 : vector<1000x1xf32> to vector<1000x512xf32>
    %div3A_49 = arith.divf %add3A_34, %div3A_48 : vector<1000x512xf32>
    %swap3A = arith.constant 0 : index
    %swap3A_50 = arith.constant 0 : index
    %swap3A_51 = vector.load %arg9[%swap3A, %swap3A_50] : memref<1000x512xf32, #tpu.memory_space<vmem>>, vector<1000x512xf32>
    tpu.vector_store %arg9[%swap3A, %swap3A_50], %max3A_27 {strides = array<i32>} : memref<1000x512xf32, #tpu.memory_space<vmem>>, vector<1000x512xf32>,
    %get3A_52 = arith.constant 0 : index
    %get3A_53 = arith.constant 0 : index
    %get3A_54 = vector.load %arg2[%get3A_52, %get3A_53] : memref<1000x512xf32, #tpu.memory_space<vmem>>, vector<1000x512xf32>
    %get3A_55 = arith.constant 0 : index
    %get3A_56 = arith.constant 0 : index
    %get3A_57 = vector.load %arg4[%get3A_55, %get3A_56] : memref<8x512xf32, #tpu.memory_space<vmem>>, vector<8x512xf32>
    %slice3A_58 = vector.extract_strided_slice %get3A_1 {offsets = [9, 0], sizes = [1, 512], strides = [1, 1]} : vector<16x512xf32> to vector<1x512xf32>
    %slice3A_59 = vector.extract_strided_slice %get3A_1 {offsets = [10, 0], sizes = [1, 512], strides = [1, 1]} : vector<16x512xf32> to vector<1x512xf32>
    %slice3A_60 = vector.extract_strided_slice %get3A_57 {offsets = [0, 0], sizes = [1, 512], strides = [1, 1]} : vector<8x512xf32> to vector<1x512xf32>
    %div3A_61 = arith.constant 1.000000e+04 : f32
    %div3A_62 = vector.broadcast %div3A_61 : f32 to vector<1x512xf32>
    %div3A_63 = arith.divf %slice3A_60, %div3A_62 : vector<1x512xf32>
    %slice3A_64 = vector.extract_strided_slice %get3A_57 {offsets = [1, 0], sizes = [1, 512], strides = [1, 1]} : vector<8x512xf32> to vector<1x512xf32>
    %div3A_65 = arith.constant 1.000000e+04 : f32
    %div3A_66 = vector.broadcast %div3A_65 : f32 to vector<1x512xf32>
    %div3A_67 = arith.divf %slice3A_64, %div3A_66 : vector<1x512xf32>
    %mul3A_68 = arith.mulf %div3A_63, %div3A_63 : vector<1x512xf32>
    %sub3A_69 = arith.subf %div3A_67, %mul3A_68 : vector<1x512xf32>
    %sub3A_70 = vector.broadcast %div3A_63 : vector<1x512xf32> to vector<1000x512xf32>
    %sub3A_71 = arith.subf %get3A_54, %sub3A_70 : vector<1000x512xf32>
    %mul3A_72 = vector.broadcast %slice3A_58 : vector<1x512xf32> to vector<1000x512xf32>
    %mul3A_73 = arith.mulf %mul3A_72, %sub3A_71 : vector<1000x512xf32>
    %add3A_74 = arith.constant 9.99999974E-6 : f32
    %add3A_75 = vector.broadcast %add3A_74 : f32 to vector<1x512xf32>
    %add3A_76 = arith.addf %sub3A_69, %add3A_75 : vector<1x512xf32>
    %rsqrt3A_77 = math.rsqrt %add3A_76 : vector<1x512xf32>
    %mul3A_78 = vector.broadcast %rsqrt3A_77 : vector<1x512xf32> to vector<1000x512xf32>
    %mul3A_79 = arith.mulf %mul3A_73, %mul3A_78 : vector<1000x512xf32>
    %add3A_80 = vector.broadcast %slice3A_59 : vector<1x512xf32> to vector<1000x512xf32>
    %add3A_81 = arith.addf %mul3A_79, %add3A_80 : vector<1000x512xf32>
    %max3A_82 = arith.constant 0.000000e+00 : f32
    %max3A_83 = vector.broadcast %max3A_82 : f32 to vector<1000x512xf32>
    %max3A_84 = arith.maximumf %add3A_81, %max3A_83 : vector<1000x512xf32>
    %swap3A_85 = arith.constant 0 : index
    %swap3A_86 = arith.constant 0 : index
    %swap3A_87 = vector.load %arg10[%swap3A_85, %swap3A_86] : memref<1000x512xf32, #tpu.memory_space<vmem>>, vector<1000x512xf32>
    tpu.vector_store %arg10[%swap3A_85, %swap3A_86], %max3A_84 {strides = array<i32>} : memref<1000x512xf32, #tpu.memory_space<vmem>>, vector<1000x512xf32>,
    %get3A_88 = arith.constant 0 : index
    %get3A_89 = arith.constant 0 : index
    %get3A_90 = vector.load %arg5[%get3A_88, %get3A_89] : memref<1000x1xf32, #tpu.memory_space<vmem>>, vector<1000x1xf32>
    %mul3A_91 = vector.broadcast %get3A_90 : vector<1000x1xf32> to vector<1000x512xf32>
    %mul3A_92 = arith.mulf %max3A_84, %mul3A_91 : vector<1000x512xf32>
    %slice3A_93 = vector.extract_strided_slice %mul3A_92 {offsets = [0, 0], sizes = [1000, 64], strides = [1, 1]} : vector<1000x512xf32> to vector<1000x64xf32>
    %swap3A_94 = arith.constant 0 : index
    %swap3A_95 = arith.constant 0 : index
    %swap3A_96 = vector.load %arg11[%swap3A_94, %swap3A_95] : memref<1000x64xf32, #tpu.memory_space<vmem>>, vector<1000x64xf32>
    tpu.vector_store %arg11[%swap3A_94, %swap3A_95], %slice3A_93 {strides = array<i32>} : memref<1000x64xf32, #tpu.memory_space<vmem>>, vector<1000x64xf32>,
    %slice3A_97 = vector.extract_strided_slice %mul3A_92 {offsets = [0, 64], sizes = [1000, 64], strides = [1, 1]} : vector<1000x512xf32> to vector<1000x64xf32>
    %swap3A_98 = arith.constant 0 : index
    %swap3A_99 = arith.constant 0 : index
    %swap3A_100 = vector.load %arg12[%swap3A_98, %swap3A_99] : memref<1000x64xf32, #tpu.memory_space<vmem>>, vector<1000x64xf32>
    tpu.vector_store %arg12[%swap3A_98, %swap3A_99], %slice3A_97 {strides = array<i32>} : memref<1000x64xf32, #tpu.memory_space<vmem>>, vector<1000x64xf32>,
    %slice3A_101 = vector.extract_strided_slice %mul3A_92 {offsets = [0, 128], sizes = [1000, 64], strides = [1, 1]} : vector<1000x512xf32> to vector<1000x64xf32>
    %swap3A_102 = arith.constant 0 : index
    %swap3A_103 = arith.constant 0 : index
    %swap3A_104 = vector.load %arg13[%swap3A_102, %swap3A_103] : memref<1000x64xf32, #tpu.memory_space<vmem>>, vector<1000x64xf32>
    tpu.vector_store %arg13[%swap3A_102, %swap3A_103], %slice3A_101 {strides = array<i32>} : memref<1000x64xf32, #tpu.memory_space<vmem>>, vector<1000x64xf32>,
    %slice3A_105 = vector.extract_strided_slice %mul3A_92 {offsets = [0, 192], sizes = [1000, 64], strides = [1, 1]} : vector<1000x512xf32> to vector<1000x64xf32>
    %swap3A_106 = arith.constant 0 : index
    %swap3A_107 = arith.constant 0 : index
    %swap3A_108 = vector.load %arg14[%swap3A_106, %swap3A_107] : memref<1000x64xf32, #tpu.memory_space<vmem>>, vector<1000x64xf32>
    tpu.vector_store %arg14[%swap3A_106, %swap3A_107], %slice3A_105 {strides = array<i32>} : memref<1000x64xf32, #tpu.memory_space<vmem>>, vector<1000x64xf32>,
    %slice3A_109 = vector.extract_strided_slice %mul3A_92 {offsets = [0, 256], sizes = [1000, 64], strides = [1, 1]} : vector<1000x512xf32> to vector<1000x64xf32>
    %swap3A_110 = arith.constant 0 : index
    %swap3A_111 = arith.constant 0 : index
    %swap3A_112 = vector.load %arg15[%swap3A_110, %swap3A_111] : memref<1000x64xf32, #tpu.memory_space<vmem>>, vector<1000x64xf32>
    tpu.vector_store %arg15[%swap3A_110, %swap3A_111], %slice3A_109 {strides = array<i32>} : memref<1000x64xf32, #tpu.memory_space<vmem>>, vector<1000x64xf32>,
    %slice3A_113 = vector.extract_strided_slice %mul3A_92 {offsets = [0, 320], sizes = [1000, 64], strides = [1, 1]} : vector<1000x512xf32> to vector<1000x64xf32>
    %swap3A_114 = arith.constant 0 : index
    %swap3A_115 = arith.constant 0 : index
    %swap3A_116 = vector.load %arg16[%swap3A_114, %swap3A_115] : memref<1000x64xf32, #tpu.memory_space<vmem>>, vector<1000x64xf32>
    tpu.vector_store %arg16[%swap3A_114, %swap3A_115], %slice3A_113 {strides = array<i32>} : memref<1000x64xf32, #tpu.memory_space<vmem>>, vector<1000x64xf32>,
    %slice3A_117 = vector.extract_strided_slice %mul3A_92 {offsets = [0, 384], sizes = [1000, 64], strides = [1, 1]} : vector<1000x512xf32> to vector<1000x64xf32>
    %swap3A_118 = arith.constant 0 : index
    %swap3A_119 = arith.constant 0 : index
    %swap3A_120 = vector.load %arg17[%swap3A_118, %swap3A_119] : memref<1000x64xf32, #tpu.memory_space<vmem>>, vector<1000x64xf32>
    tpu.vector_store %arg17[%swap3A_118, %swap3A_119], %slice3A_117 {strides = array<i32>} : memref<1000x64xf32, #tpu.memory_space<vmem>>, vector<1000x64xf32>,
    %slice3A_121 = vector.extract_strided_slice %mul3A_92 {offsets = [0, 448], sizes = [1000, 64], strides = [1, 1]} : vector<1000x512xf32> to vector<1000x64xf32>
    %swap3A_122 = arith.constant 0 : index
    %swap3A_123 = arith.constant 0 : index
    %swap3A_124 = vector.load %arg18[%swap3A_122, %swap3A_123] : memref<1000x64xf32, #tpu.memory_space<vmem>>, vector<1000x64xf32>
    tpu.vector_store %arg18[%swap3A_122, %swap3A_123], %slice3A_121 {strides = array<i32>} : memref<1000x64xf32, #tpu.memory_space<vmem>>, vector<1000x64xf32>,
    %convert_element_type3A_125 = arith.truncf %div3A_49 : vector<1000x512xf32> to vector<1000x512xbf16>
    %convert_element_type3A_126 = arith.truncf %add3A_42 : vector<1000x512xf32> to vector<1000x512xbf16>
    %dot_general3A_127 = arith.constant dense<0.000000e+00> : vector<512x512xf32>
    %dot_general3A_128 = tpu.matmul %convert_element_type3A_125, %convert_element_type3A_126, %dot_general3A_127 {dimension_numbers = #tpu.dot_dimension_numbers<[0], [0], [1], [1], [0, 1, 1, 1], [], []>, transpose_lhs_hint = false} : vector<1000x512xbf16>, vector<1000x512xbf16>, vector<512x512xf32> -> vector<512x512xf32>
    %reduce_sum3A_129 = arith.constant dense<0.000000e+00> : vector<512xf32>
    %reduce_sum3A_130 = vector.multi_reduction <add>, %div3A_49, %reduce_sum3A_129 [0] : vector<1000x512xf32> to vector<512xf32>
    %broadcast_in_dim3A_131 = vector.shape_cast %reduce_sum3A_130 : vector<512xf32> to vector<1x512xf32>
    %broadcast_in_dim3A_132 = arith.constant 0.000000e+00 : f32
    %broadcast_in_dim3A_133 = vector.broadcast %broadcast_in_dim3A_132 : f32 to vector<7x512xf32>
    %concatenate3A = tpu.concatenate %broadcast_in_dim3A_131, %broadcast_in_dim3A_133 in 0 : vector<1x512xf32>, vector<7x512xf32> -> vector<8x512xf32>
    %eq3A = arith.constant 0 : i32
    %eq3A_134 = arith.cmpi eq, %arg0, %eq3A : i32
    %convert_element_type3A_135 = arith.extui %eq3A_134 : i1 to i32
    %cond3A = arith.constant 0 : i32
    %cond3A_136 = arith.cmpi ne, %convert_element_type3A_135, %cond3A : i32
    scf.if %cond3A_136 {
      %broadcast_in_dim3A_156 = arith.constant 0.000000e+00 : f32
      %broadcast_in_dim3A_157 = vector.broadcast %broadcast_in_dim3A_156 : f32 to vector<512x512xf32>
      %swap3A_158 = arith.constant 0 : index
      %swap3A_159 = arith.constant 0 : index
      %swap3A_160 = vector.load %arg21[%swap3A_158, %swap3A_159] : memref<512x512xf32, #tpu.memory_space<vmem>>, vector<512x512xf32>
      tpu.vector_store %arg21[%swap3A_158, %swap3A_159], %broadcast_in_dim3A_157 {strides = array<i32>} : memref<512x512xf32, #tpu.memory_space<vmem>>, vector<512x512xf32>,
      %broadcast_in_dim3A_161 = arith.constant 0.000000e+00 : f32
      %broadcast_in_dim3A_162 = vector.broadcast %broadcast_in_dim3A_161 : f32 to vector<8x512xf32>
      %swap3A_163 = arith.constant 0 : index
      %swap3A_164 = arith.constant 0 : index
      %swap3A_165 = vector.load %arg22[%swap3A_163, %swap3A_164] : memref<8x512xf32, #tpu.memory_space<vmem>>, vector<8x512xf32>
      tpu.vector_store %arg22[%swap3A_163, %swap3A_164], %broadcast_in_dim3A_162 {strides = array<i32>} : memref<8x512xf32, #tpu.memory_space<vmem>>, vector<8x512xf32>,
    } else {
    }
    %get3A_137 = arith.constant 0 : index
    %get3A_138 = arith.constant 0 : index
    %get3A_139 = vector.load %arg21[%get3A_137, %get3A_138] : memref<512x512xf32, #tpu.memory_space<vmem>>, vector<512x512xf32>
    %add3A_140 = arith.addf %get3A_139, %dot_general3A_128 : vector<512x512xf32>
    %swap3A_141 = arith.constant 0 : index
    %swap3A_142 = arith.constant 0 : index
    %swap3A_143 = vector.load %arg21[%swap3A_141, %swap3A_142] : memref<512x512xf32, #tpu.memory_space<vmem>>, vector<512x512xf32>
    tpu.vector_store %arg21[%swap3A_141, %swap3A_142], %add3A_140 {strides = array<i32>} : memref<512x512xf32, #tpu.memory_space<vmem>>, vector<512x512xf32>,
    %get3A_144 = arith.constant 0 : index
    %get3A_145 = arith.constant 0 : index
    %get3A_146 = vector.load %arg22[%get3A_144, %get3A_145] : memref<8x512xf32, #tpu.memory_space<vmem>>, vector<8x512xf32>
    %add3A_147 = arith.addf %get3A_146, %concatenate3A : vector<8x512xf32>
    %swap3A_148 = arith.constant 0 : index
    %swap3A_149 = arith.constant 0 : index
    %swap3A_150 = vector.load %arg22[%swap3A_148, %swap3A_149] : memref<8x512xf32, #tpu.memory_space<vmem>>, vector<8x512xf32>
    tpu.vector_store %arg22[%swap3A_148, %swap3A_149], %add3A_147 {strides = array<i32>} : memref<8x512xf32, #tpu.memory_space<vmem>>, vector<8x512xf32>,
    %eq3A_151 = arith.constant 9 : i32
    %eq3A_152 = arith.cmpi eq, %arg0, %eq3A_151 : i32
    %convert_element_type3A_153 = arith.extui %eq3A_152 : i1 to i32
    %cond3A_154 = arith.constant 0 : i32
    %cond3A_155 = arith.cmpi ne, %convert_element_type3A_153, %cond3A_154 : i32
    scf.if %cond3A_155 {
      %get3A_156 = arith.constant 0 : index
      %get3A_157 = arith.constant 0 : index
      %get3A_158 = vector.load %arg21[%get3A_156, %get3A_157] : memref<512x512xf32, #tpu.memory_space<vmem>>, vector<512x512xf32>
      %swap3A_159 = arith.constant 0 : index
      %swap3A_160 = arith.constant 0 : index
      %swap3A_161 = vector.load %arg19[%swap3A_159, %swap3A_160] : memref<512x512xf32, #tpu.memory_space<vmem>>, vector<512x512xf32>
      tpu.vector_store %arg19[%swap3A_159, %swap3A_160], %get3A_158 {strides = array<i32>} : memref<512x512xf32, #tpu.memory_space<vmem>>, vector<512x512xf32>,
      %get3A_162 = arith.constant 0 : index
      %get3A_163 = arith.constant 0 : index
      %get3A_164 = vector.load %arg22[%get3A_162, %get3A_163] : memref<8x512xf32, #tpu.memory_space<vmem>>, vector<8x512xf32>
      %swap3A_165 = arith.constant 0 : index
      %swap3A_166 = arith.constant 0 : index
      %swap3A_167 = vector.load %arg20[%swap3A_165, %swap3A_166] : memref<8x512xf32, #tpu.memory_space<vmem>>, vector<8x512xf32>
      tpu.vector_store %arg20[%swap3A_165, %swap3A_166], %get3A_164 {strides = array<i32>} : memref<8x512xf32, #tpu.memory_space<vmem>>, vector<8x512xf32>,
    } else {
    }
    return
  }
  func.func @transform_0(%arg0: i32) -> (i32, i32) {
    %c0_i32 = arith.constant 0 : i32
    %c0_i32_0 = arith.constant 0 : i32
    return %arg0, %c0_i32 : i32, i32
  }
  func.func @transform_1(%arg0: i32) -> (i32, i32) {
    %c0_i32 = arith.constant 0 : i32
    %c0_i32_0 = arith.constant 0 : i32
    return %arg0, %c0_i32 : i32, i32
  }
  func.func @transform_2(%arg0: i32) -> (i32, i32) {
    %c0_i32 = arith.constant 0 : i32
    %c0_i32_0 = arith.constant 0 : i32
    %c0_i32_1 = arith.constant 0 : i32
    return %c0_i32, %c0_i32_0 : i32, i32
  }
  func.func @transform_3(%arg0: i32) -> (i32, i32) {
    %c0_i32 = arith.constant 0 : i32
    %c0_i32_0 = arith.constant 0 : i32
    %c0_i32_1 = arith.constant 0 : i32
    return %c0_i32, %c0_i32_0 : i32, i32
  }
  func.func @transform_4(%arg0: i32) -> (i32, i32) {
    %c0_i32 = arith.constant 0 : i32
    %c0_i32_0 = arith.constant 0 : i32
    return %arg0, %c0_i32 : i32, i32
  }
  func.func @transform_5(%arg0: i32) -> (i32, i32) {
    %c0_i32 = arith.constant 0 : i32
    %c0_i32_0 = arith.constant 0 : i32
    %c0_i32_1 = arith.constant 0 : i32
    return %c0_i32, %c0_i32_0 : i32, i32
  }
  func.func @transform_6(%arg0: i32) -> (i32, i32) {
    %c0_i32 = arith.constant 0 : i32
    %c0_i32_0 = arith.constant 0 : i32
    %c0_i32_1 = arith.constant 0 : i32
    return %c0_i32, %c0_i32_0 : i32, i32
  }
  func.func @transform_7(%arg0: i32) -> (i32, i32) {
    %c0_i32 = arith.constant 0 : i32
    %c0_i32_0 = arith.constant 0 : i32
    %c0_i32_1 = arith.constant 0 : i32
    return %c0_i32, %c0_i32_0 : i32, i32
  }
  func.func @transform_8(%arg0: i32) -> (i32, i32) {
    %c0_i32 = arith.constant 0 : i32
    %c0_i32_0 = arith.constant 0 : i32
    return %arg0, %c0_i32 : i32, i32
  }
  func.func @transform_9(%arg0: i32) -> (i32, i32) {
    %c0_i32 = arith.constant 0 : i32
    %c0_i32_0 = arith.constant 0 : i32
    return %arg0, %c0_i32 : i32, i32
  }
  func.func @transform_10(%arg0: i32) -> (i32, i32) {
    %c0_i32 = arith.constant 0 : i32
    %c0_i32_0 = arith.constant 0 : i32
    return %arg0, %c0_i32 : i32, i32
  }
  func.func @transform_11(%arg0: i32) -> (i32, i32) {
    %c0_i32 = arith.constant 0 : i32
    %c0_i32_0 = arith.constant 0 : i32
    return %arg0, %c0_i32 : i32, i32
  }
  func.func @transform_12(%arg0: i32) -> (i32, i32) {
    %c0_i32 = arith.constant 0 : i32
    %c0_i32_0 = arith.constant 0 : i32
    return %arg0, %c0_i32 : i32, i32
  }
  func.func @transform_13(%arg0: i32) -> (i32, i32) {
    %c0_i32 = arith.constant 0 : i32
    %c0_i32_0 = arith.constant 0 : i32
    return %arg0, %c0_i32 : i32, i32
  }
  func.func @transform_14(%arg0: i32) -> (i32, i32) {
    %c0_i32 = arith.constant 0 : i32
    %c0_i32_0 = arith.constant 0 : i32
    return %arg0, %c0_i32 : i32, i32
  }
  func.func @transform_15(%arg0: i32) -> (i32, i32) {
    %c0_i32 = arith.constant 0 : i32
    %c0_i32_0 = arith.constant 0 : i32
    return %arg0, %c0_i32 : i32, i32
  }
  func.func @transform_16(%arg0: i32) -> (i32, i32) {
    %c0_i32 = arith.constant 0 : i32
    %c0_i32_0 = arith.constant 0 : i32
    return %arg0, %c0_i32 : i32, i32
  }
  func.func @transform_17(%arg0: i32) -> (i32, i32) {
    %c0_i32 = arith.constant 0 : i32
    %c0_i32_0 = arith.constant 0 : i32
    return %arg0, %c0_i32 : i32, i32
  }
  func.func @transform_18(%arg0: i32) -> (i32, i32) {
    %c0_i32 = arith.constant 0 : i32
    %c0_i32_0 = arith.constant 0 : i32
    %c0_i32_1 = arith.constant 0 : i32
    return %c0_i32, %c0_i32_0 : i32, i32
  }
  func.func @transform_19(%arg0: i32) -> (i32, i32) {
    %c0_i32 = arith.constant 0 : i32
    %c0_i32_0 = arith.constant 0 : i32
    %c0_i32_1 = arith.constant 0 : i32
    return %c0_i32, %c0_i32_0 : i32, i32
  }
}

module attributes {stable_mosaic.version = 14 : i64} {
  func.func @_k3_body(%arg0: i32, %arg1: memref<1000x512xf32, #tpu.memory_space<vmem>>, %arg2: memref<512x512xf32, #tpu.memory_space<vmem>>, %arg3: memref<8x512xf32, #tpu.memory_space<vmem>>, %arg4: memref<16x512xf32, #tpu.memory_space<vmem>>, %arg5: memref<512x512xbf16, #tpu.memory_space<vmem>>, %arg6: memref<512x512xbf16, #tpu.memory_space<vmem>>, %arg7: memref<1000x512xf32, #tpu.memory_space<vmem>>, %arg8: memref<8x512xf32, #tpu.memory_space<vmem>>, %arg9: memref<8x512xf32, #tpu.memory_space<vmem>>) attributes {dimension_semantics = [#tpu.dimension_semantics<arbitrary>], iteration_bounds = array<i64: 10>, scalar_prefetch = 0 : i64, scratch_operands = 1 : i64, tpu.core_type = #tpu.core_type<tc>, window_params = [{transform_indices = @transform_0, window_bounds = array<i64: 1000, 512>}, {pipeline_mode = #tpu.pipeline_mode<synchronous>, transform_indices = @transform_1, window_bounds = array<i64: 512, 512>}, {pipeline_mode = #tpu.pipeline_mode<synchronous>, transform_indices = @transform_2, window_bounds = array<i64: 8, 512>}, {pipeline_mode = #tpu.pipeline_mode<synchronous>, transform_indices = @transform_3, window_bounds = array<i64: 16, 512>}, {pipeline_mode = #tpu.pipeline_mode<synchronous>, transform_indices = @transform_4, window_bounds = array<i64: 512, 512>}, {pipeline_mode = #tpu.pipeline_mode<synchronous>, transform_indices = @transform_5, window_bounds = array<i64: 512, 512>}, {transform_indices = @transform_6, window_bounds = array<i64: 1000, 512>}, {pipeline_mode = #tpu.pipeline_mode<synchronous>, transform_indices = @transform_7, window_bounds = array<i64: 8, 512>}]} {
    %get3A = arith.constant 0 : index
    %get3A_0 = arith.constant 0 : index
    %get3A_1 = vector.load %arg4[%get3A, %get3A_0] : memref<16x512xf32, #tpu.memory_space<vmem>>, vector<16x512xf32>
    %get3A_2 = arith.constant 0 : index
    %get3A_3 = arith.constant 0 : index
    %get3A_4 = vector.load %arg1[%get3A_2, %get3A_3] : memref<1000x512xf32, #tpu.memory_space<vmem>>, vector<1000x512xf32>
    %convert_element_type3A = arith.truncf %get3A_4 : vector<1000x512xf32> to vector<1000x512xbf16>
    %get3A_5 = arith.constant 0 : index
    %get3A_6 = arith.constant 0 : index
    %get3A_7 = vector.load %arg5[%get3A_5, %get3A_6] : memref<512x512xbf16, #tpu.memory_space<vmem>>, vector<512x512xbf16>
    %dot_general3A = arith.constant dense<0.000000e+00> : vector<1000x512xf32>
    %dot_general3A_8 = tpu.matmul %convert_element_type3A, %get3A_7, %dot_general3A {dimension_numbers = #tpu.dot_dimension_numbers<[1], [0], [0], [1], [0, 0, 1, 1], [], []>, transpose_lhs_hint = false} : vector<1000x512xbf16>, vector<512x512xbf16>, vector<1000x512xf32> -> vector<1000x512xf32>
    %slice3A = vector.extract_strided_slice %get3A_1 {offsets = [1, 0], sizes = [1, 512], strides = [1, 1]} : vector<16x512xf32> to vector<1x512xf32>
    %add3A = vector.broadcast %slice3A : vector<1x512xf32> to vector<1000x512xf32>
    %add3A_9 = arith.addf %dot_general3A_8, %add3A : vector<1000x512xf32>
    %get3A_10 = arith.constant 0 : index
    %get3A_11 = arith.constant 0 : index
    %get3A_12 = vector.load %arg6[%get3A_10, %get3A_11] : memref<512x512xbf16, #tpu.memory_space<vmem>>, vector<512x512xbf16>
    %dot_general3A_13 = arith.constant dense<0.000000e+00> : vector<1000x512xf32>
    %dot_general3A_14 = tpu.matmul %convert_element_type3A, %get3A_12, %dot_general3A_13 {dimension_numbers = #tpu.dot_dimension_numbers<[1], [0], [0], [1], [0, 0, 1, 1], [], []>, transpose_lhs_hint = false} : vector<1000x512xbf16>, vector<512x512xbf16>, vector<1000x512xf32> -> vector<1000x512xf32>
    %slice3A_15 = vector.extract_strided_slice %get3A_1 {offsets = [3, 0], sizes = [1, 512], strides = [1, 1]} : vector<16x512xf32> to vector<1x512xf32>
    %add3A_16 = vector.broadcast %slice3A_15 : vector<1x512xf32> to vector<1000x512xf32>
    %add3A_17 = arith.addf %dot_general3A_14, %add3A_16 : vector<1000x512xf32>
    %mul3A = arith.mulf %add3A_9, %add3A_9 : vector<1000x512xf32>
    %reduce_sum3A = arith.constant dense<0.000000e+00> : vector<1000xf32>
    %reduce_sum3A_18 = vector.multi_reduction <add>, %mul3A, %reduce_sum3A [1] : vector<1000x512xf32> to vector<1000xf32>
    %broadcast_in_dim3A = vector.shape_cast %reduce_sum3A_18 : vector<1000xf32> to vector<1000x1xf32>
    %sqrt3A = math.sqrt %broadcast_in_dim3A : vector<1000x1xf32>
    %add3A_19 = arith.constant 9.99999997E-7 : f32
    %add3A_20 = vector.broadcast %add3A_19 : f32 to vector<1000x1xf32>
    %add3A_21 = arith.addf %sqrt3A, %add3A_20 : vector<1000x1xf32>
    %div3A = vector.broadcast %add3A_21 : vector<1000x1xf32> to vector<1000x512xf32>
    %div3A_22 = arith.divf %add3A_9, %div3A : vector<1000x512xf32>
    %convert_element_type3A_23 = arith.truncf %div3A_22 : vector<1000x512xf32> to vector<1000x512xbf16>
    %get3A_24 = arith.constant 0 : index
    %get3A_25 = arith.constant 0 : index
    %get3A_26 = vector.load %arg2[%get3A_24, %get3A_25] : memref<512x512xf32, #tpu.memory_space<vmem>>, vector<512x512xf32>
    %convert_element_type3A_27 = arith.truncf %get3A_26 : vector<512x512xf32> to vector<512x512xbf16>
    %dot_general3A_28 = arith.constant dense<0.000000e+00> : vector<1000x512xf32>
    %dot_general3A_29 = tpu.matmul %convert_element_type3A_23, %convert_element_type3A_27, %dot_general3A_28 {dimension_numbers = #tpu.dot_dimension_numbers<[1], [0], [0], [1], [0, 0, 1, 1], [], []>, transpose_lhs_hint = false} : vector<1000x512xbf16>, vector<512x512xbf16>, vector<1000x512xf32> -> vector<1000x512xf32>
    %mul3A_30 = arith.constant 1.000000e+04 : f32
    %mul3A_31 = vector.broadcast %mul3A_30 : f32 to vector<1000x512xf32>
    %mul3A_32 = arith.mulf %mul3A_31, %add3A_17 : vector<1000x512xf32>
    %add3A_33 = arith.addf %dot_general3A_29, %mul3A_32 : vector<1000x512xf32>
    %get3A_34 = arith.constant 0 : index
    %get3A_35 = arith.constant 0 : index
    %get3A_36 = vector.load %arg3[%get3A_34, %get3A_35] : memref<8x512xf32, #tpu.memory_space<vmem>>, vector<1x512xf32>
    %mul3A_37 = vector.broadcast %get3A_36 : vector<1x512xf32> to vector<1000x512xf32>
    %mul3A_38 = arith.mulf %div3A_22, %mul3A_37 : vector<1000x512xf32>
    %reduce_sum3A_39 = arith.constant dense<0.000000e+00> : vector<1000xf32>
    %reduce_sum3A_40 = vector.multi_reduction <add>, %mul3A_38, %reduce_sum3A_39 [1] : vector<1000x512xf32> to vector<1000xf32>
    %broadcast_in_dim3A_41 = vector.shape_cast %reduce_sum3A_40 : vector<1000xf32> to vector<1000x1xf32>
    %add3A_42 = arith.constant 1.000000e+04 : f32
    %add3A_43 = vector.broadcast %add3A_42 : f32 to vector<1000x1xf32>
    %add3A_44 = arith.addf %broadcast_in_dim3A_41, %add3A_43 : vector<1000x1xf32>
    %div3A_45 = vector.broadcast %add3A_44 : vector<1000x1xf32> to vector<1000x512xf32>
    %div3A_46 = arith.divf %add3A_33, %div3A_45 : vector<1000x512xf32>
    %mul3A_47 = arith.constant 5.000000e-01 : f32
    %mul3A_48 = vector.broadcast %mul3A_47 : f32 to vector<1000x512xf32>
    %mul3A_49 = arith.mulf %mul3A_48, %div3A_46 : vector<1000x512xf32>
    %get3A_50 = arith.constant 0 : index
    %get3A_51 = arith.constant 0 : index
    %get3A_52 = vector.load %arg1[%get3A_50, %get3A_51] : memref<1000x512xf32, #tpu.memory_space<vmem>>, vector<1000x512xf32>
    %mul3A_53 = arith.constant 5.000000e-01 : f32
    %mul3A_54 = vector.broadcast %mul3A_53 : f32 to vector<1000x512xf32>
    %mul3A_55 = arith.mulf %mul3A_54, %get3A_52 : vector<1000x512xf32>
    %add3A_56 = arith.addf %mul3A_49, %mul3A_55 : vector<1000x512xf32>
    %swap3A = arith.constant 0 : index
    %swap3A_57 = arith.constant 0 : index
    %swap3A_58 = vector.load %arg7[%swap3A, %swap3A_57] : memref<1000x512xf32, #tpu.memory_space<vmem>>, vector<1000x512xf32>
    tpu.vector_store %arg7[%swap3A, %swap3A_57], %add3A_56 {strides = array<i32>} : memref<1000x512xf32, #tpu.memory_space<vmem>>, vector<1000x512xf32>,
    %reduce_sum3A_59 = arith.constant dense<0.000000e+00> : vector<512xf32>
    %reduce_sum3A_60 = vector.multi_reduction <add>, %add3A_56, %reduce_sum3A_59 [0] : vector<1000x512xf32> to vector<512xf32>
    %broadcast_in_dim3A_61 = vector.shape_cast %reduce_sum3A_60 : vector<512xf32> to vector<1x512xf32>
    %mul3A_62 = arith.mulf %add3A_56, %add3A_56 : vector<1000x512xf32>
    %reduce_sum3A_63 = arith.constant dense<0.000000e+00> : vector<512xf32>
    %reduce_sum3A_64 = vector.multi_reduction <add>, %mul3A_62, %reduce_sum3A_63 [0] : vector<1000x512xf32> to vector<512xf32>
    %broadcast_in_dim3A_65 = vector.shape_cast %reduce_sum3A_64 : vector<512xf32> to vector<1x512xf32>
    %broadcast_in_dim3A_66 = arith.constant 0.000000e+00 : f32
    %broadcast_in_dim3A_67 = vector.broadcast %broadcast_in_dim3A_66 : f32 to vector<6x512xf32>
    %concatenate3A = tpu.concatenate %broadcast_in_dim3A_61, %broadcast_in_dim3A_65, %broadcast_in_dim3A_67 in 0 : vector<1x512xf32>, vector<1x512xf32>, vector<6x512xf32> -> vector<8x512xf32>
    %eq3A = arith.constant 0 : i32
    %eq3A_68 = arith.cmpi eq, %arg0, %eq3A : i32
    %convert_element_type3A_69 = arith.extui %eq3A_68 : i1 to i32
    %cond3A = arith.constant 0 : i32
    %cond3A_70 = arith.cmpi ne, %convert_element_type3A_69, %cond3A : i32
    scf.if %cond3A_70 {
      %broadcast_in_dim3A_83 = arith.constant 0.000000e+00 : f32
      %broadcast_in_dim3A_84 = vector.broadcast %broadcast_in_dim3A_83 : f32 to vector<8x512xf32>
      %swap3A_85 = arith.constant 0 : index
      %swap3A_86 = arith.constant 0 : index
      %swap3A_87 = vector.load %arg9[%swap3A_85, %swap3A_86] : memref<8x512xf32, #tpu.memory_space<vmem>>, vector<8x512xf32>
      tpu.vector_store %arg9[%swap3A_85, %swap3A_86], %broadcast_in_dim3A_84 {strides = array<i32>} : memref<8x512xf32, #tpu.memory_space<vmem>>, vector<8x512xf32>,
    } else {
    }
    %get3A_71 = arith.constant 0 : index
    %get3A_72 = arith.constant 0 : index
    %get3A_73 = vector.load %arg9[%get3A_71, %get3A_72] : memref<8x512xf32, #tpu.memory_space<vmem>>, vector<8x512xf32>
    %add3A_74 = arith.addf %get3A_73, %concatenate3A : vector<8x512xf32>
    %swap3A_75 = arith.constant 0 : index
    %swap3A_76 = arith.constant 0 : index
    %swap3A_77 = vector.load %arg9[%swap3A_75, %swap3A_76] : memref<8x512xf32, #tpu.memory_space<vmem>>, vector<8x512xf32>
    tpu.vector_store %arg9[%swap3A_75, %swap3A_76], %add3A_74 {strides = array<i32>} : memref<8x512xf32, #tpu.memory_space<vmem>>, vector<8x512xf32>,
    %eq3A_78 = arith.constant 9 : i32
    %eq3A_79 = arith.cmpi eq, %arg0, %eq3A_78 : i32
    %convert_element_type3A_80 = arith.extui %eq3A_79 : i1 to i32
    %cond3A_81 = arith.constant 0 : i32
    %cond3A_82 = arith.cmpi ne, %convert_element_type3A_80, %cond3A_81 : i32
    scf.if %cond3A_82 {
      %get3A_83 = arith.constant 0 : index
      %get3A_84 = arith.constant 0 : index
      %get3A_85 = vector.load %arg9[%get3A_83, %get3A_84] : memref<8x512xf32, #tpu.memory_space<vmem>>, vector<8x512xf32>
      %swap3A_86 = arith.constant 0 : index
      %swap3A_87 = arith.constant 0 : index
      %swap3A_88 = vector.load %arg8[%swap3A_86, %swap3A_87] : memref<8x512xf32, #tpu.memory_space<vmem>>, vector<8x512xf32>
      tpu.vector_store %arg8[%swap3A_86, %swap3A_87], %get3A_85 {strides = array<i32>} : memref<8x512xf32, #tpu.memory_space<vmem>>, vector<8x512xf32>,
    } else {
    }
    return
  }
  func.func @transform_0(%arg0: i32) -> (i32, i32) {
    %c0_i32 = arith.constant 0 : i32
    %c0_i32_0 = arith.constant 0 : i32
    return %arg0, %c0_i32 : i32, i32
  }
  func.func @transform_1(%arg0: i32) -> (i32, i32) {
    %c0_i32 = arith.constant 0 : i32
    %c0_i32_0 = arith.constant 0 : i32
    %c0_i32_1 = arith.constant 0 : i32
    return %c0_i32, %c0_i32_0 : i32, i32
  }
  func.func @transform_2(%arg0: i32) -> (i32, i32) {
    %c0_i32 = arith.constant 0 : i32
    %c0_i32_0 = arith.constant 0 : i32
    %c0_i32_1 = arith.constant 0 : i32
    return %c0_i32, %c0_i32_0 : i32, i32
  }
  func.func @transform_3(%arg0: i32) -> (i32, i32) {
    %c0_i32 = arith.constant 0 : i32
    %c0_i32_0 = arith.constant 0 : i32
    %c0_i32_1 = arith.constant 0 : i32
    return %c0_i32, %c0_i32_0 : i32, i32
  }
  func.func @transform_4(%arg0: i32) -> (i32, i32) {
    %c0_i32 = arith.constant 0 : i32
    %c0_i32_0 = arith.constant 0 : i32
    %c0_i32_1 = arith.constant 0 : i32
    return %c0_i32, %c0_i32_0 : i32, i32
  }
  func.func @transform_5(%arg0: i32) -> (i32, i32) {
    %c0_i32 = arith.constant 0 : i32
    %c0_i32_0 = arith.constant 0 : i32
    %c0_i32_1 = arith.constant 0 : i32
    return %c0_i32, %c0_i32_0 : i32, i32
  }
  func.func @transform_6(%arg0: i32) -> (i32, i32) {
    %c0_i32 = arith.constant 0 : i32
    %c0_i32_0 = arith.constant 0 : i32
    return %arg0, %c0_i32 : i32, i32
  }
  func.func @transform_7(%arg0: i32) -> (i32, i32) {
    %c0_i32 = arith.constant 0 : i32
    %c0_i32_0 = arith.constant 0 : i32
    %c0_i32_1 = arith.constant 0 : i32
    return %c0_i32, %c0_i32_0 : i32, i32
  }
}

module attributes {stable_mosaic.version = 14 : i64} {
  func.func @_k5_body(%arg0: i32, %arg1: memref<1000x64xf32, #tpu.memory_space<vmem>>, %arg2: memref<1000x64xf32, #tpu.memory_space<vmem>>, %arg3: memref<1000x64xf32, #tpu.memory_space<vmem>>, %arg4: memref<1000x64xf32, #tpu.memory_space<vmem>>, %arg5: memref<1000x64xf32, #tpu.memory_space<vmem>>, %arg6: memref<1000x64xf32, #tpu.memory_space<vmem>>, %arg7: memref<1000x64xf32, #tpu.memory_space<vmem>>, %arg8: memref<1000x64xf32, #tpu.memory_space<vmem>>, %arg9: memref<1000x64xf32, #tpu.memory_space<vmem>>, %arg10: memref<1000x64xf32, #tpu.memory_space<vmem>>, %arg11: memref<1000x64xf32, #tpu.memory_space<vmem>>, %arg12: memref<1000x64xf32, #tpu.memory_space<vmem>>, %arg13: memref<1000x64xf32, #tpu.memory_space<vmem>>, %arg14: memref<1000x64xf32, #tpu.memory_space<vmem>>, %arg15: memref<1000x64xf32, #tpu.memory_space<vmem>>, %arg16: memref<1000x64xf32, #tpu.memory_space<vmem>>, %arg17: memref<1000x1xf32, #tpu.memory_space<vmem>>, %arg18: memref<1000x512xf32, #tpu.memory_space<vmem>>, %arg19: memref<512x512xbf16, #tpu.memory_space<vmem>>, %arg20: memref<1000x512xf32, #tpu.memory_space<vmem>>, %arg21: memref<8x512xf32, #tpu.memory_space<vmem>>, %arg22: memref<8x512xf32, #tpu.memory_space<vmem>>) attributes {dimension_semantics = [#tpu.dimension_semantics<arbitrary>], iteration_bounds = array<i64: 10>, scalar_prefetch = 0 : i64, scratch_operands = 1 : i64, tpu.core_type = #tpu.core_type<tc>, window_params = [{transform_indices = @transform_0, window_bounds = array<i64: 1000, 64>}, {transform_indices = @transform_1, window_bounds = array<i64: 1000, 64>}, {transform_indices = @transform_2, window_bounds = array<i64: 1000, 64>}, {transform_indices = @transform_3, window_bounds = array<i64: 1000, 64>}, {transform_indices = @transform_4, window_bounds = array<i64: 1000, 64>}, {transform_indices = @transform_5, window_bounds = array<i64: 1000, 64>}, {transform_indices = @transform_6, window_bounds = array<i64: 1000, 64>}, {transform_indices = @transform_7, window_bounds = array<i64: 1000, 64>}, {transform_indices = @transform_8, window_bounds = array<i64: 1000, 64>}, {transform_indices = @transform_9, window_bounds = array<i64: 1000, 64>}, {transform_indices = @transform_10, window_bounds = array<i64: 1000, 64>}, {transform_indices = @transform_11, window_bounds = array<i64: 1000, 64>}, {transform_indices = @transform_12, window_bounds = array<i64: 1000, 64>}, {transform_indices = @transform_13, window_bounds = array<i64: 1000, 64>}, {transform_indices = @transform_14, window_bounds = array<i64: 1000, 64>}, {transform_indices = @transform_15, window_bounds = array<i64: 1000, 64>}, {transform_indices = @transform_16, window_bounds = array<i64: 1000, 1>}, {transform_indices = @transform_17, window_bounds = array<i64: 1000, 512>}, {pipeline_mode = #tpu.pipeline_mode<synchronous>, transform_indices = @transform_18, window_bounds = array<i64: 512, 512>}, {transform_indices = @transform_19, window_bounds = array<i64: 1000, 512>}, {pipeline_mode = #tpu.pipeline_mode<synchronous>, transform_indices = @transform_20, window_bounds = array<i64: 8, 512>}]} {
    %get3A = arith.constant 0 : index
    %get3A_0 = arith.constant 0 : index
    %get3A_1 = vector.load %arg1[%get3A, %get3A_0] : memref<1000x64xf32, #tpu.memory_space<vmem>>, vector<1000x64xf32>
    %get3A_2 = arith.constant 0 : index
    %get3A_3 = arith.constant 0 : index
    %get3A_4 = vector.load %arg9[%get3A_2, %get3A_3] : memref<1000x64xf32, #tpu.memory_space<vmem>>, vector<1000x64xf32>
    %add3A = arith.addf %get3A_1, %get3A_4 : vector<1000x64xf32>
    %get3A_5 = arith.constant 0 : index
    %get3A_6 = arith.constant 0 : index
    %get3A_7 = vector.load %arg2[%get3A_5, %get3A_6] : memref<1000x64xf32, #tpu.memory_space<vmem>>, vector<1000x64xf32>
    %get3A_8 = arith.constant 0 : index
    %get3A_9 = arith.constant 0 : index
    %get3A_10 = vector.load %arg10[%get3A_8, %get3A_9] : memref<1000x64xf32, #tpu.memory_space<vmem>>, vector<1000x64xf32>
    %add3A_11 = arith.addf %get3A_7, %get3A_10 : vector<1000x64xf32>
    %get3A_12 = arith.constant 0 : index
    %get3A_13 = arith.constant 0 : index
    %get3A_14 = vector.load %arg3[%get3A_12, %get3A_13] : memref<1000x64xf32, #tpu.memory_space<vmem>>, vector<1000x64xf32>
    %get3A_15 = arith.constant 0 : index
    %get3A_16 = arith.constant 0 : index
    %get3A_17 = vector.load %arg11[%get3A_15, %get3A_16] : memref<1000x64xf32, #tpu.memory_space<vmem>>, vector<1000x64xf32>
    %add3A_18 = arith.addf %get3A_14, %get3A_17 : vector<1000x64xf32>
    %get3A_19 = arith.constant 0 : index
    %get3A_20 = arith.constant 0 : index
    %get3A_21 = vector.load %arg4[%get3A_19, %get3A_20] : memref<1000x64xf32, #tpu.memory_space<vmem>>, vector<1000x64xf32>
    %get3A_22 = arith.constant 0 : index
    %get3A_23 = arith.constant 0 : index
    %get3A_24 = vector.load %arg12[%get3A_22, %get3A_23] : memref<1000x64xf32, #tpu.memory_space<vmem>>, vector<1000x64xf32>
    %add3A_25 = arith.addf %get3A_21, %get3A_24 : vector<1000x64xf32>
    %get3A_26 = arith.constant 0 : index
    %get3A_27 = arith.constant 0 : index
    %get3A_28 = vector.load %arg5[%get3A_26, %get3A_27] : memref<1000x64xf32, #tpu.memory_space<vmem>>, vector<1000x64xf32>
    %get3A_29 = arith.constant 0 : index
    %get3A_30 = arith.constant 0 : index
    %get3A_31 = vector.load %arg13[%get3A_29, %get3A_30] : memref<1000x64xf32, #tpu.memory_space<vmem>>, vector<1000x64xf32>
    %add3A_32 = arith.addf %get3A_28, %get3A_31 : vector<1000x64xf32>
    %get3A_33 = arith.constant 0 : index
    %get3A_34 = arith.constant 0 : index
    %get3A_35 = vector.load %arg6[%get3A_33, %get3A_34] : memref<1000x64xf32, #tpu.memory_space<vmem>>, vector<1000x64xf32>
    %get3A_36 = arith.constant 0 : index
    %get3A_37 = arith.constant 0 : index
    %get3A_38 = vector.load %arg14[%get3A_36, %get3A_37] : memref<1000x64xf32, #tpu.memory_space<vmem>>, vector<1000x64xf32>
    %add3A_39 = arith.addf %get3A_35, %get3A_38 : vector<1000x64xf32>
    %get3A_40 = arith.constant 0 : index
    %get3A_41 = arith.constant 0 : index
    %get3A_42 = vector.load %arg7[%get3A_40, %get3A_41] : memref<1000x64xf32, #tpu.memory_space<vmem>>, vector<1000x64xf32>
    %get3A_43 = arith.constant 0 : index
    %get3A_44 = arith.constant 0 : index
    %get3A_45 = vector.load %arg15[%get3A_43, %get3A_44] : memref<1000x64xf32, #tpu.memory_space<vmem>>, vector<1000x64xf32>
    %add3A_46 = arith.addf %get3A_42, %get3A_45 : vector<1000x64xf32>
    %get3A_47 = arith.constant 0 : index
    %get3A_48 = arith.constant 0 : index
    %get3A_49 = vector.load %arg8[%get3A_47, %get3A_48] : memref<1000x64xf32, #tpu.memory_space<vmem>>, vector<1000x64xf32>
    %get3A_50 = arith.constant 0 : index
    %get3A_51 = arith.constant 0 : index
    %get3A_52 = vector.load %arg16[%get3A_50, %get3A_51] : memref<1000x64xf32, #tpu.memory_space<vmem>>, vector<1000x64xf32>
    %add3A_53 = arith.addf %get3A_49, %get3A_52 : vector<1000x64xf32>
    %concatenate3A = tpu.concatenate %add3A, %add3A_11, %add3A_18, %add3A_25, %add3A_32, %add3A_39, %add3A_46, %add3A_53 in 1 : vector<1000x64xf32>, vector<1000x64xf32>, vector<1000x64xf32>, vector<1000x64xf32>, vector<1000x64xf32>, vector<1000x64xf32>, vector<1000x64xf32>, vector<1000x64xf32> -> vector<1000x512xf32>
    %get3A_54 = arith.constant 0 : index
    %get3A_55 = arith.constant 0 : index
    %get3A_56 = vector.load %arg17[%get3A_54, %get3A_55] : memref<1000x1xf32, #tpu.memory_space<vmem>>, vector<1000x1xf32>
    %mul3A = vector.broadcast %get3A_56 : vector<1000x1xf32> to vector<1000x512xf32>
    %mul3A_57 = arith.mulf %concatenate3A, %mul3A : vector<1000x512xf32>
    %convert_element_type3A = arith.truncf %mul3A_57 : vector<1000x512xf32> to vector<1000x512xbf16>
    %get3A_58 = arith.constant 0 : index
    %get3A_59 = arith.constant 0 : index
    %get3A_60 = vector.load %arg19[%get3A_58, %get3A_59] : memref<512x512xbf16, #tpu.memory_space<vmem>>, vector<512x512xbf16>
    %dot_general3A = arith.constant dense<0.000000e+00> : vector<1000x512xf32>
    %dot_general3A_61 = tpu.matmul %convert_element_type3A, %get3A_60, %dot_general3A {dimension_numbers = #tpu.dot_dimension_numbers<[1], [0], [0], [1], [0, 0, 1, 1], [], []>, transpose_lhs_hint = false} : vector<1000x512xbf16>, vector<512x512xbf16>, vector<1000x512xf32> -> vector<1000x512xf32>
    %get3A_62 = arith.constant 0 : index
    %get3A_63 = arith.constant 0 : index
    %get3A_64 = vector.load %arg18[%get3A_62, %get3A_63] : memref<1000x512xf32, #tpu.memory_space<vmem>>, vector<1000x512xf32>
    %add3A_65 = arith.addf %dot_general3A_61, %get3A_64 : vector<1000x512xf32>
    %swap3A = arith.constant 0 : index
    %swap3A_66 = arith.constant 0 : index
    %swap3A_67 = vector.load %arg20[%swap3A, %swap3A_66] : memref<1000x512xf32, #tpu.memory_space<vmem>>, vector<1000x512xf32>
    tpu.vector_store %arg20[%swap3A, %swap3A_66], %add3A_65 {strides = array<i32>} : memref<1000x512xf32, #tpu.memory_space<vmem>>, vector<1000x512xf32>,
    %reduce_sum3A = arith.constant dense<0.000000e+00> : vector<512xf32>
    %reduce_sum3A_68 = vector.multi_reduction <add>, %add3A_65, %reduce_sum3A [0] : vector<1000x512xf32> to vector<512xf32>
    %broadcast_in_dim3A = vector.shape_cast %reduce_sum3A_68 : vector<512xf32> to vector<1x512xf32>
    %mul3A_69 = arith.mulf %add3A_65, %add3A_65 : vector<1000x512xf32>
    %reduce_sum3A_70 = arith.constant dense<0.000000e+00> : vector<512xf32>
    %reduce_sum3A_71 = vector.multi_reduction <add>, %mul3A_69, %reduce_sum3A_70 [0] : vector<1000x512xf32> to vector<512xf32>
    %broadcast_in_dim3A_72 = vector.shape_cast %reduce_sum3A_71 : vector<512xf32> to vector<1x512xf32>
    %broadcast_in_dim3A_73 = arith.constant 0.000000e+00 : f32
    %broadcast_in_dim3A_74 = vector.broadcast %broadcast_in_dim3A_73 : f32 to vector<6x512xf32>
    %concatenate3A_75 = tpu.concatenate %broadcast_in_dim3A, %broadcast_in_dim3A_72, %broadcast_in_dim3A_74 in 0 : vector<1x512xf32>, vector<1x512xf32>, vector<6x512xf32> -> vector<8x512xf32>
    %eq3A = arith.constant 0 : i32
    %eq3A_76 = arith.cmpi eq, %arg0, %eq3A : i32
    %convert_element_type3A_77 = arith.extui %eq3A_76 : i1 to i32
    %cond3A = arith.constant 0 : i32
    %cond3A_78 = arith.cmpi ne, %convert_element_type3A_77, %cond3A : i32
    scf.if %cond3A_78 {
      %broadcast_in_dim3A_91 = arith.constant 0.000000e+00 : f32
      %broadcast_in_dim3A_92 = vector.broadcast %broadcast_in_dim3A_91 : f32 to vector<8x512xf32>
      %swap3A_93 = arith.constant 0 : index
      %swap3A_94 = arith.constant 0 : index
      %swap3A_95 = vector.load %arg22[%swap3A_93, %swap3A_94] : memref<8x512xf32, #tpu.memory_space<vmem>>, vector<8x512xf32>
      tpu.vector_store %arg22[%swap3A_93, %swap3A_94], %broadcast_in_dim3A_92 {strides = array<i32>} : memref<8x512xf32, #tpu.memory_space<vmem>>, vector<8x512xf32>,
    } else {
    }
    %get3A_79 = arith.constant 0 : index
    %get3A_80 = arith.constant 0 : index
    %get3A_81 = vector.load %arg22[%get3A_79, %get3A_80] : memref<8x512xf32, #tpu.memory_space<vmem>>, vector<8x512xf32>
    %add3A_82 = arith.addf %get3A_81, %concatenate3A_75 : vector<8x512xf32>
    %swap3A_83 = arith.constant 0 : index
    %swap3A_84 = arith.constant 0 : index
    %swap3A_85 = vector.load %arg22[%swap3A_83, %swap3A_84] : memref<8x512xf32, #tpu.memory_space<vmem>>, vector<8x512xf32>
    tpu.vector_store %arg22[%swap3A_83, %swap3A_84], %add3A_82 {strides = array<i32>} : memref<8x512xf32, #tpu.memory_space<vmem>>, vector<8x512xf32>,
    %eq3A_86 = arith.constant 9 : i32
    %eq3A_87 = arith.cmpi eq, %arg0, %eq3A_86 : i32
    %convert_element_type3A_88 = arith.extui %eq3A_87 : i1 to i32
    %cond3A_89 = arith.constant 0 : i32
    %cond3A_90 = arith.cmpi ne, %convert_element_type3A_88, %cond3A_89 : i32
    scf.if %cond3A_90 {
      %get3A_91 = arith.constant 0 : index
      %get3A_92 = arith.constant 0 : index
      %get3A_93 = vector.load %arg22[%get3A_91, %get3A_92] : memref<8x512xf32, #tpu.memory_space<vmem>>, vector<8x512xf32>
      %swap3A_94 = arith.constant 0 : index
      %swap3A_95 = arith.constant 0 : index
      %swap3A_96 = vector.load %arg21[%swap3A_94, %swap3A_95] : memref<8x512xf32, #tpu.memory_space<vmem>>, vector<8x512xf32>
      tpu.vector_store %arg21[%swap3A_94, %swap3A_95], %get3A_93 {strides = array<i32>} : memref<8x512xf32, #tpu.memory_space<vmem>>, vector<8x512xf32>,
    } else {
    }
    return
  }
  func.func @transform_0(%arg0: i32) -> (i32, i32) {
    %c0_i32 = arith.constant 0 : i32
    %c0_i32_0 = arith.constant 0 : i32
    return %arg0, %c0_i32 : i32, i32
  }
  func.func @transform_1(%arg0: i32) -> (i32, i32) {
    %c0_i32 = arith.constant 0 : i32
    %c0_i32_0 = arith.constant 0 : i32
    return %arg0, %c0_i32 : i32, i32
  }
  func.func @transform_2(%arg0: i32) -> (i32, i32) {
    %c0_i32 = arith.constant 0 : i32
    %c0_i32_0 = arith.constant 0 : i32
    return %arg0, %c0_i32 : i32, i32
  }
  func.func @transform_3(%arg0: i32) -> (i32, i32) {
    %c0_i32 = arith.constant 0 : i32
    %c0_i32_0 = arith.constant 0 : i32
    return %arg0, %c0_i32 : i32, i32
  }
  func.func @transform_4(%arg0: i32) -> (i32, i32) {
    %c0_i32 = arith.constant 0 : i32
    %c0_i32_0 = arith.constant 0 : i32
    return %arg0, %c0_i32 : i32, i32
  }
  func.func @transform_5(%arg0: i32) -> (i32, i32) {
    %c0_i32 = arith.constant 0 : i32
    %c0_i32_0 = arith.constant 0 : i32
    return %arg0, %c0_i32 : i32, i32
  }
  func.func @transform_6(%arg0: i32) -> (i32, i32) {
    %c0_i32 = arith.constant 0 : i32
    %c0_i32_0 = arith.constant 0 : i32
    return %arg0, %c0_i32 : i32, i32
  }
  func.func @transform_7(%arg0: i32) -> (i32, i32) {
    %c0_i32 = arith.constant 0 : i32
    %c0_i32_0 = arith.constant 0 : i32
    return %arg0, %c0_i32 : i32, i32
  }
  func.func @transform_8(%arg0: i32) -> (i32, i32) {
    %c0_i32 = arith.constant 0 : i32
    %c0_i32_0 = arith.constant 0 : i32
    return %arg0, %c0_i32 : i32, i32
  }
  func.func @transform_9(%arg0: i32) -> (i32, i32) {
    %c0_i32 = arith.constant 0 : i32
    %c0_i32_0 = arith.constant 0 : i32
    return %arg0, %c0_i32 : i32, i32
  }
  func.func @transform_10(%arg0: i32) -> (i32, i32) {
    %c0_i32 = arith.constant 0 : i32
    %c0_i32_0 = arith.constant 0 : i32
    return %arg0, %c0_i32 : i32, i32
  }
  func.func @transform_11(%arg0: i32) -> (i32, i32) {
    %c0_i32 = arith.constant 0 : i32
    %c0_i32_0 = arith.constant 0 : i32
    return %arg0, %c0_i32 : i32, i32
  }
  func.func @transform_12(%arg0: i32) -> (i32, i32) {
    %c0_i32 = arith.constant 0 : i32
    %c0_i32_0 = arith.constant 0 : i32
    return %arg0, %c0_i32 : i32, i32
  }
  func.func @transform_13(%arg0: i32) -> (i32, i32) {
    %c0_i32 = arith.constant 0 : i32
    %c0_i32_0 = arith.constant 0 : i32
    return %arg0, %c0_i32 : i32, i32
  }
  func.func @transform_14(%arg0: i32) -> (i32, i32) {
    %c0_i32 = arith.constant 0 : i32
    %c0_i32_0 = arith.constant 0 : i32
    return %arg0, %c0_i32 : i32, i32
  }
  func.func @transform_15(%arg0: i32) -> (i32, i32) {
    %c0_i32 = arith.constant 0 : i32
    %c0_i32_0 = arith.constant 0 : i32
    return %arg0, %c0_i32 : i32, i32
  }
  func.func @transform_16(%arg0: i32) -> (i32, i32) {
    %c0_i32 = arith.constant 0 : i32
    %c0_i32_0 = arith.constant 0 : i32
    return %arg0, %c0_i32 : i32, i32
  }
  func.func @transform_17(%arg0: i32) -> (i32, i32) {
    %c0_i32 = arith.constant 0 : i32
    %c0_i32_0 = arith.constant 0 : i32
    return %arg0, %c0_i32 : i32, i32
  }
  func.func @transform_18(%arg0: i32) -> (i32, i32) {
    %c0_i32 = arith.constant 0 : i32
    %c0_i32_0 = arith.constant 0 : i32
    %c0_i32_1 = arith.constant 0 : i32
    return %c0_i32, %c0_i32_0 : i32, i32
  }
  func.func @transform_19(%arg0: i32) -> (i32, i32) {
    %c0_i32 = arith.constant 0 : i32
    %c0_i32_0 = arith.constant 0 : i32
    return %arg0, %c0_i32 : i32, i32
  }
  func.func @transform_20(%arg0: i32) -> (i32, i32) {
    %c0_i32 = arith.constant 0 : i32
    %c0_i32_0 = arith.constant 0 : i32
    %c0_i32_1 = arith.constant 0 : i32
    return %c0_i32, %c0_i32_0 : i32, i32
  }
}

module attributes {stable_mosaic.version = 14 : i64} {
  func.func @_k6_body(%arg0: i32, %arg1: memref<1000x512xf32, #tpu.memory_space<vmem>>, %arg2: memref<8x512xf32, #tpu.memory_space<vmem>>, %arg3: memref<1000x512xf32, #tpu.memory_space<vmem>>, %arg4: memref<8x512xf32, #tpu.memory_space<vmem>>, %arg5: memref<512x256xbf16, #tpu.memory_space<vmem>>, %arg6: memref<16x512xf32, #tpu.memory_space<vmem>>, %arg7: memref<1000x256xf32, #tpu.memory_space<vmem>>) attributes {dimension_semantics = [#tpu.dimension_semantics<arbitrary>], iteration_bounds = array<i64: 10>, scalar_prefetch = 0 : i64, scratch_operands = 0 : i64, tpu.core_type = #tpu.core_type<tc>, window_params = [{transform_indices = @transform_0, window_bounds = array<i64: 1000, 512>}, {pipeline_mode = #tpu.pipeline_mode<synchronous>, transform_indices = @transform_1, window_bounds = array<i64: 8, 512>}, {transform_indices = @transform_2, window_bounds = array<i64: 1000, 512>}, {pipeline_mode = #tpu.pipeline_mode<synchronous>, transform_indices = @transform_3, window_bounds = array<i64: 8, 512>}, {pipeline_mode = #tpu.pipeline_mode<synchronous>, transform_indices = @transform_4, window_bounds = array<i64: 512, 256>}, {pipeline_mode = #tpu.pipeline_mode<synchronous>, transform_indices = @transform_5, window_bounds = array<i64: 16, 512>}, {transform_indices = @transform_6, window_bounds = array<i64: 1000, 256>}]} {
    %get3A = arith.constant 0 : index
    %get3A_0 = arith.constant 0 : index
    %get3A_1 = vector.load %arg6[%get3A, %get3A_0] : memref<16x512xf32, #tpu.memory_space<vmem>>, vector<16x512xf32>
    %get3A_2 = arith.constant 0 : index
    %get3A_3 = arith.constant 0 : index
    %get3A_4 = vector.load %arg1[%get3A_2, %get3A_3] : memref<1000x512xf32, #tpu.memory_space<vmem>>, vector<1000x512xf32>
    %get3A_5 = arith.constant 0 : index
    %get3A_6 = arith.constant 0 : index
    %get3A_7 = vector.load %arg2[%get3A_5, %get3A_6] : memref<8x512xf32, #tpu.memory_space<vmem>>, vector<8x512xf32>
    %slice3A = vector.extract_strided_slice %get3A_1 {offsets = [11, 0], sizes = [1, 512], strides = [1, 1]} : vector<16x512xf32> to vector<1x512xf32>
    %slice3A_8 = vector.extract_strided_slice %get3A_1 {offsets = [12, 0], sizes = [1, 512], strides = [1, 1]} : vector<16x512xf32> to vector<1x512xf32>
    %slice3A_9 = vector.extract_strided_slice %get3A_7 {offsets = [0, 0], sizes = [1, 512], strides = [1, 1]} : vector<8x512xf32> to vector<1x512xf32>
    %div3A = arith.constant 1.000000e+04 : f32
    %div3A_10 = vector.broadcast %div3A : f32 to vector<1x512xf32>
    %div3A_11 = arith.divf %slice3A_9, %div3A_10 : vector<1x512xf32>
    %slice3A_12 = vector.extract_strided_slice %get3A_7 {offsets = [1, 0], sizes = [1, 512], strides = [1, 1]} : vector<8x512xf32> to vector<1x512xf32>
    %div3A_13 = arith.constant 1.000000e+04 : f32
    %div3A_14 = vector.broadcast %div3A_13 : f32 to vector<1x512xf32>
    %div3A_15 = arith.divf %slice3A_12, %div3A_14 : vector<1x512xf32>
    %mul3A = arith.mulf %div3A_11, %div3A_11 : vector<1x512xf32>
    %sub3A = arith.subf %div3A_15, %mul3A : vector<1x512xf32>
    %sub3A_16 = vector.broadcast %div3A_11 : vector<1x512xf32> to vector<1000x512xf32>
    %sub3A_17 = arith.subf %get3A_4, %sub3A_16 : vector<1000x512xf32>
    %mul3A_18 = vector.broadcast %slice3A : vector<1x512xf32> to vector<1000x512xf32>
    %mul3A_19 = arith.mulf %mul3A_18, %sub3A_17 : vector<1000x512xf32>
    %add3A = arith.constant 9.99999974E-6 : f32
    %add3A_20 = vector.broadcast %add3A : f32 to vector<1x512xf32>
    %add3A_21 = arith.addf %sub3A, %add3A_20 : vector<1x512xf32>
    %rsqrt3A = math.rsqrt %add3A_21 : vector<1x512xf32>
    %mul3A_22 = vector.broadcast %rsqrt3A : vector<1x512xf32> to vector<1000x512xf32>
    %mul3A_23 = arith.mulf %mul3A_19, %mul3A_22 : vector<1000x512xf32>
    %add3A_24 = vector.broadcast %slice3A_8 : vector<1x512xf32> to vector<1000x512xf32>
    %add3A_25 = arith.addf %mul3A_23, %add3A_24 : vector<1000x512xf32>
    %max3A = arith.constant 0.000000e+00 : f32
    %max3A_26 = vector.broadcast %max3A : f32 to vector<1000x512xf32>
    %max3A_27 = arith.maximumf %add3A_25, %max3A_26 : vector<1000x512xf32>
    %get3A_28 = arith.constant 0 : index
    %get3A_29 = arith.constant 0 : index
    %get3A_30 = vector.load %arg3[%get3A_28, %get3A_29] : memref<1000x512xf32, #tpu.memory_space<vmem>>, vector<1000x512xf32>
    %get3A_31 = arith.constant 0 : index
    %get3A_32 = arith.constant 0 : index
    %get3A_33 = vector.load %arg4[%get3A_31, %get3A_32] : memref<8x512xf32, #tpu.memory_space<vmem>>, vector<8x512xf32>
    %slice3A_34 = vector.extract_strided_slice %get3A_1 {offsets = [6, 0], sizes = [1, 512], strides = [1, 1]} : vector<16x512xf32> to vector<1x512xf32>
    %slice3A_35 = vector.extract_strided_slice %get3A_1 {offsets = [7, 0], sizes = [1, 512], strides = [1, 1]} : vector<16x512xf32> to vector<1x512xf32>
    %slice3A_36 = vector.extract_strided_slice %get3A_33 {offsets = [0, 0], sizes = [1, 512], strides = [1, 1]} : vector<8x512xf32> to vector<1x512xf32>
    %div3A_37 = arith.constant 1.000000e+04 : f32
    %div3A_38 = vector.broadcast %div3A_37 : f32 to vector<1x512xf32>
    %div3A_39 = arith.divf %slice3A_36, %div3A_38 : vector<1x512xf32>
    %slice3A_40 = vector.extract_strided_slice %get3A_33 {offsets = [1, 0], sizes = [1, 512], strides = [1, 1]} : vector<8x512xf32> to vector<1x512xf32>
    %div3A_41 = arith.constant 1.000000e+04 : f32
    %div3A_42 = vector.broadcast %div3A_41 : f32 to vector<1x512xf32>
    %div3A_43 = arith.divf %slice3A_40, %div3A_42 : vector<1x512xf32>
    %mul3A_44 = arith.mulf %div3A_39, %div3A_39 : vector<1x512xf32>
    %sub3A_45 = arith.subf %div3A_43, %mul3A_44 : vector<1x512xf32>
    %sub3A_46 = vector.broadcast %div3A_39 : vector<1x512xf32> to vector<1000x512xf32>
    %sub3A_47 = arith.subf %get3A_30, %sub3A_46 : vector<1000x512xf32>
    %mul3A_48 = vector.broadcast %slice3A_34 : vector<1x512xf32> to vector<1000x512xf32>
    %mul3A_49 = arith.mulf %mul3A_48, %sub3A_47 : vector<1000x512xf32>
    %add3A_50 = arith.constant 9.99999974E-6 : f32
    %add3A_51 = vector.broadcast %add3A_50 : f32 to vector<1x512xf32>
    %add3A_52 = arith.addf %sub3A_45, %add3A_51 : vector<1x512xf32>
    %rsqrt3A_53 = math.rsqrt %add3A_52 : vector<1x512xf32>
    %mul3A_54 = vector.broadcast %rsqrt3A_53 : vector<1x512xf32> to vector<1000x512xf32>
    %mul3A_55 = arith.mulf %mul3A_49, %mul3A_54 : vector<1000x512xf32>
    %add3A_56 = vector.broadcast %slice3A_35 : vector<1x512xf32> to vector<1000x512xf32>
    %add3A_57 = arith.addf %mul3A_55, %add3A_56 : vector<1000x512xf32>
    %max3A_58 = arith.constant 0.000000e+00 : f32
    %max3A_59 = vector.broadcast %max3A_58 : f32 to vector<1000x512xf32>
    %max3A_60 = arith.maximumf %add3A_57, %max3A_59 : vector<1000x512xf32>
    %mul3A_61 = arith.constant 8.000000e-01 : f32
    %mul3A_62 = vector.broadcast %mul3A_61 : f32 to vector<1000x512xf32>
    %mul3A_63 = arith.mulf %mul3A_62, %max3A_27 : vector<1000x512xf32>
    %mul3A_64 = arith.constant 2.000000e-01 : f32
    %mul3A_65 = vector.broadcast %mul3A_64 : f32 to vector<1000x512xf32>
    %mul3A_66 = arith.mulf %mul3A_65, %max3A_60 : vector<1000x512xf32>
    %add3A_67 = arith.addf %mul3A_63, %mul3A_66 : vector<1000x512xf32>
    %convert_element_type3A = arith.truncf %add3A_67 : vector<1000x512xf32> to vector<1000x512xbf16>
    %get3A_68 = arith.constant 0 : index
    %get3A_69 = arith.constant 0 : index
    %get3A_70 = vector.load %arg5[%get3A_68, %get3A_69] : memref<512x256xbf16, #tpu.memory_space<vmem>>, vector<512x256xbf16>
    %dot_general3A = arith.constant dense<0.000000e+00> : vector<1000x256xf32>
    %dot_general3A_71 = tpu.matmul %convert_element_type3A, %get3A_70, %dot_general3A {dimension_numbers = #tpu.dot_dimension_numbers<[1], [0], [0], [1], [0, 0, 1, 1], [], []>, transpose_lhs_hint = false} : vector<1000x512xbf16>, vector<512x256xbf16>, vector<1000x256xf32> -> vector<1000x256xf32>
    %slice3A_72 = vector.extract_strided_slice %get3A_1 {offsets = [13, 0], sizes = [1, 256], strides = [1, 1]} : vector<16x512xf32> to vector<1x256xf32>
    %add3A_73 = vector.broadcast %slice3A_72 : vector<1x256xf32> to vector<1000x256xf32>
    %add3A_74 = arith.addf %dot_general3A_71, %add3A_73 : vector<1000x256xf32>
    %swap3A = arith.constant 0 : index
    %swap3A_75 = arith.constant 0 : index
    %swap3A_76 = vector.load %arg7[%swap3A, %swap3A_75] : memref<1000x256xf32, #tpu.memory_space<vmem>>, vector<1000x256xf32>
    tpu.vector_store %arg7[%swap3A, %swap3A_75], %add3A_74 {strides = array<i32>} : memref<1000x256xf32, #tpu.memory_space<vmem>>, vector<1000x256xf32>,
    return
  }
  func.func @transform_0(%arg0: i32) -> (i32, i32) {
    %c0_i32 = arith.constant 0 : i32
    %c0_i32_0 = arith.constant 0 : i32
    return %arg0, %c0_i32 : i32, i32
  }
  func.func @transform_1(%arg0: i32) -> (i32, i32) {
    %c0_i32 = arith.constant 0 : i32
    %c0_i32_0 = arith.constant 0 : i32
    %c0_i32_1 = arith.constant 0 : i32
    return %c0_i32, %c0_i32_0 : i32, i32
  }
  func.func @transform_2(%arg0: i32) -> (i32, i32) {
    %c0_i32 = arith.constant 0 : i32
    %c0_i32_0 = arith.constant 0 : i32
    return %arg0, %c0_i32 : i32, i32
  }
  func.func @transform_3(%arg0: i32) -> (i32, i32) {
    %c0_i32 = arith.constant 0 : i32
    %c0_i32_0 = arith.constant 0 : i32
    %c0_i32_1 = arith.constant 0 : i32
    return %c0_i32, %c0_i32_0 : i32, i32
  }
  func.func @transform_4(%arg0: i32) -> (i32, i32) {
    %c0_i32 = arith.constant 0 : i32
    %c0_i32_0 = arith.constant 0 : i32
    %c0_i32_1 = arith.constant 0 : i32
    return %c0_i32, %c0_i32_0 : i32, i32
  }
  func.func @transform_5(%arg0: i32) -> (i32, i32) {
    %c0_i32 = arith.constant 0 : i32
    %c0_i32_0 = arith.constant 0 : i32
    %c0_i32_1 = arith.constant 0 : i32
    return %c0_i32, %c0_i32_0 : i32, i32
  }
  func.func @transform_6(%arg0: i32) -> (i32, i32) {
    %c0_i32 = arith.constant 0 : i32
    %c0_i32_0 = arith.constant 0 : i32
    return %arg0, %c0_i32 : i32, i32
  }
}

</mosaic_0001>

<sc_bundles>
// kernel: kernel.12.cloned.1.call-start
scs
__scs_entry_jumppad:
0x0: {  	(pc) =	sbr.rel $0x88, $3  }
0x1: {  	(tag) =	ssettag $0x0;
	lr =	simm.s32 $0x1  }
0x2: {  	[smem:$0x3F8A] =	sst lr;
	_ =	strace $0xD0000000  }
0x3: {  	_ = 	snop  }
0x4: {  	_ = 	snop  }
0x5: {  	_ = 	snop  }
0x6: {  	_ = 	snop  }
0x7: {  	_ = 	snop  }
__scs_overlays_trampoline_lowered:
0x8: {  	[smem:$0x3F99] =	sst s0  }
0x9: {  	[smem:$0x3F9A] =	sst s1  }
0xa: {  	[smem:$0x3F9B] =	sst s2  }
0xb: {  	[smem:$0x3F9C] =	sst s3  }
0xc: {  	[smem:$0x3F9D] =	sst s4  }
0xd: {  	[smem:$0x3F9E] =	sst s5  }
0xe: {  	[smem:$0x3F9F] =	sst s6  }
0xf: {  	[smem:$0x3FA0] =	sst s7  }
0x10: {  	[smem:$0x3FA1] =	sst s8  }
0x11: {  	[smem:$0x3FA2] =	sst s9;
	s0 =	simm.s32 @!p0 $0x0  }
0x12: {  	s1 =	sld [smem:$0x3F88];
	s0 =	simm.s32 @p0 $0x1  }
0x13: {  	[smem:$0x3FA3] =	sst s0;
	s0 =	simm.s32 @!p1 $0x0  }
0x14: {  	s2 =	sld [smem:$0x3F87];
	s0 =	simm.s32 @p1 $0x1  }
0x15: {  	[smem:$0x3FA4] =	sst s0;
	s0 =	simm.s32 @!p2 $0x0  }
0x16: {  	s3 =	sld [smem:$0x3FDB];
	s0 =	simm.s32 @p2 $0x1  }
0x17: {  	s4 =	simm.s32 $0x1BF5;
	[smem:$0x3FA6] =	sst s0  }
0x18: {  	s0 =	sld [smem:$0x3F89];
	_ =	swait.ge [sflag:s4], $0x0  }
0x19: {  	s7 =	sld [smem:$0x3F8A]  }
0x1a: {  	s8 =	sadd.s32 $0xFFFFE003, lr  }
0x1b: {  	s9 =	sadd.s32 $0xFFFFFEF7, lr;
	s5 =	simm.s32 $0xFFFFFFFF;
	p2 =	slt.u32 s8, $0xFFFFF086  }
0x1c: {  	p1 =	slt.u32 s9, $0xF7A;
	s5 =	simm.s32 @!p2 $0x0  }
0x1d: {  	s5 =	simm.s32 @p1 $0x1;
	p0 =	seq.s32 s7, s2  }
0x1e: {  	s7 =	smul.u32 @!p0 $0xF7A, s2;
	p2 =	seq.s32 @!p0 s5, $0x0  }
0x1f: {  	s9 =	smul.u32 $0xF7A, s1;
	s8 =	simm.s32 @!p0 $0x1BF5;
	p2 =	por !p2, p0  }
0x20: {  	[sflag:s8] =	ssyncset.s32 @!p0 $0xFFFFF086;
	s6 =	sadd.s32 @!p0 s3, s7;
	s7 =	simm.s32 @!p0 $0x108  }
0x21: {  	s3 =	sadd.s32 s3, s9;
	s6 =	sadd.s32 @!p0 $0x88, s6;
	s7 =	simm.s32 @p2 $0x1082  }
0x22: {  	[simem:s7], [sflag:s8] =	dma.local @!p0 [hbm:s6], $0xF7A  }
0x23: {  	s9 =	sor.u32 $0xD0000000, s2;
	s6 =	simm.s32 $0x108;
	_ =	swait.ge @!p0 [sflag:s8], $0x0  }
0x24: {  	s3 =	sadd.s32 $0x88, s3;
	s6 =	simm.s32 @!p1 $0x1082;
	[sflag:s4] =	ssyncset.s32 $0xFFFFF086  }
0x25: {  	[simem:s6], [sflag:s4] =	dma.local [hbm:s3], $0xF7A  }
0x26: {  	[smem:$0x3F8A] =	sst s1;
	(tag) =	ssettag s2;
	_ =	strace s9  }
0x27: {  	s1 =	sld [smem:$0x3F9A]  }
0x28: {  	s2 =	sld [smem:$0x3F9B]  }
0x29: {  	s4 =	sld [smem:$0x3F9D]  }
0x2a: {  	p0 =	seq.s32 s5, $0x0;
	s5 =	sld [smem:$0x3F9E]  }
0x2b: {  	s6 =	sld [smem:$0x3F9F]  }
0x2c: {  	s7 =	sld [smem:$0x3FA0]  }
0x2d: {  	s3 =	simm.s32 $0x108;
	s8 =	sld [smem:$0x3FA1]  }
0x2e: {  	s3 =	simm.s32 @!p0 $0x1082;
	s9 =	sld [smem:$0x3FA2]  }
0x2f: {  	lr =	sadd.s32 s0, s3;
	s0 =	sld [smem:$0x3F99]  }
0x30: {  	s3 =	sld [smem:$0x3F9C]  }
0x31: {  	[smem:$0x3FA5] =	sst s10  }
0x32: {  	s10 =	sld [smem:$0x3FA3];
	_ =	sdelay $0x3  }
0x33: {  	p0 =	seq.s32 s10, $0x1;
	s10 =	sld [smem:$0x3FA5];
	_ =	sdelay $0x3  }
0x34: {  	[smem:$0x3FA5] =	sst s10  }
0x35: {  	s10 =	sld [smem:$0x3FA4];
	_ =	sdelay $0x3  }
0x36: {  	p1 =	seq.s32 s10, $0x1;
	s10 =	sld [smem:$0x3FA5];
	_ =	sdelay $0x3  }
0x37: {  	[smem:$0x3FA5] =	sst s10  }
0x38: {  	s10 =	sld [smem:$0x3FA6]  }
0x39: {  	_ = 	snop;
	(pc) =	sbr.ind lr, $3  }
0x3a: {  	_ = 	snop  }
0x3b: {  	_ = 	snop  }
0x3c: {  	p2 =	seq.s32 s10, $0x1;
	s10 =	sld [smem:$0x3FA5]  }
0x3d: {  	_ =	shalt  }
0x3e: {  	_ =	shalt  }
0x3f: {  	_ =	shalt  }
0x40: {  	_ =	shalt  }
0x41: {  	_ =	shalt  }
0x42: {  	_ =	shalt  }
0x43: {  	_ =	shalt  }
0x44: {  	_ =	shalt  }
0x45: {  	_ =	shalt  }
0x46: {  	_ =	shalt  }
0x47: {  	_ =	shalt  }
0x48: {  	_ =	shalt  }
0x49: {  	_ =	shalt  }
0x4a: {  	_ =	shalt  }
0x4b: {  	_ =	shalt  }
0x4c: {  	_ =	shalt  }
0x4d: {  	_ =	shalt  }
0x4e: {  	_ =	shalt  }
0x4f: {  	_ =	shalt  }
0x50: {  	_ =	shalt  }
0x51: {  	_ =	shalt  }
0x52: {  	_ =	shalt  }
0x53: {  	_ =	shalt  }
0x54: {  	_ =	shalt  }
0x55: {  	_ =	shalt  }
0x56: {  	_ =	shalt  }
0x57: {  	_ =	shalt  }
0x58: {  	_ =	shalt  }
0x59: {  	_ =	shalt  }
0x5a: {  	_ =	shalt  }
0x5b: {  	_ =	shalt  }
0x5c: {  	_ =	shalt  }
0x5d: {  	_ =	shalt  }
0x5e: {  	_ =	shalt  }
0x5f: {  	_ =	shalt  }
0x60: {  	_ =	shalt  }
0x61: {  	_ =	shalt  }
0x62: {  	_ =	shalt  }
0x63: {  	_ =	shalt  }
0x64: {  	_ =	shalt  }
0x65: {  	_ =	shalt  }
0x66: {  	_ =	shalt  }
0x67: {  	_ =	shalt  }
0x68: {  	_ =	shalt  }
0x69: {  	_ =	shalt  }
0x6a: {  	_ =	shalt  }
0x6b: {  	_ =	shalt  }
0x6c: {  	_ =	shalt  }
0x6d: {  	_ =	shalt  }
0x6e: {  	_ =	shalt  }
0x6f: {  	_ =	shalt  }
0x70: {  	_ =	shalt  }
0x71: {  	_ =	shalt  }
0x72: {  	_ =	shalt  }
0x73: {  	_ =	shalt  }
0x74: {  	_ =	shalt  }
0x75: {  	_ =	shalt  }
0x76: {  	_ =	shalt  }
0x77: {  	_ =	shalt  }
0x78: {  	_ =	shalt  }
0x79: {  	_ =	shalt  }
0x7a: {  	_ =	shalt  }
0x7b: {  	_ =	shalt  }
0x7c: {  	_ =	shalt  }
0x7d: {  	_ =	shalt  }
0x7e: {  	_ =	shalt  }
0x7f: {  	_ =	shalt  }
0x80: {  	_ =	shalt  }
0x81: {  	_ =	shalt  }
0x82: {  	_ =	shalt  }
0x83: {  	_ =	shalt  }
0x84: {  	_ =	shalt  }
0x85: {  	_ =	shalt  }
0x86: {  	_ =	shalt  }
0x87: {  	_ =	shalt  }
.Lfunc_end0:
.L_simem_size_0:
called_computation.1_lowered:
.L_overlay_start_0:
0x88: {  	s2 =	sld [smem:$0x3FD9]  }
0x89: {  	s3 =	sld [smem:$0x3FFE];
	_ =	sdelay $0x1  }
0x8a: {  	s1 =	srdreg.scid  }
0x8b: {  	s0 =	sand.u32 $0x1, s1  }
0x8c: {  	s16 =	sshll.u32 s0, $0xA;
	s2 =	sadd.s32 s3, s2  }
0x8d: {  	s2 =	sadd.s32 s2, s16  }
0x8e: {  	[smem:$0x3FB1] =	sst s2  }
0x8f: {  	_ = 	snop  }
0x90: {  	(tm) =	ssettm $0x1  }
0x91: {  	s17 =	sld [smem:$0x3FFB];
	_ =	sdelay $0x3  }
0x92: {  	_ =	strace s17  }
0x93: {  	s2 =	sld [smem:$0x3FFC];
	_ =	sdelay $0x3  }
0x94: {  	_ =	strace s2  }
0x95: {  	s2 =	sld [smem:$0x3FFD];
	_ =	sdelay $0x3  }
0x96: {  	_ =	strace s2  }
0x97: {  	_ =	strace $0x8FFFFFFF  }
0x98: {  	s18 =	sld [smem:$0x3FDB];
	_ =	sdelay $0x1  }
0x99: {  	s19 =	simm.s32 $_scs_section_size  }
0x9a: {  	s4 =	simm.s32 $_size__tile_overlayer_lowered;
	s5 =	simm.s32 $_tile_overlayer_lowered  }
0x9b: {  	s22 =	simm.s32 $0x1BFF;
	s21 =	sshll.u32 s5, $0x1;
	s2 =	sadd.s32 s19, s18  }
0x9c: {  	s6 =	simm.s32 $0x0;
	s20 =	sshll.u32 s4, $0x1;
	s4 =	sadd.s32 s21, s2  }
0x9d: {  	[timem:s6], [sflag:s22] =	dma.local [hbm:s4], s20  }
0x9e: {  	_ =	swait.ge [sflag:s22], s20  }
0x9f: {  	s3 =	ssub.s32 $0x0, s20;
	[sflag:s22] =	ssyncset.done $0x0  }
0xa0: {  	[sflag:s22] =	ssyncadd.s32 s3;
	_ =	sdelay $0x1  }
0xa1: {  	s23 =	simm.s32 $0x1B8B  }
0xa2: {  	_ =	swait.ge [sflag:s23], $0x1  }
0xa3: {  	[sflag:s23] =	ssyncset.done $0x0  }
0xa4: {  	s25 =	simm.s32 $0x1B8E;
	s24 =	sld [smem:$0x3FFE];
	[sflag:s23] =	ssyncadd.s32 $0xFFFFFFFF  }
0xa5: {  	s26 =	simm.s32 $execute0_lowered;
	[smem:$0x3FD2] =	sst s25  }
0xa6: {  	s4 =	sshll.u32 s26, $0x1;
	_ =	strace $0x80000049;
	[dreg:$0x1] =	wrdreg $0xFFFFFFFF  }
0xa7: {  	s28 =	simm.s32 $_size_execute0_lowered;
	s2 =	sadd.s32 s2, s4;
	[dreg:$0x0] =	wrdreg $0x0  }
0xa8: {  	s4 =	sshll.u32 s28, $0x1;
	[dreg:$0x2] =	wrdreg s2  }
0xa9: {  	[dreg:$0x3] =	wrdreg s4  }
0xaa: {  	[dreg:$0x4] =	wrdreg $0xC0  }
0xab: {  	_ =	task [dreg:s6], $0x5FFFF  }
0xac: {  	[dreg:$0x1] =	wrdreg $0xFFFFFFFF  }
0xad: {  	[dreg:$0x0] =	wrdreg $0x60  }
0xae: {  	[dreg:$0x2] =	wrdreg s24  }
0xaf: {  	[dreg:$0x3] =	wrdreg $0xA8000  }
0xb0: {  	[dreg:$0x4] =	wrdreg $0x148400  }
0xb1: {  	[dreg:$0x5] =	wrdreg $0x9  }
0xb2: {  	_ =	task.clear_ibuf [dreg:s6], $0x6FFFF;
	_ =	strace $0x90000049  }
0xb3: {  	s29 =	simm.s32 $0x9;
	_ =	strace $0x8000004B  }
0xb4: {  	_ =	swait.ge [sflag:s29], $0x1  }
0xb5: {  	[sflag:s29] =	ssyncadd.s32 $0xFFFFFFFF  }
0xb6: {  	_ =	strace $0x9000004B  }
0xb7: {  	_ =	sfence  }
0xb8: {  	s30 =	sld [smem:$0x0];
	_ =	sdelay $0x2  }
0xb9: {  	s31 =	sshll.u32 s1, $0xD;
	s1 =	sshrl.u32 s1, $0x2  }
0xba: {  	s3 =	sand.u32 $0x4000, s31;
	s1 =	sadd.s32 s1, s30  }
0xbb: {  	s0 =	sor.u32 s3, s0;
	s1 =	sshll.u32 s1, $0x11  }
0xbc: {  	s0 =	sor.u32 s1, s0  }
0xbd: {  	s0 =	sadd.s32 $0x8F2B, s0  }
0xbe: {  	[sflag:s0] =	ssyncadd.remote.s32 $0x1  }
0xbf: {  	_ =	sfence.sel $0xFFFF  }
0xc0: {  	[dreg:$0x0] =	wrdreg $0xFFFFFFFF;
	(pc) =	sbr.abs _section_cstart, $3  }
0xc1: {  	[dreg:$0x1] =	wrdreg $0xFFFFFFFF  }
0xc2: {  	_ =	task.clear_ibuf [dreg:s6], $0x2FFFF;
	_ =	strace $0x9FFFFFFF  }
0xc3: {  	(tm) =	ssettm $0x7FFFFFFF  }
tec
execute0_lowered:
.L_overlay_start_1:
0x0: {  	(tag) =	ssettag $0x1  }
0x1: {  	s0 =	rddreg [dreg:$0x0];
	s1 =	srdreg.scid  }
0x2: {  	s2 =	rddreg [dreg:$0x1];
	s8 =	stileid.u32  }
0x3: {  	s3 =	rddreg [dreg:$0x2];
	s6 =	smul.u32 $0x1400, s8  }
0x4: {  	s4 =	simm.s32 $0x0;
	s28 =	simm.s32 $0x7;
	s7 =	smul.u32 $0xA000, s8  }
0x5: {  	s29 =	simm.s32 $0x5;
	s1 =	sand.u32 $0x1, s1;
	s8 =	smul.u32 $0x280, s8  }
0x6: {  	[smem:$0x7FF] =	sst s4;
	s24 =	sadd.s32 $0xAFA00, s0;
	s5 =	smul.u32 $0x14000, s1  }
0x7: {  	s22 =	smul.u32 $0x2800, s1;
	_ =	strace $0x8000004A;
	s23 =	sshrl.u32 s7, $0x3  }
0x8: {  	s1 =	ssub.s32 $0x2, s1;
	[dreg:$0x16] =	wrdreg s24;
	s10 =	sadd.s32 s23, s0  }
0x9: {  	s25 =	sshrl.u32 s1, $0x1;
	s26 =	sadd.s32 s7, s2;
	s12 =	sadd.s32 $0x87A00, s10  }
0xa: {  	s7 =	sadd.s32 s7, s3;
	s14 =	sadd.s32 $0x73A00, s10;
	[dreg:$0x6] =	wrdreg s12  }
0xb: {  	s5 =	sadd.s32 s6, s5;
	s16 =	sadd.s32 $0x5FA00, s10;
	[dreg:$0x8] =	wrdreg s14  }
0xc: {  	s6 =	sadd.s32 s8, s22;
	s18 =	sadd.s32 $0x4BA00, s10;
	[dreg:$0xa] =	wrdreg s16  }
0xd: {  	s1 =	ssub.s32 s1, s25;
	s21 =	sadd.s32 $0x37A00, s10;
	[dreg:$0xc] =	wrdreg s18  }
0xe: {  	s5 =	sshrl.u32 s5, $0x3;
	s22 =	sadd.s32 $0x23A00, s10;
	[dreg:$0xf] =	wrdreg s21  }
0xf: {  	s6 =	sshll.u32 s6, $0x3;
	s24 =	sadd.s32 $0xFA00, s10;
	[dreg:$0x10] =	wrdreg s22  }
0x10: {  	s25 =	smax.u32 s1, $0x1;
	s9 =	sadd.s32 s5, s0;
	[dreg:$0x12] =	wrdreg s24  }
0x11: {  	s0 =	sadd.s32 s6, s0;
	s5 =	sadd.s32 $0x9BA00, s10;
	[dreg:$0x14] =	wrdreg s25  }
0x12: {  	s25 =	sshrl.u32 s26, $0x3;
	s26 =	sshrl.u32 s7, $0x3;
	[dreg:$0x4] =	wrdreg s5  }
0x13: {  	s30 =	simm.s32 $0x6;
	s11 =	sadd.s32 $0xB0E00, s0;
	[dreg:$0x17] =	wrdreg s26  }
0x14: {  	s31 =	simm.s32 $0x100;
	s13 =	sadd.s32 $0xD8E00, s0;
	[dreg:$0x5] =	wrdreg s11  }
0x15: {  	s8 =	simm.s32 $0x2;
	s15 =	sadd.s32 $0x100E00, s0;
	[dreg:$0x7] =	wrdreg s13  }
0x16: {  	s1 =	simm.s32 $0x2800;
	s17 =	sadd.s32 $0x128E00, s0;
	[dreg:$0x9] =	wrdreg s15  }
0x17: {  	s6 =	simm.s32 $0x1;
	s19 =	sadd.s32 $0x150E00, s0;
	[dreg:$0xb] =	wrdreg s17  }
0x18: {  	s7 =	simm.s32 $0x1400;
	s20 =	sadd.s32 $0x178E00, s0;
	[dreg:$0xd] =	wrdreg s19  }
0x19: {  	s10 =	simm.s32 $0x3;
	s23 =	sadd.s32 $0x1A0E00, s0;
	[dreg:$0xe] =	wrdreg s20  }
0x1a: {  	s12 =	simm.s32 $0x4;
	s0 =	sadd.s32 $0x1C8E00, s0;
	[dreg:$0x11] =	wrdreg s23  }
0x1b: {  	s24 =	sadd.s32 $0xAA00, s9;
	[dreg:$0x13] =	wrdreg s0;
	s23 =	sadd.s32 $0x5A00, s9  }
0x1c: {  	s0 =	simm.s32 $0x6800;
	s9 =	simm.s32 $0x8;
	s11 =	simm.s32 $0x0  }
.LBB2_1:
0x1d: {  	[dreg:$0x15] =	wrdreg s11;
	s14 =	sadd.s32 $0x0, s24;
	s26 =	sadd.s32 $0x0, s23  }
0x1e: {  	[tilespmem:s4], [sflag:$0x7] =	stream.linear.gather [hbm4b:s14+s4], $0x100, $0x38;
	[tilespmem:$0x1E840] =	vst v63  }
0x1f: {  	s15 =	simm.s32 $0x100;
	s16 =	simm.s32 $0x1400;
	s14 =	simm.s32 $0x20  }
0x20: {  	[tilespmem:s7], [sflag:$0x7] =	stream.linear.gather [hbm4b:s26+s4], $0x100, $0x38;
	[tilespmem:$0x1E840] =	vst v63  }
.LBB2_2:
0x21: {  	s17 =	sadd.s32 s14, s24  }
0x22: {  	p0 =	sne.s32 s14, $0x260;
	s18 =	smov.u32 s14;
	s14 =	sadd.s32 $0x20, s14  }
0x23: {  	[tilespmem:s15], [sflag:$0x7] =	stream.linear.gather [hbm4b:s17+s4], $0x100, $0x38;
	[tilespmem:$0x1E840] =	vst v63  }
.Ltmp0:
0x24: {  	_ = 	snop;
	(pc) =	sbr.rel @p0 .LBB2_2-.Ltmp0, $4  }
0x25: {  	s16 =	sadd.s32 $0x100, s16;
	s17 =	sadd.s32 s18, s23  }
0x26: {  	[tilespmem:s16], [sflag:$0x7] =	stream.linear.gather [hbm4b:s17+s4], $0x100, $0x38;
	[tilespmem:$0x1E840] =	vst v63  }
0x27: {  	_ = 	snop  }
0x28: {  	s15 =	sadd.s32 $0x100, s15  }
0x29: {  	_ =	swait.ge [sflag:s28], $0x100  }
0x2a: {  	[sflag:s28] =	ssyncset.done $0x0  }
0x2b: {  	[sflag:s28] =	ssyncadd.s32 $0xFFFFFF00  }
0x2c: {  	_ =	swait.ge [sflag:s28], $0x100  }
0x2d: {  	[sflag:s28] =	ssyncset.done $0x0  }
0x2e: {  	[sflag:s28] =	ssyncadd.s32 $0xFFFFFF00  }
0x2f: {  	_ =	swait.ge [sflag:s28], $0x100  }
0x30: {  	[sflag:s28] =	ssyncset.done $0x0  }
0x31: {  	[sflag:s28] =	ssyncadd.s32 $0xFFFFFF00  }
0x32: {  	_ =	swait.ge [sflag:s28], $0x100  }
0x33: {  	[sflag:s28] =	ssyncset.done $0x0  }
0x34: {  	[sflag:s28] =	ssyncadd.s32 $0xFFFFFF00  }
0x35: {  	_ =	swait.ge [sflag:s28], $0x100  }
0x36: {  	[sflag:s28] =	ssyncset.done $0x0  }
0x37: {  	[sflag:s28] =	ssyncadd.s32 $0xFFFFFF00  }
0x38: {  	_ =	swait.ge [sflag:s28], $0x100  }
0x39: {  	[sflag:s28] =	ssyncset.done $0x0  }
0x3a: {  	[sflag:s28] =	ssyncadd.s32 $0xFFFFFF00  }
0x3b: {  	_ =	swait.ge [sflag:s28], $0x100  }
0x3c: {  	[sflag:s28] =	ssyncset.done $0x0  }
0x3d: {  	[sflag:s28] =	ssyncadd.s32 $0xFFFFFF00  }
0x3e: {  	_ =	swait.ge [sflag:s28], $0x100  }
0x3f: {  	[sflag:s28] =	ssyncset.done $0x0  }
0x40: {  	[sflag:s28] =	ssyncadd.s32 $0xFFFFFF00  }
0x41: {  	_ =	swait.ge [sflag:s28], $0x100  }
0x42: {  	[sflag:s28] =	ssyncset.done $0x0  }
0x43: {  	[sflag:s28] =	ssyncadd.s32 $0xFFFFFF00  }
0x44: {  	_ =	swait.ge [sflag:s28], $0x100  }
0x45: {  	[sflag:s28] =	ssyncset.done $0x0  }
0x46: {  	[sflag:s28] =	ssyncadd.s32 $0xFFFFFF00  }
0x47: {  	_ =	swait.ge [sflag:s28], $0x100  }
0x48: {  	[sflag:s28] =	ssyncset.done $0x0  }
0x49: {  	[sflag:s28] =	ssyncadd.s32 $0xFFFFFF00  }
0x4a: {  	_ =	swait.ge [sflag:s28], $0x100  }
0x4b: {  	[sflag:s28] =	ssyncset.done $0x0  }
0x4c: {  	[sflag:s28] =	ssyncadd.s32 $0xFFFFFF00  }
0x4d: {  	_ =	swait.ge [sflag:s28], $0x100  }
0x4e: {  	[sflag:s28] =	ssyncset.done $0x0  }
0x4f: {  	[sflag:s28] =	ssyncadd.s32 $0xFFFFFF00  }
0x50: {  	_ =	swait.ge [sflag:s28], $0x100  }
0x51: {  	[sflag:s28] =	ssyncset.done $0x0  }
0x52: {  	[sflag:s28] =	ssyncadd.s32 $0xFFFFFF00  }
0x53: {  	_ =	swait.ge [sflag:s28], $0x100  }
0x54: {  	[sflag:s28] =	ssyncset.done $0x0  }
0x55: {  	[sflag:s28] =	ssyncadd.s32 $0xFFFFFF00  }
0x56: {  	_ =	swait.ge [sflag:s28], $0x100  }
0x57: {  	[sflag:s28] =	ssyncset.done $0x0  }
0x58: {  	[sflag:s28] =	ssyncadd.s32 $0xFFFFFF00  }
0x59: {  	_ =	swait.ge [sflag:s28], $0x100  }
0x5a: {  	[sflag:s28] =	ssyncset.done $0x0  }
0x5b: {  	[sflag:s28] =	ssyncadd.s32 $0xFFFFFF00  }
0x5c: {  	_ =	swait.ge [sflag:s28], $0x100  }
0x5d: {  	[sflag:s28] =	ssyncset.done $0x0  }
0x5e: {  	[sflag:s28] =	ssyncadd.s32 $0xFFFFFF00  }
0x5f: {  	_ =	swait.ge [sflag:s28], $0x100  }
0x60: {  	[sflag:s28] =	ssyncset.done $0x0  }
0x61: {  	[sflag:s28] =	ssyncadd.s32 $0xFFFFFF00  }
0x62: {  	_ =	swait.ge [sflag:s28], $0x100  }
0x63: {  	[sflag:s28] =	ssyncset.done $0x0  }
0x64: {  	[sflag:s28] =	ssyncadd.s32 $0xFFFFFF00  }
0x65: {  	_ =	swait.ge [sflag:s28], $0x100  }
0x66: {  	[sflag:s28] =	ssyncset.done $0x0  }
0x67: {  	[sflag:s28] =	ssyncadd.s32 $0xFFFFFF00  }
0x68: {  	_ =	swait.ge [sflag:s28], $0x100  }
0x69: {  	[sflag:s28] =	ssyncset.done $0x0  }
0x6a: {  	[sflag:s28] =	ssyncadd.s32 $0xFFFFFF00  }
0x6b: {  	_ =	swait.ge [sflag:s28], $0x100  }
0x6c: {  	[sflag:s28] =	ssyncset.done $0x0  }
0x6d: {  	[sflag:s28] =	ssyncadd.s32 $0xFFFFFF00  }
0x6e: {  	_ =	swait.ge [sflag:s28], $0x100  }
0x6f: {  	[sflag:s28] =	ssyncset.done $0x0  }
0x70: {  	[sflag:s28] =	ssyncadd.s32 $0xFFFFFF00  }
0x71: {  	_ =	swait.ge [sflag:s28], $0x100  }
0x72: {  	[sflag:s28] =	ssyncset.done $0x0  }
0x73: {  	[sflag:s28] =	ssyncadd.s32 $0xFFFFFF00  }
0x74: {  	_ =	swait.ge [sflag:s28], $0x100  }
0x75: {  	[sflag:s28] =	ssyncset.done $0x0  }
0x76: {  	[sflag:s28] =	ssyncadd.s32 $0xFFFFFF00  }
0x77: {  	_ =	swait.ge [sflag:s28], $0x100  }
0x78: {  	[sflag:s28] =	ssyncset.done $0x0  }
0x79: {  	[sflag:s28] =	ssyncadd.s32 $0xFFFFFF00  }
0x7a: {  	_ =	swait.ge [sflag:s28], $0x100  }
0x7b: {  	[sflag:s28] =	ssyncset.done $0x0  }
0x7c: {  	[sflag:s28] =	ssyncadd.s32 $0xFFFFFF00  }
0x7d: {  	_ =	swait.ge [sflag:s28], $0x100  }
0x7e: {  	[sflag:s28] =	ssyncset.done $0x0  }
0x7f: {  	[sflag:s28] =	ssyncadd.s32 $0xFFFFFF00  }
0x80: {  	_ =	swait.ge [sflag:s28], $0x100  }
0x81: {  	[sflag:s28] =	ssyncset.done $0x0  }
0x82: {  	[sflag:s28] =	ssyncadd.s32 $0xFFFFFF00  }
0x83: {  	_ =	swait.ge [sflag:s28], $0x100  }
0x84: {  	[sflag:s28] =	ssyncset.done $0x0  }
0x85: {  	[sflag:s28] =	ssyncadd.s32 $0xFFFFFF00  }
0x86: {  	_ =	swait.ge [sflag:s28], $0x100  }
0x87: {  	[sflag:s28] =	ssyncset.done $0x0  }
0x88: {  	[sflag:s28] =	ssyncadd.s32 $0xFFFFFF00  }
0x89: {  	_ =	swait.ge [sflag:s28], $0x100  }
0x8a: {  	[sflag:s28] =	ssyncset.done $0x0  }
0x8b: {  	[sflag:s28] =	ssyncadd.s32 $0xFFFFFF00  }
0x8c: {  	_ =	swait.ge [sflag:s28], $0x100  }
0x8d: {  	[sflag:s28] =	ssyncset.done $0x0  }
0x8e: {  	[sflag:s28] =	ssyncadd.s32 $0xFFFFFF00  }
0x8f: {  	_ =	swait.ge [sflag:s28], $0x100  }
0x90: {  	[sflag:s28] =	ssyncset.done $0x0  }
0x91: {  	[sflag:s28] =	ssyncadd.s32 $0xFFFFFF00  }
0x92: {  	_ =	swait.ge [sflag:s28], $0x100  }
0x93: {  	[sflag:s28] =	ssyncset.done $0x0  }
0x94: {  	[sflag:s28] =	ssyncadd.s32 $0xFFFFFF00  }
0x95: {  	_ =	swait.ge [sflag:s28], $0x100  }
0x96: {  	[sflag:s28] =	ssyncset.done $0x0  }
0x97: {  	[sflag:s28] =	ssyncadd.s32 $0xFFFFFF00  }
0x98: {  	_ =	swait.ge [sflag:s28], $0x100  }
0x99: {  	[sflag:s28] =	ssyncset.done $0x0  }
0x9a: {  	[sflag:s28] =	ssyncadd.s32 $0xFFFFFF00  }
0x9b: {  	_ =	swait.ge [sflag:s28], $0x100  }
0x9c: {  	[sflag:s28] =	ssyncset.done $0x0  }
0x9d: {  	[sflag:s28] =	ssyncadd.s32 $0xFFFFFF00  }
0x9e: {  	s14 =	stileid.u32;
	_ =	swait.ge [sflag:s28], $0x100  }
0x9f: {  	s15 =	sshll.u32 s14, $0x6;
	[sflag:s28] =	ssyncset.done $0x0  }
0xa0: {  	s14 =	sor.u32 $0x1C05, s15;
	s26 =	rddreg [dreg:$0x16];
	[sflag:s28] =	ssyncadd.s32 $0xFFFFFF00  }
0xa1: {  	[spmem:s25], [sflag:s14] =	dma.local [hbm:s26], $0x1400  }
0xa2: {  	s16 =	rddreg [dreg:$0x4]  }
0xa3: {  	s17 =	sor.u32 $0x1C06, s15;
	s15 =	rddreg [dreg:$0x17]  }
0xa4: {  	[spmem:s15], [sflag:s17] =	dma.local [hbm:s16], $0x1400  }
0xa5: {  	_ =	swait.ge [sflag:s29], $0x1400  }
0xa6: {  	[sflag:s29] =	ssyncset.done $0x0  }
0xa7: {  	[sflag:s29] =	ssyncadd.s32 $0xFFFFEC00  }
0xa8: {  	_ =	swait.ge [sflag:s30], $0x1400  }
0xa9: {  	[sflag:s30] =	ssyncset.done $0x0  }
0xaa: {  	[sflag:s30] =	ssyncadd.s32 $0xFFFFEC00  }
0xab: {  	[bflag:$0x0] =	sbarrier.arrive $0xFFFF  }
0xac: {  	[tilespmem:s1], [sflag:$0x1] =	stream.indirect.gather [spmem:s3], $0x40, s4, s31, $0xb8;
	[tilespmem:$0x1E840] =	vst v63  }
0xad: {  	_ = 	snop  }
0xae: {  	[tilespmem:s0], [sflag:$0x2] =	stream.indirect.gather [spmem:s3], $0x40, s31, s31, $0xb8;
	[tilespmem:$0x1E840] =	vst v63  }
0xaf: {  	_ =	swait.ge [sflag:s6], $0x4000  }
0xb0: {  	[sflag:s6] =	ssyncset.done $0x0  }
0xb1: {  	[sflag:s6] =	ssyncadd.s32 $0xFFFFC000  }
0xb2: {  	[spmem:s2] =	stream.indirect.scatter.add.f32 [tilespmem:s1], [sflag:$0x3], $0x40, s7, s31, $0xb8;
	[tilespmem:$0x1E840] =	vst v63  }
0xb3: {  	_ =	swait.ge [sflag:s8], $0x4000  }
0xb4: {  	[sflag:s8] =	ssyncset.done $0x0  }
0xb5: {  	s13 =	simm.s32 $0x1500;
	[sflag:s8] =	ssyncadd.s32 $0xFFFFC000  }
0xb6: {  	[spmem:s2] =	stream.indirect.scatter.add.f32 [tilespmem:s0], [sflag:$0x4], $0x40, s13, s31, $0xb8;
	[tilespmem:$0x1E840] =	vst v63  }
0xb7: {  	_ =	swait.ge [sflag:s10], $0x4000  }
0xb8: {  	[sflag:s10] =	ssyncset.done $0x0  }
0xb9: {  	s16 =	simm.s32 $0x200;
	[sflag:s10] =	ssyncadd.s32 $0xFFFFC000  }
0xba: {  	[tilespmem:s1], [sflag:$0x1] =	stream.indirect.gather [spmem:s3], $0x40, s16, s31, $0xb8;
	[tilespmem:$0x1E840] =	vst v63  }
0xbb: {  	_ =	swait.ge [sflag:s12], $0x4000  }
0xbc: {  	[sflag:s12] =	ssyncset.done $0x0  }
0xbd: {  	s18 =	simm.s32 $0x300;
	[sflag:s12] =	ssyncadd.s32 $0xFFFFC000  }
0xbe: {  	[tilespmem:s0], [sflag:$0x2] =	stream.indirect.gather [spmem:s3], $0x40, s18, s31, $0xb8;
	[tilespmem:$0x1E840] =	vst v63  }
0xbf: {  	_ =	swait.ge [sflag:s6], $0x4000  }
0xc0: {  	[sflag:s6] =	ssyncset.done $0x0  }
0xc1: {  	s19 =	simm.s32 $0x1600;
	[sflag:s6] =	ssyncadd.s32 $0xFFFFC000  }
0xc2: {  	[spmem:s2] =	stream.indirect.scatter.add.f32 [tilespmem:s1], [sflag:$0x3], $0x40, s19, s31, $0xb8;
	[tilespmem:$0x1E840] =	vst v63  }
0xc3: {  	_ =	swait.ge [sflag:s8], $0x4000  }
0xc4: {  	[sflag:s8] =	ssyncset.done $0x0  }
0xc5: {  	s20 =	simm.s32 $0x1700;
	[sflag:s8] =	ssyncadd.s32 $0xFFFFC000  }
0xc6: {  	[spmem:s2] =	stream.indirect.scatter.add.f32 [tilespmem:s0], [sflag:$0x4], $0x40, s20, s31, $0xb8;
	[tilespmem:$0x1E840] =	vst v63  }
0xc7: {  	_ =	swait.ge [sflag:s10], $0x4000  }
0xc8: {  	[sflag:s10] =	ssyncset.done $0x0  }
0xc9: {  	s21 =	simm.s32 $0x400;
	[sflag:s10] =	ssyncadd.s32 $0xFFFFC000  }
0xca: {  	[tilespmem:s1], [sflag:$0x1] =	stream.indirect.gather [spmem:s3], $0x40, s21, s31, $0xb8;
	[tilespmem:$0x1E840] =	vst v63  }
0xcb: {  	_ =	swait.ge [sflag:s12], $0x4000  }
0xcc: {  	[sflag:s12] =	ssyncset.done $0x0  }
0xcd: {  	s22 =	simm.s32 $0x500;
	[sflag:s12] =	ssyncadd.s32 $0xFFFFC000  }
0xce: {  	[tilespmem:s0], [sflag:$0x2] =	stream.indirect.gather [spmem:s3], $0x40, s22, s31, $0xb8;
	[tilespmem:$0x1E840] =	vst v63  }
0xcf: {  	_ =	swait.ge [sflag:s6], $0x4000  }
0xd0: {  	[sflag:s6] =	ssyncset.done $0x0  }
0xd1: {  	s16 =	simm.s32 $0x1800;
	[sflag:s6] =	ssyncadd.s32 $0xFFFFC000  }
0xd2: {  	[spmem:s2] =	stream.indirect.scatter.add.f32 [tilespmem:s1], [sflag:$0x3], $0x40, s16, s31, $0xb8;
	[tilespmem:$0x1E840] =	vst v63  }
0xd3: {  	_ =	swait.ge [sflag:s8], $0x4000  }
0xd4: {  	[sflag:s8] =	ssyncset.done $0x0  }
0xd5: {  	s18 =	simm.s32 $0x1900;
	[sflag:s8] =	ssyncadd.s32 $0xFFFFC000  }
0xd6: {  	[spmem:s2] =	stream.indirect.scatter.add.f32 [tilespmem:s0], [sflag:$0x4], $0x40, s18, s31, $0xb8;
	[tilespmem:$0x1E840] =	vst v63  }
0xd7: {  	_ =	swait.ge [sflag:s10], $0x4000  }
0xd8: {  	[sflag:s10] =	ssyncset.done $0x0  }
0xd9: {  	s19 =	simm.s32 $0x600;
	[sflag:s10] =	ssyncadd.s32 $0xFFFFC000  }
0xda: {  	[tilespmem:s1], [sflag:$0x1] =	stream.indirect.gather [spmem:s3], $0x40, s19, s31, $0xb8;
	[tilespmem:$0x1E840] =	vst v63  }
0xdb: {  	_ =	swait.ge [sflag:s12], $0x4000  }
0xdc: {  	[sflag:s12] =	ssyncset.done $0x0  }
0xdd: {  	s20 =	simm.s32 $0x700;
	[sflag:s12] =	ssyncadd.s32 $0xFFFFC000  }
0xde: {  	[tilespmem:s0], [sflag:$0x2] =	stream.indirect.gather [spmem:s3], $0x40, s20, s31, $0xb8;
	[tilespmem:$0x1E840] =	vst v63  }
0xdf: {  	_ =	swait.ge [sflag:s6], $0x4000  }
0xe0: {  	[sflag:s6] =	ssyncset.done $0x0  }
0xe1: {  	s21 =	simm.s32 $0x1A00;
	[sflag:s6] =	ssyncadd.s32 $0xFFFFC000  }
0xe2: {  	[spmem:s2] =	stream.indirect.scatter.add.f32 [tilespmem:s1], [sflag:$0x3], $0x40, s21, s31, $0xb8;
	[tilespmem:$0x1E840] =	vst v63  }
0xe3: {  	_ =	swait.ge [sflag:s8], $0x4000  }
0xe4: {  	[sflag:s8] =	ssyncset.done $0x0  }
0xe5: {  	s22 =	simm.s32 $0x1B00;
	[sflag:s8] =	ssyncadd.s32 $0xFFFFC000  }
0xe6: {  	[spmem:s2] =	stream.indirect.scatter.add.f32 [tilespmem:s0], [sflag:$0x4], $0x40, s22, s31, $0xb8;
	[tilespmem:$0x1E840] =	vst v63  }
0xe7: {  	_ =	swait.ge [sflag:s10], $0x4000  }
0xe8: {  	[sflag:s10] =	ssyncset.done $0x0  }
0xe9: {  	s7 =	simm.s32 $0x800;
	[sflag:s10] =	ssyncadd.s32 $0xFFFFC000  }
0xea: {  	[tilespmem:s1], [sflag:$0x1] =	stream.indirect.gather [spmem:s3], $0x40, s7, s31, $0xb8;
	[tilespmem:$0x1E840] =	vst v63  }
0xeb: {  	_ =	swait.ge [sflag:s12], $0x4000  }
0xec: {  	[sflag:s12] =	ssyncset.done $0x0  }
0xed: {  	s18 =	simm.s32 $0x900;
	[sflag:s12] =	ssyncadd.s32 $0xFFFFC000  }
0xee: {  	[tilespmem:s0], [sflag:$0x2] =	stream.indirect.gather [spmem:s3], $0x40, s18, s31, $0xb8;
	[tilespmem:$0x1E840] =	vst v63  }
0xef: {  	_ =	swait.ge [sflag:s6], $0x4000  }
0xf0: {  	[sflag:s6] =	ssyncset.done $0x0  }
0xf1: {  	s7 =	simm.s32 $0x1C00;
	[sflag:s6] =	ssyncadd.s32 $0xFFFFC000  }
0xf2: {  	[spmem:s2] =	stream.indirect.scatter.add.f32 [tilespmem:s1], [sflag:$0x3], $0x40, s7, s31, $0xb8;
	[tilespmem:$0x1E840] =	vst v63  }
0xf3: {  	_ =	swait.ge [sflag:s8], $0x4000  }
0xf4: {  	[sflag:s8] =	ssyncset.done $0x0  }
0xf5: {  	s18 =	simm.s32 $0x1D00;
	[sflag:s8] =	ssyncadd.s32 $0xFFFFC000  }
0xf6: {  	[spmem:s2] =	stream.indirect.scatter.add.f32 [tilespmem:s0], [sflag:$0x4], $0x40, s18, s31, $0xb8;
	[tilespmem:$0x1E840] =	vst v63  }
0xf7: {  	_ =	swait.ge [sflag:s10], $0x4000  }
0xf8: {  	[sflag:s10] =	ssyncset.done $0x0  }
0xf9: {  	s7 =	simm.s32 $0xA00;
	[sflag:s10] =	ssyncadd.s32 $0xFFFFC000  }
0xfa: {  	[tilespmem:s1], [sflag:$0x1] =	stream.indirect.gather [spmem:s3], $0x40, s7, s31, $0xb8;
	[tilespmem:$0x1E840] =	vst v63  }
0xfb: {  	_ =	swait.ge [sflag:s12], $0x4000  }
0xfc: {  	[sflag:s12] =	ssyncset.done $0x0  }
0xfd: {  	s7 =	simm.s32 $0xB00;
	[sflag:s12] =	ssyncadd.s32 $0xFFFFC000  }
0xfe: {  	[tilespmem:s0], [sflag:$0x2] =	stream.indirect.gather [spmem:s3], $0x40, s7, s31, $0xb8;
	[tilespmem:$0x1E840] =	vst v63  }
0xff: {  	_ =	swait.ge [sflag:s6], $0x4000  }
0x100: {  	[sflag:s6] =	ssyncset.done $0x0  }
0x101: {  	s7 =	simm.s32 $0x1E00;
	[sflag:s6] =	ssyncadd.s32 $0xFFFFC000  }
0x102: {  	[spmem:s2] =	stream.indirect.scatter.add.f32 [tilespmem:s1], [sflag:$0x3], $0x40, s7, s31, $0xb8;
	[tilespmem:$0x1E840] =	vst v63  }
0x103: {  	_ =	swait.ge [sflag:s8], $0x4000  }
0x104: {  	[sflag:s8] =	ssyncset.done $0x0  }
0x105: {  	s7 =	simm.s32 $0x1F00;
	[sflag:s8] =	ssyncadd.s32 $0xFFFFC000  }
0x106: {  	[spmem:s2] =	stream.indirect.scatter.add.f32 [tilespmem:s0], [sflag:$0x4], $0x40, s7, s31, $0xb8;
	[tilespmem:$0x1E840] =	vst v63  }
0x107: {  	_ =	swait.ge [sflag:s10], $0x4000  }
0x108: {  	[sflag:s10] =	ssyncset.done $0x0  }
0x109: {  	s7 =	simm.s32 $0xC00;
	[sflag:s10] =	ssyncadd.s32 $0xFFFFC000  }
0x10a: {  	[tilespmem:s1], [sflag:$0x1] =	stream.indirect.gather [spmem:s3], $0x40, s7, s31, $0xb8;
	[tilespmem:$0x1E840] =	vst v63  }
0x10b: {  	_ =	swait.ge [sflag:s12], $0x4000  }
0x10c: {  	[sflag:s12] =	ssyncset.done $0x0  }
0x10d: {  	s7 =	simm.s32 $0xD00;
	[sflag:s12] =	ssyncadd.s32 $0xFFFFC000  }
0x10e: {  	[tilespmem:s0], [sflag:$0x2] =	stream.indirect.gather [spmem:s3], $0x40, s7, s31, $0xb8;
	[tilespmem:$0x1E840] =	vst v63  }
0x10f: {  	_ =	swait.ge [sflag:s6], $0x4000  }
0x110: {  	[sflag:s6] =	ssyncset.done $0x0  }
0x111: {  	s7 =	simm.s32 $0x2000;
	[sflag:s6] =	ssyncadd.s32 $0xFFFFC000  }
0x112: {  	[spmem:s2] =	stream.indirect.scatter.add.f32 [tilespmem:s1], [sflag:$0x3], $0x40, s7, s31, $0xb8;
	[tilespmem:$0x1E840] =	vst v63  }
0x113: {  	_ =	swait.ge [sflag:s8], $0x4000  }
0x114: {  	[sflag:s8] =	ssyncset.done $0x0  }
0x115: {  	s7 =	simm.s32 $0x2100;
	[sflag:s8] =	ssyncadd.s32 $0xFFFFC000  }
0x116: {  	[spmem:s2] =	stream.indirect.scatter.add.f32 [tilespmem:s0], [sflag:$0x4], $0x40, s7, s31, $0xb8;
	[tilespmem:$0x1E840] =	vst v63  }
0x117: {  	_ =	swait.ge [sflag:s10], $0x4000  }
0x118: {  	[sflag:s10] =	ssyncset.done $0x0  }
0x119: {  	s7 =	simm.s32 $0xE00;
	[sflag:s10] =	ssyncadd.s32 $0xFFFFC000  }
0x11a: {  	[tilespmem:s1], [sflag:$0x1] =	stream.indirect.gather [spmem:s3], $0x40, s7, s31, $0xb8;
	[tilespmem:$0x1E840] =	vst v63  }
0x11b: {  	_ =	swait.ge [sflag:s12], $0x4000  }
0x11c: {  	[sflag:s12] =	ssyncset.done $0x0  }
0x11d: {  	s7 =	simm.s32 $0xF00;
	[sflag:s12] =	ssyncadd.s32 $0xFFFFC000  }
0x11e: {  	[tilespmem:s0], [sflag:$0x2] =	stream.indirect.gather [spmem:s3], $0x40, s7, s31, $0xb8;
	[tilespmem:$0x1E840] =	vst v63  }
0x11f: {  	_ =	swait.ge [sflag:s6], $0x4000  }
0x120: {  	[sflag:s6] =	ssyncset.done $0x0  }
0x121: {  	s7 =	simm.s32 $0x2200;
	[sflag:s6] =	ssyncadd.s32 $0xFFFFC000  }
0x122: {  	[spmem:s2] =	stream.indirect.scatter.add.f32 [tilespmem:s1], [sflag:$0x3], $0x40, s7, s31, $0xb8;
	[tilespmem:$0x1E840] =	vst v63  }
0x123: {  	_ =	swait.ge [sflag:s8], $0x4000  }
0x124: {  	[sflag:s8] =	ssyncset.done $0x0  }
0x125: {  	s7 =	simm.s32 $0x2300;
	[sflag:s8] =	ssyncadd.s32 $0xFFFFC000  }
0x126: {  	[spmem:s2] =	stream.indirect.scatter.add.f32 [tilespmem:s0], [sflag:$0x4], $0x40, s7, s31, $0xb8;
	[tilespmem:$0x1E840] =	vst v63  }
0x127: {  	_ =	swait.ge [sflag:s10], $0x4000  }
0x128: {  	[sflag:s10] =	ssyncset.done $0x0  }
0x129: {  	s7 =	simm.s32 $0x1000;
	[sflag:s10] =	ssyncadd.s32 $0xFFFFC000  }
0x12a: {  	[tilespmem:s1], [sflag:$0x1] =	stream.indirect.gather [spmem:s3], $0x40, s7, s31, $0xb8;
	[tilespmem:$0x1E840] =	vst v63  }
0x12b: {  	_ =	swait.ge [sflag:s12], $0x4000  }
0x12c: {  	[sflag:s12] =	ssyncset.done $0x0  }
0x12d: {  	s7 =	simm.s32 $0x1100;
	[sflag:s12] =	ssyncadd.s32 $0xFFFFC000  }
0x12e: {  	[tilespmem:s0], [sflag:$0x2] =	stream.indirect.gather [spmem:s3], $0x40, s7, s31, $0xb8;
	[tilespmem:$0x1E840] =	vst v63  }
0x12f: {  	_ =	swait.ge [sflag:s6], $0x4000  }
0x130: {  	[sflag:s6] =	ssyncset.done $0x0  }
0x131: {  	s7 =	simm.s32 $0x2400;
	[sflag:s6] =	ssyncadd.s32 $0xFFFFC000  }
0x132: {  	[spmem:s2] =	stream.indirect.scatter.add.f32 [tilespmem:s1], [sflag:$0x3], $0x40, s7, s31, $0xb8;
	[tilespmem:$0x1E840] =	vst v63  }
0x133: {  	_ =	swait.ge [sflag:s8], $0x4000  }
0x134: {  	[sflag:s8] =	ssyncset.done $0x0  }
0x135: {  	s7 =	simm.s32 $0x2500;
	[sflag:s8] =	ssyncadd.s32 $0xFFFFC000  }
0x136: {  	[spmem:s2] =	stream.indirect.scatter.add.f32 [tilespmem:s0], [sflag:$0x4], $0x40, s7, s31, $0xb8;
	[tilespmem:$0x1E840] =	vst v63  }
0x137: {  	_ =	swait.ge [sflag:s10], $0x4000  }
0x138: {  	[sflag:s10] =	ssyncset.done $0x0  }
0x139: {  	s7 =	simm.s32 $0x1200;
	[sflag:s10] =	ssyncadd.s32 $0xFFFFC000  }
0x13a: {  	[tilespmem:s1], [sflag:$0x1] =	stream.indirect.gather [spmem:s3], $0x40, s7, s31, $0xb8;
	[tilespmem:$0x1E840] =	vst v63  }
0x13b: {  	_ =	swait.ge [sflag:s12], $0x4000  }
0x13c: {  	[sflag:s12] =	ssyncset.done $0x0  }
0x13d: {  	s7 =	simm.s32 $0x1300;
	[sflag:s12] =	ssyncadd.s32 $0xFFFFC000  }
0x13e: {  	[tilespmem:s0], [sflag:$0x2] =	stream.indirect.gather [spmem:s3], $0x40, s7, s31, $0xb8;
	[tilespmem:$0x1E840] =	vst v63  }
0x13f: {  	_ =	swait.ge [sflag:s6], $0x4000  }
0x140: {  	[sflag:s6] =	ssyncset.done $0x0  }
0x141: {  	s7 =	simm.s32 $0x2600;
	[sflag:s6] =	ssyncadd.s32 $0xFFFFC000  }
0x142: {  	[spmem:s2] =	stream.indirect.scatter.add.f32 [tilespmem:s1], [sflag:$0x8], $0x40, s7, s31, $0xb8;
	[tilespmem:$0x1E840] =	vst v63  }
0x143: {  	_ =	swait.ge [sflag:s9], $0x4000  }
0x144: {  	[sflag:s9] =	ssyncset.done $0x0  }
0x145: {  	[sflag:s9] =	ssyncadd.s32 $0xFFFFC000  }
0x146: {  	_ =	swait.ge [sflag:s8], $0x4000  }
0x147: {  	[sflag:s8] =	ssyncset.done $0x0  }
0x148: {  	s7 =	simm.s32 $0x2700;
	[sflag:s8] =	ssyncadd.s32 $0xFFFFC000  }
0x149: {  	[spmem:s2] =	stream.indirect.scatter.add.f32 [tilespmem:s0], [sflag:$0x8], $0x40, s7, s31, $0xb8;
	[tilespmem:$0x1E840] =	vst v63  }
0x14a: {  	_ =	swait.ge [sflag:s9], $0x4000  }
0x14b: {  	[sflag:s9] =	ssyncset.done $0x0  }
0x14c: {  	[sflag:s9] =	ssyncadd.s32 $0xFFFFC000  }
0x14d: {  	[bflag:$0x0] =	sbarrier.arrive $0xFFFF  }
0x14e: {  	s7 =	rddreg [dreg:$0x5]  }
0x14f: {  	[hbm:s7], [sflag:s14] =	dma.local [spmem:s25], $0x1400  }
0x150: {  	_ =	swait.ge [sflag:s29], $0x1400  }
0x151: {  	[sflag:s29] =	ssyncset.done $0x0  }
0x152: {  	[sflag:s29] =	ssyncadd.s32 $0xFFFFEC00  }
0x153: {  	[bflag:$0x0] =	sbarrier.arrive $0xFFFF  }
0x154: {  	[spmem:s25], [sflag:s14] =	dma.local [hbm:s26], $0x1400  }
0x155: {  	s7 =	rddreg [dreg:$0x6]  }
0x156: {  	[spmem:s15], [sflag:s17] =	dma.local [hbm:s7], $0x1400  }
0x157: {  	_ =	swait.ge [sflag:s29], $0x1400  }
0x158: {  	[sflag:s29] =	ssyncset.done $0x0  }
0x159: {  	[sflag:s29] =	ssyncadd.s32 $0xFFFFEC00  }
0x15a: {  	_ =	swait.ge [sflag:s30], $0x1400  }
0x15b: {  	[sflag:s30] =	ssyncset.done $0x0  }
0x15c: {  	[sflag:s30] =	ssyncadd.s32 $0xFFFFEC00  }
0x15d: {  	[bflag:$0x0] =	sbarrier.arrive $0xFFFF  }
0x15e: {  	[tilespmem:s1], [sflag:$0x1] =	stream.indirect.gather [spmem:s3], $0x40, s4, s31, $0xb8;
	[tilespmem:$0x1E840] =	vst v63  }
0x15f: {  	_ = 	snop  }
0x160: {  	[tilespmem:s0], [sflag:$0x2] =	stream.indirect.gather [spmem:s3], $0x40, s31, s31, $0xb8;
	[tilespmem:$0x1E840] =	vst v63  }
0x161: {  	_ =	swait.ge [sflag:s6], $0x4000  }
0x162: {  	[sflag:s6] =	ssyncset.done $0x0  }
0x163: {  	s7 =	simm.s32 $0x1400;
	[sflag:s6] =	ssyncadd.s32 $0xFFFFC000  }
0x164: {  	[spmem:s2] =	stream.indirect.scatter.add.f32 [tilespmem:s1], [sflag:$0x3], $0x40, s7, s31, $0xb8;
	[tilespmem:$0x1E840] =	vst v63  }
0x165: {  	_ =	swait.ge [sflag:s8], $0x4000  }
0x166: {  	[sflag:s8] =	ssyncset.done $0x0  }
0x167: {  	s11 =	simm.s32 $0x1500;
	[sflag:s8] =	ssyncadd.s32 $0xFFFFC000  }
0x168: {  	[spmem:s2] =	stream.indirect.scatter.add.f32 [tilespmem:s0], [sflag:$0x4], $0x40, s11, s31, $0xb8;
	[tilespmem:$0x1E840] =	vst v63  }
0x169: {  	_ =	swait.ge [sflag:s10], $0x4000  }
0x16a: {  	[sflag:s10] =	ssyncset.done $0x0  }
0x16b: {  	s13 =	simm.s32 $0x200;
	[sflag:s10] =	ssyncadd.s32 $0xFFFFC000  }
0x16c: {  	[tilespmem:s1], [sflag:$0x1] =	stream.indirect.gather [spmem:s3], $0x40, s13, s31, $0xb8;
	[tilespmem:$0x1E840] =	vst v63  }
0x16d: {  	_ =	swait.ge [sflag:s12], $0x4000  }
0x16e: {  	[sflag:s12] =	ssyncset.done $0x0  }
0x16f: {  	s7 =	simm.s32 $0x300;
	[sflag:s12] =	ssyncadd.s32 $0xFFFFC000  }
0x170: {  	[tilespmem:s0], [sflag:$0x2] =	stream.indirect.gather [spmem:s3], $0x40, s7, s31, $0xb8;
	[tilespmem:$0x1E840] =	vst v63  }
0x171: {  	_ =	swait.ge [sflag:s6], $0x4000  }
0x172: {  	[sflag:s6] =	ssyncset.done $0x0  }
0x173: {  	s5 =	simm.s32 $0x1600;
	[sflag:s6] =	ssyncadd.s32 $0xFFFFC000  }
0x174: {  	[spmem:s2] =	stream.indirect.scatter.add.f32 [tilespmem:s1], [sflag:$0x3], $0x40, s5, s31, $0xb8;
	[tilespmem:$0x1E840] =	vst v63  }
0x175: {  	_ =	swait.ge [sflag:s8], $0x4000  }
0x176: {  	[sflag:s8] =	ssyncset.done $0x0  }
0x177: {  	s11 =	simm.s32 $0x1700;
	[sflag:s8] =	ssyncadd.s32 $0xFFFFC000  }
0x178: {  	[spmem:s2] =	stream.indirect.scatter.add.f32 [tilespmem:s0], [sflag:$0x4], $0x40, s11, s31, $0xb8;
	[tilespmem:$0x1E840] =	vst v63  }
0x179: {  	_ =	swait.ge [sflag:s10], $0x4000  }
0x17a: {  	[sflag:s10] =	ssyncset.done $0x0  }
0x17b: {  	s13 =	simm.s32 $0x400;
	[sflag:s10] =	ssyncadd.s32 $0xFFFFC000  }
0x17c: {  	[tilespmem:s1], [sflag:$0x1] =	stream.indirect.gather [spmem:s3], $0x40, s13, s31, $0xb8;
	[tilespmem:$0x1E840] =	vst v63  }
0x17d: {  	_ =	swait.ge [sflag:s12], $0x4000  }
0x17e: {  	[sflag:s12] =	ssyncset.done $0x0  }
0x17f: {  	s5 =	simm.s32 $0x500;
	[sflag:s12] =	ssyncadd.s32 $0xFFFFC000  }
0x180: {  	[tilespmem:s0], [sflag:$0x2] =	stream.indirect.gather [spmem:s3], $0x40, s5, s31, $0xb8;
	[tilespmem:$0x1E840] =	vst v63  }
0x181: {  	_ =	swait.ge [sflag:s6], $0x4000  }
0x182: {  	[sflag:s6] =	ssyncset.done $0x0  }
0x183: {  	s16 =	simm.s32 $0x1800;
	[sflag:s6] =	ssyncadd.s32 $0xFFFFC000  }
0x184: {  	[spmem:s2] =	stream.indirect.scatter.add.f32 [tilespmem:s1], [sflag:$0x3], $0x40, s16, s31, $0xb8;
	[tilespmem:$0x1E840] =	vst v63  }
0x185: {  	_ =	swait.ge [sflag:s8], $0x4000  }
0x186: {  	[sflag:s8] =	ssyncset.done $0x0  }
0x187: {  	s16 =	simm.s32 $0x1900;
	[sflag:s8] =	ssyncadd.s32 $0xFFFFC000  }
0x188: {  	[spmem:s2] =	stream.indirect.scatter.add.f32 [tilespmem:s0], [sflag:$0x4], $0x40, s16, s31, $0xb8;
	[tilespmem:$0x1E840] =	vst v63  }
0x189: {  	_ =	swait.ge [sflag:s10], $0x4000  }
0x18a: {  	[sflag:s10] =	ssyncset.done $0x0  }
0x18b: {  	s16 =	simm.s32 $0x600;
	[sflag:s10] =	ssyncadd.s32 $0xFFFFC000  }
0x18c: {  	[tilespmem:s1], [sflag:$0x1] =	stream.indirect.gather [spmem:s3], $0x40, s16, s31, $0xb8;
	[tilespmem:$0x1E840] =	vst v63  }
0x18d: {  	_ =	swait.ge [sflag:s12], $0x4000  }
0x18e: {  	[sflag:s12] =	ssyncset.done $0x0  }
0x18f: {  	s19 =	simm.s32 $0x700;
	[sflag:s12] =	ssyncadd.s32 $0xFFFFC000  }
0x190: {  	[tilespmem:s0], [sflag:$0x2] =	stream.indirect.gather [spmem:s3], $0x40, s19, s31, $0xb8;
	[tilespmem:$0x1E840] =	vst v63  }
0x191: {  	_ =	swait.ge [sflag:s6], $0x4000  }
0x192: {  	[sflag:s6] =	ssyncset.done $0x0  }
0x193: {  	s20 =	simm.s32 $0x1A00;
	[sflag:s6] =	ssyncadd.s32 $0xFFFFC000  }
0x194: {  	[spmem:s2] =	stream.indirect.scatter.add.f32 [tilespmem:s1], [sflag:$0x3], $0x40, s20, s31, $0xb8;
	[tilespmem:$0x1E840] =	vst v63  }
0x195: {  	_ =	swait.ge [sflag:s8], $0x4000  }
0x196: {  	[sflag:s8] =	ssyncset.done $0x0  }
0x197: {  	s21 =	simm.s32 $0x1B00;
	[sflag:s8] =	ssyncadd.s32 $0xFFFFC000  }
0x198: {  	[spmem:s2] =	stream.indirect.scatter.add.f32 [tilespmem:s0], [sflag:$0x4], $0x40, s21, s31, $0xb8;
	[tilespmem:$0x1E840] =	vst v63  }
0x199: {  	_ =	swait.ge [sflag:s10], $0x4000  }
0x19a: {  	[sflag:s10] =	ssyncset.done $0x0  }
0x19b: {  	s22 =	simm.s32 $0x800;
	[sflag:s10] =	ssyncadd.s32 $0xFFFFC000  }
0x19c: {  	[tilespmem:s1], [sflag:$0x1] =	stream.indirect.gather [spmem:s3], $0x40, s22, s31, $0xb8;
	[tilespmem:$0x1E840] =	vst v63  }
0x19d: {  	_ =	swait.ge [sflag:s12], $0x4000  }
0x19e: {  	[sflag:s12] =	ssyncset.done $0x0  }
0x19f: {  	s16 =	simm.s32 $0x900;
	[sflag:s12] =	ssyncadd.s32 $0xFFFFC000  }
0x1a0: {  	[tilespmem:s0], [sflag:$0x2] =	stream.indirect.gather [spmem:s3], $0x40, s16, s31, $0xb8;
	[tilespmem:$0x1E840] =	vst v63  }
0x1a1: {  	_ =	swait.ge [sflag:s6], $0x4000  }
0x1a2: {  	[sflag:s6] =	ssyncset.done $0x0  }
0x1a3: {  	s16 =	simm.s32 $0x1C00;
	[sflag:s6] =	ssyncadd.s32 $0xFFFFC000  }
0x1a4: {  	[spmem:s2] =	stream.indirect.scatter.add.f32 [tilespmem:s1], [sflag:$0x3], $0x40, s16, s31, $0xb8;
	[tilespmem:$0x1E840] =	vst v63  }
0x1a5: {  	_ =	swait.ge [sflag:s8], $0x4000  }
0x1a6: {  	[sflag:s8] =	ssyncset.done $0x0  }
0x1a7: {  	s18 =	simm.s32 $0x1D00;
	[sflag:s8] =	ssyncadd.s32 $0xFFFFC000  }
0x1a8: {  	[spmem:s2] =	stream.indirect.scatter.add.f32 [tilespmem:s0], [sflag:$0x4], $0x40, s18, s31, $0xb8;
	[tilespmem:$0x1E840] =	vst v63  }
0x1a9: {  	_ =	swait.ge [sflag:s10], $0x4000  }
0x1aa: {  	[sflag:s10] =	ssyncset.done $0x0  }
0x1ab: {  	s16 =	simm.s32 $0xA00;
	[sflag:s10] =	ssyncadd.s32 $0xFFFFC000  }
0x1ac: {  	[tilespmem:s1], [sflag:$0x1] =	stream.indirect.gather [spmem:s3], $0x40, s16, s31, $0xb8;
	[tilespmem:$0x1E840] =	vst v63  }
0x1ad: {  	_ =	swait.ge [sflag:s12], $0x4000  }
0x1ae: {  	[sflag:s12] =	ssyncset.done $0x0  }
0x1af: {  	s16 =	simm.s32 $0xB00;
	[sflag:s12] =	ssyncadd.s32 $0xFFFFC000  }
0x1b0: {  	[tilespmem:s0], [sflag:$0x2] =	stream.indirect.gather [spmem:s3], $0x40, s16, s31, $0xb8;
	[tilespmem:$0x1E840] =	vst v63  }
0x1b1: {  	_ =	swait.ge [sflag:s6], $0x4000  }
0x1b2: {  	[sflag:s6] =	ssyncset.done $0x0  }
0x1b3: {  	s16 =	simm.s32 $0x1E00;
	[sflag:s6] =	ssyncadd.s32 $0xFFFFC000  }
0x1b4: {  	[spmem:s2] =	stream.indirect.scatter.add.f32 [tilespmem:s1], [sflag:$0x3], $0x40, s16, s31, $0xb8;
	[tilespmem:$0x1E840] =	vst v63  }
0x1b5: {  	_ =	swait.ge [sflag:s8], $0x4000  }
0x1b6: {  	[sflag:s8] =	ssyncset.done $0x0  }
0x1b7: {  	s16 =	simm.s32 $0x1F00;
	[sflag:s8] =	ssyncadd.s32 $0xFFFFC000  }
0x1b8: {  	[spmem:s2] =	stream.indirect.scatter.add.f32 [tilespmem:s0], [sflag:$0x4], $0x40, s16, s31, $0xb8;
	[tilespmem:$0x1E840] =	vst v63  }
0x1b9: {  	_ =	swait.ge [sflag:s10], $0x4000  }
0x1ba: {  	[sflag:s10] =	ssyncset.done $0x0  }
0x1bb: {  	s16 =	simm.s32 $0xC00;
	[sflag:s10] =	ssyncadd.s32 $0xFFFFC000  }
0x1bc: {  	[tilespmem:s1], [sflag:$0x1] =	stream.indirect.gather [spmem:s3], $0x40, s16, s31, $0xb8;
	[tilespmem:$0x1E840] =	vst v63  }
0x1bd: {  	_ =	swait.ge [sflag:s12], $0x4000  }
0x1be: {  	[sflag:s12] =	ssyncset.done $0x0  }
0x1bf: {  	s16 =	simm.s32 $0xD00;
	[sflag:s12] =	ssyncadd.s32 $0xFFFFC000  }
0x1c0: {  	[tilespmem:s0], [sflag:$0x2] =	stream.indirect.gather [spmem:s3], $0x40, s16, s31, $0xb8;
	[tilespmem:$0x1E840] =	vst v63  }
0x1c1: {  	_ =	swait.ge [sflag:s6], $0x4000  }
0x1c2: {  	[sflag:s6] =	ssyncset.done $0x0  }
0x1c3: {  	s16 =	simm.s32 $0x2000;
	[sflag:s6] =	ssyncadd.s32 $0xFFFFC000  }
0x1c4: {  	[spmem:s2] =	stream.indirect.scatter.add.f32 [tilespmem:s1], [sflag:$0x3], $0x40, s16, s31, $0xb8;
	[tilespmem:$0x1E840] =	vst v63  }
0x1c5: {  	_ =	swait.ge [sflag:s8], $0x4000  }
0x1c6: {  	[sflag:s8] =	ssyncset.done $0x0  }
0x1c7: {  	s16 =	simm.s32 $0x2100;
	[sflag:s8] =	ssyncadd.s32 $0xFFFFC000  }
0x1c8: {  	[spmem:s2] =	stream.indirect.scatter.add.f32 [tilespmem:s0], [sflag:$0x4], $0x40, s16, s31, $0xb8;
	[tilespmem:$0x1E840] =	vst v63  }
0x1c9: {  	_ =	swait.ge [sflag:s10], $0x4000  }
0x1ca: {  	[sflag:s10] =	ssyncset.done $0x0  }
0x1cb: {  	s16 =	simm.s32 $0xE00;
	[sflag:s10] =	ssyncadd.s32 $0xFFFFC000  }
0x1cc: {  	[tilespmem:s1], [sflag:$0x1] =	stream.indirect.gather [spmem:s3], $0x40, s16, s31, $0xb8;
	[tilespmem:$0x1E840] =	vst v63  }
0x1cd: {  	_ =	swait.ge [sflag:s12], $0x4000  }
0x1ce: {  	[sflag:s12] =	ssyncset.done $0x0  }
0x1cf: {  	s16 =	simm.s32 $0xF00;
	[sflag:s12] =	ssyncadd.s32 $0xFFFFC000  }
0x1d0: {  	[tilespmem:s0], [sflag:$0x2] =	stream.indirect.gather [spmem:s3], $0x40, s16, s31, $0xb8;
	[tilespmem:$0x1E840] =	vst v63  }
0x1d1: {  	_ =	swait.ge [sflag:s6], $0x4000  }
0x1d2: {  	[sflag:s6] =	ssyncset.done $0x0  }
0x1d3: {  	s16 =	simm.s32 $0x2200;
	[sflag:s6] =	ssyncadd.s32 $0xFFFFC000  }
0x1d4: {  	[spmem:s2] =	stream.indirect.scatter.add.f32 [tilespmem:s1], [sflag:$0x3], $0x40, s16, s31, $0xb8;
	[tilespmem:$0x1E840] =	vst v63  }
0x1d5: {  	_ =	swait.ge [sflag:s8], $0x4000  }
0x1d6: {  	[sflag:s8] =	ssyncset.done $0x0  }
0x1d7: {  	s16 =	simm.s32 $0x2300;
	[sflag:s8] =	ssyncadd.s32 $0xFFFFC000  }
0x1d8: {  	[spmem:s2] =	stream.indirect.scatter.add.f32 [tilespmem:s0], [sflag:$0x4], $0x40, s16, s31, $0xb8;
	[tilespmem:$0x1E840] =	vst v63  }
0x1d9: {  	_ =	swait.ge [sflag:s10], $0x4000  }
0x1da: {  	[sflag:s10] =	ssyncset.done $0x0  }
0x1db: {  	s16 =	simm.s32 $0x1000;
	[sflag:s10] =	ssyncadd.s32 $0xFFFFC000  }
0x1dc: {  	[tilespmem:s1], [sflag:$0x1] =	stream.indirect.gather [spmem:s3], $0x40, s16, s31, $0xb8;
	[tilespmem:$0x1E840] =	vst v63  }
0x1dd: {  	_ =	swait.ge [sflag:s12], $0x4000  }
0x1de: {  	[sflag:s12] =	ssyncset.done $0x0  }
0x1df: {  	s16 =	simm.s32 $0x1100;
	[sflag:s12] =	ssyncadd.s32 $0xFFFFC000  }
0x1e0: {  	[tilespmem:s0], [sflag:$0x2] =	stream.indirect.gather [spmem:s3], $0x40, s16, s31, $0xb8;
	[tilespmem:$0x1E840] =	vst v63  }
0x1e1: {  	_ =	swait.ge [sflag:s6], $0x4000  }
0x1e2: {  	[sflag:s6] =	ssyncset.done $0x0  }
0x1e3: {  	s16 =	simm.s32 $0x2400;
	[sflag:s6] =	ssyncadd.s32 $0xFFFFC000  }
0x1e4: {  	[spmem:s2] =	stream.indirect.scatter.add.f32 [tilespmem:s1], [sflag:$0x3], $0x40, s16, s31, $0xb8;
	[tilespmem:$0x1E840] =	vst v63  }
0x1e5: {  	_ =	swait.ge [sflag:s8], $0x4000  }
0x1e6: {  	[sflag:s8] =	ssyncset.done $0x0  }
0x1e7: {  	s16 =	simm.s32 $0x2500;
	[sflag:s8] =	ssyncadd.s32 $0xFFFFC000  }
0x1e8: {  	[spmem:s2] =	stream.indirect.scatter.add.f32 [tilespmem:s0], [sflag:$0x4], $0x40, s16, s31, $0xb8;
	[tilespmem:$0x1E840] =	vst v63  }
0x1e9: {  	_ =	swait.ge [sflag:s10], $0x4000  }
0x1ea: {  	[sflag:s10] =	ssyncset.done $0x0  }
0x1eb: {  	s16 =	simm.s32 $0x1200;
	[sflag:s10] =	ssyncadd.s32 $0xFFFFC000  }
0x1ec: {  	[tilespmem:s1], [sflag:$0x1] =	stream.indirect.gather [spmem:s3], $0x40, s16, s31, $0xb8;
	[tilespmem:$0x1E840] =	vst v63  }
0x1ed: {  	_ =	swait.ge [sflag:s12], $0x4000  }
0x1ee: {  	[sflag:s12] =	ssyncset.done $0x0  }
0x1ef: {  	s16 =	simm.s32 $0x1300;
	[sflag:s12] =	ssyncadd.s32 $0xFFFFC000  }
0x1f0: {  	[tilespmem:s0], [sflag:$0x2] =	stream.indirect.gather [spmem:s3], $0x40, s16, s31, $0xb8;
	[tilespmem:$0x1E840] =	vst v63  }
0x1f1: {  	_ =	swait.ge [sflag:s6], $0x4000  }
0x1f2: {  	[sflag:s6] =	ssyncset.done $0x0  }
0x1f3: {  	s16 =	simm.s32 $0x2600;
	[sflag:s6] =	ssyncadd.s32 $0xFFFFC000  }
0x1f4: {  	[spmem:s2] =	stream.indirect.scatter.add.f32 [tilespmem:s1], [sflag:$0x8], $0x40, s16, s31, $0xb8;
	[tilespmem:$0x1E840] =	vst v63  }
0x1f5: {  	_ =	swait.ge [sflag:s9], $0x4000  }
0x1f6: {  	[sflag:s9] =	ssyncset.done $0x0  }
0x1f7: {  	[sflag:s9] =	ssyncadd.s32 $0xFFFFC000  }
0x1f8: {  	_ =	swait.ge [sflag:s8], $0x4000  }
0x1f9: {  	[sflag:s8] =	ssyncset.done $0x0  }
0x1fa: {  	s16 =	simm.s32 $0x2700;
	[sflag:s8] =	ssyncadd.s32 $0xFFFFC000  }
0x1fb: {  	[spmem:s2] =	stream.indirect.scatter.add.f32 [tilespmem:s0], [sflag:$0x8], $0x40, s16, s31, $0xb8;
	[tilespmem:$0x1E840] =	vst v63  }
0x1fc: {  	_ =	swait.ge [sflag:s9], $0x4000  }
0x1fd: {  	[sflag:s9] =	ssyncset.done $0x0  }
0x1fe: {  	[sflag:s9] =	ssyncadd.s32 $0xFFFFC000  }
0x1ff: {  	[bflag:$0x0] =	sbarrier.arrive $0xFFFF  }
0x200: {  	s16 =	rddreg [dreg:$0x7]  }
0x201: {  	[hbm:s16], [sflag:s14] =	dma.local [spmem:s25], $0x1400  }
0x202: {  	_ =	swait.ge [sflag:s29], $0x1400  }
0x203: {  	[sflag:s29] =	ssyncset.done $0x0  }
0x204: {  	[sflag:s29] =	ssyncadd.s32 $0xFFFFEC00  }
0x205: {  	[bflag:$0x0] =	sbarrier.arrive $0xFFFF  }
0x206: {  	[spmem:s25], [sflag:s14] =	dma.local [hbm:s26], $0x1400  }
0x207: {  	s16 =	rddreg [dreg:$0x8]  }
0x208: {  	[spmem:s15], [sflag:s17] =	dma.local [hbm:s16], $0x1400  }
0x209: {  	_ =	swait.ge [sflag:s29], $0x1400  }
0x20a: {  	[sflag:s29] =	ssyncset.done $0x0  }
0x20b: {  	[sflag:s29] =	ssyncadd.s32 $0xFFFFEC00  }
0x20c: {  	_ =	swait.ge [sflag:s30], $0x1400  }
0x20d: {  	[sflag:s30] =	ssyncset.done $0x0  }
0x20e: {  	[sflag:s30] =	ssyncadd.s32 $0xFFFFEC00  }
0x20f: {  	[bflag:$0x0] =	sbarrier.arrive $0xFFFF  }
0x210: {  	[tilespmem:s1], [sflag:$0x1] =	stream.indirect.gather [spmem:s3], $0x40, s4, s31, $0xb8;
	[tilespmem:$0x1E840] =	vst v63  }
0x211: {  	_ = 	snop  }
0x212: {  	[tilespmem:s0], [sflag:$0x2] =	stream.indirect.gather [spmem:s3], $0x40, s31, s31, $0xb8;
	[tilespmem:$0x1E840] =	vst v63  }
0x213: {  	_ =	swait.ge [sflag:s6], $0x4000  }
0x214: {  	[sflag:s6] =	ssyncset.done $0x0  }
0x215: {  	s16 =	simm.s32 $0x1400;
	[sflag:s6] =	ssyncadd.s32 $0xFFFFC000  }
0x216: {  	[spmem:s2] =	stream.indirect.scatter.add.f32 [tilespmem:s1], [sflag:$0x3], $0x40, s16, s31, $0xb8;
	[tilespmem:$0x1E840] =	vst v63  }
0x217: {  	_ =	swait.ge [sflag:s8], $0x4000  }
0x218: {  	[sflag:s8] =	ssyncset.done $0x0  }
0x219: {  	s16 =	simm.s32 $0x1500;
	[sflag:s8] =	ssyncadd.s32 $0xFFFFC000  }
0x21a: {  	[spmem:s2] =	stream.indirect.scatter.add.f32 [tilespmem:s0], [sflag:$0x4], $0x40, s16, s31, $0xb8;
	[tilespmem:$0x1E840] =	vst v63  }
0x21b: {  	_ =	swait.ge [sflag:s10], $0x4000  }
0x21c: {  	[sflag:s10] =	ssyncset.done $0x0  }
0x21d: {  	s16 =	simm.s32 $0x200;
	[sflag:s10] =	ssyncadd.s32 $0xFFFFC000  }
0x21e: {  	[tilespmem:s1], [sflag:$0x1] =	stream.indirect.gather [spmem:s3], $0x40, s16, s31, $0xb8;
	[tilespmem:$0x1E840] =	vst v63  }
0x21f: {  	_ =	swait.ge [sflag:s12], $0x4000  }
0x220: {  	[sflag:s12] =	ssyncset.done $0x0  }
0x221: {  	[sflag:s12] =	ssyncadd.s32 $0xFFFFC000  }
0x222: {  	[tilespmem:s0], [sflag:$0x2] =	stream.indirect.gather [spmem:s3], $0x40, s7, s31, $0xb8;
	[tilespmem:$0x1E840] =	vst v63  }
0x223: {  	_ =	swait.ge [sflag:s6], $0x4000  }
0x224: {  	[sflag:s6] =	ssyncset.done $0x0  }
0x225: {  	s16 =	simm.s32 $0x1600;
	[sflag:s6] =	ssyncadd.s32 $0xFFFFC000  }
0x226: {  	[spmem:s2] =	stream.indirect.scatter.add.f32 [tilespmem:s1], [sflag:$0x3], $0x40, s16, s31, $0xb8;
	[tilespmem:$0x1E840] =	vst v63  }
0x227: {  	_ =	swait.ge [sflag:s8], $0x4000  }
0x228: {  	[sflag:s8] =	ssyncset.done $0x0  }
0x229: {  	[sflag:s8] =	ssyncadd.s32 $0xFFFFC000  }
0x22a: {  	[spmem:s2] =	stream.indirect.scatter.add.f32 [tilespmem:s0], [sflag:$0x4], $0x40, s11, s31, $0xb8;
	[tilespmem:$0x1E840] =	vst v63  }
0x22b: {  	_ =	swait.ge [sflag:s10], $0x4000  }
0x22c: {  	[sflag:s10] =	ssyncset.done $0x0  }
0x22d: {  	[sflag:s10] =	ssyncadd.s32 $0xFFFFC000  }
0x22e: {  	[tilespmem:s1], [sflag:$0x1] =	stream.indirect.gather [spmem:s3], $0x40, s13, s31, $0xb8;
	[tilespmem:$0x1E840] =	vst v63  }
0x22f: {  	_ =	swait.ge [sflag:s12], $0x4000  }
0x230: {  	[sflag:s12] =	ssyncset.done $0x0  }
0x231: {  	[sflag:s12] =	ssyncadd.s32 $0xFFFFC000  }
0x232: {  	[tilespmem:s0], [sflag:$0x2] =	stream.indirect.gather [spmem:s3], $0x40, s5, s31, $0xb8;
	[tilespmem:$0x1E840] =	vst v63  }
0x233: {  	_ =	swait.ge [sflag:s6], $0x4000  }
0x234: {  	[sflag:s6] =	ssyncset.done $0x0  }
0x235: {  	s16 =	simm.s32 $0x1800;
	[sflag:s6] =	ssyncadd.s32 $0xFFFFC000  }
0x236: {  	[spmem:s2] =	stream.indirect.scatter.add.f32 [tilespmem:s1], [sflag:$0x3], $0x40, s16, s31, $0xb8;
	[tilespmem:$0x1E840] =	vst v63  }
0x237: {  	_ =	swait.ge [sflag:s8], $0x4000  }
0x238: {  	[sflag:s8] =	ssyncset.done $0x0  }
0x239: {  	s16 =	simm.s32 $0x1900;
	[sflag:s8] =	ssyncadd.s32 $0xFFFFC000  }
0x23a: {  	[spmem:s2] =	stream.indirect.scatter.add.f32 [tilespmem:s0], [sflag:$0x4], $0x40, s16, s31, $0xb8;
	[tilespmem:$0x1E840] =	vst v63  }
0x23b: {  	_ =	swait.ge [sflag:s10], $0x4000  }
0x23c: {  	[sflag:s10] =	ssyncset.done $0x0  }
0x23d: {  	s16 =	simm.s32 $0x600;
	[sflag:s10] =	ssyncadd.s32 $0xFFFFC000  }
0x23e: {  	[tilespmem:s1], [sflag:$0x1] =	stream.indirect.gather [spmem:s3], $0x40, s16, s31, $0xb8;
	[tilespmem:$0x1E840] =	vst v63  }
0x23f: {  	_ =	swait.ge [sflag:s12], $0x4000  }
0x240: {  	[sflag:s12] =	ssyncset.done $0x0  }
0x241: {  	s19 =	simm.s32 $0x700;
	[sflag:s12] =	ssyncadd.s32 $0xFFFFC000  }
0x242: {  	[tilespmem:s0], [sflag:$0x2] =	stream.indirect.gather [spmem:s3], $0x40, s19, s31, $0xb8;
	[tilespmem:$0x1E840] =	vst v63  }
0x243: {  	_ =	swait.ge [sflag:s6], $0x4000  }
0x244: {  	[sflag:s6] =	ssyncset.done $0x0  }
0x245: {  	s20 =	simm.s32 $0x1A00;
	[sflag:s6] =	ssyncadd.s32 $0xFFFFC000  }
0x246: {  	[spmem:s2] =	stream.indirect.scatter.add.f32 [tilespmem:s1], [sflag:$0x3], $0x40, s20, s31, $0xb8;
	[tilespmem:$0x1E840] =	vst v63  }
0x247: {  	_ =	swait.ge [sflag:s8], $0x4000  }
0x248: {  	[sflag:s8] =	ssyncset.done $0x0  }
0x249: {  	s21 =	simm.s32 $0x1B00;
	[sflag:s8] =	ssyncadd.s32 $0xFFFFC000  }
0x24a: {  	[spmem:s2] =	stream.indirect.scatter.add.f32 [tilespmem:s0], [sflag:$0x4], $0x40, s21, s31, $0xb8;
	[tilespmem:$0x1E840] =	vst v63  }
0x24b: {  	_ =	swait.ge [sflag:s10], $0x4000  }
0x24c: {  	[sflag:s10] =	ssyncset.done $0x0  }
0x24d: {  	s22 =	simm.s32 $0x800;
	[sflag:s10] =	ssyncadd.s32 $0xFFFFC000  }
0x24e: {  	[tilespmem:s1], [sflag:$0x1] =	stream.indirect.gather [spmem:s3], $0x40, s22, s31, $0xb8;
	[tilespmem:$0x1E840] =	vst v63  }
0x24f: {  	_ =	swait.ge [sflag:s12], $0x4000  }
0x250: {  	[sflag:s12] =	ssyncset.done $0x0  }
0x251: {  	s16 =	simm.s32 $0x900;
	[sflag:s12] =	ssyncadd.s32 $0xFFFFC000  }
0x252: {  	[tilespmem:s0], [sflag:$0x2] =	stream.indirect.gather [spmem:s3], $0x40, s16, s31, $0xb8;
	[tilespmem:$0x1E840] =	vst v63  }
0x253: {  	_ =	swait.ge [sflag:s6], $0x4000  }
0x254: {  	[sflag:s6] =	ssyncset.done $0x0  }
0x255: {  	s16 =	simm.s32 $0x1C00;
	[sflag:s6] =	ssyncadd.s32 $0xFFFFC000  }
0x256: {  	[spmem:s2] =	stream.indirect.scatter.add.f32 [tilespmem:s1], [sflag:$0x3], $0x40, s16, s31, $0xb8;
	[tilespmem:$0x1E840] =	vst v63  }
0x257: {  	_ =	swait.ge [sflag:s8], $0x4000  }
0x258: {  	[sflag:s8] =	ssyncset.done $0x0  }
0x259: {  	s18 =	simm.s32 $0x1D00;
	[sflag:s8] =	ssyncadd.s32 $0xFFFFC000  }
0x25a: {  	[spmem:s2] =	stream.indirect.scatter.add.f32 [tilespmem:s0], [sflag:$0x4], $0x40, s18, s31, $0xb8;
	[tilespmem:$0x1E840] =	vst v63  }
0x25b: {  	_ =	swait.ge [sflag:s10], $0x4000  }
0x25c: {  	[sflag:s10] =	ssyncset.done $0x0  }
0x25d: {  	s16 =	simm.s32 $0xA00;
	[sflag:s10] =	ssyncadd.s32 $0xFFFFC000  }
0x25e: {  	[tilespmem:s1], [sflag:$0x1] =	stream.indirect.gather [spmem:s3], $0x40, s16, s31, $0xb8;
	[tilespmem:$0x1E840] =	vst v63  }
0x25f: {  	_ =	swait.ge [sflag:s12], $0x4000  }
0x260: {  	[sflag:s12] =	ssyncset.done $0x0  }
0x261: {  	s16 =	simm.s32 $0xB00;
	[sflag:s12] =	ssyncadd.s32 $0xFFFFC000  }
0x262: {  	[tilespmem:s0], [sflag:$0x2] =	stream.indirect.gather [spmem:s3], $0x40, s16, s31, $0xb8;
	[tilespmem:$0x1E840] =	vst v63  }
0x263: {  	_ =	swait.ge [sflag:s6], $0x4000  }
0x264: {  	[sflag:s6] =	ssyncset.done $0x0  }
0x265: {  	s16 =	simm.s32 $0x1E00;
	[sflag:s6] =	ssyncadd.s32 $0xFFFFC000  }
0x266: {  	[spmem:s2] =	stream.indirect.scatter.add.f32 [tilespmem:s1], [sflag:$0x3], $0x40, s16, s31, $0xb8;
	[tilespmem:$0x1E840] =	vst v63  }
0x267: {  	_ =	swait.ge [sflag:s8], $0x4000  }
0x268: {  	[sflag:s8] =	ssyncset.done $0x0  }
0x269: {  	s16 =	simm.s32 $0x1F00;
	[sflag:s8] =	ssyncadd.s32 $0xFFFFC000  }
0x26a: {  	[spmem:s2] =	stream.indirect.scatter.add.f32 [tilespmem:s0], [sflag:$0x4], $0x40, s16, s31, $0xb8;
	[tilespmem:$0x1E840] =	vst v63  }
0x26b: {  	_ =	swait.ge [sflag:s10], $0x4000  }
0x26c: {  	[sflag:s10] =	ssyncset.done $0x0  }
0x26d: {  	s16 =	simm.s32 $0xC00;
	[sflag:s10] =	ssyncadd.s32 $0xFFFFC000  }
0x26e: {  	[tilespmem:s1], [sflag:$0x1] =	stream.indirect.gather [spmem:s3], $0x40, s16, s31, $0xb8;
	[tilespmem:$0x1E840] =	vst v63  }
0x26f: {  	_ =	swait.ge [sflag:s12], $0x4000  }
0x270: {  	[sflag:s12] =	ssyncset.done $0x0  }
0x271: {  	s16 =	simm.s32 $0xD00;
	[sflag:s12] =	ssyncadd.s32 $0xFFFFC000  }
0x272: {  	[tilespmem:s0], [sflag:$0x2] =	stream.indirect.gather [spmem:s3], $0x40, s16, s31, $0xb8;
	[tilespmem:$0x1E840] =	vst v63  }
0x273: {  	_ =	swait.ge [sflag:s6], $0x4000  }
0x274: {  	[sflag:s6] =	ssyncset.done $0x0  }
0x275: {  	s16 =	simm.s32 $0x2000;
	[sflag:s6] =	ssyncadd.s32 $0xFFFFC000  }
0x276: {  	[spmem:s2] =	stream.indirect.scatter.add.f32 [tilespmem:s1], [sflag:$0x3], $0x40, s16, s31, $0xb8;
	[tilespmem:$0x1E840] =	vst v63  }
0x277: {  	_ =	swait.ge [sflag:s8], $0x4000  }
0x278: {  	[sflag:s8] =	ssyncset.done $0x0  }
0x279: {  	s16 =	simm.s32 $0x2100;
	[sflag:s8] =	ssyncadd.s32 $0xFFFFC000  }
0x27a: {  	[spmem:s2] =	stream.indirect.scatter.add.f32 [tilespmem:s0], [sflag:$0x4], $0x40, s16, s31, $0xb8;
	[tilespmem:$0x1E840] =	vst v63  }
0x27b: {  	_ =	swait.ge [sflag:s10], $0x4000  }
0x27c: {  	[sflag:s10] =	ssyncset.done $0x0  }
0x27d: {  	s16 =	simm.s32 $0xE00;
	[sflag:s10] =	ssyncadd.s32 $0xFFFFC000  }
0x27e: {  	[tilespmem:s1], [sflag:$0x1] =	stream.indirect.gather [spmem:s3], $0x40, s16, s31, $0xb8;
	[tilespmem:$0x1E840] =	vst v63  }
0x27f: {  	_ =	swait.ge [sflag:s12], $0x4000  }
0x280: {  	[sflag:s12] =	ssyncset.done $0x0  }
0x281: {  	s16 =	simm.s32 $0xF00;
	[sflag:s12] =	ssyncadd.s32 $0xFFFFC000  }
0x282: {  	[tilespmem:s0], [sflag:$0x2] =	stream.indirect.gather [spmem:s3], $0x40, s16, s31, $0xb8;
	[tilespmem:$0x1E840] =	vst v63  }
0x283: {  	_ =	swait.ge [sflag:s6], $0x4000  }
0x284: {  	[sflag:s6] =	ssyncset.done $0x0  }
0x285: {  	s16 =	simm.s32 $0x2200;
	[sflag:s6] =	ssyncadd.s32 $0xFFFFC000  }
0x286: {  	[spmem:s2] =	stream.indirect.scatter.add.f32 [tilespmem:s1], [sflag:$0x3], $0x40, s16, s31, $0xb8;
	[tilespmem:$0x1E840] =	vst v63  }
0x287: {  	_ =	swait.ge [sflag:s8], $0x4000  }
0x288: {  	[sflag:s8] =	ssyncset.done $0x0  }
0x289: {  	s16 =	simm.s32 $0x2300;
	[sflag:s8] =	ssyncadd.s32 $0xFFFFC000  }
0x28a: {  	[spmem:s2] =	stream.indirect.scatter.add.f32 [tilespmem:s0], [sflag:$0x4], $0x40, s16, s31, $0xb8;
	[tilespmem:$0x1E840] =	vst v63  }
0x28b: {  	_ =	swait.ge [sflag:s10], $0x4000  }
0x28c: {  	[sflag:s10] =	ssyncset.done $0x0  }
0x28d: {  	s16 =	simm.s32 $0x1000;
	[sflag:s10] =	ssyncadd.s32 $0xFFFFC000  }
0x28e: {  	[tilespmem:s1], [sflag:$0x1] =	stream.indirect.gather [spmem:s3], $0x40, s16, s31, $0xb8;
	[tilespmem:$0x1E840] =	vst v63  }
0x28f: {  	_ =	swait.ge [sflag:s12], $0x4000  }
0x290: {  	[sflag:s12] =	ssyncset.done $0x0  }
0x291: {  	s16 =	simm.s32 $0x1100;
	[sflag:s12] =	ssyncadd.s32 $0xFFFFC000  }
0x292: {  	[tilespmem:s0], [sflag:$0x2] =	stream.indirect.gather [spmem:s3], $0x40, s16, s31, $0xb8;
	[tilespmem:$0x1E840] =	vst v63  }
0x293: {  	_ =	swait.ge [sflag:s6], $0x4000  }
0x294: {  	[sflag:s6] =	ssyncset.done $0x0  }
0x295: {  	s16 =	simm.s32 $0x2400;
	[sflag:s6] =	ssyncadd.s32 $0xFFFFC000  }
0x296: {  	[spmem:s2] =	stream.indirect.scatter.add.f32 [tilespmem:s1], [sflag:$0x3], $0x40, s16, s31, $0xb8;
	[tilespmem:$0x1E840] =	vst v63  }
0x297: {  	_ =	swait.ge [sflag:s8], $0x4000  }
0x298: {  	[sflag:s8] =	ssyncset.done $0x0  }
0x299: {  	s16 =	simm.s32 $0x2500;
	[sflag:s8] =	ssyncadd.s32 $0xFFFFC000  }
0x29a: {  	[spmem:s2] =	stream.indirect.scatter.add.f32 [tilespmem:s0], [sflag:$0x4], $0x40, s16, s31, $0xb8;
	[tilespmem:$0x1E840] =	vst v63  }
0x29b: {  	_ =	swait.ge [sflag:s10], $0x4000  }
0x29c: {  	[sflag:s10] =	ssyncset.done $0x0  }
0x29d: {  	s16 =	simm.s32 $0x1200;
	[sflag:s10] =	ssyncadd.s32 $0xFFFFC000  }
0x29e: {  	[tilespmem:s1], [sflag:$0x1] =	stream.indirect.gather [spmem:s3], $0x40, s16, s31, $0xb8;
	[tilespmem:$0x1E840] =	vst v63  }
0x29f: {  	_ =	swait.ge [sflag:s12], $0x4000  }
0x2a0: {  	[sflag:s12] =	ssyncset.done $0x0  }
0x2a1: {  	s16 =	simm.s32 $0x1300;
	[sflag:s12] =	ssyncadd.s32 $0xFFFFC000  }
0x2a2: {  	[tilespmem:s0], [sflag:$0x2] =	stream.indirect.gather [spmem:s3], $0x40, s16, s31, $0xb8;
	[tilespmem:$0x1E840] =	vst v63  }
0x2a3: {  	_ =	swait.ge [sflag:s6], $0x4000  }
0x2a4: {  	[sflag:s6] =	ssyncset.done $0x0  }
0x2a5: {  	s16 =	simm.s32 $0x2600;
	[sflag:s6] =	ssyncadd.s32 $0xFFFFC000  }
0x2a6: {  	[spmem:s2] =	stream.indirect.scatter.add.f32 [tilespmem:s1], [sflag:$0x8], $0x40, s16, s31, $0xb8;
	[tilespmem:$0x1E840] =	vst v63  }
0x2a7: {  	_ =	swait.ge [sflag:s9], $0x4000  }
0x2a8: {  	[sflag:s9] =	ssyncset.done $0x0  }
0x2a9: {  	[sflag:s9] =	ssyncadd.s32 $0xFFFFC000  }
0x2aa: {  	_ =	swait.ge [sflag:s8], $0x4000  }
0x2ab: {  	[sflag:s8] =	ssyncset.done $0x0  }
0x2ac: {  	s16 =	simm.s32 $0x2700;
	[sflag:s8] =	ssyncadd.s32 $0xFFFFC000  }
0x2ad: {  	[spmem:s2] =	stream.indirect.scatter.add.f32 [tilespmem:s0], [sflag:$0x8], $0x40, s16, s31, $0xb8;
	[tilespmem:$0x1E840] =	vst v63  }
0x2ae: {  	_ =	swait.ge [sflag:s9], $0x4000  }
0x2af: {  	[sflag:s9] =	ssyncset.done $0x0  }
0x2b0: {  	[sflag:s9] =	ssyncadd.s32 $0xFFFFC000  }
0x2b1: {  	[bflag:$0x0] =	sbarrier.arrive $0xFFFF  }
0x2b2: {  	s16 =	rddreg [dreg:$0x9]  }
0x2b3: {  	[hbm:s16], [sflag:s14] =	dma.local [spmem:s25], $0x1400  }
0x2b4: {  	_ =	swait.ge [sflag:s29], $0x1400  }
0x2b5: {  	[sflag:s29] =	ssyncset.done $0x0  }
0x2b6: {  	[sflag:s29] =	ssyncadd.s32 $0xFFFFEC00  }
0x2b7: {  	[bflag:$0x0] =	sbarrier.arrive $0xFFFF  }
0x2b8: {  	[spmem:s25], [sflag:s14] =	dma.local [hbm:s26], $0x1400  }
0x2b9: {  	s16 =	rddreg [dreg:$0xa]  }
0x2ba: {  	[spmem:s15], [sflag:s17] =	dma.local [hbm:s16], $0x1400  }
0x2bb: {  	_ =	swait.ge [sflag:s29], $0x1400  }
0x2bc: {  	[sflag:s29] =	ssyncset.done $0x0  }
0x2bd: {  	[sflag:s29] =	ssyncadd.s32 $0xFFFFEC00  }
0x2be: {  	_ =	swait.ge [sflag:s30], $0x1400  }
0x2bf: {  	[sflag:s30] =	ssyncset.done $0x0  }
0x2c0: {  	[sflag:s30] =	ssyncadd.s32 $0xFFFFEC00  }
0x2c1: {  	[bflag:$0x0] =	sbarrier.arrive $0xFFFF  }
0x2c2: {  	[tilespmem:s1], [sflag:$0x1] =	stream.indirect.gather [spmem:s3], $0x40, s4, s31, $0xb8;
	[tilespmem:$0x1E840] =	vst v63  }
0x2c3: {  	_ = 	snop  }
0x2c4: {  	[tilespmem:s0], [sflag:$0x2] =	stream.indirect.gather [spmem:s3], $0x40, s31, s31, $0xb8;
	[tilespmem:$0x1E840] =	vst v63  }
0x2c5: {  	_ =	swait.ge [sflag:s6], $0x4000  }
0x2c6: {  	[sflag:s6] =	ssyncset.done $0x0  }
0x2c7: {  	s16 =	simm.s32 $0x1400;
	[sflag:s6] =	ssyncadd.s32 $0xFFFFC000  }
0x2c8: {  	[spmem:s2] =	stream.indirect.scatter.add.f32 [tilespmem:s1], [sflag:$0x3], $0x40, s16, s31, $0xb8;
	[tilespmem:$0x1E840] =	vst v63  }
0x2c9: {  	_ =	swait.ge [sflag:s8], $0x4000  }
0x2ca: {  	[sflag:s8] =	ssyncset.done $0x0  }
0x2cb: {  	s16 =	simm.s32 $0x1500;
	[sflag:s8] =	ssyncadd.s32 $0xFFFFC000  }
0x2cc: {  	[spmem:s2] =	stream.indirect.scatter.add.f32 [tilespmem:s0], [sflag:$0x4], $0x40, s16, s31, $0xb8;
	[tilespmem:$0x1E840] =	vst v63  }
0x2cd: {  	_ =	swait.ge [sflag:s10], $0x4000  }
0x2ce: {  	[sflag:s10] =	ssyncset.done $0x0  }
0x2cf: {  	s16 =	simm.s32 $0x200;
	[sflag:s10] =	ssyncadd.s32 $0xFFFFC000  }
0x2d0: {  	[tilespmem:s1], [sflag:$0x1] =	stream.indirect.gather [spmem:s3], $0x40, s16, s31, $0xb8;
	[tilespmem:$0x1E840] =	vst v63  }
0x2d1: {  	_ =	swait.ge [sflag:s12], $0x4000  }
0x2d2: {  	[sflag:s12] =	ssyncset.done $0x0  }
0x2d3: {  	s7 =	simm.s32 $0x300;
	[sflag:s12] =	ssyncadd.s32 $0xFFFFC000  }
0x2d4: {  	[tilespmem:s0], [sflag:$0x2] =	stream.indirect.gather [spmem:s3], $0x40, s7, s31, $0xb8;
	[tilespmem:$0x1E840] =	vst v63  }
0x2d5: {  	_ =	swait.ge [sflag:s6], $0x4000  }
0x2d6: {  	[sflag:s6] =	ssyncset.done $0x0  }
0x2d7: {  	s16 =	simm.s32 $0x1600;
	[sflag:s6] =	ssyncadd.s32 $0xFFFFC000  }
0x2d8: {  	[spmem:s2] =	stream.indirect.scatter.add.f32 [tilespmem:s1], [sflag:$0x3], $0x40, s16, s31, $0xb8;
	[tilespmem:$0x1E840] =	vst v63  }
0x2d9: {  	_ =	swait.ge [sflag:s8], $0x4000  }
0x2da: {  	[sflag:s8] =	ssyncset.done $0x0  }
0x2db: {  	s11 =	simm.s32 $0x1700;
	[sflag:s8] =	ssyncadd.s32 $0xFFFFC000  }
0x2dc: {  	[spmem:s2] =	stream.indirect.scatter.add.f32 [tilespmem:s0], [sflag:$0x4], $0x40, s11, s31, $0xb8;
	[tilespmem:$0x1E840] =	vst v63  }
0x2dd: {  	_ =	swait.ge [sflag:s10], $0x4000  }
0x2de: {  	[sflag:s10] =	ssyncset.done $0x0  }
0x2df: {  	s13 =	simm.s32 $0x400;
	[sflag:s10] =	ssyncadd.s32 $0xFFFFC000  }
0x2e0: {  	[tilespmem:s1], [sflag:$0x1] =	stream.indirect.gather [spmem:s3], $0x40, s13, s31, $0xb8;
	[tilespmem:$0x1E840] =	vst v63  }
0x2e1: {  	_ =	swait.ge [sflag:s12], $0x4000  }
0x2e2: {  	[sflag:s12] =	ssyncset.done $0x0  }
0x2e3: {  	s5 =	simm.s32 $0x500;
	[sflag:s12] =	ssyncadd.s32 $0xFFFFC000  }
0x2e4: {  	[tilespmem:s0], [sflag:$0x2] =	stream.indirect.gather [spmem:s3], $0x40, s5, s31, $0xb8;
	[tilespmem:$0x1E840] =	vst v63  }
0x2e5: {  	_ =	swait.ge [sflag:s6], $0x4000  }
0x2e6: {  	[sflag:s6] =	ssyncset.done $0x0  }
0x2e7: {  	s16 =	simm.s32 $0x1800;
	[sflag:s6] =	ssyncadd.s32 $0xFFFFC000  }
0x2e8: {  	[spmem:s2] =	stream.indirect.scatter.add.f32 [tilespmem:s1], [sflag:$0x3], $0x40, s16, s31, $0xb8;
	[tilespmem:$0x1E840] =	vst v63  }
0x2e9: {  	_ =	swait.ge [sflag:s8], $0x4000  }
0x2ea: {  	[sflag:s8] =	ssyncset.done $0x0  }
0x2eb: {  	s16 =	simm.s32 $0x1900;
	[sflag:s8] =	ssyncadd.s32 $0xFFFFC000  }
0x2ec: {  	[spmem:s2] =	stream.indirect.scatter.add.f32 [tilespmem:s0], [sflag:$0x4], $0x40, s16, s31, $0xb8;
	[tilespmem:$0x1E840] =	vst v63  }
0x2ed: {  	_ =	swait.ge [sflag:s10], $0x4000  }
0x2ee: {  	[sflag:s10] =	ssyncset.done $0x0  }
0x2ef: {  	s16 =	simm.s32 $0x600;
	[sflag:s10] =	ssyncadd.s32 $0xFFFFC000  }
0x2f0: {  	[tilespmem:s1], [sflag:$0x1] =	stream.indirect.gather [spmem:s3], $0x40, s16, s31, $0xb8;
	[tilespmem:$0x1E840] =	vst v63  }
0x2f1: {  	_ =	swait.ge [sflag:s12], $0x4000  }
0x2f2: {  	[sflag:s12] =	ssyncset.done $0x0  }
0x2f3: {  	s19 =	simm.s32 $0x700;
	[sflag:s12] =	ssyncadd.s32 $0xFFFFC000  }
0x2f4: {  	[tilespmem:s0], [sflag:$0x2] =	stream.indirect.gather [spmem:s3], $0x40, s19, s31, $0xb8;
	[tilespmem:$0x1E840] =	vst v63  }
0x2f5: {  	_ =	swait.ge [sflag:s6], $0x4000  }
0x2f6: {  	[sflag:s6] =	ssyncset.done $0x0  }
0x2f7: {  	s20 =	simm.s32 $0x1A00;
	[sflag:s6] =	ssyncadd.s32 $0xFFFFC000  }
0x2f8: {  	[spmem:s2] =	stream.indirect.scatter.add.f32 [tilespmem:s1], [sflag:$0x3], $0x40, s20, s31, $0xb8;
	[tilespmem:$0x1E840] =	vst v63  }
0x2f9: {  	_ =	swait.ge [sflag:s8], $0x4000  }
0x2fa: {  	[sflag:s8] =	ssyncset.done $0x0  }
0x2fb: {  	s21 =	simm.s32 $0x1B00;
	[sflag:s8] =	ssyncadd.s32 $0xFFFFC000  }
0x2fc: {  	[spmem:s2] =	stream.indirect.scatter.add.f32 [tilespmem:s0], [sflag:$0x4], $0x40, s21, s31, $0xb8;
	[tilespmem:$0x1E840] =	vst v63  }
0x2fd: {  	_ =	swait.ge [sflag:s10], $0x4000  }
0x2fe: {  	[sflag:s10] =	ssyncset.done $0x0  }
0x2ff: {  	s22 =	simm.s32 $0x800;
	[sflag:s10] =	ssyncadd.s32 $0xFFFFC000  }
0x300: {  	[tilespmem:s1], [sflag:$0x1] =	stream.indirect.gather [spmem:s3], $0x40, s22, s31, $0xb8;
	[tilespmem:$0x1E840] =	vst v63  }
0x301: {  	_ =	swait.ge [sflag:s12], $0x4000  }
0x302: {  	[sflag:s12] =	ssyncset.done $0x0  }
0x303: {  	s16 =	simm.s32 $0x900;
	[sflag:s12] =	ssyncadd.s32 $0xFFFFC000  }
0x304: {  	[tilespmem:s0], [sflag:$0x2] =	stream.indirect.gather [spmem:s3], $0x40, s16, s31, $0xb8;
	[tilespmem:$0x1E840] =	vst v63  }
0x305: {  	_ =	swait.ge [sflag:s6], $0x4000  }
0x306: {  	[sflag:s6] =	ssyncset.done $0x0  }
0x307: {  	s16 =	simm.s32 $0x1C00;
	[sflag:s6] =	ssyncadd.s32 $0xFFFFC000  }
0x308: {  	[spmem:s2] =	stream.indirect.scatter.add.f32 [tilespmem:s1], [sflag:$0x3], $0x40, s16, s31, $0xb8;
	[tilespmem:$0x1E840] =	vst v63  }
0x309: {  	_ =	swait.ge [sflag:s8], $0x4000  }
0x30a: {  	[sflag:s8] =	ssyncset.done $0x0  }
0x30b: {  	s18 =	simm.s32 $0x1D00;
	[sflag:s8] =	ssyncadd.s32 $0xFFFFC000  }
0x30c: {  	[spmem:s2] =	stream.indirect.scatter.add.f32 [tilespmem:s0], [sflag:$0x4], $0x40, s18, s31, $0xb8;
	[tilespmem:$0x1E840] =	vst v63  }
0x30d: {  	_ =	swait.ge [sflag:s10], $0x4000  }
0x30e: {  	[sflag:s10] =	ssyncset.done $0x0  }
0x30f: {  	s16 =	simm.s32 $0xA00;
	[sflag:s10] =	ssyncadd.s32 $0xFFFFC000  }
0x310: {  	[tilespmem:s1], [sflag:$0x1] =	stream.indirect.gather [spmem:s3], $0x40, s16, s31, $0xb8;
	[tilespmem:$0x1E840] =	vst v63  }
0x311: {  	_ =	swait.ge [sflag:s12], $0x4000  }
0x312: {  	[sflag:s12] =	ssyncset.done $0x0  }
0x313: {  	s16 =	simm.s32 $0xB00;
	[sflag:s12] =	ssyncadd.s32 $0xFFFFC000  }
0x314: {  	[tilespmem:s0], [sflag:$0x2] =	stream.indirect.gather [spmem:s3], $0x40, s16, s31, $0xb8;
	[tilespmem:$0x1E840] =	vst v63  }
0x315: {  	_ =	swait.ge [sflag:s6], $0x4000  }
0x316: {  	[sflag:s6] =	ssyncset.done $0x0  }
0x317: {  	s16 =	simm.s32 $0x1E00;
	[sflag:s6] =	ssyncadd.s32 $0xFFFFC000  }
0x318: {  	[spmem:s2] =	stream.indirect.scatter.add.f32 [tilespmem:s1], [sflag:$0x3], $0x40, s16, s31, $0xb8;
	[tilespmem:$0x1E840] =	vst v63  }
0x319: {  	_ =	swait.ge [sflag:s8], $0x4000  }
0x31a: {  	[sflag:s8] =	ssyncset.done $0x0  }
0x31b: {  	s16 =	simm.s32 $0x1F00;
	[sflag:s8] =	ssyncadd.s32 $0xFFFFC000  }
0x31c: {  	[spmem:s2] =	stream.indirect.scatter.add.f32 [tilespmem:s0], [sflag:$0x4], $0x40, s16, s31, $0xb8;
	[tilespmem:$0x1E840] =	vst v63  }
0x31d: {  	_ =	swait.ge [sflag:s10], $0x4000  }
0x31e: {  	[sflag:s10] =	ssyncset.done $0x0  }
0x31f: {  	s16 =	simm.s32 $0xC00;
	[sflag:s10] =	ssyncadd.s32 $0xFFFFC000  }
0x320: {  	[tilespmem:s1], [sflag:$0x1] =	stream.indirect.gather [spmem:s3], $0x40, s16, s31, $0xb8;
	[tilespmem:$0x1E840] =	vst v63  }
0x321: {  	_ =	swait.ge [sflag:s12], $0x4000  }
0x322: {  	[sflag:s12] =	ssyncset.done $0x0  }
0x323: {  	s16 =	simm.s32 $0xD00;
	[sflag:s12] =	ssyncadd.s32 $0xFFFFC000  }
0x324: {  	[tilespmem:s0], [sflag:$0x2] =	stream.indirect.gather [spmem:s3], $0x40, s16, s31, $0xb8;
	[tilespmem:$0x1E840] =	vst v63  }
0x325: {  	_ =	swait.ge [sflag:s6], $0x4000  }
0x326: {  	[sflag:s6] =	ssyncset.done $0x0  }
0x327: {  	s16 =	simm.s32 $0x2000;
	[sflag:s6] =	ssyncadd.s32 $0xFFFFC000  }
0x328: {  	[spmem:s2] =	stream.indirect.scatter.add.f32 [tilespmem:s1], [sflag:$0x3], $0x40, s16, s31, $0xb8;
	[tilespmem:$0x1E840] =	vst v63  }
0x329: {  	_ =	swait.ge [sflag:s8], $0x4000  }
0x32a: {  	[sflag:s8] =	ssyncset.done $0x0  }
0x32b: {  	s16 =	simm.s32 $0x2100;
	[sflag:s8] =	ssyncadd.s32 $0xFFFFC000  }
0x32c: {  	[spmem:s2] =	stream.indirect.scatter.add.f32 [tilespmem:s0], [sflag:$0x4], $0x40, s16, s31, $0xb8;
	[tilespmem:$0x1E840] =	vst v63  }
0x32d: {  	_ =	swait.ge [sflag:s10], $0x4000  }
0x32e: {  	[sflag:s10] =	ssyncset.done $0x0  }
0x32f: {  	s16 =	simm.s32 $0xE00;
	[sflag:s10] =	ssyncadd.s32 $0xFFFFC000  }
0x330: {  	[tilespmem:s1], [sflag:$0x1] =	stream.indirect.gather [spmem:s3], $0x40, s16, s31, $0xb8;
	[tilespmem:$0x1E840] =	vst v63  }
0x331: {  	_ =	swait.ge [sflag:s12], $0x4000  }
0x332: {  	[sflag:s12] =	ssyncset.done $0x0  }
0x333: {  	s16 =	simm.s32 $0xF00;
	[sflag:s12] =	ssyncadd.s32 $0xFFFFC000  }
0x334: {  	[tilespmem:s0], [sflag:$0x2] =	stream.indirect.gather [spmem:s3], $0x40, s16, s31, $0xb8;
	[tilespmem:$0x1E840] =	vst v63  }
0x335: {  	_ =	swait.ge [sflag:s6], $0x4000  }
0x336: {  	[sflag:s6] =	ssyncset.done $0x0  }
0x337: {  	s16 =	simm.s32 $0x2200;
	[sflag:s6] =	ssyncadd.s32 $0xFFFFC000  }
0x338: {  	[spmem:s2] =	stream.indirect.scatter.add.f32 [tilespmem:s1], [sflag:$0x3], $0x40, s16, s31, $0xb8;
	[tilespmem:$0x1E840] =	vst v63  }
0x339: {  	_ =	swait.ge [sflag:s8], $0x4000  }
0x33a: {  	[sflag:s8] =	ssyncset.done $0x0  }
0x33b: {  	s16 =	simm.s32 $0x2300;
	[sflag:s8] =	ssyncadd.s32 $0xFFFFC000  }
0x33c: {  	[spmem:s2] =	stream.indirect.scatter.add.f32 [tilespmem:s0], [sflag:$0x4], $0x40, s16, s31, $0xb8;
	[tilespmem:$0x1E840] =	vst v63  }
0x33d: {  	_ =	swait.ge [sflag:s10], $0x4000  }
0x33e: {  	[sflag:s10] =	ssyncset.done $0x0  }
0x33f: {  	s16 =	simm.s32 $0x1000;
	[sflag:s10] =	ssyncadd.s32 $0xFFFFC000  }
0x340: {  	[tilespmem:s1], [sflag:$0x1] =	stream.indirect.gather [spmem:s3], $0x40, s16, s31, $0xb8;
	[tilespmem:$0x1E840] =	vst v63  }
0x341: {  	_ =	swait.ge [sflag:s12], $0x4000  }
0x342: {  	[sflag:s12] =	ssyncset.done $0x0  }
0x343: {  	s16 =	simm.s32 $0x1100;
	[sflag:s12] =	ssyncadd.s32 $0xFFFFC000  }
0x344: {  	[tilespmem:s0], [sflag:$0x2] =	stream.indirect.gather [spmem:s3], $0x40, s16, s31, $0xb8;
	[tilespmem:$0x1E840] =	vst v63  }
0x345: {  	_ =	swait.ge [sflag:s6], $0x4000  }
0x346: {  	[sflag:s6] =	ssyncset.done $0x0  }
0x347: {  	s16 =	simm.s32 $0x2400;
	[sflag:s6] =	ssyncadd.s32 $0xFFFFC000  }
0x348: {  	[spmem:s2] =	stream.indirect.scatter.add.f32 [tilespmem:s1], [sflag:$0x3], $0x40, s16, s31, $0xb8;
	[tilespmem:$0x1E840] =	vst v63  }
0x349: {  	_ =	swait.ge [sflag:s8], $0x4000  }
0x34a: {  	[sflag:s8] =	ssyncset.done $0x0  }
0x34b: {  	s16 =	simm.s32 $0x2500;
	[sflag:s8] =	ssyncadd.s32 $0xFFFFC000  }
0x34c: {  	[spmem:s2] =	stream.indirect.scatter.add.f32 [tilespmem:s0], [sflag:$0x4], $0x40, s16, s31, $0xb8;
	[tilespmem:$0x1E840] =	vst v63  }
0x34d: {  	_ =	swait.ge [sflag:s10], $0x4000  }
0x34e: {  	[sflag:s10] =	ssyncset.done $0x0  }
0x34f: {  	s16 =	simm.s32 $0x1200;
	[sflag:s10] =	ssyncadd.s32 $0xFFFFC000  }
0x350: {  	[tilespmem:s1], [sflag:$0x1] =	stream.indirect.gather [spmem:s3], $0x40, s16, s31, $0xb8;
	[tilespmem:$0x1E840] =	vst v63  }
0x351: {  	_ =	swait.ge [sflag:s12], $0x4000  }
0x352: {  	[sflag:s12] =	ssyncset.done $0x0  }
0x353: {  	s16 =	simm.s32 $0x1300;
	[sflag:s12] =	ssyncadd.s32 $0xFFFFC000  }
0x354: {  	[tilespmem:s0], [sflag:$0x2] =	stream.indirect.gather [spmem:s3], $0x40, s16, s31, $0xb8;
	[tilespmem:$0x1E840] =	vst v63  }
0x355: {  	_ =	swait.ge [sflag:s6], $0x4000  }
0x356: {  	[sflag:s6] =	ssyncset.done $0x0  }
0x357: {  	s16 =	simm.s32 $0x2600;
	[sflag:s6] =	ssyncadd.s32 $0xFFFFC000  }
0x358: {  	[spmem:s2] =	stream.indirect.scatter.add.f32 [tilespmem:s1], [sflag:$0x8], $0x40, s16, s31, $0xb8;
	[tilespmem:$0x1E840] =	vst v63  }
0x359: {  	_ =	swait.ge [sflag:s9], $0x4000  }
0x35a: {  	[sflag:s9] =	ssyncset.done $0x0  }
0x35b: {  	[sflag:s9] =	ssyncadd.s32 $0xFFFFC000  }
0x35c: {  	_ =	swait.ge [sflag:s8], $0x4000  }
0x35d: {  	[sflag:s8] =	ssyncset.done $0x0  }
0x35e: {  	s16 =	simm.s32 $0x2700;
	[sflag:s8] =	ssyncadd.s32 $0xFFFFC000  }
0x35f: {  	[spmem:s2] =	stream.indirect.scatter.add.f32 [tilespmem:s0], [sflag:$0x8], $0x40, s16, s31, $0xb8;
	[tilespmem:$0x1E840] =	vst v63  }
0x360: {  	_ =	swait.ge [sflag:s9], $0x4000  }
0x361: {  	[sflag:s9] =	ssyncset.done $0x0  }
0x362: {  	[sflag:s9] =	ssyncadd.s32 $0xFFFFC000  }
0x363: {  	[bflag:$0x0] =	sbarrier.arrive $0xFFFF  }
0x364: {  	s16 =	rddreg [dreg:$0xb]  }
0x365: {  	[hbm:s16], [sflag:s14] =	dma.local [spmem:s25], $0x1400  }
0x366: {  	_ =	swait.ge [sflag:s29], $0x1400  }
0x367: {  	[sflag:s29] =	ssyncset.done $0x0  }
0x368: {  	[sflag:s29] =	ssyncadd.s32 $0xFFFFEC00  }
0x369: {  	[bflag:$0x0] =	sbarrier.arrive $0xFFFF  }
0x36a: {  	[spmem:s25], [sflag:s14] =	dma.local [hbm:s26], $0x1400  }
0x36b: {  	s16 =	rddreg [dreg:$0xc]  }
0x36c: {  	[spmem:s15], [sflag:s17] =	dma.local [hbm:s16], $0x1400  }
0x36d: {  	_ =	swait.ge [sflag:s29], $0x1400  }
0x36e: {  	[sflag:s29] =	ssyncset.done $0x0  }
0x36f: {  	[sflag:s29] =	ssyncadd.s32 $0xFFFFEC00  }
0x370: {  	_ =	swait.ge [sflag:s30], $0x1400  }
0x371: {  	[sflag:s30] =	ssyncset.done $0x0  }
0x372: {  	[sflag:s30] =	ssyncadd.s32 $0xFFFFEC00  }
0x373: {  	[bflag:$0x0] =	sbarrier.arrive $0xFFFF  }
0x374: {  	[tilespmem:s1], [sflag:$0x1] =	stream.indirect.gather [spmem:s3], $0x40, s4, s31, $0xb8;
	[tilespmem:$0x1E840] =	vst v63  }
0x375: {  	_ = 	snop  }
0x376: {  	[tilespmem:s0], [sflag:$0x2] =	stream.indirect.gather [spmem:s3], $0x40, s31, s31, $0xb8;
	[tilespmem:$0x1E840] =	vst v63  }
0x377: {  	_ =	swait.ge [sflag:s6], $0x4000  }
0x378: {  	[sflag:s6] =	ssyncset.done $0x0  }
0x379: {  	s16 =	simm.s32 $0x1400;
	[sflag:s6] =	ssyncadd.s32 $0xFFFFC000  }
0x37a: {  	[spmem:s2] =	stream.indirect.scatter.add.f32 [tilespmem:s1], [sflag:$0x3], $0x40, s16, s31, $0xb8;
	[tilespmem:$0x1E840] =	vst v63  }
0x37b: {  	_ =	swait.ge [sflag:s8], $0x4000  }
0x37c: {  	[sflag:s8] =	ssyncset.done $0x0  }
0x37d: {  	s16 =	simm.s32 $0x1500;
	[sflag:s8] =	ssyncadd.s32 $0xFFFFC000  }
0x37e: {  	[spmem:s2] =	stream.indirect.scatter.add.f32 [tilespmem:s0], [sflag:$0x4], $0x40, s16, s31, $0xb8;
	[tilespmem:$0x1E840] =	vst v63  }
0x37f: {  	_ =	swait.ge [sflag:s10], $0x4000  }
0x380: {  	[sflag:s10] =	ssyncset.done $0x0  }
0x381: {  	s16 =	simm.s32 $0x200;
	[sflag:s10] =	ssyncadd.s32 $0xFFFFC000  }
0x382: {  	[tilespmem:s1], [sflag:$0x1] =	stream.indirect.gather [spmem:s3], $0x40, s16, s31, $0xb8;
	[tilespmem:$0x1E840] =	vst v63  }
0x383: {  	_ =	swait.ge [sflag:s12], $0x4000  }
0x384: {  	[sflag:s12] =	ssyncset.done $0x0  }
0x385: {  	s7 =	simm.s32 $0x300;
	[sflag:s12] =	ssyncadd.s32 $0xFFFFC000  }
0x386: {  	[tilespmem:s0], [sflag:$0x2] =	stream.indirect.gather [spmem:s3], $0x40, s7, s31, $0xb8;
	[tilespmem:$0x1E840] =	vst v63  }
0x387: {  	_ =	swait.ge [sflag:s6], $0x4000  }
0x388: {  	[sflag:s6] =	ssyncset.done $0x0  }
0x389: {  	s16 =	simm.s32 $0x1600;
	[sflag:s6] =	ssyncadd.s32 $0xFFFFC000  }
0x38a: {  	[spmem:s2] =	stream.indirect.scatter.add.f32 [tilespmem:s1], [sflag:$0x3], $0x40, s16, s31, $0xb8;
	[tilespmem:$0x1E840] =	vst v63  }
0x38b: {  	_ =	swait.ge [sflag:s8], $0x4000  }
0x38c: {  	[sflag:s8] =	ssyncset.done $0x0  }
0x38d: {  	s11 =	simm.s32 $0x1700;
	[sflag:s8] =	ssyncadd.s32 $0xFFFFC000  }
0x38e: {  	[spmem:s2] =	stream.indirect.scatter.add.f32 [tilespmem:s0], [sflag:$0x4], $0x40, s11, s31, $0xb8;
	[tilespmem:$0x1E840] =	vst v63  }
0x38f: {  	_ =	swait.ge [sflag:s10], $0x4000  }
0x390: {  	[sflag:s10] =	ssyncset.done $0x0  }
0x391: {  	s13 =	simm.s32 $0x400;
	[sflag:s10] =	ssyncadd.s32 $0xFFFFC000  }
0x392: {  	[tilespmem:s1], [sflag:$0x1] =	stream.indirect.gather [spmem:s3], $0x40, s13, s31, $0xb8;
	[tilespmem:$0x1E840] =	vst v63  }
0x393: {  	_ =	swait.ge [sflag:s12], $0x4000  }
0x394: {  	[sflag:s12] =	ssyncset.done $0x0  }
0x395: {  	s5 =	simm.s32 $0x500;
	[sflag:s12] =	ssyncadd.s32 $0xFFFFC000  }
0x396: {  	[tilespmem:s0], [sflag:$0x2] =	stream.indirect.gather [spmem:s3], $0x40, s5, s31, $0xb8;
	[tilespmem:$0x1E840] =	vst v63  }
0x397: {  	_ =	swait.ge [sflag:s6], $0x4000  }
0x398: {  	[sflag:s6] =	ssyncset.done $0x0  }
0x399: {  	s16 =	simm.s32 $0x1800;
	[sflag:s6] =	ssyncadd.s32 $0xFFFFC000  }
0x39a: {  	[spmem:s2] =	stream.indirect.scatter.add.f32 [tilespmem:s1], [sflag:$0x3], $0x40, s16, s31, $0xb8;
	[tilespmem:$0x1E840] =	vst v63  }
0x39b: {  	_ =	swait.ge [sflag:s8], $0x4000  }
0x39c: {  	[sflag:s8] =	ssyncset.done $0x0  }
0x39d: {  	s16 =	simm.s32 $0x1900;
	[sflag:s8] =	ssyncadd.s32 $0xFFFFC000  }
0x39e: {  	[spmem:s2] =	stream.indirect.scatter.add.f32 [tilespmem:s0], [sflag:$0x4], $0x40, s16, s31, $0xb8;
	[tilespmem:$0x1E840] =	vst v63  }
0x39f: {  	_ =	swait.ge [sflag:s10], $0x4000  }
0x3a0: {  	[sflag:s10] =	ssyncset.done $0x0  }
0x3a1: {  	s16 =	simm.s32 $0x600;
	[sflag:s10] =	ssyncadd.s32 $0xFFFFC000  }
0x3a2: {  	[tilespmem:s1], [sflag:$0x1] =	stream.indirect.gather [spmem:s3], $0x40, s16, s31, $0xb8;
	[tilespmem:$0x1E840] =	vst v63  }
0x3a3: {  	_ =	swait.ge [sflag:s12], $0x4000  }
0x3a4: {  	[sflag:s12] =	ssyncset.done $0x0  }
0x3a5: {  	s19 =	simm.s32 $0x700;
	[sflag:s12] =	ssyncadd.s32 $0xFFFFC000  }
0x3a6: {  	[tilespmem:s0], [sflag:$0x2] =	stream.indirect.gather [spmem:s3], $0x40, s19, s31, $0xb8;
	[tilespmem:$0x1E840] =	vst v63  }
0x3a7: {  	_ =	swait.ge [sflag:s6], $0x4000  }
0x3a8: {  	[sflag:s6] =	ssyncset.done $0x0  }
0x3a9: {  	s20 =	simm.s32 $0x1A00;
	[sflag:s6] =	ssyncadd.s32 $0xFFFFC000  }
0x3aa: {  	[spmem:s2] =	stream.indirect.scatter.add.f32 [tilespmem:s1], [sflag:$0x3], $0x40, s20, s31, $0xb8;
	[tilespmem:$0x1E840] =	vst v63  }
0x3ab: {  	_ =	swait.ge [sflag:s8], $0x4000  }
0x3ac: {  	[sflag:s8] =	ssyncset.done $0x0  }
0x3ad: {  	s21 =	simm.s32 $0x1B00;
	[sflag:s8] =	ssyncadd.s32 $0xFFFFC000  }
0x3ae: {  	[spmem:s2] =	stream.indirect.scatter.add.f32 [tilespmem:s0], [sflag:$0x4], $0x40, s21, s31, $0xb8;
	[tilespmem:$0x1E840] =	vst v63  }
0x3af: {  	_ =	swait.ge [sflag:s10], $0x4000  }
0x3b0: {  	[sflag:s10] =	ssyncset.done $0x0  }
0x3b1: {  	s22 =	simm.s32 $0x800;
	[sflag:s10] =	ssyncadd.s32 $0xFFFFC000  }
0x3b2: {  	[tilespmem:s1], [sflag:$0x1] =	stream.indirect.gather [spmem:s3], $0x40, s22, s31, $0xb8;
	[tilespmem:$0x1E840] =	vst v63  }
0x3b3: {  	_ =	swait.ge [sflag:s12], $0x4000  }
0x3b4: {  	[sflag:s12] =	ssyncset.done $0x0  }
0x3b5: {  	s16 =	simm.s32 $0x900;
	[sflag:s12] =	ssyncadd.s32 $0xFFFFC000  }
0x3b6: {  	[tilespmem:s0], [sflag:$0x2] =	stream.indirect.gather [spmem:s3], $0x40, s16, s31, $0xb8;
	[tilespmem:$0x1E840] =	vst v63  }
0x3b7: {  	_ =	swait.ge [sflag:s6], $0x4000  }
0x3b8: {  	[sflag:s6] =	ssyncset.done $0x0  }
0x3b9: {  	s16 =	simm.s32 $0x1C00;
	[sflag:s6] =	ssyncadd.s32 $0xFFFFC000  }
0x3ba: {  	[spmem:s2] =	stream.indirect.scatter.add.f32 [tilespmem:s1], [sflag:$0x3], $0x40, s16, s31, $0xb8;
	[tilespmem:$0x1E840] =	vst v63  }
0x3bb: {  	_ =	swait.ge [sflag:s8], $0x4000  }
0x3bc: {  	[sflag:s8] =	ssyncset.done $0x0  }
0x3bd: {  	s18 =	simm.s32 $0x1D00;
	[sflag:s8] =	ssyncadd.s32 $0xFFFFC000  }
0x3be: {  	[spmem:s2] =	stream.indirect.scatter.add.f32 [tilespmem:s0], [sflag:$0x4], $0x40, s18, s31, $0xb8;
	[tilespmem:$0x1E840] =	vst v63  }
0x3bf: {  	_ =	swait.ge [sflag:s10], $0x4000  }
0x3c0: {  	[sflag:s10] =	ssyncset.done $0x0  }
0x3c1: {  	s16 =	simm.s32 $0xA00;
	[sflag:s10] =	ssyncadd.s32 $0xFFFFC000  }
0x3c2: {  	[tilespmem:s1], [sflag:$0x1] =	stream.indirect.gather [spmem:s3], $0x40, s16, s31, $0xb8;
	[tilespmem:$0x1E840] =	vst v63  }
0x3c3: {  	_ =	swait.ge [sflag:s12], $0x4000  }
0x3c4: {  	[sflag:s12] =	ssyncset.done $0x0  }
0x3c5: {  	s16 =	simm.s32 $0xB00;
	[sflag:s12] =	ssyncadd.s32 $0xFFFFC000  }
0x3c6: {  	[tilespmem:s0], [sflag:$0x2] =	stream.indirect.gather [spmem:s3], $0x40, s16, s31, $0xb8;
	[tilespmem:$0x1E840] =	vst v63  }
0x3c7: {  	_ =	swait.ge [sflag:s6], $0x4000  }
0x3c8: {  	[sflag:s6] =	ssyncset.done $0x0  }
0x3c9: {  	s16 =	simm.s32 $0x1E00;
	[sflag:s6] =	ssyncadd.s32 $0xFFFFC000  }
0x3ca: {  	[spmem:s2] =	stream.indirect.scatter.add.f32 [tilespmem:s1], [sflag:$0x3], $0x40, s16, s31, $0xb8;
	[tilespmem:$0x1E840] =	vst v63  }
0x3cb: {  	_ =	swait.ge [sflag:s8], $0x4000  }
0x3cc: {  	[sflag:s8] =	ssyncset.done $0x0  }
0x3cd: {  	s16 =	simm.s32 $0x1F00;
	[sflag:s8] =	ssyncadd.s32 $0xFFFFC000  }
0x3ce: {  	[spmem:s2] =	stream.indirect.scatter.add.f32 [tilespmem:s0], [sflag:$0x4], $0x40, s16, s31, $0xb8;
	[tilespmem:$0x1E840] =	vst v63  }
0x3cf: {  	_ =	swait.ge [sflag:s10], $0x4000  }
0x3d0: {  	[sflag:s10] =	ssyncset.done $0x0  }
0x3d1: {  	s16 =	simm.s32 $0xC00;
	[sflag:s10] =	ssyncadd.s32 $0xFFFFC000  }
0x3d2: {  	[tilespmem:s1], [sflag:$0x1] =	stream.indirect.gather [spmem:s3], $0x40, s16, s31, $0xb8;
	[tilespmem:$0x1E840] =	vst v63  }
0x3d3: {  	_ =	swait.ge [sflag:s12], $0x4000  }
0x3d4: {  	[sflag:s12] =	ssyncset.done $0x0  }
0x3d5: {  	s16 =	simm.s32 $0xD00;
	[sflag:s12] =	ssyncadd.s32 $0xFFFFC000  }
0x3d6: {  	[tilespmem:s0], [sflag:$0x2] =	stream.indirect.gather [spmem:s3], $0x40, s16, s31, $0xb8;
	[tilespmem:$0x1E840] =	vst v63  }
0x3d7: {  	_ =	swait.ge [sflag:s6], $0x4000  }
0x3d8: {  	[sflag:s6] =	ssyncset.done $0x0  }
0x3d9: {  	s16 =	simm.s32 $0x2000;
	[sflag:s6] =	ssyncadd.s32 $0xFFFFC000  }
0x3da: {  	[spmem:s2] =	stream.indirect.scatter.add.f32 [tilespmem:s1], [sflag:$0x3], $0x40, s16, s31, $0xb8;
	[tilespmem:$0x1E840] =	vst v63  }
0x3db: {  	_ =	swait.ge [sflag:s8], $0x4000  }
0x3dc: {  	[sflag:s8] =	ssyncset.done $0x0  }
0x3dd: {  	s16 =	simm.s32 $0x2100;
	[sflag:s8] =	ssyncadd.s32 $0xFFFFC000  }
0x3de: {  	[spmem:s2] =	stream.indirect.scatter.add.f32 [tilespmem:s0], [sflag:$0x4], $0x40, s16, s31, $0xb8;
	[tilespmem:$0x1E840] =	vst v63  }
0x3df: {  	_ =	swait.ge [sflag:s10], $0x4000  }
0x3e0: {  	[sflag:s10] =	ssyncset.done $0x0  }
0x3e1: {  	s16 =	simm.s32 $0xE00;
	[sflag:s10] =	ssyncadd.s32 $0xFFFFC000  }
0x3e2: {  	[tilespmem:s1], [sflag:$0x1] =	stream.indirect.gather [spmem:s3], $0x40, s16, s31, $0xb8;
	[tilespmem:$0x1E840] =	vst v63  }
0x3e3: {  	_ =	swait.ge [sflag:s12], $0x4000  }
0x3e4: {  	[sflag:s12] =	ssyncset.done $0x0  }
0x3e5: {  	s16 =	simm.s32 $0xF00;
	[sflag:s12] =	ssyncadd.s32 $0xFFFFC000  }
0x3e6: {  	[tilespmem:s0], [sflag:$0x2] =	stream.indirect.gather [spmem:s3], $0x40, s16, s31, $0xb8;
	[tilespmem:$0x1E840] =	vst v63  }
0x3e7: {  	_ =	swait.ge [sflag:s6], $0x4000  }
0x3e8: {  	[sflag:s6] =	ssyncset.done $0x0  }
0x3e9: {  	s16 =	simm.s32 $0x2200;
	[sflag:s6] =	ssyncadd.s32 $0xFFFFC000  }
0x3ea: {  	[spmem:s2] =	stream.indirect.scatter.add.f32 [tilespmem:s1], [sflag:$0x3], $0x40, s16, s31, $0xb8;
	[tilespmem:$0x1E840] =	vst v63  }
0x3eb: {  	_ =	swait.ge [sflag:s8], $0x4000  }
0x3ec: {  	[sflag:s8] =	ssyncset.done $0x0  }
0x3ed: {  	s16 =	simm.s32 $0x2300;
	[sflag:s8] =	ssyncadd.s32 $0xFFFFC000  }
0x3ee: {  	[spmem:s2] =	stream.indirect.scatter.add.f32 [tilespmem:s0], [sflag:$0x4], $0x40, s16, s31, $0xb8;
	[tilespmem:$0x1E840] =	vst v63  }
0x3ef: {  	_ =	swait.ge [sflag:s10], $0x4000  }
0x3f0: {  	[sflag:s10] =	ssyncset.done $0x0  }
0x3f1: {  	s16 =	simm.s32 $0x1000;
	[sflag:s10] =	ssyncadd.s32 $0xFFFFC000  }
0x3f2: {  	[tilespmem:s1], [sflag:$0x1] =	stream.indirect.gather [spmem:s3], $0x40, s16, s31, $0xb8;
	[tilespmem:$0x1E840] =	vst v63  }
0x3f3: {  	_ =	swait.ge [sflag:s12], $0x4000  }
0x3f4: {  	[sflag:s12] =	ssyncset.done $0x0  }
0x3f5: {  	s16 =	simm.s32 $0x1100;
	[sflag:s12] =	ssyncadd.s32 $0xFFFFC000  }
0x3f6: {  	[tilespmem:s0], [sflag:$0x2] =	stream.indirect.gather [spmem:s3], $0x40, s16, s31, $0xb8;
	[tilespmem:$0x1E840] =	vst v63  }
0x3f7: {  	_ =	swait.ge [sflag:s6], $0x4000  }
0x3f8: {  	[sflag:s6] =	ssyncset.done $0x0  }
0x3f9: {  	s16 =	simm.s32 $0x2400;
	[sflag:s6] =	ssyncadd.s32 $0xFFFFC000  }
0x3fa: {  	[spmem:s2] =	stream.indirect.scatter.add.f32 [tilespmem:s1], [sflag:$0x3], $0x40, s16, s31, $0xb8;
	[tilespmem:$0x1E840] =	vst v63  }
0x3fb: {  	_ =	swait.ge [sflag:s8], $0x4000  }
0x3fc: {  	[sflag:s8] =	ssyncset.done $0x0  }
0x3fd: {  	s16 =	simm.s32 $0x2500;
	[sflag:s8] =	ssyncadd.s32 $0xFFFFC000  }
0x3fe: {  	[spmem:s2] =	stream.indirect.scatter.add.f32 [tilespmem:s0], [sflag:$0x4], $0x40, s16, s31, $0xb8;
	[tilespmem:$0x1E840] =	vst v63  }
0x3ff: {  	_ =	swait.ge [sflag:s10], $0x4000  }
0x400: {  	[sflag:s10] =	ssyncset.done $0x0  }
0x401: {  	s16 =	simm.s32 $0x1200;
	[sflag:s10] =	ssyncadd.s32 $0xFFFFC000  }
0x402: {  	[tilespmem:s1], [sflag:$0x1] =	stream.indirect.gather [spmem:s3], $0x40, s16, s31, $0xb8;
	[tilespmem:$0x1E840] =	vst v63  }
0x403: {  	_ =	swait.ge [sflag:s12], $0x4000  }
0x404: {  	[sflag:s12] =	ssyncset.done $0x0  }
0x405: {  	s16 =	simm.s32 $0x1300;
	[sflag:s12] =	ssyncadd.s32 $0xFFFFC000  }
0x406: {  	[tilespmem:s0], [sflag:$0x2] =	stream.indirect.gather [spmem:s3], $0x40, s16, s31, $0xb8;
	[tilespmem:$0x1E840] =	vst v63  }
0x407: {  	_ =	swait.ge [sflag:s6], $0x4000  }
0x408: {  	[sflag:s6] =	ssyncset.done $0x0  }
0x409: {  	s16 =	simm.s32 $0x2600;
	[sflag:s6] =	ssyncadd.s32 $0xFFFFC000  }
0x40a: {  	[spmem:s2] =	stream.indirect.scatter.add.f32 [tilespmem:s1], [sflag:$0x8], $0x40, s16, s31, $0xb8;
	[tilespmem:$0x1E840] =	vst v63  }
0x40b: {  	_ =	swait.ge [sflag:s9], $0x4000  }
0x40c: {  	[sflag:s9] =	ssyncset.done $0x0  }
0x40d: {  	[sflag:s9] =	ssyncadd.s32 $0xFFFFC000  }
0x40e: {  	_ =	swait.ge [sflag:s8], $0x4000  }
0x40f: {  	[sflag:s8] =	ssyncset.done $0x0  }
0x410: {  	s16 =	simm.s32 $0x2700;
	[sflag:s8] =	ssyncadd.s32 $0xFFFFC000  }
0x411: {  	[spmem:s2] =	stream.indirect.scatter.add.f32 [tilespmem:s0], [sflag:$0x8], $0x40, s16, s31, $0xb8;
	[tilespmem:$0x1E840] =	vst v63  }
0x412: {  	_ =	swait.ge [sflag:s9], $0x4000  }
0x413: {  	[sflag:s9] =	ssyncset.done $0x0  }
0x414: {  	[sflag:s9] =	ssyncadd.s32 $0xFFFFC000  }
0x415: {  	[bflag:$0x0] =	sbarrier.arrive $0xFFFF  }
0x416: {  	s16 =	rddreg [dreg:$0xd]  }
0x417: {  	[hbm:s16], [sflag:s14] =	dma.local [spmem:s25], $0x1400  }
0x418: {  	_ =	swait.ge [sflag:s29], $0x1400  }
0x419: {  	[sflag:s29] =	ssyncset.done $0x0  }
0x41a: {  	[sflag:s29] =	ssyncadd.s32 $0xFFFFEC00  }
0x41b: {  	[bflag:$0x0] =	sbarrier.arrive $0xFFFF  }
0x41c: {  	[spmem:s25], [sflag:s14] =	dma.local [hbm:s26], $0x1400  }
0x41d: {  	s16 =	rddreg [dreg:$0xf]  }
0x41e: {  	[spmem:s15], [sflag:s17] =	dma.local [hbm:s16], $0x1400  }
0x41f: {  	_ =	swait.ge [sflag:s29], $0x1400  }
0x420: {  	[sflag:s29] =	ssyncset.done $0x0  }
0x421: {  	[sflag:s29] =	ssyncadd.s32 $0xFFFFEC00  }
0x422: {  	_ =	swait.ge [sflag:s30], $0x1400  }
0x423: {  	[sflag:s30] =	ssyncset.done $0x0  }
0x424: {  	[sflag:s30] =	ssyncadd.s32 $0xFFFFEC00  }
0x425: {  	[bflag:$0x0] =	sbarrier.arrive $0xFFFF  }
0x426: {  	[tilespmem:s1], [sflag:$0x1] =	stream.indirect.gather [spmem:s3], $0x40, s4, s31, $0xb8;
	[tilespmem:$0x1E840] =	vst v63  }
0x427: {  	_ = 	snop  }
0x428: {  	[tilespmem:s0], [sflag:$0x2] =	stream.indirect.gather [spmem:s3], $0x40, s31, s31, $0xb8;
	[tilespmem:$0x1E840] =	vst v63  }
0x429: {  	_ =	swait.ge [sflag:s6], $0x4000  }
0x42a: {  	[sflag:s6] =	ssyncset.done $0x0  }
0x42b: {  	s16 =	simm.s32 $0x1400;
	[sflag:s6] =	ssyncadd.s32 $0xFFFFC000  }
0x42c: {  	[spmem:s2] =	stream.indirect.scatter.add.f32 [tilespmem:s1], [sflag:$0x3], $0x40, s16, s31, $0xb8;
	[tilespmem:$0x1E840] =	vst v63  }
0x42d: {  	_ =	swait.ge [sflag:s8], $0x4000  }
0x42e: {  	[sflag:s8] =	ssyncset.done $0x0  }
0x42f: {  	s16 =	simm.s32 $0x1500;
	[sflag:s8] =	ssyncadd.s32 $0xFFFFC000  }
0x430: {  	[spmem:s2] =	stream.indirect.scatter.add.f32 [tilespmem:s0], [sflag:$0x4], $0x40, s16, s31, $0xb8;
	[tilespmem:$0x1E840] =	vst v63  }
0x431: {  	_ =	swait.ge [sflag:s10], $0x4000  }
0x432: {  	[sflag:s10] =	ssyncset.done $0x0  }
0x433: {  	s16 =	simm.s32 $0x200;
	[sflag:s10] =	ssyncadd.s32 $0xFFFFC000  }
0x434: {  	[tilespmem:s1], [sflag:$0x1] =	stream.indirect.gather [spmem:s3], $0x40, s16, s31, $0xb8;
	[tilespmem:$0x1E840] =	vst v63  }
0x435: {  	_ =	swait.ge [sflag:s12], $0x4000  }
0x436: {  	[sflag:s12] =	ssyncset.done $0x0  }
0x437: {  	s7 =	simm.s32 $0x300;
	[sflag:s12] =	ssyncadd.s32 $0xFFFFC000  }
0x438: {  	[tilespmem:s0], [sflag:$0x2] =	stream.indirect.gather [spmem:s3], $0x40, s7, s31, $0xb8;
	[tilespmem:$0x1E840] =	vst v63  }
0x439: {  	_ =	swait.ge [sflag:s6], $0x4000  }
0x43a: {  	[sflag:s6] =	ssyncset.done $0x0  }
0x43b: {  	s16 =	simm.s32 $0x1600;
	[sflag:s6] =	ssyncadd.s32 $0xFFFFC000  }
0x43c: {  	[spmem:s2] =	stream.indirect.scatter.add.f32 [tilespmem:s1], [sflag:$0x3], $0x40, s16, s31, $0xb8;
	[tilespmem:$0x1E840] =	vst v63  }
0x43d: {  	_ =	swait.ge [sflag:s8], $0x4000  }
0x43e: {  	[sflag:s8] =	ssyncset.done $0x0  }
0x43f: {  	s11 =	simm.s32 $0x1700;
	[sflag:s8] =	ssyncadd.s32 $0xFFFFC000  }
0x440: {  	[spmem:s2] =	stream.indirect.scatter.add.f32 [tilespmem:s0], [sflag:$0x4], $0x40, s11, s31, $0xb8;
	[tilespmem:$0x1E840] =	vst v63  }
0x441: {  	_ =	swait.ge [sflag:s10], $0x4000  }
0x442: {  	[sflag:s10] =	ssyncset.done $0x0  }
0x443: {  	s13 =	simm.s32 $0x400;
	[sflag:s10] =	ssyncadd.s32 $0xFFFFC000  }
0x444: {  	[tilespmem:s1], [sflag:$0x1] =	stream.indirect.gather [spmem:s3], $0x40, s13, s31, $0xb8;
	[tilespmem:$0x1E840] =	vst v63  }
0x445: {  	_ =	swait.ge [sflag:s12], $0x4000  }
0x446: {  	[sflag:s12] =	ssyncset.done $0x0  }
0x447: {  	s5 =	simm.s32 $0x500;
	[sflag:s12] =	ssyncadd.s32 $0xFFFFC000  }
0x448: {  	[tilespmem:s0], [sflag:$0x2] =	stream.indirect.gather [spmem:s3], $0x40, s5, s31, $0xb8;
	[tilespmem:$0x1E840] =	vst v63  }
0x449: {  	_ =	swait.ge [sflag:s6], $0x4000  }
0x44a: {  	[sflag:s6] =	ssyncset.done $0x0  }
0x44b: {  	s16 =	simm.s32 $0x1800;
	[sflag:s6] =	ssyncadd.s32 $0xFFFFC000  }
0x44c: {  	[spmem:s2] =	stream.indirect.scatter.add.f32 [tilespmem:s1], [sflag:$0x3], $0x40, s16, s31, $0xb8;
	[tilespmem:$0x1E840] =	vst v63  }
0x44d: {  	_ =	swait.ge [sflag:s8], $0x4000  }
0x44e: {  	[sflag:s8] =	ssyncset.done $0x0  }
0x44f: {  	s13 =	simm.s32 $0x1900;
	[sflag:s8] =	ssyncadd.s32 $0xFFFFC000  }
0x450: {  	[spmem:s2] =	stream.indirect.scatter.add.f32 [tilespmem:s0], [sflag:$0x4], $0x40, s13, s31, $0xb8;
	[tilespmem:$0x1E840] =	vst v63  }
0x451: {  	_ =	swait.ge [sflag:s10], $0x4000  }
0x452: {  	[sflag:s10] =	ssyncset.done $0x0  }
0x453: {  	s16 =	simm.s32 $0x600;
	[sflag:s10] =	ssyncadd.s32 $0xFFFFC000  }
0x454: {  	[tilespmem:s1], [sflag:$0x1] =	stream.indirect.gather [spmem:s3], $0x40, s16, s31, $0xb8;
	[tilespmem:$0x1E840] =	vst v63  }
0x455: {  	_ =	swait.ge [sflag:s12], $0x4000  }
0x456: {  	[sflag:s12] =	ssyncset.done $0x0  }
0x457: {  	s19 =	simm.s32 $0x700;
	[sflag:s12] =	ssyncadd.s32 $0xFFFFC000  }
0x458: {  	[tilespmem:s0], [sflag:$0x2] =	stream.indirect.gather [spmem:s3], $0x40, s19, s31, $0xb8;
	[tilespmem:$0x1E840] =	vst v63  }
0x459: {  	_ =	swait.ge [sflag:s6], $0x4000  }
0x45a: {  	[sflag:s6] =	ssyncset.done $0x0  }
0x45b: {  	s20 =	simm.s32 $0x1A00;
	[sflag:s6] =	ssyncadd.s32 $0xFFFFC000  }
0x45c: {  	[spmem:s2] =	stream.indirect.scatter.add.f32 [tilespmem:s1], [sflag:$0x3], $0x40, s20, s31, $0xb8;
	[tilespmem:$0x1E840] =	vst v63  }
0x45d: {  	_ =	swait.ge [sflag:s8], $0x4000  }
0x45e: {  	[sflag:s8] =	ssyncset.done $0x0  }
0x45f: {  	s21 =	simm.s32 $0x1B00;
	[sflag:s8] =	ssyncadd.s32 $0xFFFFC000  }
0x460: {  	[spmem:s2] =	stream.indirect.scatter.add.f32 [tilespmem:s0], [sflag:$0x4], $0x40, s21, s31, $0xb8;
	[tilespmem:$0x1E840] =	vst v63  }
0x461: {  	_ =	swait.ge [sflag:s10], $0x4000  }
0x462: {  	[sflag:s10] =	ssyncset.done $0x0  }
0x463: {  	s22 =	simm.s32 $0x800;
	[sflag:s10] =	ssyncadd.s32 $0xFFFFC000  }
0x464: {  	[tilespmem:s1], [sflag:$0x1] =	stream.indirect.gather [spmem:s3], $0x40, s22, s31, $0xb8;
	[tilespmem:$0x1E840] =	vst v63  }
0x465: {  	_ =	swait.ge [sflag:s12], $0x4000  }
0x466: {  	[sflag:s12] =	ssyncset.done $0x0  }
0x467: {  	s21 =	simm.s32 $0x900;
	[sflag:s12] =	ssyncadd.s32 $0xFFFFC000  }
0x468: {  	[tilespmem:s0], [sflag:$0x2] =	stream.indirect.gather [spmem:s3], $0x40, s21, s31, $0xb8;
	[tilespmem:$0x1E840] =	vst v63  }
0x469: {  	_ =	swait.ge [sflag:s6], $0x4000  }
0x46a: {  	[sflag:s6] =	ssyncset.done $0x0  }
0x46b: {  	s22 =	simm.s32 $0x1C00;
	[sflag:s6] =	ssyncadd.s32 $0xFFFFC000  }
0x46c: {  	[spmem:s2] =	stream.indirect.scatter.add.f32 [tilespmem:s1], [sflag:$0x3], $0x40, s22, s31, $0xb8;
	[tilespmem:$0x1E840] =	vst v63  }
0x46d: {  	_ =	swait.ge [sflag:s8], $0x4000  }
0x46e: {  	[sflag:s8] =	ssyncset.done $0x0  }
0x46f: {  	s18 =	simm.s32 $0x1D00;
	[sflag:s8] =	ssyncadd.s32 $0xFFFFC000  }
0x470: {  	[spmem:s2] =	stream.indirect.scatter.add.f32 [tilespmem:s0], [sflag:$0x4], $0x40, s18, s31, $0xb8;
	[tilespmem:$0x1E840] =	vst v63  }
0x471: {  	_ =	swait.ge [sflag:s10], $0x4000  }
0x472: {  	[sflag:s10] =	ssyncset.done $0x0  }
0x473: {  	s13 =	simm.s32 $0xA00;
	[sflag:s10] =	ssyncadd.s32 $0xFFFFC000  }
0x474: {  	[tilespmem:s1], [sflag:$0x1] =	stream.indirect.gather [spmem:s3], $0x40, s13, s31, $0xb8;
	[tilespmem:$0x1E840] =	vst v63  }
0x475: {  	_ =	swait.ge [sflag:s12], $0x4000  }
0x476: {  	[sflag:s12] =	ssyncset.done $0x0  }
0x477: {  	s16 =	simm.s32 $0xB00;
	[sflag:s12] =	ssyncadd.s32 $0xFFFFC000  }
0x478: {  	[tilespmem:s0], [sflag:$0x2] =	stream.indirect.gather [spmem:s3], $0x40, s16, s31, $0xb8;
	[tilespmem:$0x1E840] =	vst v63  }
0x479: {  	_ =	swait.ge [sflag:s6], $0x4000  }
0x47a: {  	[sflag:s6] =	ssyncset.done $0x0  }
0x47b: {  	s18 =	simm.s32 $0x1E00;
	[sflag:s6] =	ssyncadd.s32 $0xFFFFC000  }
0x47c: {  	[spmem:s2] =	stream.indirect.scatter.add.f32 [tilespmem:s1], [sflag:$0x3], $0x40, s18, s31, $0xb8;
	[tilespmem:$0x1E840] =	vst v63  }
0x47d: {  	_ =	swait.ge [sflag:s8], $0x4000  }
0x47e: {  	[sflag:s8] =	ssyncset.done $0x0  }
0x47f: {  	s19 =	simm.s32 $0x1F00;
	[sflag:s8] =	ssyncadd.s32 $0xFFFFC000  }
0x480: {  	[spmem:s2] =	stream.indirect.scatter.add.f32 [tilespmem:s0], [sflag:$0x4], $0x40, s19, s31, $0xb8;
	[tilespmem:$0x1E840] =	vst v63  }
0x481: {  	_ =	swait.ge [sflag:s10], $0x4000  }
0x482: {  	[sflag:s10] =	ssyncset.done $0x0  }
0x483: {  	s20 =	simm.s32 $0xC00;
	[sflag:s10] =	ssyncadd.s32 $0xFFFFC000  }
0x484: {  	[tilespmem:s1], [sflag:$0x1] =	stream.indirect.gather [spmem:s3], $0x40, s20, s31, $0xb8;
	[tilespmem:$0x1E840] =	vst v63  }
0x485: {  	_ =	swait.ge [sflag:s12], $0x4000  }
0x486: {  	[sflag:s12] =	ssyncset.done $0x0  }
0x487: {  	s21 =	simm.s32 $0xD00;
	[sflag:s12] =	ssyncadd.s32 $0xFFFFC000  }
0x488: {  	[tilespmem:s0], [sflag:$0x2] =	stream.indirect.gather [spmem:s3], $0x40, s21, s31, $0xb8;
	[tilespmem:$0x1E840] =	vst v63  }
0x489: {  	_ =	swait.ge [sflag:s6], $0x4000  }
0x48a: {  	[sflag:s6] =	ssyncset.done $0x0  }
0x48b: {  	s22 =	simm.s32 $0x2000;
	[sflag:s6] =	ssyncadd.s32 $0xFFFFC000  }
0x48c: {  	[spmem:s2] =	stream.indirect.scatter.add.f32 [tilespmem:s1], [sflag:$0x3], $0x40, s22, s31, $0xb8;
	[tilespmem:$0x1E840] =	vst v63  }
0x48d: {  	_ =	swait.ge [sflag:s8], $0x4000  }
0x48e: {  	[sflag:s8] =	ssyncset.done $0x0  }
0x48f: {  	s13 =	simm.s32 $0x2100;
	[sflag:s8] =	ssyncadd.s32 $0xFFFFC000  }
0x490: {  	[spmem:s2] =	stream.indirect.scatter.add.f32 [tilespmem:s0], [sflag:$0x4], $0x40, s13, s31, $0xb8;
	[tilespmem:$0x1E840] =	vst v63  }
0x491: {  	_ =	swait.ge [sflag:s10], $0x4000  }
0x492: {  	[sflag:s10] =	ssyncset.done $0x0  }
0x493: {  	s16 =	simm.s32 $0xE00;
	[sflag:s10] =	ssyncadd.s32 $0xFFFFC000  }
0x494: {  	[tilespmem:s1], [sflag:$0x1] =	stream.indirect.gather [spmem:s3], $0x40, s16, s31, $0xb8;
	[tilespmem:$0x1E840] =	vst v63  }
0x495: {  	_ =	swait.ge [sflag:s12], $0x4000  }
0x496: {  	[sflag:s12] =	ssyncset.done $0x0  }
0x497: {  	s18 =	simm.s32 $0xF00;
	[sflag:s12] =	ssyncadd.s32 $0xFFFFC000  }
0x498: {  	[tilespmem:s0], [sflag:$0x2] =	stream.indirect.gather [spmem:s3], $0x40, s18, s31, $0xb8;
	[tilespmem:$0x1E840] =	vst v63  }
0x499: {  	_ =	swait.ge [sflag:s6], $0x4000  }
0x49a: {  	[sflag:s6] =	ssyncset.done $0x0  }
0x49b: {  	s19 =	simm.s32 $0x2200;
	[sflag:s6] =	ssyncadd.s32 $0xFFFFC000  }
0x49c: {  	[spmem:s2] =	stream.indirect.scatter.add.f32 [tilespmem:s1], [sflag:$0x3], $0x40, s19, s31, $0xb8;
	[tilespmem:$0x1E840] =	vst v63  }
0x49d: {  	_ =	swait.ge [sflag:s8], $0x4000  }
0x49e: {  	[sflag:s8] =	ssyncset.done $0x0  }
0x49f: {  	s20 =	simm.s32 $0x2300;
	[sflag:s8] =	ssyncadd.s32 $0xFFFFC000  }
0x4a0: {  	[spmem:s2] =	stream.indirect.scatter.add.f32 [tilespmem:s0], [sflag:$0x4], $0x40, s20, s31, $0xb8;
	[tilespmem:$0x1E840] =	vst v63  }
0x4a1: {  	_ =	swait.ge [sflag:s10], $0x4000  }
0x4a2: {  	[sflag:s10] =	ssyncset.done $0x0  }
0x4a3: {  	s21 =	simm.s32 $0x1000;
	[sflag:s10] =	ssyncadd.s32 $0xFFFFC000  }
0x4a4: {  	[tilespmem:s1], [sflag:$0x1] =	stream.indirect.gather [spmem:s3], $0x40, s21, s31, $0xb8;
	[tilespmem:$0x1E840] =	vst v63  }
0x4a5: {  	_ =	swait.ge [sflag:s12], $0x4000  }
0x4a6: {  	[sflag:s12] =	ssyncset.done $0x0  }
0x4a7: {  	s22 =	simm.s32 $0x1100;
	[sflag:s12] =	ssyncadd.s32 $0xFFFFC000  }
0x4a8: {  	[tilespmem:s0], [sflag:$0x2] =	stream.indirect.gather [spmem:s3], $0x40, s22, s31, $0xb8;
	[tilespmem:$0x1E840] =	vst v63  }
0x4a9: {  	_ =	swait.ge [sflag:s6], $0x4000  }
0x4aa: {  	[sflag:s6] =	ssyncset.done $0x0  }
0x4ab: {  	s13 =	simm.s32 $0x2400;
	[sflag:s6] =	ssyncadd.s32 $0xFFFFC000  }
0x4ac: {  	[spmem:s2] =	stream.indirect.scatter.add.f32 [tilespmem:s1], [sflag:$0x3], $0x40, s13, s31, $0xb8;
	[tilespmem:$0x1E840] =	vst v63  }
0x4ad: {  	_ =	swait.ge [sflag:s8], $0x4000  }
0x4ae: {  	[sflag:s8] =	ssyncset.done $0x0  }
0x4af: {  	s16 =	simm.s32 $0x2500;
	[sflag:s8] =	ssyncadd.s32 $0xFFFFC000  }
0x4b0: {  	[spmem:s2] =	stream.indirect.scatter.add.f32 [tilespmem:s0], [sflag:$0x4], $0x40, s16, s31, $0xb8;
	[tilespmem:$0x1E840] =	vst v63  }
0x4b1: {  	_ =	swait.ge [sflag:s10], $0x4000  }
0x4b2: {  	[sflag:s10] =	ssyncset.done $0x0  }
0x4b3: {  	s18 =	simm.s32 $0x1200;
	[sflag:s10] =	ssyncadd.s32 $0xFFFFC000  }
0x4b4: {  	[tilespmem:s1], [sflag:$0x1] =	stream.indirect.gather [spmem:s3], $0x40, s18, s31, $0xb8;
	[tilespmem:$0x1E840] =	vst v63  }
0x4b5: {  	_ =	swait.ge [sflag:s12], $0x4000  }
0x4b6: {  	[sflag:s12] =	ssyncset.done $0x0  }
0x4b7: {  	s19 =	simm.s32 $0x1300;
	[sflag:s12] =	ssyncadd.s32 $0xFFFFC000  }
0x4b8: {  	[tilespmem:s0], [sflag:$0x2] =	stream.indirect.gather [spmem:s3], $0x40, s19, s31, $0xb8;
	[tilespmem:$0x1E840] =	vst v63  }
0x4b9: {  	_ =	swait.ge [sflag:s6], $0x4000  }
0x4ba: {  	[sflag:s6] =	ssyncset.done $0x0  }
0x4bb: {  	s20 =	simm.s32 $0x2600;
	[sflag:s6] =	ssyncadd.s32 $0xFFFFC000  }
0x4bc: {  	[spmem:s2] =	stream.indirect.scatter.add.f32 [tilespmem:s1], [sflag:$0x8], $0x40, s20, s31, $0xb8;
	[tilespmem:$0x1E840] =	vst v63  }
0x4bd: {  	_ =	swait.ge [sflag:s9], $0x4000  }
0x4be: {  	[sflag:s9] =	ssyncset.done $0x0  }
0x4bf: {  	[sflag:s9] =	ssyncadd.s32 $0xFFFFC000  }
0x4c0: {  	_ =	swait.ge [sflag:s8], $0x4000  }
0x4c1: {  	[sflag:s8] =	ssyncset.done $0x0  }
0x4c2: {  	s21 =	simm.s32 $0x2700;
	[sflag:s8] =	ssyncadd.s32 $0xFFFFC000  }
0x4c3: {  	[spmem:s2] =	stream.indirect.scatter.add.f32 [tilespmem:s0], [sflag:$0x8], $0x40, s21, s31, $0xb8;
	[tilespmem:$0x1E840] =	vst v63  }
0x4c4: {  	_ =	swait.ge [sflag:s9], $0x4000  }
0x4c5: {  	[sflag:s9] =	ssyncset.done $0x0  }
0x4c6: {  	[sflag:s9] =	ssyncadd.s32 $0xFFFFC000  }
0x4c7: {  	[bflag:$0x0] =	sbarrier.arrive $0xFFFF  }
0x4c8: {  	s22 =	rddreg [dreg:$0xe]  }
0x4c9: {  	[hbm:s22], [sflag:s14] =	dma.local [spmem:s25], $0x1400  }
0x4ca: {  	_ =	swait.ge [sflag:s29], $0x1400  }
0x4cb: {  	[sflag:s29] =	ssyncset.done $0x0  }
0x4cc: {  	[sflag:s29] =	ssyncadd.s32 $0xFFFFEC00  }
0x4cd: {  	[bflag:$0x0] =	sbarrier.arrive $0xFFFF  }
0x4ce: {  	[spmem:s25], [sflag:s14] =	dma.local [hbm:s26], $0x1400  }
0x4cf: {  	s5 =	rddreg [dreg:$0x10]  }
0x4d0: {  	[spmem:s15], [sflag:s17] =	dma.local [hbm:s5], $0x1400  }
0x4d1: {  	_ =	swait.ge [sflag:s29], $0x1400  }
0x4d2: {  	[sflag:s29] =	ssyncset.done $0x0  }
0x4d3: {  	[sflag:s29] =	ssyncadd.s32 $0xFFFFEC00  }
0x4d4: {  	_ =	swait.ge [sflag:s30], $0x1400  }
0x4d5: {  	[sflag:s30] =	ssyncset.done $0x0  }
0x4d6: {  	[sflag:s30] =	ssyncadd.s32 $0xFFFFEC00  }
0x4d7: {  	[bflag:$0x0] =	sbarrier.arrive $0xFFFF  }
0x4d8: {  	[tilespmem:s1], [sflag:$0x1] =	stream.indirect.gather [spmem:s3], $0x40, s4, s31, $0xb8;
	[tilespmem:$0x1E840] =	vst v63  }
0x4d9: {  	_ = 	snop  }
0x4da: {  	[tilespmem:s0], [sflag:$0x2] =	stream.indirect.gather [spmem:s3], $0x40, s31, s31, $0xb8;
	[tilespmem:$0x1E840] =	vst v63  }
0x4db: {  	_ =	swait.ge [sflag:s6], $0x4000  }
0x4dc: {  	[sflag:s6] =	ssyncset.done $0x0  }
0x4dd: {  	s13 =	simm.s32 $0x1400;
	[sflag:s6] =	ssyncadd.s32 $0xFFFFC000  }
0x4de: {  	[spmem:s2] =	stream.indirect.scatter.add.f32 [tilespmem:s1], [sflag:$0x3], $0x40, s13, s31, $0xb8;
	[tilespmem:$0x1E840] =	vst v63  }
0x4df: {  	_ =	swait.ge [sflag:s8], $0x4000  }
0x4e0: {  	[sflag:s8] =	ssyncset.done $0x0  }
0x4e1: {  	s16 =	simm.s32 $0x1500;
	[sflag:s8] =	ssyncadd.s32 $0xFFFFC000  }
0x4e2: {  	[spmem:s2] =	stream.indirect.scatter.add.f32 [tilespmem:s0], [sflag:$0x4], $0x40, s16, s31, $0xb8;
	[tilespmem:$0x1E840] =	vst v63  }
0x4e3: {  	_ =	swait.ge [sflag:s10], $0x4000  }
0x4e4: {  	[sflag:s10] =	ssyncset.done $0x0  }
0x4e5: {  	s18 =	simm.s32 $0x200;
	[sflag:s10] =	ssyncadd.s32 $0xFFFFC000  }
0x4e6: {  	[tilespmem:s1], [sflag:$0x1] =	stream.indirect.gather [spmem:s3], $0x40, s18, s31, $0xb8;
	[tilespmem:$0x1E840] =	vst v63  }
0x4e7: {  	_ =	swait.ge [sflag:s12], $0x4000  }
0x4e8: {  	[sflag:s12] =	ssyncset.done $0x0  }
0x4e9: {  	s7 =	simm.s32 $0x300;
	[sflag:s12] =	ssyncadd.s32 $0xFFFFC000  }
0x4ea: {  	[tilespmem:s0], [sflag:$0x2] =	stream.indirect.gather [spmem:s3], $0x40, s7, s31, $0xb8;
	[tilespmem:$0x1E840] =	vst v63  }
0x4eb: {  	_ =	swait.ge [sflag:s6], $0x4000  }
0x4ec: {  	[sflag:s6] =	ssyncset.done $0x0  }
0x4ed: {  	s19 =	simm.s32 $0x1600;
	[sflag:s6] =	ssyncadd.s32 $0xFFFFC000  }
0x4ee: {  	[spmem:s2] =	stream.indirect.scatter.add.f32 [tilespmem:s1], [sflag:$0x3], $0x40, s19, s31, $0xb8;
	[tilespmem:$0x1E840] =	vst v63  }
0x4ef: {  	_ =	swait.ge [sflag:s8], $0x4000  }
0x4f0: {  	[sflag:s8] =	ssyncset.done $0x0  }
0x4f1: {  	s20 =	simm.s32 $0x1700;
	[sflag:s8] =	ssyncadd.s32 $0xFFFFC000  }
0x4f2: {  	[spmem:s2] =	stream.indirect.scatter.add.f32 [tilespmem:s0], [sflag:$0x4], $0x40, s20, s31, $0xb8;
	[tilespmem:$0x1E840] =	vst v63  }
0x4f3: {  	_ =	swait.ge [sflag:s10], $0x4000  }
0x4f4: {  	[sflag:s10] =	ssyncset.done $0x0  }
0x4f5: {  	s21 =	simm.s32 $0x400;
	[sflag:s10] =	ssyncadd.s32 $0xFFFFC000  }
0x4f6: {  	[tilespmem:s1], [sflag:$0x1] =	stream.indirect.gather [spmem:s3], $0x40, s21, s31, $0xb8;
	[tilespmem:$0x1E840] =	vst v63  }
0x4f7: {  	_ =	swait.ge [sflag:s12], $0x4000  }
0x4f8: {  	[sflag:s12] =	ssyncset.done $0x0  }
0x4f9: {  	s11 =	simm.s32 $0x500;
	[sflag:s12] =	ssyncadd.s32 $0xFFFFC000  }
0x4fa: {  	[tilespmem:s0], [sflag:$0x2] =	stream.indirect.gather [spmem:s3], $0x40, s11, s31, $0xb8;
	[tilespmem:$0x1E840] =	vst v63  }
0x4fb: {  	_ =	swait.ge [sflag:s6], $0x4000  }
0x4fc: {  	[sflag:s6] =	ssyncset.done $0x0  }
0x4fd: {  	s22 =	simm.s32 $0x1800;
	[sflag:s6] =	ssyncadd.s32 $0xFFFFC000  }
0x4fe: {  	[spmem:s2] =	stream.indirect.scatter.add.f32 [tilespmem:s1], [sflag:$0x3], $0x40, s22, s31, $0xb8;
	[tilespmem:$0x1E840] =	vst v63  }
0x4ff: {  	_ =	swait.ge [sflag:s8], $0x4000  }
0x500: {  	[sflag:s8] =	ssyncset.done $0x0  }
0x501: {  	s16 =	simm.s32 $0x1900;
	[sflag:s8] =	ssyncadd.s32 $0xFFFFC000  }
0x502: {  	[spmem:s2] =	stream.indirect.scatter.add.f32 [tilespmem:s0], [sflag:$0x4], $0x40, s16, s31, $0xb8;
	[tilespmem:$0x1E840] =	vst v63  }
0x503: {  	_ =	swait.ge [sflag:s10], $0x4000  }
0x504: {  	[sflag:s10] =	ssyncset.done $0x0  }
0x505: {  	s19 =	simm.s32 $0x600;
	[sflag:s10] =	ssyncadd.s32 $0xFFFFC000  }
0x506: {  	[tilespmem:s1], [sflag:$0x1] =	stream.indirect.gather [spmem:s3], $0x40, s19, s31, $0xb8;
	[tilespmem:$0x1E840] =	vst v63  }
0x507: {  	_ =	swait.ge [sflag:s12], $0x4000  }
0x508: {  	[sflag:s12] =	ssyncset.done $0x0  }
0x509: {  	s20 =	simm.s32 $0x700;
	[sflag:s12] =	ssyncadd.s32 $0xFFFFC000  }
0x50a: {  	[tilespmem:s0], [sflag:$0x2] =	stream.indirect.gather [spmem:s3], $0x40, s20, s31, $0xb8;
	[tilespmem:$0x1E840] =	vst v63  }
0x50b: {  	_ =	swait.ge [sflag:s6], $0x4000  }
0x50c: {  	[sflag:s6] =	ssyncset.done $0x0  }
0x50d: {  	s21 =	simm.s32 $0x1A00;
	[sflag:s6] =	ssyncadd.s32 $0xFFFFC000  }
0x50e: {  	[spmem:s2] =	stream.indirect.scatter.add.f32 [tilespmem:s1], [sflag:$0x3], $0x40, s21, s31, $0xb8;
	[tilespmem:$0x1E840] =	vst v63  }
0x50f: {  	_ =	swait.ge [sflag:s8], $0x4000  }
0x510: {  	[sflag:s8] =	ssyncset.done $0x0  }
0x511: {  	s22 =	simm.s32 $0x1B00;
	[sflag:s8] =	ssyncadd.s32 $0xFFFFC000  }
0x512: {  	[spmem:s2] =	stream.indirect.scatter.add.f32 [tilespmem:s0], [sflag:$0x4], $0x40, s22, s31, $0xb8;
	[tilespmem:$0x1E840] =	vst v63  }
0x513: {  	_ =	swait.ge [sflag:s10], $0x4000  }
0x514: {  	[sflag:s10] =	ssyncset.done $0x0  }
0x515: {  	s16 =	simm.s32 $0x800;
	[sflag:s10] =	ssyncadd.s32 $0xFFFFC000  }
0x516: {  	[tilespmem:s1], [sflag:$0x1] =	stream.indirect.gather [spmem:s3], $0x40, s16, s31, $0xb8;
	[tilespmem:$0x1E840] =	vst v63  }
0x517: {  	_ =	swait.ge [sflag:s12], $0x4000  }
0x518: {  	[sflag:s12] =	ssyncset.done $0x0  }
0x519: {  	s16 =	simm.s32 $0x900;
	[sflag:s12] =	ssyncadd.s32 $0xFFFFC000  }
0x51a: {  	[tilespmem:s0], [sflag:$0x2] =	stream.indirect.gather [spmem:s3], $0x40, s16, s31, $0xb8;
	[tilespmem:$0x1E840] =	vst v63  }
0x51b: {  	_ =	swait.ge [sflag:s6], $0x4000  }
0x51c: {  	[sflag:s6] =	ssyncset.done $0x0  }
0x51d: {  	s16 =	simm.s32 $0x1C00;
	[sflag:s6] =	ssyncadd.s32 $0xFFFFC000  }
0x51e: {  	[spmem:s2] =	stream.indirect.scatter.add.f32 [tilespmem:s1], [sflag:$0x3], $0x40, s16, s31, $0xb8;
	[tilespmem:$0x1E840] =	vst v63  }
0x51f: {  	_ =	swait.ge [sflag:s8], $0x4000  }
0x520: {  	[sflag:s8] =	ssyncset.done $0x0  }
0x521: {  	s16 =	simm.s32 $0x1D00;
	[sflag:s8] =	ssyncadd.s32 $0xFFFFC000  }
0x522: {  	[spmem:s2] =	stream.indirect.scatter.add.f32 [tilespmem:s0], [sflag:$0x4], $0x40, s16, s31, $0xb8;
	[tilespmem:$0x1E840] =	vst v63  }
0x523: {  	_ =	swait.ge [sflag:s10], $0x4000  }
0x524: {  	[sflag:s10] =	ssyncset.done $0x0  }
0x525: {  	s16 =	simm.s32 $0xA00;
	[sflag:s10] =	ssyncadd.s32 $0xFFFFC000  }
0x526: {  	[tilespmem:s1], [sflag:$0x1] =	stream.indirect.gather [spmem:s3], $0x40, s16, s31, $0xb8;
	[tilespmem:$0x1E840] =	vst v63  }
0x527: {  	_ =	swait.ge [sflag:s12], $0x4000  }
0x528: {  	[sflag:s12] =	ssyncset.done $0x0  }
0x529: {  	s16 =	simm.s32 $0xB00;
	[sflag:s12] =	ssyncadd.s32 $0xFFFFC000  }
0x52a: {  	[tilespmem:s0], [sflag:$0x2] =	stream.indirect.gather [spmem:s3], $0x40, s16, s31, $0xb8;
	[tilespmem:$0x1E840] =	vst v63  }
0x52b: {  	_ =	swait.ge [sflag:s6], $0x4000  }
0x52c: {  	[sflag:s6] =	ssyncset.done $0x0  }
0x52d: {  	s16 =	simm.s32 $0x1E00;
	[sflag:s6] =	ssyncadd.s32 $0xFFFFC000  }
0x52e: {  	[spmem:s2] =	stream.indirect.scatter.add.f32 [tilespmem:s1], [sflag:$0x3], $0x40, s16, s31, $0xb8;
	[tilespmem:$0x1E840] =	vst v63  }
0x52f: {  	_ =	swait.ge [sflag:s8], $0x4000  }
0x530: {  	[sflag:s8] =	ssyncset.done $0x0  }
0x531: {  	s16 =	simm.s32 $0x1F00;
	[sflag:s8] =	ssyncadd.s32 $0xFFFFC000  }
0x532: {  	[spmem:s2] =	stream.indirect.scatter.add.f32 [tilespmem:s0], [sflag:$0x4], $0x40, s16, s31, $0xb8;
	[tilespmem:$0x1E840] =	vst v63  }
0x533: {  	_ =	swait.ge [sflag:s10], $0x4000  }
0x534: {  	[sflag:s10] =	ssyncset.done $0x0  }
0x535: {  	s16 =	simm.s32 $0xC00;
	[sflag:s10] =	ssyncadd.s32 $0xFFFFC000  }
0x536: {  	[tilespmem:s1], [sflag:$0x1] =	stream.indirect.gather [spmem:s3], $0x40, s16, s31, $0xb8;
	[tilespmem:$0x1E840] =	vst v63  }
0x537: {  	_ =	swait.ge [sflag:s12], $0x4000  }
0x538: {  	[sflag:s12] =	ssyncset.done $0x0  }
0x539: {  	s16 =	simm.s32 $0xD00;
	[sflag:s12] =	ssyncadd.s32 $0xFFFFC000  }
0x53a: {  	[tilespmem:s0], [sflag:$0x2] =	stream.indirect.gather [spmem:s3], $0x40, s16, s31, $0xb8;
	[tilespmem:$0x1E840] =	vst v63  }
0x53b: {  	_ =	swait.ge [sflag:s6], $0x4000  }
0x53c: {  	[sflag:s6] =	ssyncset.done $0x0  }
0x53d: {  	s16 =	simm.s32 $0x2000;
	[sflag:s6] =	ssyncadd.s32 $0xFFFFC000  }
0x53e: {  	[spmem:s2] =	stream.indirect.scatter.add.f32 [tilespmem:s1], [sflag:$0x3], $0x40, s16, s31, $0xb8;
	[tilespmem:$0x1E840] =	vst v63  }
0x53f: {  	_ =	swait.ge [sflag:s8], $0x4000  }
0x540: {  	[sflag:s8] =	ssyncset.done $0x0  }
0x541: {  	s16 =	simm.s32 $0x2100;
	[sflag:s8] =	ssyncadd.s32 $0xFFFFC000  }
0x542: {  	[spmem:s2] =	stream.indirect.scatter.add.f32 [tilespmem:s0], [sflag:$0x4], $0x40, s16, s31, $0xb8;
	[tilespmem:$0x1E840] =	vst v63  }
0x543: {  	_ =	swait.ge [sflag:s10], $0x4000  }
0x544: {  	[sflag:s10] =	ssyncset.done $0x0  }
0x545: {  	s16 =	simm.s32 $0xE00;
	[sflag:s10] =	ssyncadd.s32 $0xFFFFC000  }
0x546: {  	[tilespmem:s1], [sflag:$0x1] =	stream.indirect.gather [spmem:s3], $0x40, s16, s31, $0xb8;
	[tilespmem:$0x1E840] =	vst v63  }
0x547: {  	_ =	swait.ge [sflag:s12], $0x4000  }
0x548: {  	[sflag:s12] =	ssyncset.done $0x0  }
0x549: {  	s16 =	simm.s32 $0xF00;
	[sflag:s12] =	ssyncadd.s32 $0xFFFFC000  }
0x54a: {  	[tilespmem:s0], [sflag:$0x2] =	stream.indirect.gather [spmem:s3], $0x40, s16, s31, $0xb8;
	[tilespmem:$0x1E840] =	vst v63  }
0x54b: {  	_ =	swait.ge [sflag:s6], $0x4000  }
0x54c: {  	[sflag:s6] =	ssyncset.done $0x0  }
0x54d: {  	s16 =	simm.s32 $0x2200;
	[sflag:s6] =	ssyncadd.s32 $0xFFFFC000  }
0x54e: {  	[spmem:s2] =	stream.indirect.scatter.add.f32 [tilespmem:s1], [sflag:$0x3], $0x40, s16, s31, $0xb8;
	[tilespmem:$0x1E840] =	vst v63  }
0x54f: {  	_ =	swait.ge [sflag:s8], $0x4000  }
0x550: {  	[sflag:s8] =	ssyncset.done $0x0  }
0x551: {  	s16 =	simm.s32 $0x2300;
	[sflag:s8] =	ssyncadd.s32 $0xFFFFC000  }
0x552: {  	[spmem:s2] =	stream.indirect.scatter.add.f32 [tilespmem:s0], [sflag:$0x4], $0x40, s16, s31, $0xb8;
	[tilespmem:$0x1E840] =	vst v63  }
0x553: {  	_ =	swait.ge [sflag:s10], $0x4000  }
0x554: {  	[sflag:s10] =	ssyncset.done $0x0  }
0x555: {  	s16 =	simm.s32 $0x1000;
	[sflag:s10] =	ssyncadd.s32 $0xFFFFC000  }
0x556: {  	[tilespmem:s1], [sflag:$0x1] =	stream.indirect.gather [spmem:s3], $0x40, s16, s31, $0xb8;
	[tilespmem:$0x1E840] =	vst v63  }
0x557: {  	_ =	swait.ge [sflag:s12], $0x4000  }
0x558: {  	[sflag:s12] =	ssyncset.done $0x0  }
0x559: {  	s16 =	simm.s32 $0x1100;
	[sflag:s12] =	ssyncadd.s32 $0xFFFFC000  }
0x55a: {  	[tilespmem:s0], [sflag:$0x2] =	stream.indirect.gather [spmem:s3], $0x40, s16, s31, $0xb8;
	[tilespmem:$0x1E840] =	vst v63  }
0x55b: {  	_ =	swait.ge [sflag:s6], $0x4000  }
0x55c: {  	[sflag:s6] =	ssyncset.done $0x0  }
0x55d: {  	s16 =	simm.s32 $0x2400;
	[sflag:s6] =	ssyncadd.s32 $0xFFFFC000  }
0x55e: {  	[spmem:s2] =	stream.indirect.scatter.add.f32 [tilespmem:s1], [sflag:$0x3], $0x40, s16, s31, $0xb8;
	[tilespmem:$0x1E840] =	vst v63  }
0x55f: {  	_ =	swait.ge [sflag:s8], $0x4000  }
0x560: {  	[sflag:s8] =	ssyncset.done $0x0  }
0x561: {  	s16 =	simm.s32 $0x2500;
	[sflag:s8] =	ssyncadd.s32 $0xFFFFC000  }
0x562: {  	[spmem:s2] =	stream.indirect.scatter.add.f32 [tilespmem:s0], [sflag:$0x4], $0x40, s16, s31, $0xb8;
	[tilespmem:$0x1E840] =	vst v63  }
0x563: {  	_ =	swait.ge [sflag:s10], $0x4000  }
0x564: {  	[sflag:s10] =	ssyncset.done $0x0  }
0x565: {  	s16 =	simm.s32 $0x1200;
	[sflag:s10] =	ssyncadd.s32 $0xFFFFC000  }
0x566: {  	[tilespmem:s1], [sflag:$0x1] =	stream.indirect.gather [spmem:s3], $0x40, s16, s31, $0xb8;
	[tilespmem:$0x1E840] =	vst v63  }
0x567: {  	_ =	swait.ge [sflag:s12], $0x4000  }
0x568: {  	[sflag:s12] =	ssyncset.done $0x0  }
0x569: {  	s16 =	simm.s32 $0x1300;
	[sflag:s12] =	ssyncadd.s32 $0xFFFFC000  }
0x56a: {  	[tilespmem:s0], [sflag:$0x2] =	stream.indirect.gather [spmem:s3], $0x40, s16, s31, $0xb8;
	[tilespmem:$0x1E840] =	vst v63  }
0x56b: {  	_ =	swait.ge [sflag:s6], $0x4000  }
0x56c: {  	[sflag:s6] =	ssyncset.done $0x0  }
0x56d: {  	s16 =	simm.s32 $0x2600;
	[sflag:s6] =	ssyncadd.s32 $0xFFFFC000  }
0x56e: {  	[spmem:s2] =	stream.indirect.scatter.add.f32 [tilespmem:s1], [sflag:$0x8], $0x40, s16, s31, $0xb8;
	[tilespmem:$0x1E840] =	vst v63  }
0x56f: {  	_ =	swait.ge [sflag:s9], $0x4000  }
0x570: {  	[sflag:s9] =	ssyncset.done $0x0  }
0x571: {  	[sflag:s9] =	ssyncadd.s32 $0xFFFFC000  }
0x572: {  	_ =	swait.ge [sflag:s8], $0x4000  }
0x573: {  	[sflag:s8] =	ssyncset.done $0x0  }
0x574: {  	s16 =	simm.s32 $0x2700;
	[sflag:s8] =	ssyncadd.s32 $0xFFFFC000  }
0x575: {  	[spmem:s2] =	stream.indirect.scatter.add.f32 [tilespmem:s0], [sflag:$0x8], $0x40, s16, s31, $0xb8;
	[tilespmem:$0x1E840] =	vst v63  }
0x576: {  	_ =	swait.ge [sflag:s9], $0x4000  }
0x577: {  	[sflag:s9] =	ssyncset.done $0x0  }
0x578: {  	[sflag:s9] =	ssyncadd.s32 $0xFFFFC000  }
0x579: {  	[bflag:$0x0] =	sbarrier.arrive $0xFFFF  }
0x57a: {  	s16 =	rddreg [dreg:$0x11]  }
0x57b: {  	[hbm:s16], [sflag:s14] =	dma.local [spmem:s25], $0x1400  }
0x57c: {  	_ =	swait.ge [sflag:s29], $0x1400  }
0x57d: {  	[sflag:s29] =	ssyncset.done $0x0  }
0x57e: {  	[sflag:s29] =	ssyncadd.s32 $0xFFFFEC00  }
0x57f: {  	[bflag:$0x0] =	sbarrier.arrive $0xFFFF  }
0x580: {  	[spmem:s25], [sflag:s14] =	dma.local [hbm:s26], $0x1400  }
0x581: {  	s26 =	rddreg [dreg:$0x12]  }
0x582: {  	[spmem:s15], [sflag:s17] =	dma.local [hbm:s26], $0x1400  }
0x583: {  	_ =	swait.ge [sflag:s29], $0x1400  }
0x584: {  	[sflag:s29] =	ssyncset.done $0x0  }
0x585: {  	[sflag:s29] =	ssyncadd.s32 $0xFFFFEC00  }
0x586: {  	_ =	swait.ge [sflag:s30], $0x1400  }
0x587: {  	[sflag:s30] =	ssyncset.done $0x0  }
0x588: {  	[sflag:s30] =	ssyncadd.s32 $0xFFFFEC00  }
0x589: {  	[bflag:$0x0] =	sbarrier.arrive $0xFFFF  }
0x58a: {  	[tilespmem:s1], [sflag:$0x1] =	stream.indirect.gather [spmem:s3], $0x40, s4, s31, $0xb8;
	[tilespmem:$0x1E840] =	vst v63  }
0x58b: {  	_ = 	snop  }
0x58c: {  	[tilespmem:s0], [sflag:$0x2] =	stream.indirect.gather [spmem:s3], $0x40, s31, s31, $0xb8;
	[tilespmem:$0x1E840] =	vst v63  }
0x58d: {  	_ =	swait.ge [sflag:s6], $0x4000  }
0x58e: {  	[sflag:s6] =	ssyncset.done $0x0  }
0x58f: {  	s17 =	simm.s32 $0x1400;
	[sflag:s6] =	ssyncadd.s32 $0xFFFFC000  }
0x590: {  	[spmem:s2] =	stream.indirect.scatter.add.f32 [tilespmem:s1], [sflag:$0x3], $0x40, s17, s31, $0xb8;
	[tilespmem:$0x1E840] =	vst v63  }
0x591: {  	_ =	swait.ge [sflag:s8], $0x4000  }
0x592: {  	[sflag:s8] =	ssyncset.done $0x0  }
0x593: {  	s26 =	simm.s32 $0x1500;
	[sflag:s8] =	ssyncadd.s32 $0xFFFFC000  }
0x594: {  	[spmem:s2] =	stream.indirect.scatter.add.f32 [tilespmem:s0], [sflag:$0x4], $0x40, s26, s31, $0xb8;
	[tilespmem:$0x1E840] =	vst v63  }
0x595: {  	_ =	swait.ge [sflag:s10], $0x4000  }
0x596: {  	[sflag:s10] =	ssyncset.done $0x0  }
0x597: {  	s16 =	simm.s32 $0x200;
	[sflag:s10] =	ssyncadd.s32 $0xFFFFC000  }
0x598: {  	[tilespmem:s1], [sflag:$0x1] =	stream.indirect.gather [spmem:s3], $0x40, s16, s31, $0xb8;
	[tilespmem:$0x1E840] =	vst v63  }
0x599: {  	_ =	swait.ge [sflag:s12], $0x4000  }
0x59a: {  	[sflag:s12] =	ssyncset.done $0x0  }
0x59b: {  	s5 =	simm.s32 $0x300;
	[sflag:s12] =	ssyncadd.s32 $0xFFFFC000  }
0x59c: {  	[tilespmem:s0], [sflag:$0x2] =	stream.indirect.gather [spmem:s3], $0x40, s5, s31, $0xb8;
	[tilespmem:$0x1E840] =	vst v63  }
0x59d: {  	_ =	swait.ge [sflag:s6], $0x4000  }
0x59e: {  	[sflag:s6] =	ssyncset.done $0x0  }
0x59f: {  	s17 =	simm.s32 $0x1600;
	[sflag:s6] =	ssyncadd.s32 $0xFFFFC000  }
0x5a0: {  	[spmem:s2] =	stream.indirect.scatter.add.f32 [tilespmem:s1], [sflag:$0x3], $0x40, s17, s31, $0xb8;
	[tilespmem:$0x1E840] =	vst v63  }
0x5a1: {  	_ =	swait.ge [sflag:s8], $0x4000  }
0x5a2: {  	[sflag:s8] =	ssyncset.done $0x0  }
0x5a3: {  	s13 =	simm.s32 $0x1700;
	[sflag:s8] =	ssyncadd.s32 $0xFFFFC000  }
0x5a4: {  	[spmem:s2] =	stream.indirect.scatter.add.f32 [tilespmem:s0], [sflag:$0x4], $0x40, s13, s31, $0xb8;
	[tilespmem:$0x1E840] =	vst v63  }
0x5a5: {  	_ =	swait.ge [sflag:s10], $0x4000  }
0x5a6: {  	[sflag:s10] =	ssyncset.done $0x0  }
0x5a7: {  	s18 =	simm.s32 $0x400;
	[sflag:s10] =	ssyncadd.s32 $0xFFFFC000  }
0x5a8: {  	[tilespmem:s1], [sflag:$0x1] =	stream.indirect.gather [spmem:s3], $0x40, s18, s31, $0xb8;
	[tilespmem:$0x1E840] =	vst v63  }
0x5a9: {  	_ =	swait.ge [sflag:s12], $0x4000  }
0x5aa: {  	[sflag:s12] =	ssyncset.done $0x0  }
0x5ab: {  	s7 =	simm.s32 $0x500;
	[sflag:s12] =	ssyncadd.s32 $0xFFFFC000  }
0x5ac: {  	[tilespmem:s0], [sflag:$0x2] =	stream.indirect.gather [spmem:s3], $0x40, s7, s31, $0xb8;
	[tilespmem:$0x1E840] =	vst v63  }
0x5ad: {  	_ =	swait.ge [sflag:s6], $0x4000  }
0x5ae: {  	[sflag:s6] =	ssyncset.done $0x0  }
0x5af: {  	s18 =	simm.s32 $0x1800;
	[sflag:s6] =	ssyncadd.s32 $0xFFFFC000  }
0x5b0: {  	[spmem:s2] =	stream.indirect.scatter.add.f32 [tilespmem:s1], [sflag:$0x3], $0x40, s18, s31, $0xb8;
	[tilespmem:$0x1E840] =	vst v63  }
0x5b1: {  	_ =	swait.ge [sflag:s8], $0x4000  }
0x5b2: {  	[sflag:s8] =	ssyncset.done $0x0  }
0x5b3: {  	s11 =	simm.s32 $0x1900;
	[sflag:s8] =	ssyncadd.s32 $0xFFFFC000  }
0x5b4: {  	[spmem:s2] =	stream.indirect.scatter.add.f32 [tilespmem:s0], [sflag:$0x4], $0x40, s11, s31, $0xb8;
	[tilespmem:$0x1E840] =	vst v63  }
0x5b5: {  	_ =	swait.ge [sflag:s10], $0x4000  }
0x5b6: {  	[sflag:s10] =	ssyncset.done $0x0  }
0x5b7: {  	s19 =	simm.s32 $0x600;
	[sflag:s10] =	ssyncadd.s32 $0xFFFFC000  }
0x5b8: {  	[tilespmem:s1], [sflag:$0x1] =	stream.indirect.gather [spmem:s3], $0x40, s19, s31, $0xb8;
	[tilespmem:$0x1E840] =	vst v63  }
0x5b9: {  	_ =	swait.ge [sflag:s12], $0x4000  }
0x5ba: {  	[sflag:s12] =	ssyncset.done $0x0  }
0x5bb: {  	s20 =	simm.s32 $0x700;
	[sflag:s12] =	ssyncadd.s32 $0xFFFFC000  }
0x5bc: {  	[tilespmem:s0], [sflag:$0x2] =	stream.indirect.gather [spmem:s3], $0x40, s20, s31, $0xb8;
	[tilespmem:$0x1E840] =	vst v63  }
0x5bd: {  	_ =	swait.ge [sflag:s6], $0x4000  }
0x5be: {  	[sflag:s6] =	ssyncset.done $0x0  }
0x5bf: {  	s21 =	simm.s32 $0x1A00;
	[sflag:s6] =	ssyncadd.s32 $0xFFFFC000  }
0x5c0: {  	[spmem:s2] =	stream.indirect.scatter.add.f32 [tilespmem:s1], [sflag:$0x3], $0x40, s21, s31, $0xb8;
	[tilespmem:$0x1E840] =	vst v63  }
0x5c1: {  	_ =	swait.ge [sflag:s8], $0x4000  }
0x5c2: {  	[sflag:s8] =	ssyncset.done $0x0  }
0x5c3: {  	s22 =	simm.s32 $0x1B00;
	[sflag:s8] =	ssyncadd.s32 $0xFFFFC000  }
0x5c4: {  	[spmem:s2] =	stream.indirect.scatter.add.f32 [tilespmem:s0], [sflag:$0x4], $0x40, s22, s31, $0xb8;
	[tilespmem:$0x1E840] =	vst v63  }
0x5c5: {  	_ =	swait.ge [sflag:s10], $0x4000  }
0x5c6: {  	[sflag:s10] =	ssyncset.done $0x0  }
0x5c7: {  	s19 =	simm.s32 $0x800;
	[sflag:s10] =	ssyncadd.s32 $0xFFFFC000  }
0x5c8: {  	[tilespmem:s1], [sflag:$0x1] =	stream.indirect.gather [spmem:s3], $0x40, s19, s31, $0xb8;
	[tilespmem:$0x1E840] =	vst v63  }
0x5c9: {  	_ =	swait.ge [sflag:s12], $0x4000  }
0x5ca: {  	[sflag:s12] =	ssyncset.done $0x0  }
0x5cb: {  	s20 =	simm.s32 $0x900;
	[sflag:s12] =	ssyncadd.s32 $0xFFFFC000  }
0x5cc: {  	[tilespmem:s0], [sflag:$0x2] =	stream.indirect.gather [spmem:s3], $0x40, s20, s31, $0xb8;
	[tilespmem:$0x1E840] =	vst v63  }
0x5cd: {  	_ =	swait.ge [sflag:s6], $0x4000  }
0x5ce: {  	[sflag:s6] =	ssyncset.done $0x0  }
0x5cf: {  	s21 =	simm.s32 $0x1C00;
	[sflag:s6] =	ssyncadd.s32 $0xFFFFC000  }
0x5d0: {  	[spmem:s2] =	stream.indirect.scatter.add.f32 [tilespmem:s1], [sflag:$0x3], $0x40, s21, s31, $0xb8;
	[tilespmem:$0x1E840] =	vst v63  }
0x5d1: {  	_ =	swait.ge [sflag:s8], $0x4000  }
0x5d2: {  	[sflag:s8] =	ssyncset.done $0x0  }
0x5d3: {  	s22 =	simm.s32 $0x1D00;
	[sflag:s8] =	ssyncadd.s32 $0xFFFFC000  }
0x5d4: {  	[spmem:s2] =	stream.indirect.scatter.add.f32 [tilespmem:s0], [sflag:$0x4], $0x40, s22, s31, $0xb8;
	[tilespmem:$0x1E840] =	vst v63  }
0x5d5: {  	_ =	swait.ge [sflag:s10], $0x4000  }
0x5d6: {  	[sflag:s10] =	ssyncset.done $0x0  }
0x5d7: {  	s26 =	simm.s32 $0xA00;
	[sflag:s10] =	ssyncadd.s32 $0xFFFFC000  }
0x5d8: {  	[tilespmem:s1], [sflag:$0x1] =	stream.indirect.gather [spmem:s3], $0x40, s26, s31, $0xb8;
	[tilespmem:$0x1E840] =	vst v63  }
0x5d9: {  	_ =	swait.ge [sflag:s12], $0x4000  }
0x5da: {  	[sflag:s12] =	ssyncset.done $0x0  }
0x5db: {  	s11 =	simm.s32 $0xB00;
	[sflag:s12] =	ssyncadd.s32 $0xFFFFC000  }
0x5dc: {  	[tilespmem:s0], [sflag:$0x2] =	stream.indirect.gather [spmem:s3], $0x40, s11, s31, $0xb8;
	[tilespmem:$0x1E840] =	vst v63  }
0x5dd: {  	_ =	swait.ge [sflag:s6], $0x4000  }
0x5de: {  	[sflag:s6] =	ssyncset.done $0x0  }
0x5df: {  	s13 =	simm.s32 $0x1E00;
	[sflag:s6] =	ssyncadd.s32 $0xFFFFC000  }
0x5e0: {  	[spmem:s2] =	stream.indirect.scatter.add.f32 [tilespmem:s1], [sflag:$0x3], $0x40, s13, s31, $0xb8;
	[tilespmem:$0x1E840] =	vst v63  }
0x5e1: {  	_ =	swait.ge [sflag:s8], $0x4000  }
0x5e2: {  	[sflag:s8] =	ssyncset.done $0x0  }
0x5e3: {  	s15 =	simm.s32 $0x1F00;
	[sflag:s8] =	ssyncadd.s32 $0xFFFFC000  }
0x5e4: {  	[spmem:s2] =	stream.indirect.scatter.add.f32 [tilespmem:s0], [sflag:$0x4], $0x40, s15, s31, $0xb8;
	[tilespmem:$0x1E840] =	vst v63  }
0x5e5: {  	_ =	swait.ge [sflag:s10], $0x4000  }
0x5e6: {  	[sflag:s10] =	ssyncset.done $0x0  }
0x5e7: {  	s16 =	simm.s32 $0xC00;
	[sflag:s10] =	ssyncadd.s32 $0xFFFFC000  }
0x5e8: {  	[tilespmem:s1], [sflag:$0x1] =	stream.indirect.gather [spmem:s3], $0x40, s16, s31, $0xb8;
	[tilespmem:$0x1E840] =	vst v63  }
0x5e9: {  	_ =	swait.ge [sflag:s12], $0x4000  }
0x5ea: {  	[sflag:s12] =	ssyncset.done $0x0  }
0x5eb: {  	s17 =	simm.s32 $0xD00;
	[sflag:s12] =	ssyncadd.s32 $0xFFFFC000  }
0x5ec: {  	[tilespmem:s0], [sflag:$0x2] =	stream.indirect.gather [spmem:s3], $0x40, s17, s31, $0xb8;
	[tilespmem:$0x1E840] =	vst v63  }
0x5ed: {  	_ =	swait.ge [sflag:s6], $0x4000  }
0x5ee: {  	[sflag:s6] =	ssyncset.done $0x0  }
0x5ef: {  	s18 =	simm.s32 $0x2000;
	[sflag:s6] =	ssyncadd.s32 $0xFFFFC000  }
0x5f0: {  	[spmem:s2] =	stream.indirect.scatter.add.f32 [tilespmem:s1], [sflag:$0x3], $0x40, s18, s31, $0xb8;
	[tilespmem:$0x1E840] =	vst v63  }
0x5f1: {  	_ =	swait.ge [sflag:s8], $0x4000  }
0x5f2: {  	[sflag:s8] =	ssyncset.done $0x0  }
0x5f3: {  	s19 =	simm.s32 $0x2100;
	[sflag:s8] =	ssyncadd.s32 $0xFFFFC000  }
0x5f4: {  	[spmem:s2] =	stream.indirect.scatter.add.f32 [tilespmem:s0], [sflag:$0x4], $0x40, s19, s31, $0xb8;
	[tilespmem:$0x1E840] =	vst v63  }
0x5f5: {  	_ =	swait.ge [sflag:s10], $0x4000  }
0x5f6: {  	[sflag:s10] =	ssyncset.done $0x0  }
0x5f7: {  	s20 =	simm.s32 $0xE00;
	[sflag:s10] =	ssyncadd.s32 $0xFFFFC000  }
0x5f8: {  	[tilespmem:s1], [sflag:$0x1] =	stream.indirect.gather [spmem:s3], $0x40, s20, s31, $0xb8;
	[tilespmem:$0x1E840] =	vst v63  }
0x5f9: {  	_ =	swait.ge [sflag:s12], $0x4000  }
0x5fa: {  	[sflag:s12] =	ssyncset.done $0x0  }
0x5fb: {  	s21 =	simm.s32 $0xF00;
	[sflag:s12] =	ssyncadd.s32 $0xFFFFC000  }
0x5fc: {  	[tilespmem:s0], [sflag:$0x2] =	stream.indirect.gather [spmem:s3], $0x40, s21, s31, $0xb8;
	[tilespmem:$0x1E840] =	vst v63  }
0x5fd: {  	_ =	swait.ge [sflag:s6], $0x4000  }
0x5fe: {  	[sflag:s6] =	ssyncset.done $0x0  }
0x5ff: {  	s22 =	simm.s32 $0x2200;
	[sflag:s6] =	ssyncadd.s32 $0xFFFFC000  }
0x600: {  	[spmem:s2] =	stream.indirect.scatter.add.f32 [tilespmem:s1], [sflag:$0x3], $0x40, s22, s31, $0xb8;
	[tilespmem:$0x1E840] =	vst v63  }
0x601: {  	_ =	swait.ge [sflag:s8], $0x4000  }
0x602: {  	[sflag:s8] =	ssyncset.done $0x0  }
0x603: {  	s26 =	simm.s32 $0x2300;
	[sflag:s8] =	ssyncadd.s32 $0xFFFFC000  }
0x604: {  	[spmem:s2] =	stream.indirect.scatter.add.f32 [tilespmem:s0], [sflag:$0x4], $0x40, s26, s31, $0xb8;
	[tilespmem:$0x1E840] =	vst v63  }
0x605: {  	_ =	swait.ge [sflag:s10], $0x4000  }
0x606: {  	[sflag:s10] =	ssyncset.done $0x0  }
0x607: {  	s11 =	simm.s32 $0x1000;
	[sflag:s10] =	ssyncadd.s32 $0xFFFFC000  }
0x608: {  	[tilespmem:s1], [sflag:$0x1] =	stream.indirect.gather [spmem:s3], $0x40, s11, s31, $0xb8;
	[tilespmem:$0x1E840] =	vst v63  }
0x609: {  	_ =	swait.ge [sflag:s12], $0x4000  }
0x60a: {  	[sflag:s12] =	ssyncset.done $0x0  }
0x60b: {  	s13 =	simm.s32 $0x1100;
	[sflag:s12] =	ssyncadd.s32 $0xFFFFC000  }
0x60c: {  	[tilespmem:s0], [sflag:$0x2] =	stream.indirect.gather [spmem:s3], $0x40, s13, s31, $0xb8;
	[tilespmem:$0x1E840] =	vst v63  }
0x60d: {  	_ =	swait.ge [sflag:s6], $0x4000  }
0x60e: {  	[sflag:s6] =	ssyncset.done $0x0  }
0x60f: {  	s15 =	simm.s32 $0x2400;
	[sflag:s6] =	ssyncadd.s32 $0xFFFFC000  }
0x610: {  	[spmem:s2] =	stream.indirect.scatter.add.f32 [tilespmem:s1], [sflag:$0x3], $0x40, s15, s31, $0xb8;
	[tilespmem:$0x1E840] =	vst v63  }
0x611: {  	_ =	swait.ge [sflag:s8], $0x4000  }
0x612: {  	[sflag:s8] =	ssyncset.done $0x0  }
0x613: {  	s16 =	simm.s32 $0x2500;
	[sflag:s8] =	ssyncadd.s32 $0xFFFFC000  }
0x614: {  	[spmem:s2] =	stream.indirect.scatter.add.f32 [tilespmem:s0], [sflag:$0x4], $0x40, s16, s31, $0xb8;
	[tilespmem:$0x1E840] =	vst v63  }
0x615: {  	_ =	swait.ge [sflag:s10], $0x4000  }
0x616: {  	[sflag:s10] =	ssyncset.done $0x0  }
0x617: {  	s17 =	simm.s32 $0x1200;
	[sflag:s10] =	ssyncadd.s32 $0xFFFFC000  }
0x618: {  	[tilespmem:s1], [sflag:$0x1] =	stream.indirect.gather [spmem:s3], $0x40, s17, s31, $0xb8;
	[tilespmem:$0x1E840] =	vst v63  }
0x619: {  	_ =	swait.ge [sflag:s12], $0x4000  }
0x61a: {  	[sflag:s12] =	ssyncset.done $0x0  }
0x61b: {  	s18 =	simm.s32 $0x1300;
	[sflag:s12] =	ssyncadd.s32 $0xFFFFC000  }
0x61c: {  	[tilespmem:s0], [sflag:$0x2] =	stream.indirect.gather [spmem:s3], $0x40, s18, s31, $0xb8;
	[tilespmem:$0x1E840] =	vst v63  }
0x61d: {  	_ =	swait.ge [sflag:s6], $0x4000  }
0x61e: {  	[sflag:s6] =	ssyncset.done $0x0  }
0x61f: {  	s19 =	simm.s32 $0x2600;
	[sflag:s6] =	ssyncadd.s32 $0xFFFFC000  }
0x620: {  	[spmem:s2] =	stream.indirect.scatter.add.f32 [tilespmem:s1], [sflag:$0x8], $0x40, s19, s31, $0xb8;
	[tilespmem:$0x1E840] =	vst v63  }
0x621: {  	_ =	swait.ge [sflag:s9], $0x4000  }
0x622: {  	[sflag:s9] =	ssyncset.done $0x0  }
0x623: {  	[sflag:s9] =	ssyncadd.s32 $0xFFFFC000  }
0x624: {  	_ =	swait.ge [sflag:s8], $0x4000  }
0x625: {  	[sflag:s8] =	ssyncset.done $0x0  }
0x626: {  	s20 =	simm.s32 $0x2700;
	[sflag:s8] =	ssyncadd.s32 $0xFFFFC000  }
0x627: {  	[spmem:s2] =	stream.indirect.scatter.add.f32 [tilespmem:s0], [sflag:$0x8], $0x40, s20, s31, $0xb8;
	[tilespmem:$0x1E840] =	vst v63  }
0x628: {  	_ =	swait.ge [sflag:s9], $0x4000  }
0x629: {  	[sflag:s9] =	ssyncset.done $0x0  }
0x62a: {  	[sflag:s9] =	ssyncadd.s32 $0xFFFFC000  }
0x62b: {  	[bflag:$0x0] =	sbarrier.arrive $0xFFFF  }
0x62c: {  	s21 =	rddreg [dreg:$0x13]  }
0x62d: {  	[hbm:s21], [sflag:s14] =	dma.local [spmem:s25], $0x1400  }
0x62e: {  	_ =	swait.ge [sflag:s29], $0x1400  }
0x62f: {  	s22 =	rddreg [dreg:$0x15]  }
0x630: {  	s26 =	rddreg [dreg:$0x14];
	s11 =	sadd.s32 $0x1, s22  }
0x631: {  	p0 =	sne.s32 s11, s26  }
.Ltmp1:
0x632: {  	_ = 	snop;
	(pc) =	sbr.rel @p0 .LBB2_1-.Ltmp1, $4  }
0x633: {  	[sflag:s29] =	ssyncset.done $0x0  }
0x634: {  	[sflag:s29] =	ssyncadd.s32 $0xFFFFEC00  }
0x635: {  	[bflag:$0x0] =	sbarrier.arrive $0xFFFF  }
0x636: {  	s7 =	simm.s32 $0x1400  }
0x637: {  	_ =	sfence.sel $0x180000  }
0x638: {  	[bflag:$0x0] =	sbarrier.arrive $0xFFFF  }
0x639: {  	_ =	strace $0x9000004A  }
0x63a: {  	s0 =	stileid.u32;
	[bflag:$0x2] =	sbarrier.arrive $0xFFFF  }
0x63b: {  	p0 =	sne.s32 s0, $0x0;
	s0 =	rddreg [dreg:$0x3]  }
0x63c: {  	s0 =	sadd.s32 @!p0 $0x100000, s0  }
0x63d: {  	[sflag:s0] =	ssyncadd.tile.s32 @!p0 $0x1;
	_ =	shalt  }
.Lfunc_end2:
_tile_overlayer_lowered:
.L_overlay_start_2:
0x63e: {  	(tag) =	ssettag $0x2  }
0x63f: {  	s0 =	rddreg [dreg:$0x0];
	s2 =	stileid.u32  }
0x640: {  	s1 =	rddreg [dreg:$0x1];
	p0 =	sne.s32 s2, $0x0  }
0x641: {  	s3 =	rddreg [dreg:$0x2];
	[bflag:$0x3] =	sbarrier.arrive $0xFFFF;
	s2 =	simm.s32 @!p0 $0x1C08  }
0x642: {  	[timem:s3], [sflag:s2] =	dma.local @!p0 [hbm:s0], s1  }
0x643: {  	s0 =	simm.s32 @!p0 $0x8  }
0x644: {  	_ =	swait.ge @!p0 [sflag:s0], s1  }
0x645: {  	s1 =	ssub.s32 @!p0 $0x0, s1;
	[sflag:s0] =	ssyncset.done @!p0 $0x0  }
0x646: {  	[sflag:s0] =	ssyncadd.s32 @!p0 s1  }
0x647: {  	[bflag:$0x3] =	sbarrier.arrive $0xFFFF  }
0x648: {  	_ =	shalt  }

// kernel: kernel.9.cloned.1.call-start
scs
__scs_entry_jumppad:
0x0: {  	(pc) =	sbr.rel $0x88, $3  }
0x1: {  	(tag) =	ssettag $0x0;
	lr =	simm.s32 $0x1  }
0x2: {  	[smem:$0x3F8A] =	sst lr;
	_ =	strace $0xD0000000  }
0x3: {  	_ = 	snop  }
0x4: {  	_ = 	snop  }
0x5: {  	_ = 	snop  }
0x6: {  	_ = 	snop  }
0x7: {  	_ = 	snop  }
__scs_overlays_trampoline_lowered:
0x8: {  	[smem:$0x3F99] =	sst s0  }
0x9: {  	[smem:$0x3F9A] =	sst s1  }
0xa: {  	[smem:$0x3F9B] =	sst s2  }
0xb: {  	[smem:$0x3F9C] =	sst s3  }
0xc: {  	[smem:$0x3F9D] =	sst s4  }
0xd: {  	[smem:$0x3F9E] =	sst s5  }
0xe: {  	[smem:$0x3F9F] =	sst s6  }
0xf: {  	[smem:$0x3FA0] =	sst s7  }
0x10: {  	[smem:$0x3FA1] =	sst s8  }
0x11: {  	[smem:$0x3FA2] =	sst s9;
	s0 =	simm.s32 @!p0 $0x0  }
0x12: {  	s1 =	sld [smem:$0x3F88];
	s0 =	simm.s32 @p0 $0x1  }
0x13: {  	[smem:$0x3FA3] =	sst s0;
	s0 =	simm.s32 @!p1 $0x0  }
0x14: {  	s2 =	sld [smem:$0x3F87];
	s0 =	simm.s32 @p1 $0x1  }
0x15: {  	[smem:$0x3FA4] =	sst s0;
	s0 =	simm.s32 @!p2 $0x0  }
0x16: {  	s3 =	sld [smem:$0x3FDB];
	s0 =	simm.s32 @p2 $0x1  }
0x17: {  	s4 =	simm.s32 $0x1BF5;
	[smem:$0x3FA6] =	sst s0  }
0x18: {  	s0 =	sld [smem:$0x3F89];
	_ =	swait.ge [sflag:s4], $0x0  }
0x19: {  	s7 =	sld [smem:$0x3F8A]  }
0x1a: {  	s8 =	sadd.s32 $0xFFFFE003, lr  }
0x1b: {  	s9 =	sadd.s32 $0xFFFFFEF7, lr;
	s5 =	simm.s32 $0xFFFFFFFF;
	p2 =	slt.u32 s8, $0xFFFFF086  }
0x1c: {  	p1 =	slt.u32 s9, $0xF7A;
	s5 =	simm.s32 @!p2 $0x0  }
0x1d: {  	s5 =	simm.s32 @p1 $0x1;
	p0 =	seq.s32 s7, s2  }
0x1e: {  	s7 =	smul.u32 @!p0 $0xF7A, s2;
	p2 =	seq.s32 @!p0 s5, $0x0  }
0x1f: {  	s9 =	smul.u32 $0xF7A, s1;
	s8 =	simm.s32 @!p0 $0x1BF5;
	p2 =	por !p2, p0  }
0x20: {  	[sflag:s8] =	ssyncset.s32 @!p0 $0xFFFFF086;
	s6 =	sadd.s32 @!p0 s3, s7;
	s7 =	simm.s32 @!p0 $0x108  }
0x21: {  	s3 =	sadd.s32 s3, s9;
	s6 =	sadd.s32 @!p0 $0x88, s6;
	s7 =	simm.s32 @p2 $0x1082  }
0x22: {  	[simem:s7], [sflag:s8] =	dma.local @!p0 [hbm:s6], $0xF7A  }
0x23: {  	s9 =	sor.u32 $0xD0000000, s2;
	s6 =	simm.s32 $0x108;
	_ =	swait.ge @!p0 [sflag:s8], $0x0  }
0x24: {  	s3 =	sadd.s32 $0x88, s3;
	s6 =	simm.s32 @!p1 $0x1082;
	[sflag:s4] =	ssyncset.s32 $0xFFFFF086  }
0x25: {  	[simem:s6], [sflag:s4] =	dma.local [hbm:s3], $0xF7A  }
0x26: {  	[smem:$0x3F8A] =	sst s1;
	(tag) =	ssettag s2;
	_ =	strace s9  }
0x27: {  	s1 =	sld [smem:$0x3F9A]  }
0x28: {  	s2 =	sld [smem:$0x3F9B]  }
0x29: {  	s4 =	sld [smem:$0x3F9D]  }
0x2a: {  	p0 =	seq.s32 s5, $0x0;
	s5 =	sld [smem:$0x3F9E]  }
0x2b: {  	s6 =	sld [smem:$0x3F9F]  }
0x2c: {  	s7 =	sld [smem:$0x3FA0]  }
0x2d: {  	s3 =	simm.s32 $0x108;
	s8 =	sld [smem:$0x3FA1]  }
0x2e: {  	s3 =	simm.s32 @!p0 $0x1082;
	s9 =	sld [smem:$0x3FA2]  }
0x2f: {  	lr =	sadd.s32 s0, s3;
	s0 =	sld [smem:$0x3F99]  }
0x30: {  	s3 =	sld [smem:$0x3F9C]  }
0x31: {  	[smem:$0x3FA5] =	sst s10  }
0x32: {  	s10 =	sld [smem:$0x3FA3];
	_ =	sdelay $0x3  }
0x33: {  	p0 =	seq.s32 s10, $0x1;
	s10 =	sld [smem:$0x3FA5];
	_ =	sdelay $0x3  }
0x34: {  	[smem:$0x3FA5] =	sst s10  }
0x35: {  	s10 =	sld [smem:$0x3FA4];
	_ =	sdelay $0x3  }
0x36: {  	p1 =	seq.s32 s10, $0x1;
	s10 =	sld [smem:$0x3FA5];
	_ =	sdelay $0x3  }
0x37: {  	[smem:$0x3FA5] =	sst s10  }
0x38: {  	s10 =	sld [smem:$0x3FA6]  }
0x39: {  	_ = 	snop;
	(pc) =	sbr.ind lr, $3  }
0x3a: {  	_ = 	snop  }
0x3b: {  	_ = 	snop  }
0x3c: {  	p2 =	seq.s32 s10, $0x1;
	s10 =	sld [smem:$0x3FA5]  }
0x3d: {  	_ =	shalt  }
0x3e: {  	_ =	shalt  }
0x3f: {  	_ =	shalt  }
0x40: {  	_ =	shalt  }
0x41: {  	_ =	shalt  }
0x42: {  	_ =	shalt  }
0x43: {  	_ =	shalt  }
0x44: {  	_ =	shalt  }
0x45: {  	_ =	shalt  }
0x46: {  	_ =	shalt  }
0x47: {  	_ =	shalt  }
0x48: {  	_ =	shalt  }
0x49: {  	_ =	shalt  }
0x4a: {  	_ =	shalt  }
0x4b: {  	_ =	shalt  }
0x4c: {  	_ =	shalt  }
0x4d: {  	_ =	shalt  }
0x4e: {  	_ =	shalt  }
0x4f: {  	_ =	shalt  }
0x50: {  	_ =	shalt  }
0x51: {  	_ =	shalt  }
0x52: {  	_ =	shalt  }
0x53: {  	_ =	shalt  }
0x54: {  	_ =	shalt  }
0x55: {  	_ =	shalt  }
0x56: {  	_ =	shalt  }
0x57: {  	_ =	shalt  }
0x58: {  	_ =	shalt  }
0x59: {  	_ =	shalt  }
0x5a: {  	_ =	shalt  }
0x5b: {  	_ =	shalt  }
0x5c: {  	_ =	shalt  }
0x5d: {  	_ =	shalt  }
0x5e: {  	_ =	shalt  }
0x5f: {  	_ =	shalt  }
0x60: {  	_ =	shalt  }
0x61: {  	_ =	shalt  }
0x62: {  	_ =	shalt  }
0x63: {  	_ =	shalt  }
0x64: {  	_ =	shalt  }
0x65: {  	_ =	shalt  }
0x66: {  	_ =	shalt  }
0x67: {  	_ =	shalt  }
0x68: {  	_ =	shalt  }
0x69: {  	_ =	shalt  }
0x6a: {  	_ =	shalt  }
0x6b: {  	_ =	shalt  }
0x6c: {  	_ =	shalt  }
0x6d: {  	_ =	shalt  }
0x6e: {  	_ =	shalt  }
0x6f: {  	_ =	shalt  }
0x70: {  	_ =	shalt  }
0x71: {  	_ =	shalt  }
0x72: {  	_ =	shalt  }
0x73: {  	_ =	shalt  }
0x74: {  	_ =	shalt  }
0x75: {  	_ =	shalt  }
0x76: {  	_ =	shalt  }
0x77: {  	_ =	shalt  }
0x78: {  	_ =	shalt  }
0x79: {  	_ =	shalt  }
0x7a: {  	_ =	shalt  }
0x7b: {  	_ =	shalt  }
0x7c: {  	_ =	shalt  }
0x7d: {  	_ =	shalt  }
0x7e: {  	_ =	shalt  }
0x7f: {  	_ =	shalt  }
0x80: {  	_ =	shalt  }
0x81: {  	_ =	shalt  }
0x82: {  	_ =	shalt  }
0x83: {  	_ =	shalt  }
0x84: {  	_ =	shalt  }
0x85: {  	_ =	shalt  }
0x86: {  	_ =	shalt  }
0x87: {  	_ =	shalt  }
.Lfunc_end0:
.L_simem_size_0:
called_computation_lowered:
.L_overlay_start_0:
0x88: {  	s2 =	sld [smem:$0x3FD9]  }
0x89: {  	s3 =	sld [smem:$0x3FFE];
	_ =	sdelay $0x1  }
0x8a: {  	s1 =	srdreg.scid  }
0x8b: {  	s0 =	sand.u32 $0x1, s1  }
0x8c: {  	s17 =	sshll.u32 s0, $0xA;
	s2 =	sadd.s32 s3, s2  }
0x8d: {  	s2 =	sadd.s32 s2, s17  }
0x8e: {  	[smem:$0x3FB1] =	sst s2  }
0x8f: {  	_ = 	snop  }
0x90: {  	s2 =	sld [smem:$0x3FD0];
	(tm) =	ssettm $0x1  }
0x91: {  	s18 =	sld [smem:$0x3FFB];
	_ =	sdelay $0x3  }
0x92: {  	_ =	strace s18  }
0x93: {  	s3 =	sld [smem:$0x3FFC];
	_ =	sdelay $0x3  }
0x94: {  	_ =	strace s3  }
0x95: {  	s3 =	sld [smem:$0x3FFD];
	_ =	sdelay $0x3  }
0x96: {  	_ =	strace s3  }
0x97: {  	_ =	strace $0x8FFFFFFF  }
0x98: {  	s19 =	sld [smem:$0x3FDB];
	_ =	sdelay $0x1  }
0x99: {  	s4 =	simm.s32 $_scs_section_size  }
0x9a: {  	s5 =	simm.s32 $_size__tile_overlayer_lowered;
	s6 =	simm.s32 $_tile_overlayer_lowered  }
0x9b: {  	s22 =	simm.s32 $0x1BFF;
	s21 =	sshll.u32 s6, $0x1;
	s3 =	sadd.s32 s4, s19  }
0x9c: {  	s7 =	simm.s32 $0x0;
	s20 =	sshll.u32 s5, $0x1;
	s5 =	sadd.s32 s21, s3  }
0x9d: {  	[timem:s7], [sflag:s22] =	dma.local [hbm:s5], s20  }
0x9e: {  	_ =	swait.ge [sflag:s22], s20  }
0x9f: {  	s4 =	ssub.s32 $0x0, s20;
	[sflag:s22] =	ssyncset.done $0x0  }
0xa0: {  	[sflag:s22] =	ssyncadd.s32 s4;
	_ =	sdelay $0x1  }
0xa1: {  	s23 =	simm.s32 $0x1B8B  }
0xa2: {  	_ =	swait.ge [sflag:s23], $0x1  }
0xa3: {  	[sflag:s23] =	ssyncset.done $0x0  }
0xa4: {  	s25 =	simm.s32 $0x1B8E;
	s24 =	sld [smem:$0x3FFE];
	[sflag:s23] =	ssyncadd.s32 $0xFFFFFFFF  }
0xa5: {  	s26 =	simm.s32 $execute0_lowered;
	[smem:$0x3FD2] =	sst s25  }
0xa6: {  	s5 =	sshll.u32 s26, $0x1;
	_ =	strace $0x80000046;
	[dreg:$0x1] =	wrdreg $0xFFFFFFFF  }
0xa7: {  	s28 =	simm.s32 $_size_execute0_lowered;
	s3 =	sadd.s32 s3, s5;
	[dreg:$0x0] =	wrdreg $0x0  }
0xa8: {  	s5 =	sshll.u32 s28, $0x1;
	[dreg:$0x2] =	wrdreg s3  }
0xa9: {  	[dreg:$0x3] =	wrdreg s5  }
0xaa: {  	[dreg:$0x4] =	wrdreg $0xC0  }
0xab: {  	_ =	task [dreg:s7], $0x5FFFF  }
0xac: {  	[dreg:$0x1] =	wrdreg $0xFFFFFFFF  }
0xad: {  	[dreg:$0x0] =	wrdreg $0x60  }
0xae: {  	[dreg:$0x2] =	wrdreg s2  }
0xaf: {  	[dreg:$0x3] =	wrdreg s24  }
0xb0: {  	[dreg:$0x4] =	wrdreg $0xA800  }
0xb1: {  	[dreg:$0x5] =	wrdreg $0x9  }
0xb2: {  	_ =	task.clear_ibuf [dreg:s7], $0x6FFFF;
	_ =	strace $0x90000046  }
0xb3: {  	s29 =	simm.s32 $0x9;
	_ =	strace $0x80000048  }
0xb4: {  	_ =	swait.ge [sflag:s29], $0x1  }
0xb5: {  	[sflag:s29] =	ssyncadd.s32 $0xFFFFFFFF  }
0xb6: {  	_ =	strace $0x90000048  }
0xb7: {  	_ =	sfence  }
0xb8: {  	s30 =	sld [smem:$0x0];
	_ =	sdelay $0x2  }
0xb9: {  	s31 =	sshll.u32 s1, $0xD;
	s1 =	sshrl.u32 s1, $0x2  }
0xba: {  	s3 =	sand.u32 $0x4000, s31;
	s1 =	sadd.s32 s1, s30  }
0xbb: {  	s0 =	sor.u32 s3, s0;
	s1 =	sshll.u32 s1, $0x11  }
0xbc: {  	s0 =	sor.u32 s1, s0  }
0xbd: {  	s0 =	sadd.s32 $0x8F2B, s0  }
0xbe: {  	[sflag:s0] =	ssyncadd.remote.s32 $0x1  }
0xbf: {  	_ =	sfence.sel $0xFFFF  }
0xc0: {  	[dreg:$0x0] =	wrdreg $0xFFFFFFFF;
	(pc) =	sbr.abs _section_cstart, $3  }
0xc1: {  	[dreg:$0x1] =	wrdreg $0xFFFFFFFF  }
0xc2: {  	_ =	task.clear_ibuf [dreg:s7], $0x2FFFF;
	_ =	strace $0x9FFFFFFF  }
0xc3: {  	(tm) =	ssettm $0x7FFFFFFF  }
tec
execute0_lowered:
.L_overlay_start_1:
0x0: {  	(tag) =	ssettag $0x1  }
0x1: {  	s14 =	rddreg [dreg:$0x0]  }
0x2: {  	s16 =	rddreg [dreg:$0x1]  }
0x3: {  	s1 =	rddreg [dreg:$0x2]  }
0x4: {  	s0 =	rddreg [dreg:$0x3];
	s3 =	simm.s32 $0x0  }
0x5: {  	s2 =	stileid.u32;
	s6 =	simm.s32 $0x800;
	[smem:$0x7FF] =	sst s3  }
0x6: {  	s5 =	simm.s32 $0x1;
	s4 =	sadd.s32 $0x4C00, s16;
	_ =	strace $0x80000047  }
0x7: {  	[tilespmem:s6], [sflag:$0x1] =	stream.linear.gather [hbm4b:s4+s3], $0x280, $0x38;
	[tilespmem:$0xD00] =	vst v63  }
0x8: {  	s17 =	smul.u32 $0x280, s2;
	_ =	swait.ge [sflag:s5], $0x280  }
0x9: {  	[sflag:s5] =	ssyncset.done $0x0  }
0xa: {  	s8 =	srdreg.scid;
	s7 =	sadd.s32 s17, s1;
	[sflag:s5] =	ssyncadd.s32 $0xFFFFFD80  }
0xb: {  	[spmem:s7] =	stream.linear.scatter [tilespmem:s6], [sflag:$0x1], $0x280, $0x38;
	[tilespmem:$0xD00] =	vst v63  }
0xc: {  	s18 =	sand.u32 $0x1, s8;
	_ =	swait.ge [sflag:s5], $0x280  }
0xd: {  	s9 =	sshll.u32 s18, $0x4;
	[sflag:s5] =	ssyncset.done $0x0  }
0xe: {  	s8 =	sadd.s32 $0x4E00, s16;
	s9 =	sor.u32 s2, s9;
	[sflag:s5] =	ssyncadd.s32 $0xFFFFFD80  }
0xf: {  	[tilespmem:s3], [sflag:$0x1] =	stream.linear.gather [hbm4b:s8+s3], $0x400, $0x38;
	[tilespmem:$0xD00] =	vst v63  }
0x10: {  	s15 =	smul.u32 $0x1388, s9;
	_ =	swait.ge [sflag:s5], $0x400  }
0x11: {  	[sflag:s5] =	ssyncset.done $0x0  }
0x12: {  	s9 =	sshrl.u32 s15, $0x3;
	[sflag:s5] =	ssyncadd.s32 $0xFFFFFC00  }
0x13: {  	s10 =	simm.s32 $0x400;
	s9 =	sadd.s32 s14, s9;
	[bflag:$0x0] =	sbarrier.arrive $0xFFFF  }
0x14: {  	[tilespmem:s10], [sflag:$0x1] =	stream.linear.gather [hbm4b:s9+s3], $0x3E8, $0x38;
	[tilespmem:$0xD00] =	vst v63  }
0x15: {  	_ =	swait.ge [sflag:s5], $0x3E8  }
0x16: {  	[sflag:s5] =	ssyncset.done $0x0  }
0x17: {  	s11 =	simm.s32 $0x3E8;
	[sflag:s5] =	ssyncadd.s32 $0xFFFFFC18  }
0x18: {  	[spmem:s1] =	stream.indirect.scatter.add.f32 [tilespmem:s3], [sflag:$0x1], $0x1, s10, s11, $0xb8;
	[tilespmem:$0xD00] =	vst v63  }
0x19: {  	s12 =	sadd.s32 $0x3E8, s15;
	_ =	swait.ge [sflag:s5], $0x3E8  }
0x1a: {  	s12 =	sshrl.u32 s12, $0x3;
	[sflag:s5] =	ssyncset.done $0x0  }
0x1b: {  	s12 =	sadd.s32 s14, s12;
	[sflag:s5] =	ssyncadd.s32 $0xFFFFFC18  }
0x1c: {  	[tilespmem:s10], [sflag:$0x1] =	stream.linear.gather [hbm4b:s12+s3], $0x3E8, $0x38;
	[tilespmem:$0xD00] =	vst v63  }
0x1d: {  	_ =	swait.ge [sflag:s5], $0x3E8  }
0x1e: {  	[sflag:s5] =	ssyncset.done $0x0  }
0x1f: {  	[sflag:s5] =	ssyncadd.s32 $0xFFFFFC18  }
0x20: {  	[spmem:s1] =	stream.indirect.scatter.add.f32 [tilespmem:s3], [sflag:$0x1], $0x1, s10, s11, $0xb8;
	[tilespmem:$0xD00] =	vst v63  }
0x21: {  	_ =	swait.ge [sflag:s5], $0x3E8  }
0x22: {  	[sflag:s5] =	ssyncset.done $0x0  }
0x23: {  	s13 =	sadd.s32 $0xFA, s9;
	[sflag:s5] =	ssyncadd.s32 $0xFFFFFC18  }
0x24: {  	[tilespmem:s10], [sflag:$0x1] =	stream.linear.gather [hbm4b:s13+s3], $0x3E8, $0x38;
	[tilespmem:$0xD00] =	vst v63  }
0x25: {  	_ =	swait.ge [sflag:s5], $0x3E8  }
0x26: {  	[sflag:s5] =	ssyncset.done $0x0  }
0x27: {  	[sflag:s5] =	ssyncadd.s32 $0xFFFFFC18  }
0x28: {  	[spmem:s1] =	stream.indirect.scatter.add.f32 [tilespmem:s3], [sflag:$0x1], $0x1, s10, s11, $0xb8;
	[tilespmem:$0xD00] =	vst v63  }
0x29: {  	s15 =	sadd.s32 $0xBB8, s15;
	_ =	swait.ge [sflag:s5], $0x3E8  }
0x2a: {  	s15 =	sshrl.u32 s15, $0x3;
	[sflag:s5] =	ssyncset.done $0x0  }
0x2b: {  	s14 =	sadd.s32 s14, s15;
	[sflag:s5] =	ssyncadd.s32 $0xFFFFFC18  }
0x2c: {  	[tilespmem:s10], [sflag:$0x1] =	stream.linear.gather [hbm4b:s14+s3], $0x3E8, $0x38;
	[tilespmem:$0xD00] =	vst v63  }
0x2d: {  	_ =	swait.ge [sflag:s5], $0x3E8  }
0x2e: {  	[sflag:s5] =	ssyncset.done $0x0  }
0x2f: {  	[sflag:s5] =	ssyncadd.s32 $0xFFFFFC18  }
0x30: {  	[spmem:s1] =	stream.indirect.scatter.add.f32 [tilespmem:s3], [sflag:$0x1], $0x1, s10, s11, $0xb8;
	[tilespmem:$0xD00] =	vst v63  }
0x31: {  	_ =	swait.ge [sflag:s5], $0x3E8  }
0x32: {  	[sflag:s5] =	ssyncset.done $0x0  }
0x33: {  	s15 =	sadd.s32 $0x1F4, s9;
	[sflag:s5] =	ssyncadd.s32 $0xFFFFFC18  }
0x34: {  	[tilespmem:s10], [sflag:$0x1] =	stream.linear.gather [hbm4b:s15+s3], $0x3E8, $0x38;
	[tilespmem:$0xD00] =	vst v63  }
0x35: {  	_ =	swait.ge [sflag:s5], $0x3E8  }
0x36: {  	[sflag:s5] =	ssyncset.done $0x0  }
0x37: {  	s19 =	smul.u32 $0x2800, s18;
	[sflag:s5] =	ssyncadd.s32 $0xFFFFFC18  }
0x38: {  	[spmem:s1] =	stream.indirect.scatter.add.f32 [tilespmem:s3], [sflag:$0x1], $0x1, s10, s11, $0xb8;
	[tilespmem:$0xD00] =	vst v63  }
0x39: {  	s18 =	ssub.s32 $0x2, s18;
	_ =	swait.ge [sflag:s5], $0x3E8  }
0x3a: {  	s30 =	sshrl.u32 s18, $0x1;
	s17 =	sadd.s32 s17, s19;
	[sflag:s5] =	ssyncset.done $0x0  }
0x3b: {  	s31 =	ssub.s32 s18, s30;
	s17 =	sshrl.u32 s17, $0x3;
	[sflag:s5] =	ssyncadd.s32 $0xFFFFFC18  }
0x3c: {  	s16 =	sadd.s32 s17, s16;
	s17 =	smax.u32 s31, $0x1;
	[bflag:$0x0] =	sbarrier.arrive $0xFFFF  }
0x3d: {  	[tilespmem:s6], [sflag:$0x1] =	stream.linear.gather [spmem:s7], $0x280, $0x38;
	[tilespmem:$0xD00] =	vst v63  }
0x3e: {  	p0 =	sne.s32 s17, $0x1;
	_ =	swait.ge [sflag:s5], $0x280  }
.Ltmp0:
0x3f: {  	[sflag:s5] =	ssyncset.done $0x0;
	(pc) =	sbr.rel @!p0 .LBB2_2-.Ltmp0, $4  }
0x40: {  	s16 =	sadd.s32 $0x5000, s16;
	[sflag:s5] =	ssyncadd.s32 $0xFFFFFD80  }
0x41: {  	[hbm4b:s16+s3] =	stream.linear.scatter [tilespmem:s6], [sflag:$0x1], $0x280, $0x38;
	[tilespmem:$0xD00] =	vst v63  }
0x42: {  	_ =	swait.ge [sflag:s5], $0x280  }
0x43: {  	s17 =	sadd.s32 $0xFFFFFFFF, s17;
	[sflag:s5] =	ssyncset.done $0x0  }
.LBB2_1:
0x44: {  	p0 =	sne.s32 s17, $0x1;
	s17 =	sadd.s32 $0xFFFFFFFF, s17;
	[sflag:s5] =	ssyncadd.s32 $0xFFFFFD80  }
0x45: {  	[tilespmem:s6], [sflag:$0x1] =	stream.linear.gather [hbm4b:s4+s3], $0x280, $0x38;
	[tilespmem:$0xD00] =	vst v63  }
0x46: {  	_ =	swait.ge [sflag:s5], $0x280  }
0x47: {  	[sflag:s5] =	ssyncset.done $0x0  }
0x48: {  	[sflag:s5] =	ssyncadd.s32 $0xFFFFFD80  }
0x49: {  	[spmem:s7] =	stream.linear.scatter [tilespmem:s6], [sflag:$0x1], $0x280, $0x38;
	[tilespmem:$0xD00] =	vst v63  }
0x4a: {  	_ =	swait.ge [sflag:s5], $0x280  }
0x4b: {  	[sflag:s5] =	ssyncset.done $0x0  }
0x4c: {  	[sflag:s5] =	ssyncadd.s32 $0xFFFFFD80  }
0x4d: {  	[tilespmem:s3], [sflag:$0x1] =	stream.linear.gather [hbm4b:s8+s3], $0x400, $0x38;
	[tilespmem:$0xD00] =	vst v63  }
0x4e: {  	_ =	swait.ge [sflag:s5], $0x400  }
0x4f: {  	[sflag:s5] =	ssyncset.done $0x0  }
0x50: {  	[sflag:s5] =	ssyncadd.s32 $0xFFFFFC00  }
0x51: {  	[bflag:$0x0] =	sbarrier.arrive $0xFFFF  }
0x52: {  	[tilespmem:s10], [sflag:$0x1] =	stream.linear.gather [hbm4b:s9+s3], $0x3E8, $0x38;
	[tilespmem:$0xD00] =	vst v63  }
0x53: {  	_ =	swait.ge [sflag:s5], $0x3E8  }
0x54: {  	[sflag:s5] =	ssyncset.done $0x0  }
0x55: {  	[sflag:s5] =	ssyncadd.s32 $0xFFFFFC18  }
0x56: {  	[spmem:s1] =	stream.indirect.scatter.add.f32 [tilespmem:s3], [sflag:$0x1], $0x1, s10, s11, $0xb8;
	[tilespmem:$0xD00] =	vst v63  }
0x57: {  	_ =	swait.ge [sflag:s5], $0x3E8  }
0x58: {  	[sflag:s5] =	ssyncset.done $0x0  }
0x59: {  	[sflag:s5] =	ssyncadd.s32 $0xFFFFFC18  }
0x5a: {  	[tilespmem:s10], [sflag:$0x1] =	stream.linear.gather [hbm4b:s12+s3], $0x3E8, $0x38;
	[tilespmem:$0xD00] =	vst v63  }
0x5b: {  	_ =	swait.ge [sflag:s5], $0x3E8  }
0x5c: {  	[sflag:s5] =	ssyncset.done $0x0  }
0x5d: {  	[sflag:s5] =	ssyncadd.s32 $0xFFFFFC18  }
0x5e: {  	[spmem:s1] =	stream.indirect.scatter.add.f32 [tilespmem:s3], [sflag:$0x1], $0x1, s10, s11, $0xb8;
	[tilespmem:$0xD00] =	vst v63  }
0x5f: {  	_ =	swait.ge [sflag:s5], $0x3E8  }
0x60: {  	[sflag:s5] =	ssyncset.done $0x0  }
0x61: {  	[sflag:s5] =	ssyncadd.s32 $0xFFFFFC18  }
0x62: {  	[tilespmem:s10], [sflag:$0x1] =	stream.linear.gather [hbm4b:s13+s3], $0x3E8, $0x38;
	[tilespmem:$0xD00] =	vst v63  }
0x63: {  	_ =	swait.ge [sflag:s5], $0x3E8  }
0x64: {  	[sflag:s5] =	ssyncset.done $0x0  }
0x65: {  	[sflag:s5] =	ssyncadd.s32 $0xFFFFFC18  }
0x66: {  	[spmem:s1] =	stream.indirect.scatter.add.f32 [tilespmem:s3], [sflag:$0x1], $0x1, s10, s11, $0xb8;
	[tilespmem:$0xD00] =	vst v63  }
0x67: {  	_ =	swait.ge [sflag:s5], $0x3E8  }
0x68: {  	[sflag:s5] =	ssyncset.done $0x0  }
0x69: {  	[sflag:s5] =	ssyncadd.s32 $0xFFFFFC18  }
0x6a: {  	[tilespmem:s10], [sflag:$0x1] =	stream.linear.gather [hbm4b:s14+s3], $0x3E8, $0x38;
	[tilespmem:$0xD00] =	vst v63  }
0x6b: {  	_ =	swait.ge [sflag:s5], $0x3E8  }
0x6c: {  	[sflag:s5] =	ssyncset.done $0x0  }
0x6d: {  	[sflag:s5] =	ssyncadd.s32 $0xFFFFFC18  }
0x6e: {  	[spmem:s1] =	stream.indirect.scatter.add.f32 [tilespmem:s3], [sflag:$0x1], $0x1, s10, s11, $0xb8;
	[tilespmem:$0xD00] =	vst v63  }
0x6f: {  	_ =	swait.ge [sflag:s5], $0x3E8  }
0x70: {  	[sflag:s5] =	ssyncset.done $0x0  }
0x71: {  	[sflag:s5] =	ssyncadd.s32 $0xFFFFFC18  }
0x72: {  	[tilespmem:s10], [sflag:$0x1] =	stream.linear.gather [hbm4b:s15+s3], $0x3E8, $0x38;
	[tilespmem:$0xD00] =	vst v63  }
0x73: {  	_ =	swait.ge [sflag:s5], $0x3E8  }
0x74: {  	[sflag:s5] =	ssyncset.done $0x0  }
0x75: {  	[sflag:s5] =	ssyncadd.s32 $0xFFFFFC18  }
0x76: {  	[spmem:s1] =	stream.indirect.scatter.add.f32 [tilespmem:s3], [sflag:$0x1], $0x1, s10, s11, $0xb8;
	[tilespmem:$0xD00] =	vst v63  }
0x77: {  	_ =	swait.ge [sflag:s5], $0x3E8  }
0x78: {  	[sflag:s5] =	ssyncset.done $0x0  }
0x79: {  	[sflag:s5] =	ssyncadd.s32 $0xFFFFFC18  }
0x7a: {  	[bflag:$0x0] =	sbarrier.arrive $0xFFFF  }
0x7b: {  	[tilespmem:s6], [sflag:$0x1] =	stream.linear.gather [spmem:s7], $0x280, $0x38;
	[tilespmem:$0xD00] =	vst v63  }
0x7c: {  	_ =	swait.ge [sflag:s5], $0x280  }
.Ltmp1:
0x7d: {  	[sflag:s5] =	ssyncset.done $0x0;
	(pc) =	sbr.rel @p0 .LBB2_1-.Ltmp1, $4  }
0x7e: {  	[sflag:s5] =	ssyncadd.s32 $0xFFFFFD80  }
0x7f: {  	[hbm4b:s16+s3] =	stream.linear.scatter [tilespmem:s6], [sflag:$0x1], $0x280, $0x38;
	[tilespmem:$0xD00] =	vst v63  }
0x80: {  	_ =	swait.ge [sflag:s5], $0x280  }
0x81: {  	[sflag:s5] =	ssyncset.done $0x0  }
.LBB2_2:
0x82: {  	[sflag:s5] =	ssyncadd.s32 $0xFFFFFD80  }
0x83: {  	_ =	sfence.sel $0x180000  }
0x84: {  	[bflag:$0x0] =	sbarrier.arrive $0xFFFF  }
0x85: {  	p0 =	sne.s32 s2, $0x0;
	_ =	strace $0x90000047  }
0x86: {  	s0 =	sadd.s32 @!p0 $0x100000, s0;
	[bflag:$0x2] =	sbarrier.arrive $0xFFFF  }
0x87: {  	[sflag:s0] =	ssyncadd.tile.s32 @!p0 $0x1;
	_ =	shalt  }
.Lfunc_end2:
_tile_overlayer_lowered:
.L_overlay_start_2:
0x88: {  	(tag) =	ssettag $0x2  }
0x89: {  	s0 =	rddreg [dreg:$0x0];
	s2 =	stileid.u32  }
0x8a: {  	s1 =	rddreg [dreg:$0x1];
	p0 =	sne.s32 s2, $0x0  }
0x8b: {  	s3 =	rddreg [dreg:$0x2];
	[bflag:$0x3] =	sbarrier.arrive $0xFFFF;
	s2 =	simm.s32 @!p0 $0x1C01  }
0x8c: {  	[timem:s3], [sflag:s2] =	dma.local @!p0 [hbm:s0], s1  }
0x8d: {  	s0 =	simm.s32 @!p0 $0x1  }
0x8e: {  	_ =	swait.ge @!p0 [sflag:s0], s1  }
0x8f: {  	s1 =	ssub.s32 @!p0 $0x0, s1;
	[sflag:s0] =	ssyncset.done @!p0 $0x0  }
0x90: {  	[sflag:s0] =	ssyncadd.s32 @!p0 s1  }
0x91: {  	[bflag:$0x3] =	sbarrier.arrive $0xFFFF  }
0x92: {  	_ =	shalt  }

</sc_bundles>
